<compile_context>
chip_gen: v7x
topology: tpu7x:2x2x1
jax: 0.10.2.dev20260603
libtpu: 0.0.44.dev20260713+nightly
codegen_flags: <defaults>
</compile_context>

<pallas_src>
import functools

import jax
import jax.numpy as jnp
from jax import lax
from jax.experimental import pallas as pl
from jax.experimental.pallas import tpu as pltpu
from jax.experimental.pallas import tpu_sc as plsc

F32 = jnp.float32
I32 = jnp.int32

NC = 2
NS = 16
NT = NC * NS
L = 16
K = 64
TW = 64
SW = TW + 16


def _make_sc_conv(NCHUNK, RPAD):
  RPT = RPAD // NS
  assert RPT % K == 0 and NCHUNK % 2 == 0

  mesh = plsc.VectorSubcoreMesh(core_axis_name="c", subcore_axis_name="s")

  scratch = [
      pltpu.VMEM((NCHUNK, K), I32),
      pltpu.VMEM((NCHUNK, K), I32),
      [pltpu.VMEM((RPAD,), F32) for _ in range(2)],
      pltpu.VMEM((16,), F32),
      pltpu.VMEM((K,), F32),
      [pltpu.VMEM((K, TW), F32) for _ in range(2)],
      [pltpu.VMEM((K, SW), F32) for _ in range(2)],
      pltpu.VMEM((K, SW), F32),
      [pltpu.SemaphoreType.DMA for _ in range(2)],
      [pltpu.SemaphoreType.DMA for _ in range(2)],
      pltpu.VMEM_SHARED((RPAD, SW), F32),
  ]

  @functools.partial(
      pl.kernel,
      out_type=jax.ShapeDtypeStruct((NC, RPAD, SW), F32),
      mesh=mesh,
      scratch_types=scratch,
      compiler_params=pltpu.CompilerParams(
          needs_layout_passes=False, use_tc_tiling_on_sc=False),
  )
  def conv(src_hbm, dst_hbm, table_hbm, st_hbm, cv_hbm, out_hbm,
           src_t, dst_t, st, cv, exb, rb, sb, zb, gsem, ssem, acc):
    c = lax.axis_index("c")
    s = lax.axis_index("s")
    tid = c * NS + s

    pltpu.sync_copy(src_hbm.at[tid], src_t)
    pltpu.sync_copy(dst_hbm.at[tid], dst_t)
    pltpu.sync_copy(st_hbm.at[0], st[0])
    pltpu.sync_copy(st_hbm.at[1], st[1])
    pltpu.sync_copy(cv_hbm, cv)

    zv = jnp.zeros((L,), F32)

    def zfill(j, carry):
      for kk in range(SW // L):
        zb[j, pl.ds(kk * L, L)] = zv
      return carry

    lax.fori_loop(0, K, zfill, 0)
    for kk in range(RPT // K):
      pltpu.sync_copy(zb, acc.at[pl.ds(s * RPT + kk * K, K)])
    plsc.subcore_barrier()

    onehot = jnp.where(lax.iota(I32, L) == 0, 1.0, 0.0).astype(F32)
    cvv = cv[:]

    def issue_gather(i, b):
      return pltpu.async_copy(table_hbm.at[src_t.at[i]], rb[b], gsem[b])

    def issue_scatter(i, b):
      return pltpu.async_copy(sb[b], acc.at[dst_t.at[i]], ssem[b], add=True)

    def wait_gather(i, b):
      pltpu.make_async_copy(table_hbm.at[src_t.at[i]], rb[b], gsem[b]).wait()

    def wait_scatter(i, b):
      pltpu.make_async_copy(sb[b], acc.at[dst_t.at[i]], ssem[b]).wait()

    def compute_ex(i):
      for kk in range(K // L):
        srcv = src_t[i, pl.ds(kk * L, L)]
        dstv = dst_t[i, pl.ds(kk * L, L)]
        a = plsc.load_gather(st[0], [srcv])
        bsc = plsc.load_gather(st[1], [dstv])
        e = a + bsc
        e = jnp.maximum(e, 0.2 * e)
        exb[pl.ds(kk * L, L)] = jnp.exp(e - cvv)

    def scale(b):
      def sbody(j, carry):
        jidx = jnp.full((L,), j, I32)
        exj = plsc.load_gather(exb, [jidx])
        for kk in range(TW // L):
          v = rb[b][j, pl.ds(kk * L, L)]
          sb[b][j, pl.ds(kk * L, L)] = v * exj
        sb[b][j, pl.ds(TW, L)] = exj * onehot
        return carry

      lax.fori_loop(0, K, sbody, 0)

    issue_gather(0, 0)

    def outer(it, carry):
      for b in range(2):
        i = it * 2 + b

        @pl.when(i + 1 < NCHUNK)
        def _():
          issue_gather(i + 1, 1 - b)

        compute_ex(i)
        wait_gather(i, b)

        @pl.when(i >= 2)
        def _():
          wait_scatter(i - 2, b)

        scale(b)
        issue_scatter(i, b)
      return carry

    lax.fori_loop(0, NCHUNK // 2, outer, 0)
    for b in range(2):
      wait_scatter(NCHUNK - 2 + b, b)

    plsc.subcore_barrier()
    pltpu.sync_copy(acc.at[pl.ds(s * RPT, RPT)],
                    out_hbm.at[c, pl.ds(s * RPT, RPT)])

  return conv


def _prep1_body(f_ref, fa_ref, w_ref, a_ref, xw_ref, xwa_ref, s_ref):
  xw1 = jnp.dot(f_ref[:], w_ref[:], preferred_element_type=F32)
  xw1a = jnp.dot(fa_ref[:], w_ref[:], preferred_element_type=F32)
  xw_ref[:] = xw1
  xwa_ref[:] = xw1a
  s_ref[:] = jnp.dot(jnp.concatenate([xw1, xw1a], axis=1), a_ref[:],
                     preferred_element_type=F32)


def _mid_body(p0_ref, p1_ref, pa0_ref, pa1_ref, b1_ref, w2_ref, a2_ref,
              z_ref, emb_ref, xw2a_ref, xw2b_ref, s2_ref, dout):
  p = p0_ref[:] + p1_ref[:]
  pa = pa0_ref[:] + pa1_ref[:]
  z = p[:, :dout] / (p[:, dout:dout + 1] + 1e-16) + b1_ref[:]
  za = pa[:, :dout] / (pa[:, dout:dout + 1] + 1e-16) + b1_ref[:]
  z_ref[:] = z
  emb_ref[:] = jnp.concatenate(
      [jnp.maximum(z, 0.0), jnp.maximum(za, 0.0)], axis=1)
  xw2 = jnp.dot(z, w2_ref[:], preferred_element_type=F32)
  xw2a_ref[:] = xw2[:, :TW]
  xw2b_ref[:] = xw2[:, TW:]
  s2_ref[:] = jnp.dot(xw2, a2_ref[:], preferred_element_type=F32)


def _readout_body(gn_ref, emb_ref, vs_ref, rs_ref):
  gn = gn_ref[:]
  vs_ref[:] = jnp.dot(gn, emb_ref[:], preferred_element_type=F32)
  rs_ref[:] = jnp.broadcast_to(jnp.sum(gn, axis=1, keepdims=True),
                               rs_ref.shape)


def _final_body(qa0_ref, qa1_ref, qb0_ref, qb1_ref, b2_ref, vs_ref, rs_ref,
                emb_ref, wbt_ref, h_ref, ret_ref, reta_ref, din, dout):
  qa = qa0_ref[:] + qa1_ref[:]
  qb = qb0_ref[:] + qb1_ref[:]
  ha = qa[:, :TW] / (qa[:, TW:TW + 1] + 1e-16)
  hb = qb[:, :TW] / (qb[:, TW:TW + 1] + 1e-16)
  h_ref[:] = jnp.concatenate([ha, hb], axis=1) + b2_ref[:]
  vs = vs_ref[:]
  rsum = rs_ref[:, 0:1]

  def norm_sig(x):
    nrm = jnp.sqrt(jnp.sum(x * x, axis=1, keepdims=True))
    xn = x / jnp.maximum(nrm, 1e-12)
    return 1.0 / (1.0 + jnp.exp(-xn))

  g = norm_sig(vs[:, :dout] / rsum)
  ga = norm_sig(vs[:, dout:2 * dout] / rsum)
  t = jnp.dot(g, wbt_ref[:], preferred_element_type=F32)
  ta = jnp.dot(ga, wbt_ref[:], preferred_element_type=F32)
  emb = emb_ref[:][:, :dout]
  emba = emb_ref[:][:, dout:2 * dout]
  ret_ref[:] = jnp.concatenate(
      [jnp.sum(emb * t, axis=1, keepdims=True),
       jnp.sum(emba * t, axis=1, keepdims=True)], axis=1)
  reta_ref[:] = jnp.concatenate(
      [jnp.sum(emba * ta, axis=1, keepdims=True),
       jnp.sum(emb * ta, axis=1, keepdims=True)], axis=1)


def _lrelu(x):
  return jnp.maximum(x, 0.2 * x)


def kernel(feat, feat_a, edge_index, graph_neigh, W1, a1_src, a1_dst, b1,
           W2, a2_src, a2_dst, b2, Wb, bb):
  n, din = feat.shape
  dout = W1.shape[1]
  e = edge_index.shape[1]

  rpad = -(-(n + 1) // (NS * K)) * (NS * K)
  edg = e + n
  ept = -(-edg // (NT * 2 * K)) * (2 * K)
  ep = ept * NT
  nchunk = ept // K

  loop = jnp.arange(n, dtype=I32)
  padv = jnp.full((ep - edg,), n, I32)
  src3 = jnp.concatenate([edge_index[0], loop, padv]).reshape(NT, nchunk, K)
  dst3 = jnp.concatenate([edge_index[1], loop, padv]).reshape(NT, nchunk, K)

  featp = jnp.pad(feat, ((0, rpad - n), (0, 0)))
  featap = jnp.pad(feat_a, ((0, rpad - n), (0, 0)))

  amat1 = jnp.zeros((2 * dout, 8), F32)
  amat1 = amat1.at[:dout, 0].set(a1_src).at[:dout, 1].set(a1_dst)
  amat1 = amat1.at[dout:, 2].set(a1_src).at[dout:, 3].set(a1_dst)
  bn = 1024
  g1 = rpad // bn
  xw1, xw1a, s1 = pl.pallas_call(
      _prep1_body,
      grid=(g1,),
      in_specs=[
          pl.BlockSpec((bn, din), lambda i: (i, 0)),
          pl.BlockSpec((bn, din), lambda i: (i, 0)),
          pl.BlockSpec((din, dout), lambda i: (0, 0)),
          pl.BlockSpec((2 * dout, 8), lambda i: (0, 0)),
      ],
      out_specs=[
          pl.BlockSpec((bn, dout), lambda i: (i, 0)),
          pl.BlockSpec((bn, dout), lambda i: (i, 0)),
          pl.BlockSpec((bn, 8), lambda i: (i, 0)),
      ],
      out_shape=[
          jax.ShapeDtypeStruct((rpad, dout), F32),
          jax.ShapeDtypeStruct((rpad, dout), F32),
          jax.ShapeDtypeStruct((rpad, 8), F32),
      ],
  )(featp, featap, W1, amat1)

  c1 = _lrelu(jnp.max(s1[:n, 0]) + jnp.max(s1[:n, 1]))
  c1a = _lrelu(jnp.max(s1[:n, 2]) + jnp.max(s1[:n, 3]))
  s1t = jnp.transpose(s1[:, :2]).reshape(2, rpad)
  s1at = jnp.transpose(s1[:, 2:4]).reshape(2, rpad)
  cv1 = jnp.full((16,), c1, F32)
  cv1a = jnp.full((16,), c1a, F32)

  conv = _make_sc_conv(nchunk, rpad)
  out1 = conv(src3, dst3, xw1, s1t, cv1)
  out1a = conv(src3, dst3, xw1a, s1at, cv1a)

  amat2 = jnp.zeros((din, 8), F32)
  amat2 = amat2.at[:, 0].set(a2_src).at[:, 1].set(a2_dst)
  zf, embb, xw2a, xw2b, s2 = pl.pallas_call(
      functools.partial(_mid_body, dout=dout),
      grid=(g1,),
      in_specs=[
          pl.BlockSpec((bn, SW), lambda i: (i, 0)),
          pl.BlockSpec((bn, SW), lambda i: (i, 0)),
          pl.BlockSpec((bn, SW), lambda i: (i, 0)),
          pl.BlockSpec((bn, SW), lambda i: (i, 0)),
          pl.BlockSpec((1, dout), lambda i: (0, 0)),
          pl.BlockSpec((dout, din), lambda i: (0, 0)),
          pl.BlockSpec((din, 8), lambda i: (0, 0)),
      ],
      out_specs=[
          pl.BlockSpec((bn, dout), lambda i: (i, 0)),
          pl.BlockSpec((bn, 2 * dout), lambda i: (i, 0)),
          pl.BlockSpec((bn, TW), lambda i: (i, 0)),
          pl.BlockSpec((bn, TW), lambda i: (i, 0)),
          pl.BlockSpec((bn, 8), lambda i: (i, 0)),
      ],
      out_shape=[
          jax.ShapeDtypeStruct((rpad, dout), F32),
          jax.ShapeDtypeStruct((rpad, 2 * dout), F32),
          jax.ShapeDtypeStruct((rpad, TW), F32),
          jax.ShapeDtypeStruct((rpad, TW), F32),
          jax.ShapeDtypeStruct((rpad, 8), F32),
      ],
  )(out1[0], out1[1], out1a[0], out1a[1], b1.reshape(1, dout), W2, amat2)

  c2 = _lrelu(jnp.max(s2[:n, 0]) + jnp.max(s2[:n, 1]))
  s2t = jnp.transpose(s2[:, :2]).reshape(2, rpad)
  cv2 = jnp.full((16,), c2, F32)

  out2a = conv(src3, dst3, xw2a, s2t, cv2)
  out2b = conv(src3, dst3, xw2b, s2t, cv2)

  bm = 400
  vs, rs = pl.pallas_call(
      _readout_body,
      grid=(n // bm,),
      in_specs=[
          pl.BlockSpec((bm, n), lambda i: (i, 0)),
          pl.BlockSpec((n, 2 * dout), lambda i: (0, 0)),
      ],
      out_specs=[
          pl.BlockSpec((bm, 2 * dout), lambda i: (i, 0)),
          pl.BlockSpec((bm, 8), lambda i: (i, 0)),
      ],
      out_shape=[
          jax.ShapeDtypeStruct((n, 2 * dout), F32),
          jax.ShapeDtypeStruct((n, 8), F32),
      ],
  )(graph_neigh, embb)

  bm2 = 1000
  h, ret, reta = pl.pallas_call(
      functools.partial(_final_body, din=din, dout=dout),
      grid=(n // bm2,),
      in_specs=[
          pl.BlockSpec((bm2, SW), lambda i: (i, 0)),
          pl.BlockSpec((bm2, SW), lambda i: (i, 0)),
          pl.BlockSpec((bm2, SW), lambda i: (i, 0)),
          pl.BlockSpec((bm2, SW), lambda i: (i, 0)),
          pl.BlockSpec((1, din), lambda i: (0, 0)),
          pl.BlockSpec((bm2, 2 * dout), lambda i: (i, 0)),
          pl.BlockSpec((bm2, 8), lambda i: (i, 0)),
          pl.BlockSpec((bm2, 2 * dout), lambda i: (i, 0)),
          pl.BlockSpec((dout, dout), lambda i: (0, 0)),
      ],
      out_specs=[
          pl.BlockSpec((bm2, din), lambda i: (i, 0)),
          pl.BlockSpec((bm2, 2), lambda i: (i, 0)),
          pl.BlockSpec((bm2, 2), lambda i: (i, 0)),
      ],
      out_shape=[
          jax.ShapeDtypeStruct((n, din), F32),
          jax.ShapeDtypeStruct((n, 2), F32),
          jax.ShapeDtypeStruct((n, 2), F32),
      ],
  )(out2a[0], out2a[1], out2b[0], out2b[1], b2.reshape(1, din), vs, rs,
    embb, Wb[0].T)

  hiden_emb = zf[:n]
  return (hiden_emb, h, ret + bb[0], reta + bb[0])

# --- scband reference (transcript-rebuilt; emitter-appended) ---
"""Pipeline reference for scband-encoder-gat-18726057411198 (READ-ONLY COPY).

The authoritative reference and input builder live on the scoring server;
editing this copy changes nothing except your own understanding.
"""

import jax, jax.numpy as jnp
import numpy as np

N = 10000
E = 320000
DIN = 128
DOUT = 64


def _leaky_relu(x):
    return jnp.where(x >= 0, x, 0.2 * x)


def _gat_conv(x, edge_index, W, a_src, a_dst, b):
    # PyG GATConv, heads=1, concat=True, with default add_self_loops=True
    n = x.shape[0]
    xw = x @ W
    loop = jnp.arange(n, dtype=edge_index.dtype)
    src = jnp.concatenate([edge_index[0], loop])
    dst = jnp.concatenate([edge_index[1], loop])
    e = _leaky_relu((xw @ a_src)[src] + (xw @ a_dst)[dst])
    m = jax.ops.segment_max(e, dst, num_segments=n)
    m = jnp.where(jnp.isfinite(m), m, 0.0)
    ex = jnp.exp(e - m[dst])
    s = jax.ops.segment_sum(ex, dst, num_segments=n)
    alpha = ex / (s[dst] + 1e-16)
    out = jax.ops.segment_sum(xw[src] * alpha[:, None], dst, num_segments=n)
    return out + b


def _avg_readout(emb, mask):
    vsum = mask @ emb
    row_sum = jnp.sum(mask, axis=1, keepdims=True)
    g = vsum / row_sum
    nrm = jnp.sqrt(jnp.sum(g * g, axis=1, keepdims=True))
    return g / jnp.maximum(nrm, 1e-12)


def _bilinear(a, c, Wb, bb):
    # nn.Bilinear(n_h, n_h, 1): Wb [1, D, D], bb [1]
    return jnp.einsum('nd,de,ne->n', a, Wb[0], c)[:, None] + bb


def _disc(c, h_pl, h_mi, Wb, bb):
    sc_1 = _bilinear(h_pl, c, Wb, bb)
    sc_2 = _bilinear(h_mi, c, Wb, bb)
    return jnp.concatenate([sc_1, sc_2], axis=1)


def setup_inputs(seed: int = 0):
    key = jax.random.key(seed)
    ks = jax.random.split(key, 14)
    feat = jax.random.normal(ks[0], (N, DIN), jnp.float32)
    feat_a = jax.random.normal(ks[1], (N, DIN), jnp.float32)
    edge_index = jax.random.randint(ks[2], (2, E), 0, N, dtype=jnp.int32)
    graph_neigh = jax.random.uniform(ks[3], (N, N), dtype=jnp.float32)
    W1 = jax.random.normal(ks[4], (DIN, DOUT), jnp.float32) * (1.0 / np.sqrt(DIN))
    a1_src = jax.random.normal(ks[5], (DOUT,), jnp.float32) * 0.1
    a1_dst = jax.random.normal(ks[6], (DOUT,), jnp.float32) * 0.1
    b1 = jnp.zeros((DOUT,), jnp.float32)
    W2 = jax.random.normal(ks[7], (DOUT, DIN), jnp.float32) * (1.0 / np.sqrt(DOUT))
    a2_src = jax.random.normal(ks[8], (DIN,), jnp.float32) * 0.1
    a2_dst = jax.random.normal(ks[9], (DIN,), jnp.float32) * 0.1
    b2 = jnp.zeros((DIN,), jnp.float32)
    Wb = jax.random.normal(ks[10], (1, DOUT, DOUT), jnp.float32) * (1.0 / DOUT)
    bb = jnp.zeros((1,), jnp.float32)
    return {
        'feat': feat, 'feat_a': feat_a, 'edge_index': edge_index, 'graph_neigh': graph_neigh,
        'W1': W1, 'a1_src': a1_src, 'a1_dst': a1_dst, 'b1': b1,
        'W2': W2, 'a2_src': a2_src, 'a2_dst': a2_dst, 'b2': b2,
        'Wb': Wb, 'bb': bb,
    }


def reference(feat, feat_a, edge_index, graph_neigh, W1, a1_src, a1_dst, b1, W2, a2_src, a2_dst, b2, Wb, bb):
    # Encoder_GAT.forward with adj already converted to edge_index; dropout=0.0, act=relu
    z = _gat_conv(feat, edge_index, W1, a1_src, a1_dst, b1)
    hiden_emb = z
    h = _gat_conv(z, edge_index, W2, a2_src, a2_dst, b2)
    emb = jax.nn.relu(z)
    z_a = _gat_conv(feat_a, edge_index, W1, a1_src, a1_dst, b1)
    emb_a = jax.nn.relu(z_a)
    g = jax.nn.sigmoid(_avg_readout(emb, graph_neigh))
    g_a = jax.nn.sigmoid(_avg_readout(emb_a, graph_neigh))
    ret = _disc(g, emb, emb_a, Wb, bb)
    ret_a = _disc(g_a, emb_a, emb, Wb, bb)
    return (hiden_emb, h, ret, ret_a)

if __name__ == "__main__":
    import jax
    _d = setup_inputs()
    print(jax.jit(kernel)(*tuple(_d.values())))

</pallas_src>

<mosaic_0001>
#map = affine_map<(d0, d1) -> (0, 0, 0)>
#map1 = affine_map<(d0, d1) -> (0, 0)>
#map2 = affine_map<(d0, d1) -> (0)>
module attributes {stable_mosaic.version = 14 : i64} {
  func.func @conv(%arg0: i32, %arg1: i32, %arg2: memref<32x162x64xi32, #tpu.memory_space<hbm>>, %arg3: memref<32x162x64xi32, #tpu.memory_space<hbm>>, %arg4: memref<10240x64xf32, #tpu.memory_space<hbm>>, %arg5: memref<2x10240xf32, #tpu.memory_space<hbm>>, %arg6: memref<16xf32, #tpu.memory_space<hbm>>, %arg7: memref<2x10240x80xf32, #tpu.memory_space<hbm>>, %arg8: memref<162x64xi32, #tpu.memory_space<vmem>>, %arg9: memref<162x64xi32, #tpu.memory_space<vmem>>, %arg10: memref<10240xf32, #tpu.memory_space<vmem>>, %arg11: memref<10240xf32, #tpu.memory_space<vmem>>, %arg12: memref<16xf32, #tpu.memory_space<vmem>>, %arg13: memref<64xf32, #tpu.memory_space<vmem>>, %arg14: memref<64x64xf32, #tpu.memory_space<vmem>>, %arg15: memref<64x64xf32, #tpu.memory_space<vmem>>, %arg16: memref<64x80xf32, #tpu.memory_space<vmem>>, %arg17: memref<64x80xf32, #tpu.memory_space<vmem>>, %arg18: memref<64x80xf32, #tpu.memory_space<vmem>>, %arg19: memref<!tpu.dma_semaphore, #tpu.memory_space<semaphore_mem>>, %arg20: memref<!tpu.dma_semaphore, #tpu.memory_space<semaphore_mem>>, %arg21: memref<!tpu.dma_semaphore, #tpu.memory_space<semaphore_mem>>, %arg22: memref<!tpu.dma_semaphore, #tpu.memory_space<semaphore_mem>>, %arg23: memref<10240x80xf32, #tpu.memory_space<vmem_shared>>) attributes {dimension_semantics = [#tpu.dimension_semantics<core_parallel>, #tpu.dimension_semantics<subcore_parallel>], iteration_bounds = array<i64: 2, 16>, scalar_prefetch = 0 : i64, scratch_operands = 16 : i64, tpu.core_type = #tpu.core_type<sc_vector_subcore>, window_params = [{transform_indices = #map}, {transform_indices = #map}, {transform_indices = #map1}, {transform_indices = #map1}, {transform_indices = #map2}, {transform_indices = #map}]} {
    %mul3A = arith.constant 16 : i32
    %mul3A_0 = arith.muli %arg0, %mul3A : i32
    %add3A = arith.addi %mul3A_0, %arg1 : i32
    "tpu.region"() ({
      %run_scoped3A_84 = tpu.sem_alloc : memref<!tpu.dma_semaphore, #tpu.memory_space<semaphore_mem>>
      %dma_start3A_85 = arith.constant 0 : i32
      %dma_start3A_86 = arith.constant 0 : i32
      %dma_start3A_87 = tpu.memref_slice %arg2[%add3A, %dma_start3A_85, %dma_start3A_86] : memref<32x162x64xi32, #tpu.memory_space<hbm>> -> memref<1x162x64xi32, #tpu.memory_space<hbm>>
      %dma_start3A_88 = tpu.memref_squeeze %dma_start3A_87 : memref<1x162x64xi32, #tpu.memory_space<hbm>> -> memref<162x64xi32, #tpu.memory_space<hbm>>
      %dma_start3A_89 = arith.constant 0 : i32
      %dma_start3A_90 = arith.constant 0 : i32
      %dma_start3A_91 = tpu.memref_slice %arg2[%add3A, %dma_start3A_89, %dma_start3A_90] : memref<32x162x64xi32, #tpu.memory_space<hbm>> -> memref<1x162x64xi32, #tpu.memory_space<hbm>>
      %dma_start3A_92 = tpu.memref_squeeze %dma_start3A_91 : memref<1x162x64xi32, #tpu.memory_space<hbm>> -> memref<162x64xi32, #tpu.memory_space<hbm>>
      tpu.enqueue_dma source(%dma_start3A_92 : memref<162x64xi32, #tpu.memory_space<hbm>>) target(%arg8 : memref<162x64xi32, #tpu.memory_space<vmem>>) target_semaphore(%run_scoped3A_84 : memref<!tpu.dma_semaphore, #tpu.memory_space<semaphore_mem>>)
      %dma_wait3A_93 = arith.constant 0 : i32
      %dma_wait3A_94 = arith.constant 0 : i32
      %dma_wait3A_95 = tpu.memref_slice %arg2[%add3A, %dma_wait3A_93, %dma_wait3A_94] : memref<32x162x64xi32, #tpu.memory_space<hbm>> -> memref<1x162x64xi32, #tpu.memory_space<hbm>>
      %dma_wait3A_96 = tpu.memref_squeeze %dma_wait3A_95 : memref<1x162x64xi32, #tpu.memory_space<hbm>> -> memref<162x64xi32, #tpu.memory_space<hbm>>
      %dma_wait3A_97 = arith.constant 0 : i32
      %dma_wait3A_98 = arith.constant 0 : i32
      %dma_wait3A_99 = tpu.memref_slice %arg2[%add3A, %dma_wait3A_97, %dma_wait3A_98] : memref<32x162x64xi32, #tpu.memory_space<hbm>> -> memref<1x162x64xi32, #tpu.memory_space<hbm>>
      %dma_wait3A_100 = tpu.memref_squeeze %dma_wait3A_99 : memref<1x162x64xi32, #tpu.memory_space<hbm>> -> memref<162x64xi32, #tpu.memory_space<hbm>>
      tpu.wait_dma2 semaphore(%run_scoped3A_84 : memref<!tpu.dma_semaphore, #tpu.memory_space<semaphore_mem>>) src(%dma_wait3A_100 : memref<162x64xi32, #tpu.memory_space<hbm>>) dst(%arg8 : memref<162x64xi32, #tpu.memory_space<vmem>>)
      tpu.yield
    }) : () -> ()
    "tpu.region"() ({
      %run_scoped3A_84 = tpu.sem_alloc : memref<!tpu.dma_semaphore, #tpu.memory_space<semaphore_mem>>
      %dma_start3A_85 = arith.constant 0 : i32
      %dma_start3A_86 = arith.constant 0 : i32
      %dma_start3A_87 = tpu.memref_slice %arg3[%add3A, %dma_start3A_85, %dma_start3A_86] : memref<32x162x64xi32, #tpu.memory_space<hbm>> -> memref<1x162x64xi32, #tpu.memory_space<hbm>>
      %dma_start3A_88 = tpu.memref_squeeze %dma_start3A_87 : memref<1x162x64xi32, #tpu.memory_space<hbm>> -> memref<162x64xi32, #tpu.memory_space<hbm>>
      %dma_start3A_89 = arith.constant 0 : i32
      %dma_start3A_90 = arith.constant 0 : i32
      %dma_start3A_91 = tpu.memref_slice %arg3[%add3A, %dma_start3A_89, %dma_start3A_90] : memref<32x162x64xi32, #tpu.memory_space<hbm>> -> memref<1x162x64xi32, #tpu.memory_space<hbm>>
      %dma_start3A_92 = tpu.memref_squeeze %dma_start3A_91 : memref<1x162x64xi32, #tpu.memory_space<hbm>> -> memref<162x64xi32, #tpu.memory_space<hbm>>
      tpu.enqueue_dma source(%dma_start3A_92 : memref<162x64xi32, #tpu.memory_space<hbm>>) target(%arg9 : memref<162x64xi32, #tpu.memory_space<vmem>>) target_semaphore(%run_scoped3A_84 : memref<!tpu.dma_semaphore, #tpu.memory_space<semaphore_mem>>)
      %dma_wait3A_93 = arith.constant 0 : i32
      %dma_wait3A_94 = arith.constant 0 : i32
      %dma_wait3A_95 = tpu.memref_slice %arg3[%add3A, %dma_wait3A_93, %dma_wait3A_94] : memref<32x162x64xi32, #tpu.memory_space<hbm>> -> memref<1x162x64xi32, #tpu.memory_space<hbm>>
      %dma_wait3A_96 = tpu.memref_squeeze %dma_wait3A_95 : memref<1x162x64xi32, #tpu.memory_space<hbm>> -> memref<162x64xi32, #tpu.memory_space<hbm>>
      %dma_wait3A_97 = arith.constant 0 : i32
      %dma_wait3A_98 = arith.constant 0 : i32
      %dma_wait3A_99 = tpu.memref_slice %arg3[%add3A, %dma_wait3A_97, %dma_wait3A_98] : memref<32x162x64xi32, #tpu.memory_space<hbm>> -> memref<1x162x64xi32, #tpu.memory_space<hbm>>
      %dma_wait3A_100 = tpu.memref_squeeze %dma_wait3A_99 : memref<1x162x64xi32, #tpu.memory_space<hbm>> -> memref<162x64xi32, #tpu.memory_space<hbm>>
      tpu.wait_dma2 semaphore(%run_scoped3A_84 : memref<!tpu.dma_semaphore, #tpu.memory_space<semaphore_mem>>) src(%dma_wait3A_100 : memref<162x64xi32, #tpu.memory_space<hbm>>) dst(%arg9 : memref<162x64xi32, #tpu.memory_space<vmem>>)
      tpu.yield
    }) : () -> ()
    %run_scoped3A = arith.constant 0 : i32
    "tpu.region"() ({
      %run_scoped3A_84 = tpu.sem_alloc : memref<!tpu.dma_semaphore, #tpu.memory_space<semaphore_mem>>
      %dma_start3A_85 = arith.constant 0 : i32
      %dma_start3A_86 = tpu.memref_slice %arg5[%run_scoped3A, %dma_start3A_85] : memref<2x10240xf32, #tpu.memory_space<hbm>> -> memref<1x10240xf32, #tpu.memory_space<hbm>>
      %dma_start3A_87 = tpu.memref_squeeze %dma_start3A_86 : memref<1x10240xf32, #tpu.memory_space<hbm>> -> memref<10240xf32, #tpu.memory_space<hbm>>
      %dma_start3A_88 = arith.constant 0 : i32
      %dma_start3A_89 = tpu.memref_slice %arg5[%run_scoped3A, %dma_start3A_88] : memref<2x10240xf32, #tpu.memory_space<hbm>> -> memref<1x10240xf32, #tpu.memory_space<hbm>>
      %dma_start3A_90 = tpu.memref_squeeze %dma_start3A_89 : memref<1x10240xf32, #tpu.memory_space<hbm>> -> memref<10240xf32, #tpu.memory_space<hbm>>
      tpu.enqueue_dma source(%dma_start3A_90 : memref<10240xf32, #tpu.memory_space<hbm>>) target(%arg10 : memref<10240xf32, #tpu.memory_space<vmem>>) target_semaphore(%run_scoped3A_84 : memref<!tpu.dma_semaphore, #tpu.memory_space<semaphore_mem>>)
      %dma_wait3A_91 = arith.constant 0 : i32
      %dma_wait3A_92 = tpu.memref_slice %arg5[%run_scoped3A, %dma_wait3A_91] : memref<2x10240xf32, #tpu.memory_space<hbm>> -> memref<1x10240xf32, #tpu.memory_space<hbm>>
      %dma_wait3A_93 = tpu.memref_squeeze %dma_wait3A_92 : memref<1x10240xf32, #tpu.memory_space<hbm>> -> memref<10240xf32, #tpu.memory_space<hbm>>
      %dma_wait3A_94 = arith.constant 0 : i32
      %dma_wait3A_95 = tpu.memref_slice %arg5[%run_scoped3A, %dma_wait3A_94] : memref<2x10240xf32, #tpu.memory_space<hbm>> -> memref<1x10240xf32, #tpu.memory_space<hbm>>
      %dma_wait3A_96 = tpu.memref_squeeze %dma_wait3A_95 : memref<1x10240xf32, #tpu.memory_space<hbm>> -> memref<10240xf32, #tpu.memory_space<hbm>>
      tpu.wait_dma2 semaphore(%run_scoped3A_84 : memref<!tpu.dma_semaphore, #tpu.memory_space<semaphore_mem>>) src(%dma_wait3A_96 : memref<10240xf32, #tpu.memory_space<hbm>>) dst(%arg10 : memref<10240xf32, #tpu.memory_space<vmem>>)
      tpu.yield
    }) : () -> ()
    %run_scoped3A_1 = arith.constant 1 : i32
    "tpu.region"() ({
      %run_scoped3A_84 = tpu.sem_alloc : memref<!tpu.dma_semaphore, #tpu.memory_space<semaphore_mem>>
      %dma_start3A_85 = arith.constant 0 : i32
      %dma_start3A_86 = tpu.memref_slice %arg5[%run_scoped3A_1, %dma_start3A_85] : memref<2x10240xf32, #tpu.memory_space<hbm>> -> memref<1x10240xf32, #tpu.memory_space<hbm>>
      %dma_start3A_87 = tpu.memref_squeeze %dma_start3A_86 : memref<1x10240xf32, #tpu.memory_space<hbm>> -> memref<10240xf32, #tpu.memory_space<hbm>>
      %dma_start3A_88 = arith.constant 0 : i32
      %dma_start3A_89 = tpu.memref_slice %arg5[%run_scoped3A_1, %dma_start3A_88] : memref<2x10240xf32, #tpu.memory_space<hbm>> -> memref<1x10240xf32, #tpu.memory_space<hbm>>
      %dma_start3A_90 = tpu.memref_squeeze %dma_start3A_89 : memref<1x10240xf32, #tpu.memory_space<hbm>> -> memref<10240xf32, #tpu.memory_space<hbm>>
      tpu.enqueue_dma source(%dma_start3A_90 : memref<10240xf32, #tpu.memory_space<hbm>>) target(%arg11 : memref<10240xf32, #tpu.memory_space<vmem>>) target_semaphore(%run_scoped3A_84 : memref<!tpu.dma_semaphore, #tpu.memory_space<semaphore_mem>>)
      %dma_wait3A_91 = arith.constant 0 : i32
      %dma_wait3A_92 = tpu.memref_slice %arg5[%run_scoped3A_1, %dma_wait3A_91] : memref<2x10240xf32, #tpu.memory_space<hbm>> -> memref<1x10240xf32, #tpu.memory_space<hbm>>
      %dma_wait3A_93 = tpu.memref_squeeze %dma_wait3A_92 : memref<1x10240xf32, #tpu.memory_space<hbm>> -> memref<10240xf32, #tpu.memory_space<hbm>>
      %dma_wait3A_94 = arith.constant 0 : i32
      %dma_wait3A_95 = tpu.memref_slice %arg5[%run_scoped3A_1, %dma_wait3A_94] : memref<2x10240xf32, #tpu.memory_space<hbm>> -> memref<1x10240xf32, #tpu.memory_space<hbm>>
      %dma_wait3A_96 = tpu.memref_squeeze %dma_wait3A_95 : memref<1x10240xf32, #tpu.memory_space<hbm>> -> memref<10240xf32, #tpu.memory_space<hbm>>
      tpu.wait_dma2 semaphore(%run_scoped3A_84 : memref<!tpu.dma_semaphore, #tpu.memory_space<semaphore_mem>>) src(%dma_wait3A_96 : memref<10240xf32, #tpu.memory_space<hbm>>) dst(%arg11 : memref<10240xf32, #tpu.memory_space<vmem>>)
      tpu.yield
    }) : () -> ()
    "tpu.region"() ({
      %run_scoped3A_84 = tpu.sem_alloc : memref<!tpu.dma_semaphore, #tpu.memory_space<semaphore_mem>>
      tpu.enqueue_dma source(%arg6 : memref<16xf32, #tpu.memory_space<hbm>>) target(%arg12 : memref<16xf32, #tpu.memory_space<vmem>>) target_semaphore(%run_scoped3A_84 : memref<!tpu.dma_semaphore, #tpu.memory_space<semaphore_mem>>)
      tpu.wait_dma2 semaphore(%run_scoped3A_84 : memref<!tpu.dma_semaphore, #tpu.memory_space<semaphore_mem>>) src(%arg6 : memref<16xf32, #tpu.memory_space<hbm>>) dst(%arg12 : memref<16xf32, #tpu.memory_space<vmem>>)
      tpu.yield
    }) : () -> ()
    %broadcast_in_dim3A = arith.constant 0.000000e+00 : f32
    %broadcast_in_dim3A_2 = vector.broadcast %broadcast_in_dim3A : f32 to vector<16xf32>
    %scan3A = arith.constant 0 : i32
    %scan3A_3 = arith.constant 0 : i32
    %scan3A_4 = arith.constant 64 : i32
    %scan3A_5 = arith.addi %scan3A_3, %scan3A_4 : i32
    %scan3A_6 = arith.constant 1 : i32
    scf.for %scan3A_84 = %scan3A_3 to %scan3A_5 step %scan3A_6  : i32 {
      %swap3A = arith.index_cast %scan3A_84 : i32 to index
      %swap3A_85 = arith.constant 0 : index
      %swap3A_86 = tpu.vector_load %arg18[%swap3A, %swap3A_85] {strides = array<i32>} : memref<64x80xf32, #tpu.memory_space<vmem>>, vector<16xf32>,
      tpu.vector_store %arg18[%swap3A, %swap3A_85], %broadcast_in_dim3A_2 {strides = array<i32>} : memref<64x80xf32, #tpu.memory_space<vmem>>, vector<16xf32>,
      %swap3A_87 = arith.index_cast %scan3A_84 : i32 to index
      %swap3A_88 = arith.constant 16 : index
      %swap3A_89 = tpu.vector_load %arg18[%swap3A_87, %swap3A_88] {strides = array<i32>} : memref<64x80xf32, #tpu.memory_space<vmem>>, vector<16xf32>,
      tpu.vector_store %arg18[%swap3A_87, %swap3A_88], %broadcast_in_dim3A_2 {strides = array<i32>} : memref<64x80xf32, #tpu.memory_space<vmem>>, vector<16xf32>,
      %swap3A_90 = arith.index_cast %scan3A_84 : i32 to index
      %swap3A_91 = arith.constant 32 : index
      %swap3A_92 = tpu.vector_load %arg18[%swap3A_90, %swap3A_91] {strides = array<i32>} : memref<64x80xf32, #tpu.memory_space<vmem>>, vector<16xf32>,
      tpu.vector_store %arg18[%swap3A_90, %swap3A_91], %broadcast_in_dim3A_2 {strides = array<i32>} : memref<64x80xf32, #tpu.memory_space<vmem>>, vector<16xf32>,
      %swap3A_93 = arith.index_cast %scan3A_84 : i32 to index
      %swap3A_94 = arith.constant 48 : index
      %swap3A_95 = tpu.vector_load %arg18[%swap3A_93, %swap3A_94] {strides = array<i32>} : memref<64x80xf32, #tpu.memory_space<vmem>>, vector<16xf32>,
      tpu.vector_store %arg18[%swap3A_93, %swap3A_94], %broadcast_in_dim3A_2 {strides = array<i32>} : memref<64x80xf32, #tpu.memory_space<vmem>>, vector<16xf32>,
      %swap3A_96 = arith.index_cast %scan3A_84 : i32 to index
      %swap3A_97 = arith.constant 64 : index
      %swap3A_98 = tpu.vector_load %arg18[%swap3A_96, %swap3A_97] {strides = array<i32>} : memref<64x80xf32, #tpu.memory_space<vmem>>, vector<16xf32>,
      tpu.vector_store %arg18[%swap3A_96, %swap3A_97], %broadcast_in_dim3A_2 {strides = array<i32>} : memref<64x80xf32, #tpu.memory_space<vmem>>, vector<16xf32>,
    }
    %scan3A_7 = arith.constant 64 : i32
    %mul3A_8 = arith.constant 640 : i32
    %mul3A_9 = arith.muli %arg1, %mul3A_8 : i32
    %add3A_10 = arith.constant 0 : i32
    %add3A_11 = arith.addi %mul3A_9, %add3A_10 : i32
    "tpu.region"() ({
      %run_scoped3A_84 = tpu.sem_alloc : memref<!tpu.dma_semaphore, #tpu.memory_space<semaphore_mem>>
      %dma_start3A_85 = arith.constant 0 : i32
      %dma_start3A_86 = tpu.memref_slice %arg23[%add3A_11, %dma_start3A_85] : memref<10240x80xf32, #tpu.memory_space<vmem_shared>> -> memref<64x80xf32, #tpu.memory_space<vmem_shared>>
      %dma_start3A_87 = arith.constant 0 : i32
      %dma_start3A_88 = tpu.memref_slice %arg23[%add3A_11, %dma_start3A_87] : memref<10240x80xf32, #tpu.memory_space<vmem_shared>> -> memref<64x80xf32, #tpu.memory_space<vmem_shared>>
      tpu.enqueue_dma source(%arg18 : memref<64x80xf32, #tpu.memory_space<vmem>>) target(%dma_start3A_88 : memref<64x80xf32, #tpu.memory_space<vmem_shared>>) target_semaphore(%run_scoped3A_84 : memref<!tpu.dma_semaphore, #tpu.memory_space<semaphore_mem>>)
      %dma_wait3A_89 = arith.constant 0 : i32
      %dma_wait3A_90 = tpu.memref_slice %arg23[%add3A_11, %dma_wait3A_89] : memref<10240x80xf32, #tpu.memory_space<vmem_shared>> -> memref<64x80xf32, #tpu.memory_space<vmem_shared>>
      %dma_wait3A_91 = arith.constant 0 : i32
      %dma_wait3A_92 = tpu.memref_slice %arg23[%add3A_11, %dma_wait3A_91] : memref<10240x80xf32, #tpu.memory_space<vmem_shared>> -> memref<64x80xf32, #tpu.memory_space<vmem_shared>>
      tpu.wait_dma2 semaphore(%run_scoped3A_84 : memref<!tpu.dma_semaphore, #tpu.memory_space<semaphore_mem>>) src(%arg18 : memref<64x80xf32, #tpu.memory_space<vmem>>) dst(%dma_wait3A_92 : memref<64x80xf32, #tpu.memory_space<vmem_shared>>)
      tpu.yield
    }) : () -> ()
    %mul3A_12 = arith.constant 640 : i32
    %mul3A_13 = arith.muli %arg1, %mul3A_12 : i32
    %add3A_14 = arith.constant 64 : i32
    %add3A_15 = arith.addi %mul3A_13, %add3A_14 : i32
    "tpu.region"() ({
      %run_scoped3A_84 = tpu.sem_alloc : memref<!tpu.dma_semaphore, #tpu.memory_space<semaphore_mem>>
      %dma_start3A_85 = arith.constant 0 : i32
      %dma_start3A_86 = tpu.memref_slice %arg23[%add3A_15, %dma_start3A_85] : memref<10240x80xf32, #tpu.memory_space<vmem_shared>> -> memref<64x80xf32, #tpu.memory_space<vmem_shared>>
      %dma_start3A_87 = arith.constant 0 : i32
      %dma_start3A_88 = tpu.memref_slice %arg23[%add3A_15, %dma_start3A_87] : memref<10240x80xf32, #tpu.memory_space<vmem_shared>> -> memref<64x80xf32, #tpu.memory_space<vmem_shared>>
      tpu.enqueue_dma source(%arg18 : memref<64x80xf32, #tpu.memory_space<vmem>>) target(%dma_start3A_88 : memref<64x80xf32, #tpu.memory_space<vmem_shared>>) target_semaphore(%run_scoped3A_84 : memref<!tpu.dma_semaphore, #tpu.memory_space<semaphore_mem>>)
      %dma_wait3A_89 = arith.constant 0 : i32
      %dma_wait3A_90 = tpu.memref_slice %arg23[%add3A_15, %dma_wait3A_89] : memref<10240x80xf32, #tpu.memory_space<vmem_shared>> -> memref<64x80xf32, #tpu.memory_space<vmem_shared>>
      %dma_wait3A_91 = arith.constant 0 : i32
      %dma_wait3A_92 = tpu.memref_slice %arg23[%add3A_15, %dma_wait3A_91] : memref<10240x80xf32, #tpu.memory_space<vmem_shared>> -> memref<64x80xf32, #tpu.memory_space<vmem_shared>>
      tpu.wait_dma2 semaphore(%run_scoped3A_84 : memref<!tpu.dma_semaphore, #tpu.memory_space<semaphore_mem>>) src(%arg18 : memref<64x80xf32, #tpu.memory_space<vmem>>) dst(%dma_wait3A_92 : memref<64x80xf32, #tpu.memory_space<vmem_shared>>)
      tpu.yield
    }) : () -> ()
    %mul3A_16 = arith.constant 640 : i32
    %mul3A_17 = arith.muli %arg1, %mul3A_16 : i32
    %add3A_18 = arith.constant 128 : i32
    %add3A_19 = arith.addi %mul3A_17, %add3A_18 : i32
    "tpu.region"() ({
      %run_scoped3A_84 = tpu.sem_alloc : memref<!tpu.dma_semaphore, #tpu.memory_space<semaphore_mem>>
      %dma_start3A_85 = arith.constant 0 : i32
      %dma_start3A_86 = tpu.memref_slice %arg23[%add3A_19, %dma_start3A_85] : memref<10240x80xf32, #tpu.memory_space<vmem_shared>> -> memref<64x80xf32, #tpu.memory_space<vmem_shared>>
      %dma_start3A_87 = arith.constant 0 : i32
      %dma_start3A_88 = tpu.memref_slice %arg23[%add3A_19, %dma_start3A_87] : memref<10240x80xf32, #tpu.memory_space<vmem_shared>> -> memref<64x80xf32, #tpu.memory_space<vmem_shared>>
      tpu.enqueue_dma source(%arg18 : memref<64x80xf32, #tpu.memory_space<vmem>>) target(%dma_start3A_88 : memref<64x80xf32, #tpu.memory_space<vmem_shared>>) target_semaphore(%run_scoped3A_84 : memref<!tpu.dma_semaphore, #tpu.memory_space<semaphore_mem>>)
      %dma_wait3A_89 = arith.constant 0 : i32
      %dma_wait3A_90 = tpu.memref_slice %arg23[%add3A_19, %dma_wait3A_89] : memref<10240x80xf32, #tpu.memory_space<vmem_shared>> -> memref<64x80xf32, #tpu.memory_space<vmem_shared>>
      %dma_wait3A_91 = arith.constant 0 : i32
      %dma_wait3A_92 = tpu.memref_slice %arg23[%add3A_19, %dma_wait3A_91] : memref<10240x80xf32, #tpu.memory_space<vmem_shared>> -> memref<64x80xf32, #tpu.memory_space<vmem_shared>>
      tpu.wait_dma2 semaphore(%run_scoped3A_84 : memref<!tpu.dma_semaphore, #tpu.memory_space<semaphore_mem>>) src(%arg18 : memref<64x80xf32, #tpu.memory_space<vmem>>) dst(%dma_wait3A_92 : memref<64x80xf32, #tpu.memory_space<vmem_shared>>)
      tpu.yield
    }) : () -> ()
    %mul3A_20 = arith.constant 640 : i32
    %mul3A_21 = arith.muli %arg1, %mul3A_20 : i32
    %add3A_22 = arith.constant 192 : i32
    %add3A_23 = arith.addi %mul3A_21, %add3A_22 : i32
    "tpu.region"() ({
      %run_scoped3A_84 = tpu.sem_alloc : memref<!tpu.dma_semaphore, #tpu.memory_space<semaphore_mem>>
      %dma_start3A_85 = arith.constant 0 : i32
      %dma_start3A_86 = tpu.memref_slice %arg23[%add3A_23, %dma_start3A_85] : memref<10240x80xf32, #tpu.memory_space<vmem_shared>> -> memref<64x80xf32, #tpu.memory_space<vmem_shared>>
      %dma_start3A_87 = arith.constant 0 : i32
      %dma_start3A_88 = tpu.memref_slice %arg23[%add3A_23, %dma_start3A_87] : memref<10240x80xf32, #tpu.memory_space<vmem_shared>> -> memref<64x80xf32, #tpu.memory_space<vmem_shared>>
      tpu.enqueue_dma source(%arg18 : memref<64x80xf32, #tpu.memory_space<vmem>>) target(%dma_start3A_88 : memref<64x80xf32, #tpu.memory_space<vmem_shared>>) target_semaphore(%run_scoped3A_84 : memref<!tpu.dma_semaphore, #tpu.memory_space<semaphore_mem>>)
      %dma_wait3A_89 = arith.constant 0 : i32
      %dma_wait3A_90 = tpu.memref_slice %arg23[%add3A_23, %dma_wait3A_89] : memref<10240x80xf32, #tpu.memory_space<vmem_shared>> -> memref<64x80xf32, #tpu.memory_space<vmem_shared>>
      %dma_wait3A_91 = arith.constant 0 : i32
      %dma_wait3A_92 = tpu.memref_slice %arg23[%add3A_23, %dma_wait3A_91] : memref<10240x80xf32, #tpu.memory_space<vmem_shared>> -> memref<64x80xf32, #tpu.memory_space<vmem_shared>>
      tpu.wait_dma2 semaphore(%run_scoped3A_84 : memref<!tpu.dma_semaphore, #tpu.memory_space<semaphore_mem>>) src(%arg18 : memref<64x80xf32, #tpu.memory_space<vmem>>) dst(%dma_wait3A_92 : memref<64x80xf32, #tpu.memory_space<vmem_shared>>)
      tpu.yield
    }) : () -> ()
    %mul3A_24 = arith.constant 640 : i32
    %mul3A_25 = arith.muli %arg1, %mul3A_24 : i32
    %add3A_26 = arith.constant 256 : i32
    %add3A_27 = arith.addi %mul3A_25, %add3A_26 : i32
    "tpu.region"() ({
      %run_scoped3A_84 = tpu.sem_alloc : memref<!tpu.dma_semaphore, #tpu.memory_space<semaphore_mem>>
      %dma_start3A_85 = arith.constant 0 : i32
      %dma_start3A_86 = tpu.memref_slice %arg23[%add3A_27, %dma_start3A_85] : memref<10240x80xf32, #tpu.memory_space<vmem_shared>> -> memref<64x80xf32, #tpu.memory_space<vmem_shared>>
      %dma_start3A_87 = arith.constant 0 : i32
      %dma_start3A_88 = tpu.memref_slice %arg23[%add3A_27, %dma_start3A_87] : memref<10240x80xf32, #tpu.memory_space<vmem_shared>> -> memref<64x80xf32, #tpu.memory_space<vmem_shared>>
      tpu.enqueue_dma source(%arg18 : memref<64x80xf32, #tpu.memory_space<vmem>>) target(%dma_start3A_88 : memref<64x80xf32, #tpu.memory_space<vmem_shared>>) target_semaphore(%run_scoped3A_84 : memref<!tpu.dma_semaphore, #tpu.memory_space<semaphore_mem>>)
      %dma_wait3A_89 = arith.constant 0 : i32
      %dma_wait3A_90 = tpu.memref_slice %arg23[%add3A_27, %dma_wait3A_89] : memref<10240x80xf32, #tpu.memory_space<vmem_shared>> -> memref<64x80xf32, #tpu.memory_space<vmem_shared>>
      %dma_wait3A_91 = arith.constant 0 : i32
      %dma_wait3A_92 = tpu.memref_slice %arg23[%add3A_27, %dma_wait3A_91] : memref<10240x80xf32, #tpu.memory_space<vmem_shared>> -> memref<64x80xf32, #tpu.memory_space<vmem_shared>>
      tpu.wait_dma2 semaphore(%run_scoped3A_84 : memref<!tpu.dma_semaphore, #tpu.memory_space<semaphore_mem>>) src(%arg18 : memref<64x80xf32, #tpu.memory_space<vmem>>) dst(%dma_wait3A_92 : memref<64x80xf32, #tpu.memory_space<vmem_shared>>)
      tpu.yield
    }) : () -> ()
    %mul3A_28 = arith.constant 640 : i32
    %mul3A_29 = arith.muli %arg1, %mul3A_28 : i32
    %add3A_30 = arith.constant 320 : i32
    %add3A_31 = arith.addi %mul3A_29, %add3A_30 : i32
    "tpu.region"() ({
      %run_scoped3A_84 = tpu.sem_alloc : memref<!tpu.dma_semaphore, #tpu.memory_space<semaphore_mem>>
      %dma_start3A_85 = arith.constant 0 : i32
      %dma_start3A_86 = tpu.memref_slice %arg23[%add3A_31, %dma_start3A_85] : memref<10240x80xf32, #tpu.memory_space<vmem_shared>> -> memref<64x80xf32, #tpu.memory_space<vmem_shared>>
      %dma_start3A_87 = arith.constant 0 : i32
      %dma_start3A_88 = tpu.memref_slice %arg23[%add3A_31, %dma_start3A_87] : memref<10240x80xf32, #tpu.memory_space<vmem_shared>> -> memref<64x80xf32, #tpu.memory_space<vmem_shared>>
      tpu.enqueue_dma source(%arg18 : memref<64x80xf32, #tpu.memory_space<vmem>>) target(%dma_start3A_88 : memref<64x80xf32, #tpu.memory_space<vmem_shared>>) target_semaphore(%run_scoped3A_84 : memref<!tpu.dma_semaphore, #tpu.memory_space<semaphore_mem>>)
      %dma_wait3A_89 = arith.constant 0 : i32
      %dma_wait3A_90 = tpu.memref_slice %arg23[%add3A_31, %dma_wait3A_89] : memref<10240x80xf32, #tpu.memory_space<vmem_shared>> -> memref<64x80xf32, #tpu.memory_space<vmem_shared>>
      %dma_wait3A_91 = arith.constant 0 : i32
      %dma_wait3A_92 = tpu.memref_slice %arg23[%add3A_31, %dma_wait3A_91] : memref<10240x80xf32, #tpu.memory_space<vmem_shared>> -> memref<64x80xf32, #tpu.memory_space<vmem_shared>>
      tpu.wait_dma2 semaphore(%run_scoped3A_84 : memref<!tpu.dma_semaphore, #tpu.memory_space<semaphore_mem>>) src(%arg18 : memref<64x80xf32, #tpu.memory_space<vmem>>) dst(%dma_wait3A_92 : memref<64x80xf32, #tpu.memory_space<vmem_shared>>)
      tpu.yield
    }) : () -> ()
    %mul3A_32 = arith.constant 640 : i32
    %mul3A_33 = arith.muli %arg1, %mul3A_32 : i32
    %add3A_34 = arith.constant 384 : i32
    %add3A_35 = arith.addi %mul3A_33, %add3A_34 : i32
    "tpu.region"() ({
      %run_scoped3A_84 = tpu.sem_alloc : memref<!tpu.dma_semaphore, #tpu.memory_space<semaphore_mem>>
      %dma_start3A_85 = arith.constant 0 : i32
      %dma_start3A_86 = tpu.memref_slice %arg23[%add3A_35, %dma_start3A_85] : memref<10240x80xf32, #tpu.memory_space<vmem_shared>> -> memref<64x80xf32, #tpu.memory_space<vmem_shared>>
      %dma_start3A_87 = arith.constant 0 : i32
      %dma_start3A_88 = tpu.memref_slice %arg23[%add3A_35, %dma_start3A_87] : memref<10240x80xf32, #tpu.memory_space<vmem_shared>> -> memref<64x80xf32, #tpu.memory_space<vmem_shared>>
      tpu.enqueue_dma source(%arg18 : memref<64x80xf32, #tpu.memory_space<vmem>>) target(%dma_start3A_88 : memref<64x80xf32, #tpu.memory_space<vmem_shared>>) target_semaphore(%run_scoped3A_84 : memref<!tpu.dma_semaphore, #tpu.memory_space<semaphore_mem>>)
      %dma_wait3A_89 = arith.constant 0 : i32
      %dma_wait3A_90 = tpu.memref_slice %arg23[%add3A_35, %dma_wait3A_89] : memref<10240x80xf32, #tpu.memory_space<vmem_shared>> -> memref<64x80xf32, #tpu.memory_space<vmem_shared>>
      %dma_wait3A_91 = arith.constant 0 : i32
      %dma_wait3A_92 = tpu.memref_slice %arg23[%add3A_35, %dma_wait3A_91] : memref<10240x80xf32, #tpu.memory_space<vmem_shared>> -> memref<64x80xf32, #tpu.memory_space<vmem_shared>>
      tpu.wait_dma2 semaphore(%run_scoped3A_84 : memref<!tpu.dma_semaphore, #tpu.memory_space<semaphore_mem>>) src(%arg18 : memref<64x80xf32, #tpu.memory_space<vmem>>) dst(%dma_wait3A_92 : memref<64x80xf32, #tpu.memory_space<vmem_shared>>)
      tpu.yield
    }) : () -> ()
    %mul3A_36 = arith.constant 640 : i32
    %mul3A_37 = arith.muli %arg1, %mul3A_36 : i32
    %add3A_38 = arith.constant 448 : i32
    %add3A_39 = arith.addi %mul3A_37, %add3A_38 : i32
    "tpu.region"() ({
      %run_scoped3A_84 = tpu.sem_alloc : memref<!tpu.dma_semaphore, #tpu.memory_space<semaphore_mem>>
      %dma_start3A_85 = arith.constant 0 : i32
      %dma_start3A_86 = tpu.memref_slice %arg23[%add3A_39, %dma_start3A_85] : memref<10240x80xf32, #tpu.memory_space<vmem_shared>> -> memref<64x80xf32, #tpu.memory_space<vmem_shared>>
      %dma_start3A_87 = arith.constant 0 : i32
      %dma_start3A_88 = tpu.memref_slice %arg23[%add3A_39, %dma_start3A_87] : memref<10240x80xf32, #tpu.memory_space<vmem_shared>> -> memref<64x80xf32, #tpu.memory_space<vmem_shared>>
      tpu.enqueue_dma source(%arg18 : memref<64x80xf32, #tpu.memory_space<vmem>>) target(%dma_start3A_88 : memref<64x80xf32, #tpu.memory_space<vmem_shared>>) target_semaphore(%run_scoped3A_84 : memref<!tpu.dma_semaphore, #tpu.memory_space<semaphore_mem>>)
      %dma_wait3A_89 = arith.constant 0 : i32
      %dma_wait3A_90 = tpu.memref_slice %arg23[%add3A_39, %dma_wait3A_89] : memref<10240x80xf32, #tpu.memory_space<vmem_shared>> -> memref<64x80xf32, #tpu.memory_space<vmem_shared>>
      %dma_wait3A_91 = arith.constant 0 : i32
      %dma_wait3A_92 = tpu.memref_slice %arg23[%add3A_39, %dma_wait3A_91] : memref<10240x80xf32, #tpu.memory_space<vmem_shared>> -> memref<64x80xf32, #tpu.memory_space<vmem_shared>>
      tpu.wait_dma2 semaphore(%run_scoped3A_84 : memref<!tpu.dma_semaphore, #tpu.memory_space<semaphore_mem>>) src(%arg18 : memref<64x80xf32, #tpu.memory_space<vmem>>) dst(%dma_wait3A_92 : memref<64x80xf32, #tpu.memory_space<vmem_shared>>)
      tpu.yield
    }) : () -> ()
    %mul3A_40 = arith.constant 640 : i32
    %mul3A_41 = arith.muli %arg1, %mul3A_40 : i32
    %add3A_42 = arith.constant 512 : i32
    %add3A_43 = arith.addi %mul3A_41, %add3A_42 : i32
    "tpu.region"() ({
      %run_scoped3A_84 = tpu.sem_alloc : memref<!tpu.dma_semaphore, #tpu.memory_space<semaphore_mem>>
      %dma_start3A_85 = arith.constant 0 : i32
      %dma_start3A_86 = tpu.memref_slice %arg23[%add3A_43, %dma_start3A_85] : memref<10240x80xf32, #tpu.memory_space<vmem_shared>> -> memref<64x80xf32, #tpu.memory_space<vmem_shared>>
      %dma_start3A_87 = arith.constant 0 : i32
      %dma_start3A_88 = tpu.memref_slice %arg23[%add3A_43, %dma_start3A_87] : memref<10240x80xf32, #tpu.memory_space<vmem_shared>> -> memref<64x80xf32, #tpu.memory_space<vmem_shared>>
      tpu.enqueue_dma source(%arg18 : memref<64x80xf32, #tpu.memory_space<vmem>>) target(%dma_start3A_88 : memref<64x80xf32, #tpu.memory_space<vmem_shared>>) target_semaphore(%run_scoped3A_84 : memref<!tpu.dma_semaphore, #tpu.memory_space<semaphore_mem>>)
      %dma_wait3A_89 = arith.constant 0 : i32
      %dma_wait3A_90 = tpu.memref_slice %arg23[%add3A_43, %dma_wait3A_89] : memref<10240x80xf32, #tpu.memory_space<vmem_shared>> -> memref<64x80xf32, #tpu.memory_space<vmem_shared>>
      %dma_wait3A_91 = arith.constant 0 : i32
      %dma_wait3A_92 = tpu.memref_slice %arg23[%add3A_43, %dma_wait3A_91] : memref<10240x80xf32, #tpu.memory_space<vmem_shared>> -> memref<64x80xf32, #tpu.memory_space<vmem_shared>>
      tpu.wait_dma2 semaphore(%run_scoped3A_84 : memref<!tpu.dma_semaphore, #tpu.memory_space<semaphore_mem>>) src(%arg18 : memref<64x80xf32, #tpu.memory_space<vmem>>) dst(%dma_wait3A_92 : memref<64x80xf32, #tpu.memory_space<vmem_shared>>)
      tpu.yield
    }) : () -> ()
    %mul3A_44 = arith.constant 640 : i32
    %mul3A_45 = arith.muli %arg1, %mul3A_44 : i32
    %add3A_46 = arith.constant 576 : i32
    %add3A_47 = arith.addi %mul3A_45, %add3A_46 : i32
    "tpu.region"() ({
      %run_scoped3A_84 = tpu.sem_alloc : memref<!tpu.dma_semaphore, #tpu.memory_space<semaphore_mem>>
      %dma_start3A_85 = arith.constant 0 : i32
      %dma_start3A_86 = tpu.memref_slice %arg23[%add3A_47, %dma_start3A_85] : memref<10240x80xf32, #tpu.memory_space<vmem_shared>> -> memref<64x80xf32, #tpu.memory_space<vmem_shared>>
      %dma_start3A_87 = arith.constant 0 : i32
      %dma_start3A_88 = tpu.memref_slice %arg23[%add3A_47, %dma_start3A_87] : memref<10240x80xf32, #tpu.memory_space<vmem_shared>> -> memref<64x80xf32, #tpu.memory_space<vmem_shared>>
      tpu.enqueue_dma source(%arg18 : memref<64x80xf32, #tpu.memory_space<vmem>>) target(%dma_start3A_88 : memref<64x80xf32, #tpu.memory_space<vmem_shared>>) target_semaphore(%run_scoped3A_84 : memref<!tpu.dma_semaphore, #tpu.memory_space<semaphore_mem>>)
      %dma_wait3A_89 = arith.constant 0 : i32
      %dma_wait3A_90 = tpu.memref_slice %arg23[%add3A_47, %dma_wait3A_89] : memref<10240x80xf32, #tpu.memory_space<vmem_shared>> -> memref<64x80xf32, #tpu.memory_space<vmem_shared>>
      %dma_wait3A_91 = arith.constant 0 : i32
      %dma_wait3A_92 = tpu.memref_slice %arg23[%add3A_47, %dma_wait3A_91] : memref<10240x80xf32, #tpu.memory_space<vmem_shared>> -> memref<64x80xf32, #tpu.memory_space<vmem_shared>>
      tpu.wait_dma2 semaphore(%run_scoped3A_84 : memref<!tpu.dma_semaphore, #tpu.memory_space<semaphore_mem>>) src(%arg18 : memref<64x80xf32, #tpu.memory_space<vmem>>) dst(%dma_wait3A_92 : memref<64x80xf32, #tpu.memory_space<vmem_shared>>)
      tpu.yield
    }) : () -> ()
    %barrier3A = arith.constant 0 : index
    tpu.barrier barrier_id(%barrier3A)
    %iota3A = tpu.iota {dimensions = array<i32: 0>} : vector<16xi32>
    %eq3A = arith.constant 0 : i32
    %eq3A_48 = vector.broadcast %eq3A : i32 to vector<16xi32>
    %eq3A_49 = arith.cmpi eq, %iota3A, %eq3A_48 : vector<16xi32>
    %jit3A = arith.constant 1.000000e+00 : f32
    %jit3A_50 = arith.constant 0.000000e+00 : f32
    %broadcast_in_dim3A_51 = vector.broadcast %jit3A : f32 to vector<16xf32>
    %broadcast_in_dim3A_52 = vector.broadcast %jit3A_50 : f32 to vector<16xf32>
    %select_n3A = arith.select %eq3A_49, %broadcast_in_dim3A_51, %broadcast_in_dim3A_52 : vector<16xi1>, vector<16xf32>
    %get3A = arith.constant 0 : index
    %get3A_53 = tpu.vector_load %arg12[%get3A] {strides = array<i32>} : memref<16xf32, #tpu.memory_space<vmem>>, vector<16xf32>,
    %dma_start3A = arith.constant 0 : i32
    %dma_start3A_54 = arith.constant 0 : i32
    %dma_start3A_55 = tpu.memref_slice %arg8[%dma_start3A, %dma_start3A_54] : memref<162x64xi32, #tpu.memory_space<vmem>> -> memref<1x64xi32, #tpu.memory_space<vmem>>
    %dma_start3A_56 = tpu.memref_squeeze %dma_start3A_55 : memref<1x64xi32, #tpu.memory_space<vmem>> -> memref<64xi32, #tpu.memory_space<vmem>>
    %dma_start3A_57 = arith.constant 0 : i32
    %dma_start3A_58 = arith.constant 0 : i32
    %dma_start3A_59 = tpu.memref_slice %arg4[%dma_start3A_57, %dma_start3A_58] : memref<10240x64xf32, #tpu.memory_space<hbm>> -> memref<10240x64xf32, #tpu.memory_space<hbm>>
    tpu.enqueue_indirect_dma source(%dma_start3A_59 : memref<10240x64xf32, #tpu.memory_space<hbm>>) target(%arg14 : memref<64x64xf32, #tpu.memory_space<vmem>>) offsets(%dma_start3A_56 : memref<64xi32, #tpu.memory_space<vmem>>) semaphore(%arg19 : memref<!tpu.dma_semaphore, #tpu.memory_space<semaphore_mem>>)
    %scan3A_60 = arith.constant 0 : i32
    %scan3A_61 = arith.constant 0 : i32
    %scan3A_62 = arith.constant 81 : i32
    %scan3A_63 = arith.addi %scan3A_61, %scan3A_62 : i32
    %scan3A_64 = arith.constant 1 : i32
    scf.for %scan3A_84 = %scan3A_61 to %scan3A_63 step %scan3A_64  : i32 {
      %mul3A_85 = arith.constant 2 : i32
      %mul3A_86 = arith.muli %scan3A_84, %mul3A_85 : i32
      %add3A_87 = arith.constant 0 : i32
      %add3A_88 = arith.addi %mul3A_86, %add3A_87 : i32
      %add3A_89 = arith.constant 1 : i32
      %add3A_90 = arith.addi %add3A_88, %add3A_89 : i32
      %lt3A = arith.constant 162 : i32
      %lt3A_91 = arith.cmpi slt, %add3A_90, %lt3A : i32
      %convert_element_type3A = arith.extui %lt3A_91 : i1 to i32
      %cond3A = arith.constant 0 : i32
      %cond3A_92 = arith.cmpi ne, %convert_element_type3A, %cond3A : i32
      scf.if %cond3A_92 {
        %add3A_280 = arith.constant 1 : i32
        %add3A_281 = arith.addi %add3A_88, %add3A_280 : i32
        %dma_start3A_282 = arith.constant 0 : i32
        %dma_start3A_283 = tpu.memref_slice %arg8[%add3A_281, %dma_start3A_282] : memref<162x64xi32, #tpu.memory_space<vmem>> -> memref<1x64xi32, #tpu.memory_space<vmem>>
        %dma_start3A_284 = tpu.memref_squeeze %dma_start3A_283 : memref<1x64xi32, #tpu.memory_space<vmem>> -> memref<64xi32, #tpu.memory_space<vmem>>
        %dma_start3A_285 = arith.constant 0 : i32
        %dma_start3A_286 = arith.constant 0 : i32
        %dma_start3A_287 = tpu.memref_slice %arg4[%dma_start3A_285, %dma_start3A_286] : memref<10240x64xf32, #tpu.memory_space<hbm>> -> memref<10240x64xf32, #tpu.memory_space<hbm>>
        tpu.enqueue_indirect_dma source(%dma_start3A_287 : memref<10240x64xf32, #tpu.memory_space<hbm>>) target(%arg15 : memref<64x64xf32, #tpu.memory_space<vmem>>) offsets(%dma_start3A_284 : memref<64xi32, #tpu.memory_space<vmem>>) semaphore(%arg20 : memref<!tpu.dma_semaphore, #tpu.memory_space<semaphore_mem>>)
      } else {
      }
      %get3A_93 = arith.index_cast %add3A_88 : i32 to index
      %get3A_94 = arith.constant 0 : index
      %get3A_95 = tpu.vector_load %arg8[%get3A_93, %get3A_94] {strides = array<i32>} : memref<162x64xi32, #tpu.memory_space<vmem>>, vector<16xi32>,
      %get3A_96 = arith.index_cast %add3A_88 : i32 to index
      %get3A_97 = arith.constant 0 : index
      %get3A_98 = tpu.vector_load %arg9[%get3A_96, %get3A_97] {strides = array<i32>} : memref<162x64xi32, #tpu.memory_space<vmem>>, vector<16xi32>,
      %gather3A = tpu.vector_load_idx %arg10[%get3A_95] : memref<10240xf32, #tpu.memory_space<vmem>>[vector<16xi32>], vector<16xf32>,
      %gather3A_99 = tpu.vector_load_idx %arg11[%get3A_98] : memref<10240xf32, #tpu.memory_space<vmem>>[vector<16xi32>], vector<16xf32>,
      %add3A_100 = arith.addf %gather3A, %gather3A_99 : vector<16xf32>
      %mul3A_101 = arith.constant 2.000000e-01 : f32
      %mul3A_102 = vector.broadcast %mul3A_101 : f32 to vector<16xf32>
      %mul3A_103 = arith.mulf %mul3A_102, %add3A_100 : vector<16xf32>
      %max3A = arith.maximumf %add3A_100, %mul3A_103 : vector<16xf32>
      %sub3A = arith.subf %max3A, %get3A_53 : vector<16xf32>
      %exp3A = math.exp %sub3A : vector<16xf32>
      %swap3A = arith.constant 0 : index
      %swap3A_104 = tpu.vector_load %arg13[%swap3A] {strides = array<i32>} : memref<64xf32, #tpu.memory_space<vmem>>, vector<16xf32>,
      tpu.vector_store %arg13[%swap3A], %exp3A {strides = array<i32>} : memref<64xf32, #tpu.memory_space<vmem>>, vector<16xf32>,
      %get3A_105 = arith.index_cast %add3A_88 : i32 to index
      %get3A_106 = arith.constant 16 : index
      %get3A_107 = tpu.vector_load %arg8[%get3A_105, %get3A_106] {strides = array<i32>} : memref<162x64xi32, #tpu.memory_space<vmem>>, vector<16xi32>,
      %get3A_108 = arith.index_cast %add3A_88 : i32 to index
      %get3A_109 = arith.constant 16 : index
      %get3A_110 = tpu.vector_load %arg9[%get3A_108, %get3A_109] {strides = array<i32>} : memref<162x64xi32, #tpu.memory_space<vmem>>, vector<16xi32>,
      %gather3A_111 = tpu.vector_load_idx %arg10[%get3A_107] : memref<10240xf32, #tpu.memory_space<vmem>>[vector<16xi32>], vector<16xf32>,
      %gather3A_112 = tpu.vector_load_idx %arg11[%get3A_110] : memref<10240xf32, #tpu.memory_space<vmem>>[vector<16xi32>], vector<16xf32>,
      %add3A_113 = arith.addf %gather3A_111, %gather3A_112 : vector<16xf32>
      %mul3A_114 = arith.constant 2.000000e-01 : f32
      %mul3A_115 = vector.broadcast %mul3A_114 : f32 to vector<16xf32>
      %mul3A_116 = arith.mulf %mul3A_115, %add3A_113 : vector<16xf32>
      %max3A_117 = arith.maximumf %add3A_113, %mul3A_116 : vector<16xf32>
      %sub3A_118 = arith.subf %max3A_117, %get3A_53 : vector<16xf32>
      %exp3A_119 = math.exp %sub3A_118 : vector<16xf32>
      %swap3A_120 = arith.constant 16 : index
      %swap3A_121 = tpu.vector_load %arg13[%swap3A_120] {strides = array<i32>} : memref<64xf32, #tpu.memory_space<vmem>>, vector<16xf32>,
      tpu.vector_store %arg13[%swap3A_120], %exp3A_119 {strides = array<i32>} : memref<64xf32, #tpu.memory_space<vmem>>, vector<16xf32>,
      %get3A_122 = arith.index_cast %add3A_88 : i32 to index
      %get3A_123 = arith.constant 32 : index
      %get3A_124 = tpu.vector_load %arg8[%get3A_122, %get3A_123] {strides = array<i32>} : memref<162x64xi32, #tpu.memory_space<vmem>>, vector<16xi32>,
      %get3A_125 = arith.index_cast %add3A_88 : i32 to index
      %get3A_126 = arith.constant 32 : index
      %get3A_127 = tpu.vector_load %arg9[%get3A_125, %get3A_126] {strides = array<i32>} : memref<162x64xi32, #tpu.memory_space<vmem>>, vector<16xi32>,
      %gather3A_128 = tpu.vector_load_idx %arg10[%get3A_124] : memref<10240xf32, #tpu.memory_space<vmem>>[vector<16xi32>], vector<16xf32>,
      %gather3A_129 = tpu.vector_load_idx %arg11[%get3A_127] : memref<10240xf32, #tpu.memory_space<vmem>>[vector<16xi32>], vector<16xf32>,
      %add3A_130 = arith.addf %gather3A_128, %gather3A_129 : vector<16xf32>
      %mul3A_131 = arith.constant 2.000000e-01 : f32
      %mul3A_132 = vector.broadcast %mul3A_131 : f32 to vector<16xf32>
      %mul3A_133 = arith.mulf %mul3A_132, %add3A_130 : vector<16xf32>
      %max3A_134 = arith.maximumf %add3A_130, %mul3A_133 : vector<16xf32>
      %sub3A_135 = arith.subf %max3A_134, %get3A_53 : vector<16xf32>
      %exp3A_136 = math.exp %sub3A_135 : vector<16xf32>
      %swap3A_137 = arith.constant 32 : index
      %swap3A_138 = tpu.vector_load %arg13[%swap3A_137] {strides = array<i32>} : memref<64xf32, #tpu.memory_space<vmem>>, vector<16xf32>,
      tpu.vector_store %arg13[%swap3A_137], %exp3A_136 {strides = array<i32>} : memref<64xf32, #tpu.memory_space<vmem>>, vector<16xf32>,
      %get3A_139 = arith.index_cast %add3A_88 : i32 to index
      %get3A_140 = arith.constant 48 : index
      %get3A_141 = tpu.vector_load %arg8[%get3A_139, %get3A_140] {strides = array<i32>} : memref<162x64xi32, #tpu.memory_space<vmem>>, vector<16xi32>,
      %get3A_142 = arith.index_cast %add3A_88 : i32 to index
      %get3A_143 = arith.constant 48 : index
      %get3A_144 = tpu.vector_load %arg9[%get3A_142, %get3A_143] {strides = array<i32>} : memref<162x64xi32, #tpu.memory_space<vmem>>, vector<16xi32>,
      %gather3A_145 = tpu.vector_load_idx %arg10[%get3A_141] : memref<10240xf32, #tpu.memory_space<vmem>>[vector<16xi32>], vector<16xf32>,
      %gather3A_146 = tpu.vector_load_idx %arg11[%get3A_144] : memref<10240xf32, #tpu.memory_space<vmem>>[vector<16xi32>], vector<16xf32>,
      %add3A_147 = arith.addf %gather3A_145, %gather3A_146 : vector<16xf32>
      %mul3A_148 = arith.constant 2.000000e-01 : f32
      %mul3A_149 = vector.broadcast %mul3A_148 : f32 to vector<16xf32>
      %mul3A_150 = arith.mulf %mul3A_149, %add3A_147 : vector<16xf32>
      %max3A_151 = arith.maximumf %add3A_147, %mul3A_150 : vector<16xf32>
      %sub3A_152 = arith.subf %max3A_151, %get3A_53 : vector<16xf32>
      %exp3A_153 = math.exp %sub3A_152 : vector<16xf32>
      %swap3A_154 = arith.constant 48 : index
      %swap3A_155 = tpu.vector_load %arg13[%swap3A_154] {strides = array<i32>} : memref<64xf32, #tpu.memory_space<vmem>>, vector<16xf32>,
      tpu.vector_store %arg13[%swap3A_154], %exp3A_153 {strides = array<i32>} : memref<64xf32, #tpu.memory_space<vmem>>, vector<16xf32>,
      %dma_wait3A_156 = arith.constant 0 : i32
      %dma_wait3A_157 = tpu.memref_slice %arg8[%add3A_88, %dma_wait3A_156] : memref<162x64xi32, #tpu.memory_space<vmem>> -> memref<1x64xi32, #tpu.memory_space<vmem>>
      %dma_wait3A_158 = tpu.memref_squeeze %dma_wait3A_157 : memref<1x64xi32, #tpu.memory_space<vmem>> -> memref<64xi32, #tpu.memory_space<vmem>>
      %dma_wait3A_159 = arith.constant 0 : i32
      %dma_wait3A_160 = arith.constant 0 : i32
      %dma_wait3A_161 = tpu.memref_slice %arg4[%dma_wait3A_159, %dma_wait3A_160] : memref<10240x64xf32, #tpu.memory_space<hbm>> -> memref<10240x64xf32, #tpu.memory_space<hbm>>
      tpu.wait_indirect_dma semaphore(%arg19 : memref<!tpu.dma_semaphore, #tpu.memory_space<semaphore_mem>>) src(%dma_wait3A_161 : memref<10240x64xf32, #tpu.memory_space<hbm>>) dst(%arg14 : memref<64x64xf32, #tpu.memory_space<vmem>>)
      %ge3A = arith.constant 2 : i32
      %ge3A_162 = arith.cmpi sge, %add3A_88, %ge3A : i32
      %convert_element_type3A_163 = arith.extui %ge3A_162 : i1 to i32
      %cond3A_164 = arith.constant 0 : i32
      %cond3A_165 = arith.cmpi ne, %convert_element_type3A_163, %cond3A_164 : i32
      scf.if %cond3A_165 {
        %sub3A_280 = arith.constant 2 : i32
        %sub3A_281 = arith.subi %add3A_88, %sub3A_280 : i32
        %dma_wait3A_282 = arith.constant 0 : i32
        %dma_wait3A_283 = tpu.memref_slice %arg9[%sub3A_281, %dma_wait3A_282] : memref<162x64xi32, #tpu.memory_space<vmem>> -> memref<1x64xi32, #tpu.memory_space<vmem>>
        %dma_wait3A_284 = tpu.memref_squeeze %dma_wait3A_283 : memref<1x64xi32, #tpu.memory_space<vmem>> -> memref<64xi32, #tpu.memory_space<vmem>>
        %dma_wait3A_285 = arith.constant 0 : i32
        %dma_wait3A_286 = arith.constant 0 : i32
        %dma_wait3A_287 = tpu.memref_slice %arg23[%dma_wait3A_285, %dma_wait3A_286] : memref<10240x80xf32, #tpu.memory_space<vmem_shared>> -> memref<10240x80xf32, #tpu.memory_space<vmem_shared>>
        tpu.wait_indirect_dma semaphore(%arg21 : memref<!tpu.dma_semaphore, #tpu.memory_space<semaphore_mem>>) src(%arg16 : memref<64x80xf32, #tpu.memory_space<vmem>>) dst(%dma_wait3A_287 : memref<10240x80xf32, #tpu.memory_space<vmem_shared>>)
      } else {
      }
      %scan3A_166 = arith.constant 0 : i32
      %scan3A_167 = arith.constant 0 : i32
      %scan3A_168 = arith.constant 64 : i32
      %scan3A_169 = arith.addi %scan3A_167, %scan3A_168 : i32
      %scan3A_170 = arith.constant 1 : i32
      scf.for %scan3A_280 = %scan3A_167 to %scan3A_169 step %scan3A_170  : i32 {
        %broadcast_in_dim3A_281 = vector.broadcast %scan3A_280 : i32 to vector<16xi32>
        %gather3A_282 = tpu.vector_load_idx %arg13[%broadcast_in_dim3A_281] : memref<64xf32, #tpu.memory_space<vmem>>[vector<16xi32>], vector<16xf32>,
        %get3A_283 = arith.index_cast %scan3A_280 : i32 to index
        %get3A_284 = arith.constant 0 : index
        %get3A_285 = tpu.vector_load %arg14[%get3A_283, %get3A_284] {strides = array<i32>} : memref<64x64xf32, #tpu.memory_space<vmem>>, vector<16xf32>,
        %mul3A_286 = arith.mulf %get3A_285, %gather3A_282 : vector<16xf32>
        %swap3A_287 = arith.index_cast %scan3A_280 : i32 to index
        %swap3A_288 = arith.constant 0 : index
        %swap3A_289 = tpu.vector_load %arg16[%swap3A_287, %swap3A_288] {strides = array<i32>} : memref<64x80xf32, #tpu.memory_space<vmem>>, vector<16xf32>,
        tpu.vector_store %arg16[%swap3A_287, %swap3A_288], %mul3A_286 {strides = array<i32>} : memref<64x80xf32, #tpu.memory_space<vmem>>, vector<16xf32>,
        %get3A_290 = arith.index_cast %scan3A_280 : i32 to index
        %get3A_291 = arith.constant 16 : index
        %get3A_292 = tpu.vector_load %arg14[%get3A_290, %get3A_291] {strides = array<i32>} : memref<64x64xf32, #tpu.memory_space<vmem>>, vector<16xf32>,
        %mul3A_293 = arith.mulf %get3A_292, %gather3A_282 : vector<16xf32>
        %swap3A_294 = arith.index_cast %scan3A_280 : i32 to index
        %swap3A_295 = arith.constant 16 : index
        %swap3A_296 = tpu.vector_load %arg16[%swap3A_294, %swap3A_295] {strides = array<i32>} : memref<64x80xf32, #tpu.memory_space<vmem>>, vector<16xf32>,
        tpu.vector_store %arg16[%swap3A_294, %swap3A_295], %mul3A_293 {strides = array<i32>} : memref<64x80xf32, #tpu.memory_space<vmem>>, vector<16xf32>,
        %get3A_297 = arith.index_cast %scan3A_280 : i32 to index
        %get3A_298 = arith.constant 32 : index
        %get3A_299 = tpu.vector_load %arg14[%get3A_297, %get3A_298] {strides = array<i32>} : memref<64x64xf32, #tpu.memory_space<vmem>>, vector<16xf32>,
        %mul3A_300 = arith.mulf %get3A_299, %gather3A_282 : vector<16xf32>
        %swap3A_301 = arith.index_cast %scan3A_280 : i32 to index
        %swap3A_302 = arith.constant 32 : index
        %swap3A_303 = tpu.vector_load %arg16[%swap3A_301, %swap3A_302] {strides = array<i32>} : memref<64x80xf32, #tpu.memory_space<vmem>>, vector<16xf32>,
        tpu.vector_store %arg16[%swap3A_301, %swap3A_302], %mul3A_300 {strides = array<i32>} : memref<64x80xf32, #tpu.memory_space<vmem>>, vector<16xf32>,
        %get3A_304 = arith.index_cast %scan3A_280 : i32 to index
        %get3A_305 = arith.constant 48 : index
        %get3A_306 = tpu.vector_load %arg14[%get3A_304, %get3A_305] {strides = array<i32>} : memref<64x64xf32, #tpu.memory_space<vmem>>, vector<16xf32>,
        %mul3A_307 = arith.mulf %get3A_306, %gather3A_282 : vector<16xf32>
        %swap3A_308 = arith.index_cast %scan3A_280 : i32 to index
        %swap3A_309 = arith.constant 48 : index
        %swap3A_310 = tpu.vector_load %arg16[%swap3A_308, %swap3A_309] {strides = array<i32>} : memref<64x80xf32, #tpu.memory_space<vmem>>, vector<16xf32>,
        tpu.vector_store %arg16[%swap3A_308, %swap3A_309], %mul3A_307 {strides = array<i32>} : memref<64x80xf32, #tpu.memory_space<vmem>>, vector<16xf32>,
        %mul3A_311 = arith.mulf %gather3A_282, %select_n3A : vector<16xf32>
        %swap3A_312 = arith.index_cast %scan3A_280 : i32 to index
        %swap3A_313 = arith.constant 64 : index
        %swap3A_314 = tpu.vector_load %arg16[%swap3A_312, %swap3A_313] {strides = array<i32>} : memref<64x80xf32, #tpu.memory_space<vmem>>, vector<16xf32>,
        tpu.vector_store %arg16[%swap3A_312, %swap3A_313], %mul3A_311 {strides = array<i32>} : memref<64x80xf32, #tpu.memory_space<vmem>>, vector<16xf32>,
      }
      %scan3A_171 = arith.constant 64 : i32
      %dma_start3A_172 = arith.constant 0 : i32
      %dma_start3A_173 = tpu.memref_slice %arg9[%add3A_88, %dma_start3A_172] : memref<162x64xi32, #tpu.memory_space<vmem>> -> memref<1x64xi32, #tpu.memory_space<vmem>>
      %dma_start3A_174 = tpu.memref_squeeze %dma_start3A_173 : memref<1x64xi32, #tpu.memory_space<vmem>> -> memref<64xi32, #tpu.memory_space<vmem>>
      %dma_start3A_175 = arith.constant 0 : i32
      %dma_start3A_176 = arith.constant 0 : i32
      %dma_start3A_177 = tpu.memref_slice %arg23[%dma_start3A_175, %dma_start3A_176] : memref<10240x80xf32, #tpu.memory_space<vmem_shared>> -> memref<10240x80xf32, #tpu.memory_space<vmem_shared>>
      tpu.enqueue_indirect_dma source(%arg16 : memref<64x80xf32, #tpu.memory_space<vmem>>) target(%dma_start3A_177 : memref<10240x80xf32, #tpu.memory_space<vmem_shared>>) offsets(%dma_start3A_174 : memref<64xi32, #tpu.memory_space<vmem>>) semaphore(%arg21 : memref<!tpu.dma_semaphore, #tpu.memory_space<semaphore_mem>>) {add = true}
      %mul3A_178 = arith.constant 2 : i32
      %mul3A_179 = arith.muli %scan3A_84, %mul3A_178 : i32
      %add3A_180 = arith.constant 1 : i32
      %add3A_181 = arith.addi %mul3A_179, %add3A_180 : i32
      %add3A_182 = arith.constant 1 : i32
      %add3A_183 = arith.addi %add3A_181, %add3A_182 : i32
      %lt3A_184 = arith.constant 162 : i32
      %lt3A_185 = arith.cmpi slt, %add3A_183, %lt3A_184 : i32
      %convert_element_type3A_186 = arith.extui %lt3A_185 : i1 to i32
      %cond3A_187 = arith.constant 0 : i32
      %cond3A_188 = arith.cmpi ne, %convert_element_type3A_186, %cond3A_187 : i32
      scf.if %cond3A_188 {
        %add3A_280 = arith.constant 1 : i32
        %add3A_281 = arith.addi %add3A_181, %add3A_280 : i32
        %dma_start3A_282 = arith.constant 0 : i32
        %dma_start3A_283 = tpu.memref_slice %arg8[%add3A_281, %dma_start3A_282] : memref<162x64xi32, #tpu.memory_space<vmem>> -> memref<1x64xi32, #tpu.memory_space<vmem>>
        %dma_start3A_284 = tpu.memref_squeeze %dma_start3A_283 : memref<1x64xi32, #tpu.memory_space<vmem>> -> memref<64xi32, #tpu.memory_space<vmem>>
        %dma_start3A_285 = arith.constant 0 : i32
        %dma_start3A_286 = arith.constant 0 : i32
        %dma_start3A_287 = tpu.memref_slice %arg4[%dma_start3A_285, %dma_start3A_286] : memref<10240x64xf32, #tpu.memory_space<hbm>> -> memref<10240x64xf32, #tpu.memory_space<hbm>>
        tpu.enqueue_indirect_dma source(%dma_start3A_287 : memref<10240x64xf32, #tpu.memory_space<hbm>>) target(%arg14 : memref<64x64xf32, #tpu.memory_space<vmem>>) offsets(%dma_start3A_284 : memref<64xi32, #tpu.memory_space<vmem>>) semaphore(%arg19 : memref<!tpu.dma_semaphore, #tpu.memory_space<semaphore_mem>>)
      } else {
      }
      %get3A_189 = arith.index_cast %add3A_181 : i32 to index
      %get3A_190 = arith.constant 0 : index
      %get3A_191 = tpu.vector_load %arg8[%get3A_189, %get3A_190] {strides = array<i32>} : memref<162x64xi32, #tpu.memory_space<vmem>>, vector<16xi32>,
      %get3A_192 = arith.index_cast %add3A_181 : i32 to index
      %get3A_193 = arith.constant 0 : index
      %get3A_194 = tpu.vector_load %arg9[%get3A_192, %get3A_193] {strides = array<i32>} : memref<162x64xi32, #tpu.memory_space<vmem>>, vector<16xi32>,
      %gather3A_195 = tpu.vector_load_idx %arg10[%get3A_191] : memref<10240xf32, #tpu.memory_space<vmem>>[vector<16xi32>], vector<16xf32>,
      %gather3A_196 = tpu.vector_load_idx %arg11[%get3A_194] : memref<10240xf32, #tpu.memory_space<vmem>>[vector<16xi32>], vector<16xf32>,
      %add3A_197 = arith.addf %gather3A_195, %gather3A_196 : vector<16xf32>
      %mul3A_198 = arith.constant 2.000000e-01 : f32
      %mul3A_199 = vector.broadcast %mul3A_198 : f32 to vector<16xf32>
      %mul3A_200 = arith.mulf %mul3A_199, %add3A_197 : vector<16xf32>
      %max3A_201 = arith.maximumf %add3A_197, %mul3A_200 : vector<16xf32>
      %sub3A_202 = arith.subf %max3A_201, %get3A_53 : vector<16xf32>
      %exp3A_203 = math.exp %sub3A_202 : vector<16xf32>
      %swap3A_204 = arith.constant 0 : index
      %swap3A_205 = tpu.vector_load %arg13[%swap3A_204] {strides = array<i32>} : memref<64xf32, #tpu.memory_space<vmem>>, vector<16xf32>,
      tpu.vector_store %arg13[%swap3A_204], %exp3A_203 {strides = array<i32>} : memref<64xf32, #tpu.memory_space<vmem>>, vector<16xf32>,
      %get3A_206 = arith.index_cast %add3A_181 : i32 to index
      %get3A_207 = arith.constant 16 : index
      %get3A_208 = tpu.vector_load %arg8[%get3A_206, %get3A_207] {strides = array<i32>} : memref<162x64xi32, #tpu.memory_space<vmem>>, vector<16xi32>,
      %get3A_209 = arith.index_cast %add3A_181 : i32 to index
      %get3A_210 = arith.constant 16 : index
      %get3A_211 = tpu.vector_load %arg9[%get3A_209, %get3A_210] {strides = array<i32>} : memref<162x64xi32, #tpu.memory_space<vmem>>, vector<16xi32>,
      %gather3A_212 = tpu.vector_load_idx %arg10[%get3A_208] : memref<10240xf32, #tpu.memory_space<vmem>>[vector<16xi32>], vector<16xf32>,
      %gather3A_213 = tpu.vector_load_idx %arg11[%get3A_211] : memref<10240xf32, #tpu.memory_space<vmem>>[vector<16xi32>], vector<16xf32>,
      %add3A_214 = arith.addf %gather3A_212, %gather3A_213 : vector<16xf32>
      %mul3A_215 = arith.constant 2.000000e-01 : f32
      %mul3A_216 = vector.broadcast %mul3A_215 : f32 to vector<16xf32>
      %mul3A_217 = arith.mulf %mul3A_216, %add3A_214 : vector<16xf32>
      %max3A_218 = arith.maximumf %add3A_214, %mul3A_217 : vector<16xf32>
      %sub3A_219 = arith.subf %max3A_218, %get3A_53 : vector<16xf32>
      %exp3A_220 = math.exp %sub3A_219 : vector<16xf32>
      %swap3A_221 = arith.constant 16 : index
      %swap3A_222 = tpu.vector_load %arg13[%swap3A_221] {strides = array<i32>} : memref<64xf32, #tpu.memory_space<vmem>>, vector<16xf32>,
      tpu.vector_store %arg13[%swap3A_221], %exp3A_220 {strides = array<i32>} : memref<64xf32, #tpu.memory_space<vmem>>, vector<16xf32>,
      %get3A_223 = arith.index_cast %add3A_181 : i32 to index
      %get3A_224 = arith.constant 32 : index
      %get3A_225 = tpu.vector_load %arg8[%get3A_223, %get3A_224] {strides = array<i32>} : memref<162x64xi32, #tpu.memory_space<vmem>>, vector<16xi32>,
      %get3A_226 = arith.index_cast %add3A_181 : i32 to index
      %get3A_227 = arith.constant 32 : index
      %get3A_228 = tpu.vector_load %arg9[%get3A_226, %get3A_227] {strides = array<i32>} : memref<162x64xi32, #tpu.memory_space<vmem>>, vector<16xi32>,
      %gather3A_229 = tpu.vector_load_idx %arg10[%get3A_225] : memref<10240xf32, #tpu.memory_space<vmem>>[vector<16xi32>], vector<16xf32>,
      %gather3A_230 = tpu.vector_load_idx %arg11[%get3A_228] : memref<10240xf32, #tpu.memory_space<vmem>>[vector<16xi32>], vector<16xf32>,
      %add3A_231 = arith.addf %gather3A_229, %gather3A_230 : vector<16xf32>
      %mul3A_232 = arith.constant 2.000000e-01 : f32
      %mul3A_233 = vector.broadcast %mul3A_232 : f32 to vector<16xf32>
      %mul3A_234 = arith.mulf %mul3A_233, %add3A_231 : vector<16xf32>
      %max3A_235 = arith.maximumf %add3A_231, %mul3A_234 : vector<16xf32>
      %sub3A_236 = arith.subf %max3A_235, %get3A_53 : vector<16xf32>
      %exp3A_237 = math.exp %sub3A_236 : vector<16xf32>
      %swap3A_238 = arith.constant 32 : index
      %swap3A_239 = tpu.vector_load %arg13[%swap3A_238] {strides = array<i32>} : memref<64xf32, #tpu.memory_space<vmem>>, vector<16xf32>,
      tpu.vector_store %arg13[%swap3A_238], %exp3A_237 {strides = array<i32>} : memref<64xf32, #tpu.memory_space<vmem>>, vector<16xf32>,
      %get3A_240 = arith.index_cast %add3A_181 : i32 to index
      %get3A_241 = arith.constant 48 : index
      %get3A_242 = tpu.vector_load %arg8[%get3A_240, %get3A_241] {strides = array<i32>} : memref<162x64xi32, #tpu.memory_space<vmem>>, vector<16xi32>,
      %get3A_243 = arith.index_cast %add3A_181 : i32 to index
      %get3A_244 = arith.constant 48 : index
      %get3A_245 = tpu.vector_load %arg9[%get3A_243, %get3A_244] {strides = array<i32>} : memref<162x64xi32, #tpu.memory_space<vmem>>, vector<16xi32>,
      %gather3A_246 = tpu.vector_load_idx %arg10[%get3A_242] : memref<10240xf32, #tpu.memory_space<vmem>>[vector<16xi32>], vector<16xf32>,
      %gather3A_247 = tpu.vector_load_idx %arg11[%get3A_245] : memref<10240xf32, #tpu.memory_space<vmem>>[vector<16xi32>], vector<16xf32>,
      %add3A_248 = arith.addf %gather3A_246, %gather3A_247 : vector<16xf32>
      %mul3A_249 = arith.constant 2.000000e-01 : f32
      %mul3A_250 = vector.broadcast %mul3A_249 : f32 to vector<16xf32>
      %mul3A_251 = arith.mulf %mul3A_250, %add3A_248 : vector<16xf32>
      %max3A_252 = arith.maximumf %add3A_248, %mul3A_251 : vector<16xf32>
      %sub3A_253 = arith.subf %max3A_252, %get3A_53 : vector<16xf32>
      %exp3A_254 = math.exp %sub3A_253 : vector<16xf32>
      %swap3A_255 = arith.constant 48 : index
      %swap3A_256 = tpu.vector_load %arg13[%swap3A_255] {strides = array<i32>} : memref<64xf32, #tpu.memory_space<vmem>>, vector<16xf32>,
      tpu.vector_store %arg13[%swap3A_255], %exp3A_254 {strides = array<i32>} : memref<64xf32, #tpu.memory_space<vmem>>, vector<16xf32>,
      %dma_wait3A_257 = arith.constant 0 : i32
      %dma_wait3A_258 = tpu.memref_slice %arg8[%add3A_181, %dma_wait3A_257] : memref<162x64xi32, #tpu.memory_space<vmem>> -> memref<1x64xi32, #tpu.memory_space<vmem>>
      %dma_wait3A_259 = tpu.memref_squeeze %dma_wait3A_258 : memref<1x64xi32, #tpu.memory_space<vmem>> -> memref<64xi32, #tpu.memory_space<vmem>>
      %dma_wait3A_260 = arith.constant 0 : i32
      %dma_wait3A_261 = arith.constant 0 : i32
      %dma_wait3A_262 = tpu.memref_slice %arg4[%dma_wait3A_260, %dma_wait3A_261] : memref<10240x64xf32, #tpu.memory_space<hbm>> -> memref<10240x64xf32, #tpu.memory_space<hbm>>
      tpu.wait_indirect_dma semaphore(%arg20 : memref<!tpu.dma_semaphore, #tpu.memory_space<semaphore_mem>>) src(%dma_wait3A_262 : memref<10240x64xf32, #tpu.memory_space<hbm>>) dst(%arg15 : memref<64x64xf32, #tpu.memory_space<vmem>>)
      %ge3A_263 = arith.constant 2 : i32
      %ge3A_264 = arith.cmpi sge, %add3A_181, %ge3A_263 : i32
      %convert_element_type3A_265 = arith.extui %ge3A_264 : i1 to i32
      %cond3A_266 = arith.constant 0 : i32
      %cond3A_267 = arith.cmpi ne, %convert_element_type3A_265, %cond3A_266 : i32
      scf.if %cond3A_267 {
        %sub3A_280 = arith.constant 2 : i32
        %sub3A_281 = arith.subi %add3A_181, %sub3A_280 : i32
        %dma_wait3A_282 = arith.constant 0 : i32
        %dma_wait3A_283 = tpu.memref_slice %arg9[%sub3A_281, %dma_wait3A_282] : memref<162x64xi32, #tpu.memory_space<vmem>> -> memref<1x64xi32, #tpu.memory_space<vmem>>
        %dma_wait3A_284 = tpu.memref_squeeze %dma_wait3A_283 : memref<1x64xi32, #tpu.memory_space<vmem>> -> memref<64xi32, #tpu.memory_space<vmem>>
        %dma_wait3A_285 = arith.constant 0 : i32
        %dma_wait3A_286 = arith.constant 0 : i32
        %dma_wait3A_287 = tpu.memref_slice %arg23[%dma_wait3A_285, %dma_wait3A_286] : memref<10240x80xf32, #tpu.memory_space<vmem_shared>> -> memref<10240x80xf32, #tpu.memory_space<vmem_shared>>
        tpu.wait_indirect_dma semaphore(%arg22 : memref<!tpu.dma_semaphore, #tpu.memory_space<semaphore_mem>>) src(%arg17 : memref<64x80xf32, #tpu.memory_space<vmem>>) dst(%dma_wait3A_287 : memref<10240x80xf32, #tpu.memory_space<vmem_shared>>)
      } else {
      }
      %scan3A_268 = arith.constant 0 : i32
      %scan3A_269 = arith.constant 0 : i32
      %scan3A_270 = arith.constant 64 : i32
      %scan3A_271 = arith.addi %scan3A_269, %scan3A_270 : i32
      %scan3A_272 = arith.constant 1 : i32
      scf.for %scan3A_280 = %scan3A_269 to %scan3A_271 step %scan3A_272  : i32 {
        %broadcast_in_dim3A_281 = vector.broadcast %scan3A_280 : i32 to vector<16xi32>
        %gather3A_282 = tpu.vector_load_idx %arg13[%broadcast_in_dim3A_281] : memref<64xf32, #tpu.memory_space<vmem>>[vector<16xi32>], vector<16xf32>,
        %get3A_283 = arith.index_cast %scan3A_280 : i32 to index
        %get3A_284 = arith.constant 0 : index
        %get3A_285 = tpu.vector_load %arg15[%get3A_283, %get3A_284] {strides = array<i32>} : memref<64x64xf32, #tpu.memory_space<vmem>>, vector<16xf32>,
        %mul3A_286 = arith.mulf %get3A_285, %gather3A_282 : vector<16xf32>
        %swap3A_287 = arith.index_cast %scan3A_280 : i32 to index
        %swap3A_288 = arith.constant 0 : index
        %swap3A_289 = tpu.vector_load %arg17[%swap3A_287, %swap3A_288] {strides = array<i32>} : memref<64x80xf32, #tpu.memory_space<vmem>>, vector<16xf32>,
        tpu.vector_store %arg17[%swap3A_287, %swap3A_288], %mul3A_286 {strides = array<i32>} : memref<64x80xf32, #tpu.memory_space<vmem>>, vector<16xf32>,
        %get3A_290 = arith.index_cast %scan3A_280 : i32 to index
        %get3A_291 = arith.constant 16 : index
        %get3A_292 = tpu.vector_load %arg15[%get3A_290, %get3A_291] {strides = array<i32>} : memref<64x64xf32, #tpu.memory_space<vmem>>, vector<16xf32>,
        %mul3A_293 = arith.mulf %get3A_292, %gather3A_282 : vector<16xf32>
        %swap3A_294 = arith.index_cast %scan3A_280 : i32 to index
        %swap3A_295 = arith.constant 16 : index
        %swap3A_296 = tpu.vector_load %arg17[%swap3A_294, %swap3A_295] {strides = array<i32>} : memref<64x80xf32, #tpu.memory_space<vmem>>, vector<16xf32>,
        tpu.vector_store %arg17[%swap3A_294, %swap3A_295], %mul3A_293 {strides = array<i32>} : memref<64x80xf32, #tpu.memory_space<vmem>>, vector<16xf32>,
        %get3A_297 = arith.index_cast %scan3A_280 : i32 to index
        %get3A_298 = arith.constant 32 : index
        %get3A_299 = tpu.vector_load %arg15[%get3A_297, %get3A_298] {strides = array<i32>} : memref<64x64xf32, #tpu.memory_space<vmem>>, vector<16xf32>,
        %mul3A_300 = arith.mulf %get3A_299, %gather3A_282 : vector<16xf32>
        %swap3A_301 = arith.index_cast %scan3A_280 : i32 to index
        %swap3A_302 = arith.constant 32 : index
        %swap3A_303 = tpu.vector_load %arg17[%swap3A_301, %swap3A_302] {strides = array<i32>} : memref<64x80xf32, #tpu.memory_space<vmem>>, vector<16xf32>,
        tpu.vector_store %arg17[%swap3A_301, %swap3A_302], %mul3A_300 {strides = array<i32>} : memref<64x80xf32, #tpu.memory_space<vmem>>, vector<16xf32>,
        %get3A_304 = arith.index_cast %scan3A_280 : i32 to index
        %get3A_305 = arith.constant 48 : index
        %get3A_306 = tpu.vector_load %arg15[%get3A_304, %get3A_305] {strides = array<i32>} : memref<64x64xf32, #tpu.memory_space<vmem>>, vector<16xf32>,
        %mul3A_307 = arith.mulf %get3A_306, %gather3A_282 : vector<16xf32>
        %swap3A_308 = arith.index_cast %scan3A_280 : i32 to index
        %swap3A_309 = arith.constant 48 : index
        %swap3A_310 = tpu.vector_load %arg17[%swap3A_308, %swap3A_309] {strides = array<i32>} : memref<64x80xf32, #tpu.memory_space<vmem>>, vector<16xf32>,
        tpu.vector_store %arg17[%swap3A_308, %swap3A_309], %mul3A_307 {strides = array<i32>} : memref<64x80xf32, #tpu.memory_space<vmem>>, vector<16xf32>,
        %mul3A_311 = arith.mulf %gather3A_282, %select_n3A : vector<16xf32>
        %swap3A_312 = arith.index_cast %scan3A_280 : i32 to index
        %swap3A_313 = arith.constant 64 : index
        %swap3A_314 = tpu.vector_load %arg17[%swap3A_312, %swap3A_313] {strides = array<i32>} : memref<64x80xf32, #tpu.memory_space<vmem>>, vector<16xf32>,
        tpu.vector_store %arg17[%swap3A_312, %swap3A_313], %mul3A_311 {strides = array<i32>} : memref<64x80xf32, #tpu.memory_space<vmem>>, vector<16xf32>,
      }
      %scan3A_273 = arith.constant 64 : i32
      %dma_start3A_274 = arith.constant 0 : i32
      %dma_start3A_275 = tpu.memref_slice %arg9[%add3A_181, %dma_start3A_274] : memref<162x64xi32, #tpu.memory_space<vmem>> -> memref<1x64xi32, #tpu.memory_space<vmem>>
      %dma_start3A_276 = tpu.memref_squeeze %dma_start3A_275 : memref<1x64xi32, #tpu.memory_space<vmem>> -> memref<64xi32, #tpu.memory_space<vmem>>
      %dma_start3A_277 = arith.constant 0 : i32
      %dma_start3A_278 = arith.constant 0 : i32
      %dma_start3A_279 = tpu.memref_slice %arg23[%dma_start3A_277, %dma_start3A_278] : memref<10240x80xf32, #tpu.memory_space<vmem_shared>> -> memref<10240x80xf32, #tpu.memory_space<vmem_shared>>
      tpu.enqueue_indirect_dma source(%arg17 : memref<64x80xf32, #tpu.memory_space<vmem>>) target(%dma_start3A_279 : memref<10240x80xf32, #tpu.memory_space<vmem_shared>>) offsets(%dma_start3A_276 : memref<64xi32, #tpu.memory_space<vmem>>) semaphore(%arg22 : memref<!tpu.dma_semaphore, #tpu.memory_space<semaphore_mem>>) {add = true}
    }
    %scan3A_65 = arith.constant 81 : i32
    %dma_wait3A = arith.constant 160 : i32
    %dma_wait3A_66 = arith.constant 0 : i32
    %dma_wait3A_67 = tpu.memref_slice %arg9[%dma_wait3A, %dma_wait3A_66] : memref<162x64xi32, #tpu.memory_space<vmem>> -> memref<1x64xi32, #tpu.memory_space<vmem>>
    %dma_wait3A_68 = tpu.memref_squeeze %dma_wait3A_67 : memref<1x64xi32, #tpu.memory_space<vmem>> -> memref<64xi32, #tpu.memory_space<vmem>>
    %dma_wait3A_69 = arith.constant 0 : i32
    %dma_wait3A_70 = arith.constant 0 : i32
    %dma_wait3A_71 = tpu.memref_slice %arg23[%dma_wait3A_69, %dma_wait3A_70] : memref<10240x80xf32, #tpu.memory_space<vmem_shared>> -> memref<10240x80xf32, #tpu.memory_space<vmem_shared>>
    tpu.wait_indirect_dma semaphore(%arg21 : memref<!tpu.dma_semaphore, #tpu.memory_space<semaphore_mem>>) src(%arg16 : memref<64x80xf32, #tpu.memory_space<vmem>>) dst(%dma_wait3A_71 : memref<10240x80xf32, #tpu.memory_space<vmem_shared>>)
    %dma_wait3A_72 = arith.constant 161 : i32
    %dma_wait3A_73 = arith.constant 0 : i32
    %dma_wait3A_74 = tpu.memref_slice %arg9[%dma_wait3A_72, %dma_wait3A_73] : memref<162x64xi32, #tpu.memory_space<vmem>> -> memref<1x64xi32, #tpu.memory_space<vmem>>
    %dma_wait3A_75 = tpu.memref_squeeze %dma_wait3A_74 : memref<1x64xi32, #tpu.memory_space<vmem>> -> memref<64xi32, #tpu.memory_space<vmem>>
    %dma_wait3A_76 = arith.constant 0 : i32
    %dma_wait3A_77 = arith.constant 0 : i32
    %dma_wait3A_78 = tpu.memref_slice %arg23[%dma_wait3A_76, %dma_wait3A_77] : memref<10240x80xf32, #tpu.memory_space<vmem_shared>> -> memref<10240x80xf32, #tpu.memory_space<vmem_shared>>
    tpu.wait_indirect_dma semaphore(%arg22 : memref<!tpu.dma_semaphore, #tpu.memory_space<semaphore_mem>>) src(%arg17 : memref<64x80xf32, #tpu.memory_space<vmem>>) dst(%dma_wait3A_78 : memref<10240x80xf32, #tpu.memory_space<vmem_shared>>)
    %barrier3A_79 = arith.constant 0 : index
    tpu.barrier barrier_id(%barrier3A_79)
    %mul3A_80 = arith.constant 640 : i32
    %mul3A_81 = arith.muli %arg1, %mul3A_80 : i32
    %mul3A_82 = arith.constant 640 : i32
    %mul3A_83 = arith.muli %arg1, %mul3A_82 : i32
    "tpu.region"() ({
      %run_scoped3A_84 = tpu.sem_alloc : memref<!tpu.dma_semaphore, #tpu.memory_space<semaphore_mem>>
      %dma_start3A_85 = arith.constant 0 : i32
      %dma_start3A_86 = tpu.memref_slice %arg7[%arg0, %mul3A_83, %dma_start3A_85] : memref<2x10240x80xf32, #tpu.memory_space<hbm>> -> memref<1x640x80xf32, #tpu.memory_space<hbm>>
      %dma_start3A_87 = tpu.memref_squeeze %dma_start3A_86 : memref<1x640x80xf32, #tpu.memory_space<hbm>> -> memref<640x80xf32, #tpu.memory_space<hbm>>
      %dma_start3A_88 = arith.constant 0 : i32
      %dma_start3A_89 = tpu.memref_slice %arg23[%mul3A_81, %dma_start3A_88] : memref<10240x80xf32, #tpu.memory_space<vmem_shared>> -> memref<640x80xf32, #tpu.memory_space<vmem_shared>>
      tpu.enqueue_dma source(%dma_start3A_89 : memref<640x80xf32, #tpu.memory_space<vmem_shared>>) target(%dma_start3A_87 : memref<640x80xf32, #tpu.memory_space<hbm>>) target_semaphore(%run_scoped3A_84 : memref<!tpu.dma_semaphore, #tpu.memory_space<semaphore_mem>>)
      %dma_wait3A_90 = arith.constant 0 : i32
      %dma_wait3A_91 = tpu.memref_slice %arg7[%arg0, %mul3A_83, %dma_wait3A_90] : memref<2x10240x80xf32, #tpu.memory_space<hbm>> -> memref<1x640x80xf32, #tpu.memory_space<hbm>>
      %dma_wait3A_92 = tpu.memref_squeeze %dma_wait3A_91 : memref<1x640x80xf32, #tpu.memory_space<hbm>> -> memref<640x80xf32, #tpu.memory_space<hbm>>
      %dma_wait3A_93 = arith.constant 0 : i32
      %dma_wait3A_94 = tpu.memref_slice %arg23[%mul3A_81, %dma_wait3A_93] : memref<10240x80xf32, #tpu.memory_space<vmem_shared>> -> memref<640x80xf32, #tpu.memory_space<vmem_shared>>
      tpu.wait_dma2 semaphore(%run_scoped3A_84 : memref<!tpu.dma_semaphore, #tpu.memory_space<semaphore_mem>>) src(%dma_wait3A_94 : memref<640x80xf32, #tpu.memory_space<vmem_shared>>) dst(%dma_wait3A_92 : memref<640x80xf32, #tpu.memory_space<hbm>>)
      tpu.yield
    }) : () -> ()
    return
  }
}

#map = affine_map<(d0, d1) -> (0, 0, 0)>
#map1 = affine_map<(d0, d1) -> (0, 0)>
#map2 = affine_map<(d0, d1) -> (0)>
module attributes {stable_mosaic.version = 14 : i64} {
  func.func @conv(%arg0: i32, %arg1: i32, %arg2: memref<32x162x64xi32, #tpu.memory_space<hbm>>, %arg3: memref<32x162x64xi32, #tpu.memory_space<hbm>>, %arg4: memref<10240x64xf32, #tpu.memory_space<hbm>>, %arg5: memref<2x10240xf32, #tpu.memory_space<hbm>>, %arg6: memref<16xf32, #tpu.memory_space<hbm>>, %arg7: memref<2x10240x80xf32, #tpu.memory_space<hbm>>, %arg8: memref<162x64xi32, #tpu.memory_space<vmem>>, %arg9: memref<162x64xi32, #tpu.memory_space<vmem>>, %arg10: memref<10240xf32, #tpu.memory_space<vmem>>, %arg11: memref<10240xf32, #tpu.memory_space<vmem>>, %arg12: memref<16xf32, #tpu.memory_space<vmem>>, %arg13: memref<64xf32, #tpu.memory_space<vmem>>, %arg14: memref<64x64xf32, #tpu.memory_space<vmem>>, %arg15: memref<64x64xf32, #tpu.memory_space<vmem>>, %arg16: memref<64x80xf32, #tpu.memory_space<vmem>>, %arg17: memref<64x80xf32, #tpu.memory_space<vmem>>, %arg18: memref<64x80xf32, #tpu.memory_space<vmem>>, %arg19: memref<!tpu.dma_semaphore, #tpu.memory_space<semaphore_mem>>, %arg20: memref<!tpu.dma_semaphore, #tpu.memory_space<semaphore_mem>>, %arg21: memref<!tpu.dma_semaphore, #tpu.memory_space<semaphore_mem>>, %arg22: memref<!tpu.dma_semaphore, #tpu.memory_space<semaphore_mem>>, %arg23: memref<10240x80xf32, #tpu.memory_space<vmem_shared>>) attributes {dimension_semantics = [#tpu.dimension_semantics<core_parallel>, #tpu.dimension_semantics<subcore_parallel>], iteration_bounds = array<i64: 2, 16>, scalar_prefetch = 0 : i64, scratch_operands = 16 : i64, tpu.core_type = #tpu.core_type<sc_vector_subcore>, window_params = [{transform_indices = #map}, {transform_indices = #map}, {transform_indices = #map1}, {transform_indices = #map1}, {transform_indices = #map2}, {transform_indices = #map}]} {
    %mul3A = arith.constant 16 : i32
    %mul3A_0 = arith.muli %arg0, %mul3A : i32
    %add3A = arith.addi %mul3A_0, %arg1 : i32
    "tpu.region"() ({
      %run_scoped3A_84 = tpu.sem_alloc : memref<!tpu.dma_semaphore, #tpu.memory_space<semaphore_mem>>
      %dma_start3A_85 = arith.constant 0 : i32
      %dma_start3A_86 = arith.constant 0 : i32
      %dma_start3A_87 = tpu.memref_slice %arg2[%add3A, %dma_start3A_85, %dma_start3A_86] : memref<32x162x64xi32, #tpu.memory_space<hbm>> -> memref<1x162x64xi32, #tpu.memory_space<hbm>>
      %dma_start3A_88 = tpu.memref_squeeze %dma_start3A_87 : memref<1x162x64xi32, #tpu.memory_space<hbm>> -> memref<162x64xi32, #tpu.memory_space<hbm>>
      %dma_start3A_89 = arith.constant 0 : i32
      %dma_start3A_90 = arith.constant 0 : i32
      %dma_start3A_91 = tpu.memref_slice %arg2[%add3A, %dma_start3A_89, %dma_start3A_90] : memref<32x162x64xi32, #tpu.memory_space<hbm>> -> memref<1x162x64xi32, #tpu.memory_space<hbm>>
      %dma_start3A_92 = tpu.memref_squeeze %dma_start3A_91 : memref<1x162x64xi32, #tpu.memory_space<hbm>> -> memref<162x64xi32, #tpu.memory_space<hbm>>
      tpu.enqueue_dma source(%dma_start3A_92 : memref<162x64xi32, #tpu.memory_space<hbm>>) target(%arg8 : memref<162x64xi32, #tpu.memory_space<vmem>>) target_semaphore(%run_scoped3A_84 : memref<!tpu.dma_semaphore, #tpu.memory_space<semaphore_mem>>)
      %dma_wait3A_93 = arith.constant 0 : i32
      %dma_wait3A_94 = arith.constant 0 : i32
      %dma_wait3A_95 = tpu.memref_slice %arg2[%add3A, %dma_wait3A_93, %dma_wait3A_94] : memref<32x162x64xi32, #tpu.memory_space<hbm>> -> memref<1x162x64xi32, #tpu.memory_space<hbm>>
      %dma_wait3A_96 = tpu.memref_squeeze %dma_wait3A_95 : memref<1x162x64xi32, #tpu.memory_space<hbm>> -> memref<162x64xi32, #tpu.memory_space<hbm>>
      %dma_wait3A_97 = arith.constant 0 : i32
      %dma_wait3A_98 = arith.constant 0 : i32
      %dma_wait3A_99 = tpu.memref_slice %arg2[%add3A, %dma_wait3A_97, %dma_wait3A_98] : memref<32x162x64xi32, #tpu.memory_space<hbm>> -> memref<1x162x64xi32, #tpu.memory_space<hbm>>
      %dma_wait3A_100 = tpu.memref_squeeze %dma_wait3A_99 : memref<1x162x64xi32, #tpu.memory_space<hbm>> -> memref<162x64xi32, #tpu.memory_space<hbm>>
      tpu.wait_dma2 semaphore(%run_scoped3A_84 : memref<!tpu.dma_semaphore, #tpu.memory_space<semaphore_mem>>) src(%dma_wait3A_100 : memref<162x64xi32, #tpu.memory_space<hbm>>) dst(%arg8 : memref<162x64xi32, #tpu.memory_space<vmem>>)
      tpu.yield
    }) : () -> ()
    "tpu.region"() ({
      %run_scoped3A_84 = tpu.sem_alloc : memref<!tpu.dma_semaphore, #tpu.memory_space<semaphore_mem>>
      %dma_start3A_85 = arith.constant 0 : i32
      %dma_start3A_86 = arith.constant 0 : i32
      %dma_start3A_87 = tpu.memref_slice %arg3[%add3A, %dma_start3A_85, %dma_start3A_86] : memref<32x162x64xi32, #tpu.memory_space<hbm>> -> memref<1x162x64xi32, #tpu.memory_space<hbm>>
      %dma_start3A_88 = tpu.memref_squeeze %dma_start3A_87 : memref<1x162x64xi32, #tpu.memory_space<hbm>> -> memref<162x64xi32, #tpu.memory_space<hbm>>
      %dma_start3A_89 = arith.constant 0 : i32
      %dma_start3A_90 = arith.constant 0 : i32
      %dma_start3A_91 = tpu.memref_slice %arg3[%add3A, %dma_start3A_89, %dma_start3A_90] : memref<32x162x64xi32, #tpu.memory_space<hbm>> -> memref<1x162x64xi32, #tpu.memory_space<hbm>>
      %dma_start3A_92 = tpu.memref_squeeze %dma_start3A_91 : memref<1x162x64xi32, #tpu.memory_space<hbm>> -> memref<162x64xi32, #tpu.memory_space<hbm>>
      tpu.enqueue_dma source(%dma_start3A_92 : memref<162x64xi32, #tpu.memory_space<hbm>>) target(%arg9 : memref<162x64xi32, #tpu.memory_space<vmem>>) target_semaphore(%run_scoped3A_84 : memref<!tpu.dma_semaphore, #tpu.memory_space<semaphore_mem>>)
      %dma_wait3A_93 = arith.constant 0 : i32
      %dma_wait3A_94 = arith.constant 0 : i32
      %dma_wait3A_95 = tpu.memref_slice %arg3[%add3A, %dma_wait3A_93, %dma_wait3A_94] : memref<32x162x64xi32, #tpu.memory_space<hbm>> -> memref<1x162x64xi32, #tpu.memory_space<hbm>>
      %dma_wait3A_96 = tpu.memref_squeeze %dma_wait3A_95 : memref<1x162x64xi32, #tpu.memory_space<hbm>> -> memref<162x64xi32, #tpu.memory_space<hbm>>
      %dma_wait3A_97 = arith.constant 0 : i32
      %dma_wait3A_98 = arith.constant 0 : i32
      %dma_wait3A_99 = tpu.memref_slice %arg3[%add3A, %dma_wait3A_97, %dma_wait3A_98] : memref<32x162x64xi32, #tpu.memory_space<hbm>> -> memref<1x162x64xi32, #tpu.memory_space<hbm>>
      %dma_wait3A_100 = tpu.memref_squeeze %dma_wait3A_99 : memref<1x162x64xi32, #tpu.memory_space<hbm>> -> memref<162x64xi32, #tpu.memory_space<hbm>>
      tpu.wait_dma2 semaphore(%run_scoped3A_84 : memref<!tpu.dma_semaphore, #tpu.memory_space<semaphore_mem>>) src(%dma_wait3A_100 : memref<162x64xi32, #tpu.memory_space<hbm>>) dst(%arg9 : memref<162x64xi32, #tpu.memory_space<vmem>>)
      tpu.yield
    }) : () -> ()
    %run_scoped3A = arith.constant 0 : i32
    "tpu.region"() ({
      %run_scoped3A_84 = tpu.sem_alloc : memref<!tpu.dma_semaphore, #tpu.memory_space<semaphore_mem>>
      %dma_start3A_85 = arith.constant 0 : i32
      %dma_start3A_86 = tpu.memref_slice %arg5[%run_scoped3A, %dma_start3A_85] : memref<2x10240xf32, #tpu.memory_space<hbm>> -> memref<1x10240xf32, #tpu.memory_space<hbm>>
      %dma_start3A_87 = tpu.memref_squeeze %dma_start3A_86 : memref<1x10240xf32, #tpu.memory_space<hbm>> -> memref<10240xf32, #tpu.memory_space<hbm>>
      %dma_start3A_88 = arith.constant 0 : i32
      %dma_start3A_89 = tpu.memref_slice %arg5[%run_scoped3A, %dma_start3A_88] : memref<2x10240xf32, #tpu.memory_space<hbm>> -> memref<1x10240xf32, #tpu.memory_space<hbm>>
      %dma_start3A_90 = tpu.memref_squeeze %dma_start3A_89 : memref<1x10240xf32, #tpu.memory_space<hbm>> -> memref<10240xf32, #tpu.memory_space<hbm>>
      tpu.enqueue_dma source(%dma_start3A_90 : memref<10240xf32, #tpu.memory_space<hbm>>) target(%arg10 : memref<10240xf32, #tpu.memory_space<vmem>>) target_semaphore(%run_scoped3A_84 : memref<!tpu.dma_semaphore, #tpu.memory_space<semaphore_mem>>)
      %dma_wait3A_91 = arith.constant 0 : i32
      %dma_wait3A_92 = tpu.memref_slice %arg5[%run_scoped3A, %dma_wait3A_91] : memref<2x10240xf32, #tpu.memory_space<hbm>> -> memref<1x10240xf32, #tpu.memory_space<hbm>>
      %dma_wait3A_93 = tpu.memref_squeeze %dma_wait3A_92 : memref<1x10240xf32, #tpu.memory_space<hbm>> -> memref<10240xf32, #tpu.memory_space<hbm>>
      %dma_wait3A_94 = arith.constant 0 : i32
      %dma_wait3A_95 = tpu.memref_slice %arg5[%run_scoped3A, %dma_wait3A_94] : memref<2x10240xf32, #tpu.memory_space<hbm>> -> memref<1x10240xf32, #tpu.memory_space<hbm>>
      %dma_wait3A_96 = tpu.memref_squeeze %dma_wait3A_95 : memref<1x10240xf32, #tpu.memory_space<hbm>> -> memref<10240xf32, #tpu.memory_space<hbm>>
      tpu.wait_dma2 semaphore(%run_scoped3A_84 : memref<!tpu.dma_semaphore, #tpu.memory_space<semaphore_mem>>) src(%dma_wait3A_96 : memref<10240xf32, #tpu.memory_space<hbm>>) dst(%arg10 : memref<10240xf32, #tpu.memory_space<vmem>>)
      tpu.yield
    }) : () -> ()
    %run_scoped3A_1 = arith.constant 1 : i32
    "tpu.region"() ({
      %run_scoped3A_84 = tpu.sem_alloc : memref<!tpu.dma_semaphore, #tpu.memory_space<semaphore_mem>>
      %dma_start3A_85 = arith.constant 0 : i32
      %dma_start3A_86 = tpu.memref_slice %arg5[%run_scoped3A_1, %dma_start3A_85] : memref<2x10240xf32, #tpu.memory_space<hbm>> -> memref<1x10240xf32, #tpu.memory_space<hbm>>
      %dma_start3A_87 = tpu.memref_squeeze %dma_start3A_86 : memref<1x10240xf32, #tpu.memory_space<hbm>> -> memref<10240xf32, #tpu.memory_space<hbm>>
      %dma_start3A_88 = arith.constant 0 : i32
      %dma_start3A_89 = tpu.memref_slice %arg5[%run_scoped3A_1, %dma_start3A_88] : memref<2x10240xf32, #tpu.memory_space<hbm>> -> memref<1x10240xf32, #tpu.memory_space<hbm>>
      %dma_start3A_90 = tpu.memref_squeeze %dma_start3A_89 : memref<1x10240xf32, #tpu.memory_space<hbm>> -> memref<10240xf32, #tpu.memory_space<hbm>>
      tpu.enqueue_dma source(%dma_start3A_90 : memref<10240xf32, #tpu.memory_space<hbm>>) target(%arg11 : memref<10240xf32, #tpu.memory_space<vmem>>) target_semaphore(%run_scoped3A_84 : memref<!tpu.dma_semaphore, #tpu.memory_space<semaphore_mem>>)
      %dma_wait3A_91 = arith.constant 0 : i32
      %dma_wait3A_92 = tpu.memref_slice %arg5[%run_scoped3A_1, %dma_wait3A_91] : memref<2x10240xf32, #tpu.memory_space<hbm>> -> memref<1x10240xf32, #tpu.memory_space<hbm>>
      %dma_wait3A_93 = tpu.memref_squeeze %dma_wait3A_92 : memref<1x10240xf32, #tpu.memory_space<hbm>> -> memref<10240xf32, #tpu.memory_space<hbm>>
      %dma_wait3A_94 = arith.constant 0 : i32
      %dma_wait3A_95 = tpu.memref_slice %arg5[%run_scoped3A_1, %dma_wait3A_94] : memref<2x10240xf32, #tpu.memory_space<hbm>> -> memref<1x10240xf32, #tpu.memory_space<hbm>>
      %dma_wait3A_96 = tpu.memref_squeeze %dma_wait3A_95 : memref<1x10240xf32, #tpu.memory_space<hbm>> -> memref<10240xf32, #tpu.memory_space<hbm>>
      tpu.wait_dma2 semaphore(%run_scoped3A_84 : memref<!tpu.dma_semaphore, #tpu.memory_space<semaphore_mem>>) src(%dma_wait3A_96 : memref<10240xf32, #tpu.memory_space<hbm>>) dst(%arg11 : memref<10240xf32, #tpu.memory_space<vmem>>)
      tpu.yield
    }) : () -> ()
    "tpu.region"() ({
      %run_scoped3A_84 = tpu.sem_alloc : memref<!tpu.dma_semaphore, #tpu.memory_space<semaphore_mem>>
      tpu.enqueue_dma source(%arg6 : memref<16xf32, #tpu.memory_space<hbm>>) target(%arg12 : memref<16xf32, #tpu.memory_space<vmem>>) target_semaphore(%run_scoped3A_84 : memref<!tpu.dma_semaphore, #tpu.memory_space<semaphore_mem>>)
      tpu.wait_dma2 semaphore(%run_scoped3A_84 : memref<!tpu.dma_semaphore, #tpu.memory_space<semaphore_mem>>) src(%arg6 : memref<16xf32, #tpu.memory_space<hbm>>) dst(%arg12 : memref<16xf32, #tpu.memory_space<vmem>>)
      tpu.yield
    }) : () -> ()
    %broadcast_in_dim3A = arith.constant 0.000000e+00 : f32
    %broadcast_in_dim3A_2 = vector.broadcast %broadcast_in_dim3A : f32 to vector<16xf32>
    %scan3A = arith.constant 0 : i32
    %scan3A_3 = arith.constant 0 : i32
    %scan3A_4 = arith.constant 64 : i32
    %scan3A_5 = arith.addi %scan3A_3, %scan3A_4 : i32
    %scan3A_6 = arith.constant 1 : i32
    scf.for %scan3A_84 = %scan3A_3 to %scan3A_5 step %scan3A_6  : i32 {
      %swap3A = arith.index_cast %scan3A_84 : i32 to index
      %swap3A_85 = arith.constant 0 : index
      %swap3A_86 = tpu.vector_load %arg18[%swap3A, %swap3A_85] {strides = array<i32>} : memref<64x80xf32, #tpu.memory_space<vmem>>, vector<16xf32>,
      tpu.vector_store %arg18[%swap3A, %swap3A_85], %broadcast_in_dim3A_2 {strides = array<i32>} : memref<64x80xf32, #tpu.memory_space<vmem>>, vector<16xf32>,
      %swap3A_87 = arith.index_cast %scan3A_84 : i32 to index
      %swap3A_88 = arith.constant 16 : index
      %swap3A_89 = tpu.vector_load %arg18[%swap3A_87, %swap3A_88] {strides = array<i32>} : memref<64x80xf32, #tpu.memory_space<vmem>>, vector<16xf32>,
      tpu.vector_store %arg18[%swap3A_87, %swap3A_88], %broadcast_in_dim3A_2 {strides = array<i32>} : memref<64x80xf32, #tpu.memory_space<vmem>>, vector<16xf32>,
      %swap3A_90 = arith.index_cast %scan3A_84 : i32 to index
      %swap3A_91 = arith.constant 32 : index
      %swap3A_92 = tpu.vector_load %arg18[%swap3A_90, %swap3A_91] {strides = array<i32>} : memref<64x80xf32, #tpu.memory_space<vmem>>, vector<16xf32>,
      tpu.vector_store %arg18[%swap3A_90, %swap3A_91], %broadcast_in_dim3A_2 {strides = array<i32>} : memref<64x80xf32, #tpu.memory_space<vmem>>, vector<16xf32>,
      %swap3A_93 = arith.index_cast %scan3A_84 : i32 to index
      %swap3A_94 = arith.constant 48 : index
      %swap3A_95 = tpu.vector_load %arg18[%swap3A_93, %swap3A_94] {strides = array<i32>} : memref<64x80xf32, #tpu.memory_space<vmem>>, vector<16xf32>,
      tpu.vector_store %arg18[%swap3A_93, %swap3A_94], %broadcast_in_dim3A_2 {strides = array<i32>} : memref<64x80xf32, #tpu.memory_space<vmem>>, vector<16xf32>,
      %swap3A_96 = arith.index_cast %scan3A_84 : i32 to index
      %swap3A_97 = arith.constant 64 : index
      %swap3A_98 = tpu.vector_load %arg18[%swap3A_96, %swap3A_97] {strides = array<i32>} : memref<64x80xf32, #tpu.memory_space<vmem>>, vector<16xf32>,
      tpu.vector_store %arg18[%swap3A_96, %swap3A_97], %broadcast_in_dim3A_2 {strides = array<i32>} : memref<64x80xf32, #tpu.memory_space<vmem>>, vector<16xf32>,
    }
    %scan3A_7 = arith.constant 64 : i32
    %mul3A_8 = arith.constant 640 : i32
    %mul3A_9 = arith.muli %arg1, %mul3A_8 : i32
    %add3A_10 = arith.constant 0 : i32
    %add3A_11 = arith.addi %mul3A_9, %add3A_10 : i32
    "tpu.region"() ({
      %run_scoped3A_84 = tpu.sem_alloc : memref<!tpu.dma_semaphore, #tpu.memory_space<semaphore_mem>>
      %dma_start3A_85 = arith.constant 0 : i32
      %dma_start3A_86 = tpu.memref_slice %arg23[%add3A_11, %dma_start3A_85] : memref<10240x80xf32, #tpu.memory_space<vmem_shared>> -> memref<64x80xf32, #tpu.memory_space<vmem_shared>>
      %dma_start3A_87 = arith.constant 0 : i32
      %dma_start3A_88 = tpu.memref_slice %arg23[%add3A_11, %dma_start3A_87] : memref<10240x80xf32, #tpu.memory_space<vmem_shared>> -> memref<64x80xf32, #tpu.memory_space<vmem_shared>>
      tpu.enqueue_dma source(%arg18 : memref<64x80xf32, #tpu.memory_space<vmem>>) target(%dma_start3A_88 : memref<64x80xf32, #tpu.memory_space<vmem_shared>>) target_semaphore(%run_scoped3A_84 : memref<!tpu.dma_semaphore, #tpu.memory_space<semaphore_mem>>)
      %dma_wait3A_89 = arith.constant 0 : i32
      %dma_wait3A_90 = tpu.memref_slice %arg23[%add3A_11, %dma_wait3A_89] : memref<10240x80xf32, #tpu.memory_space<vmem_shared>> -> memref<64x80xf32, #tpu.memory_space<vmem_shared>>
      %dma_wait3A_91 = arith.constant 0 : i32
      %dma_wait3A_92 = tpu.memref_slice %arg23[%add3A_11, %dma_wait3A_91] : memref<10240x80xf32, #tpu.memory_space<vmem_shared>> -> memref<64x80xf32, #tpu.memory_space<vmem_shared>>
      tpu.wait_dma2 semaphore(%run_scoped3A_84 : memref<!tpu.dma_semaphore, #tpu.memory_space<semaphore_mem>>) src(%arg18 : memref<64x80xf32, #tpu.memory_space<vmem>>) dst(%dma_wait3A_92 : memref<64x80xf32, #tpu.memory_space<vmem_shared>>)
      tpu.yield
    }) : () -> ()
    %mul3A_12 = arith.constant 640 : i32
    %mul3A_13 = arith.muli %arg1, %mul3A_12 : i32
    %add3A_14 = arith.constant 64 : i32
    %add3A_15 = arith.addi %mul3A_13, %add3A_14 : i32
    "tpu.region"() ({
      %run_scoped3A_84 = tpu.sem_alloc : memref<!tpu.dma_semaphore, #tpu.memory_space<semaphore_mem>>
      %dma_start3A_85 = arith.constant 0 : i32
      %dma_start3A_86 = tpu.memref_slice %arg23[%add3A_15, %dma_start3A_85] : memref<10240x80xf32, #tpu.memory_space<vmem_shared>> -> memref<64x80xf32, #tpu.memory_space<vmem_shared>>
      %dma_start3A_87 = arith.constant 0 : i32
      %dma_start3A_88 = tpu.memref_slice %arg23[%add3A_15, %dma_start3A_87] : memref<10240x80xf32, #tpu.memory_space<vmem_shared>> -> memref<64x80xf32, #tpu.memory_space<vmem_shared>>
      tpu.enqueue_dma source(%arg18 : memref<64x80xf32, #tpu.memory_space<vmem>>) target(%dma_start3A_88 : memref<64x80xf32, #tpu.memory_space<vmem_shared>>) target_semaphore(%run_scoped3A_84 : memref<!tpu.dma_semaphore, #tpu.memory_space<semaphore_mem>>)
      %dma_wait3A_89 = arith.constant 0 : i32
      %dma_wait3A_90 = tpu.memref_slice %arg23[%add3A_15, %dma_wait3A_89] : memref<10240x80xf32, #tpu.memory_space<vmem_shared>> -> memref<64x80xf32, #tpu.memory_space<vmem_shared>>
      %dma_wait3A_91 = arith.constant 0 : i32
      %dma_wait3A_92 = tpu.memref_slice %arg23[%add3A_15, %dma_wait3A_91] : memref<10240x80xf32, #tpu.memory_space<vmem_shared>> -> memref<64x80xf32, #tpu.memory_space<vmem_shared>>
      tpu.wait_dma2 semaphore(%run_scoped3A_84 : memref<!tpu.dma_semaphore, #tpu.memory_space<semaphore_mem>>) src(%arg18 : memref<64x80xf32, #tpu.memory_space<vmem>>) dst(%dma_wait3A_92 : memref<64x80xf32, #tpu.memory_space<vmem_shared>>)
      tpu.yield
    }) : () -> ()
    %mul3A_16 = arith.constant 640 : i32
    %mul3A_17 = arith.muli %arg1, %mul3A_16 : i32
    %add3A_18 = arith.constant 128 : i32
    %add3A_19 = arith.addi %mul3A_17, %add3A_18 : i32
    "tpu.region"() ({
      %run_scoped3A_84 = tpu.sem_alloc : memref<!tpu.dma_semaphore, #tpu.memory_space<semaphore_mem>>
      %dma_start3A_85 = arith.constant 0 : i32
      %dma_start3A_86 = tpu.memref_slice %arg23[%add3A_19, %dma_start3A_85] : memref<10240x80xf32, #tpu.memory_space<vmem_shared>> -> memref<64x80xf32, #tpu.memory_space<vmem_shared>>
      %dma_start3A_87 = arith.constant 0 : i32
      %dma_start3A_88 = tpu.memref_slice %arg23[%add3A_19, %dma_start3A_87] : memref<10240x80xf32, #tpu.memory_space<vmem_shared>> -> memref<64x80xf32, #tpu.memory_space<vmem_shared>>
      tpu.enqueue_dma source(%arg18 : memref<64x80xf32, #tpu.memory_space<vmem>>) target(%dma_start3A_88 : memref<64x80xf32, #tpu.memory_space<vmem_shared>>) target_semaphore(%run_scoped3A_84 : memref<!tpu.dma_semaphore, #tpu.memory_space<semaphore_mem>>)
      %dma_wait3A_89 = arith.constant 0 : i32
      %dma_wait3A_90 = tpu.memref_slice %arg23[%add3A_19, %dma_wait3A_89] : memref<10240x80xf32, #tpu.memory_space<vmem_shared>> -> memref<64x80xf32, #tpu.memory_space<vmem_shared>>
      %dma_wait3A_91 = arith.constant 0 : i32
      %dma_wait3A_92 = tpu.memref_slice %arg23[%add3A_19, %dma_wait3A_91] : memref<10240x80xf32, #tpu.memory_space<vmem_shared>> -> memref<64x80xf32, #tpu.memory_space<vmem_shared>>
      tpu.wait_dma2 semaphore(%run_scoped3A_84 : memref<!tpu.dma_semaphore, #tpu.memory_space<semaphore_mem>>) src(%arg18 : memref<64x80xf32, #tpu.memory_space<vmem>>) dst(%dma_wait3A_92 : memref<64x80xf32, #tpu.memory_space<vmem_shared>>)
      tpu.yield
    }) : () -> ()
    %mul3A_20 = arith.constant 640 : i32
    %mul3A_21 = arith.muli %arg1, %mul3A_20 : i32
    %add3A_22 = arith.constant 192 : i32
    %add3A_23 = arith.addi %mul3A_21, %add3A_22 : i32
    "tpu.region"() ({
      %run_scoped3A_84 = tpu.sem_alloc : memref<!tpu.dma_semaphore, #tpu.memory_space<semaphore_mem>>
      %dma_start3A_85 = arith.constant 0 : i32
      %dma_start3A_86 = tpu.memref_slice %arg23[%add3A_23, %dma_start3A_85] : memref<10240x80xf32, #tpu.memory_space<vmem_shared>> -> memref<64x80xf32, #tpu.memory_space<vmem_shared>>
      %dma_start3A_87 = arith.constant 0 : i32
      %dma_start3A_88 = tpu.memref_slice %arg23[%add3A_23, %dma_start3A_87] : memref<10240x80xf32, #tpu.memory_space<vmem_shared>> -> memref<64x80xf32, #tpu.memory_space<vmem_shared>>
      tpu.enqueue_dma source(%arg18 : memref<64x80xf32, #tpu.memory_space<vmem>>) target(%dma_start3A_88 : memref<64x80xf32, #tpu.memory_space<vmem_shared>>) target_semaphore(%run_scoped3A_84 : memref<!tpu.dma_semaphore, #tpu.memory_space<semaphore_mem>>)
      %dma_wait3A_89 = arith.constant 0 : i32
      %dma_wait3A_90 = tpu.memref_slice %arg23[%add3A_23, %dma_wait3A_89] : memref<10240x80xf32, #tpu.memory_space<vmem_shared>> -> memref<64x80xf32, #tpu.memory_space<vmem_shared>>
      %dma_wait3A_91 = arith.constant 0 : i32
      %dma_wait3A_92 = tpu.memref_slice %arg23[%add3A_23, %dma_wait3A_91] : memref<10240x80xf32, #tpu.memory_space<vmem_shared>> -> memref<64x80xf32, #tpu.memory_space<vmem_shared>>
      tpu.wait_dma2 semaphore(%run_scoped3A_84 : memref<!tpu.dma_semaphore, #tpu.memory_space<semaphore_mem>>) src(%arg18 : memref<64x80xf32, #tpu.memory_space<vmem>>) dst(%dma_wait3A_92 : memref<64x80xf32, #tpu.memory_space<vmem_shared>>)
      tpu.yield
    }) : () -> ()
    %mul3A_24 = arith.constant 640 : i32
    %mul3A_25 = arith.muli %arg1, %mul3A_24 : i32
    %add3A_26 = arith.constant 256 : i32
    %add3A_27 = arith.addi %mul3A_25, %add3A_26 : i32
    "tpu.region"() ({
      %run_scoped3A_84 = tpu.sem_alloc : memref<!tpu.dma_semaphore, #tpu.memory_space<semaphore_mem>>
      %dma_start3A_85 = arith.constant 0 : i32
      %dma_start3A_86 = tpu.memref_slice %arg23[%add3A_27, %dma_start3A_85] : memref<10240x80xf32, #tpu.memory_space<vmem_shared>> -> memref<64x80xf32, #tpu.memory_space<vmem_shared>>
      %dma_start3A_87 = arith.constant 0 : i32
      %dma_start3A_88 = tpu.memref_slice %arg23[%add3A_27, %dma_start3A_87] : memref<10240x80xf32, #tpu.memory_space<vmem_shared>> -> memref<64x80xf32, #tpu.memory_space<vmem_shared>>
      tpu.enqueue_dma source(%arg18 : memref<64x80xf32, #tpu.memory_space<vmem>>) target(%dma_start3A_88 : memref<64x80xf32, #tpu.memory_space<vmem_shared>>) target_semaphore(%run_scoped3A_84 : memref<!tpu.dma_semaphore, #tpu.memory_space<semaphore_mem>>)
      %dma_wait3A_89 = arith.constant 0 : i32
      %dma_wait3A_90 = tpu.memref_slice %arg23[%add3A_27, %dma_wait3A_89] : memref<10240x80xf32, #tpu.memory_space<vmem_shared>> -> memref<64x80xf32, #tpu.memory_space<vmem_shared>>
      %dma_wait3A_91 = arith.constant 0 : i32
      %dma_wait3A_92 = tpu.memref_slice %arg23[%add3A_27, %dma_wait3A_91] : memref<10240x80xf32, #tpu.memory_space<vmem_shared>> -> memref<64x80xf32, #tpu.memory_space<vmem_shared>>
      tpu.wait_dma2 semaphore(%run_scoped3A_84 : memref<!tpu.dma_semaphore, #tpu.memory_space<semaphore_mem>>) src(%arg18 : memref<64x80xf32, #tpu.memory_space<vmem>>) dst(%dma_wait3A_92 : memref<64x80xf32, #tpu.memory_space<vmem_shared>>)
      tpu.yield
    }) : () -> ()
    %mul3A_28 = arith.constant 640 : i32
    %mul3A_29 = arith.muli %arg1, %mul3A_28 : i32
    %add3A_30 = arith.constant 320 : i32
    %add3A_31 = arith.addi %mul3A_29, %add3A_30 : i32
    "tpu.region"() ({
      %run_scoped3A_84 = tpu.sem_alloc : memref<!tpu.dma_semaphore, #tpu.memory_space<semaphore_mem>>
      %dma_start3A_85 = arith.constant 0 : i32
      %dma_start3A_86 = tpu.memref_slice %arg23[%add3A_31, %dma_start3A_85] : memref<10240x80xf32, #tpu.memory_space<vmem_shared>> -> memref<64x80xf32, #tpu.memory_space<vmem_shared>>
      %dma_start3A_87 = arith.constant 0 : i32
      %dma_start3A_88 = tpu.memref_slice %arg23[%add3A_31, %dma_start3A_87] : memref<10240x80xf32, #tpu.memory_space<vmem_shared>> -> memref<64x80xf32, #tpu.memory_space<vmem_shared>>
      tpu.enqueue_dma source(%arg18 : memref<64x80xf32, #tpu.memory_space<vmem>>) target(%dma_start3A_88 : memref<64x80xf32, #tpu.memory_space<vmem_shared>>) target_semaphore(%run_scoped3A_84 : memref<!tpu.dma_semaphore, #tpu.memory_space<semaphore_mem>>)
      %dma_wait3A_89 = arith.constant 0 : i32
      %dma_wait3A_90 = tpu.memref_slice %arg23[%add3A_31, %dma_wait3A_89] : memref<10240x80xf32, #tpu.memory_space<vmem_shared>> -> memref<64x80xf32, #tpu.memory_space<vmem_shared>>
      %dma_wait3A_91 = arith.constant 0 : i32
      %dma_wait3A_92 = tpu.memref_slice %arg23[%add3A_31, %dma_wait3A_91] : memref<10240x80xf32, #tpu.memory_space<vmem_shared>> -> memref<64x80xf32, #tpu.memory_space<vmem_shared>>
      tpu.wait_dma2 semaphore(%run_scoped3A_84 : memref<!tpu.dma_semaphore, #tpu.memory_space<semaphore_mem>>) src(%arg18 : memref<64x80xf32, #tpu.memory_space<vmem>>) dst(%dma_wait3A_92 : memref<64x80xf32, #tpu.memory_space<vmem_shared>>)
      tpu.yield
    }) : () -> ()
    %mul3A_32 = arith.constant 640 : i32
    %mul3A_33 = arith.muli %arg1, %mul3A_32 : i32
    %add3A_34 = arith.constant 384 : i32
    %add3A_35 = arith.addi %mul3A_33, %add3A_34 : i32
    "tpu.region"() ({
      %run_scoped3A_84 = tpu.sem_alloc : memref<!tpu.dma_semaphore, #tpu.memory_space<semaphore_mem>>
      %dma_start3A_85 = arith.constant 0 : i32
      %dma_start3A_86 = tpu.memref_slice %arg23[%add3A_35, %dma_start3A_85] : memref<10240x80xf32, #tpu.memory_space<vmem_shared>> -> memref<64x80xf32, #tpu.memory_space<vmem_shared>>
      %dma_start3A_87 = arith.constant 0 : i32
      %dma_start3A_88 = tpu.memref_slice %arg23[%add3A_35, %dma_start3A_87] : memref<10240x80xf32, #tpu.memory_space<vmem_shared>> -> memref<64x80xf32, #tpu.memory_space<vmem_shared>>
      tpu.enqueue_dma source(%arg18 : memref<64x80xf32, #tpu.memory_space<vmem>>) target(%dma_start3A_88 : memref<64x80xf32, #tpu.memory_space<vmem_shared>>) target_semaphore(%run_scoped3A_84 : memref<!tpu.dma_semaphore, #tpu.memory_space<semaphore_mem>>)
      %dma_wait3A_89 = arith.constant 0 : i32
      %dma_wait3A_90 = tpu.memref_slice %arg23[%add3A_35, %dma_wait3A_89] : memref<10240x80xf32, #tpu.memory_space<vmem_shared>> -> memref<64x80xf32, #tpu.memory_space<vmem_shared>>
      %dma_wait3A_91 = arith.constant 0 : i32
      %dma_wait3A_92 = tpu.memref_slice %arg23[%add3A_35, %dma_wait3A_91] : memref<10240x80xf32, #tpu.memory_space<vmem_shared>> -> memref<64x80xf32, #tpu.memory_space<vmem_shared>>
      tpu.wait_dma2 semaphore(%run_scoped3A_84 : memref<!tpu.dma_semaphore, #tpu.memory_space<semaphore_mem>>) src(%arg18 : memref<64x80xf32, #tpu.memory_space<vmem>>) dst(%dma_wait3A_92 : memref<64x80xf32, #tpu.memory_space<vmem_shared>>)
      tpu.yield
    }) : () -> ()
    %mul3A_36 = arith.constant 640 : i32
    %mul3A_37 = arith.muli %arg1, %mul3A_36 : i32
    %add3A_38 = arith.constant 448 : i32
    %add3A_39 = arith.addi %mul3A_37, %add3A_38 : i32
    "tpu.region"() ({
      %run_scoped3A_84 = tpu.sem_alloc : memref<!tpu.dma_semaphore, #tpu.memory_space<semaphore_mem>>
      %dma_start3A_85 = arith.constant 0 : i32
      %dma_start3A_86 = tpu.memref_slice %arg23[%add3A_39, %dma_start3A_85] : memref<10240x80xf32, #tpu.memory_space<vmem_shared>> -> memref<64x80xf32, #tpu.memory_space<vmem_shared>>
      %dma_start3A_87 = arith.constant 0 : i32
      %dma_start3A_88 = tpu.memref_slice %arg23[%add3A_39, %dma_start3A_87] : memref<10240x80xf32, #tpu.memory_space<vmem_shared>> -> memref<64x80xf32, #tpu.memory_space<vmem_shared>>
      tpu.enqueue_dma source(%arg18 : memref<64x80xf32, #tpu.memory_space<vmem>>) target(%dma_start3A_88 : memref<64x80xf32, #tpu.memory_space<vmem_shared>>) target_semaphore(%run_scoped3A_84 : memref<!tpu.dma_semaphore, #tpu.memory_space<semaphore_mem>>)
      %dma_wait3A_89 = arith.constant 0 : i32
      %dma_wait3A_90 = tpu.memref_slice %arg23[%add3A_39, %dma_wait3A_89] : memref<10240x80xf32, #tpu.memory_space<vmem_shared>> -> memref<64x80xf32, #tpu.memory_space<vmem_shared>>
      %dma_wait3A_91 = arith.constant 0 : i32
      %dma_wait3A_92 = tpu.memref_slice %arg23[%add3A_39, %dma_wait3A_91] : memref<10240x80xf32, #tpu.memory_space<vmem_shared>> -> memref<64x80xf32, #tpu.memory_space<vmem_shared>>
      tpu.wait_dma2 semaphore(%run_scoped3A_84 : memref<!tpu.dma_semaphore, #tpu.memory_space<semaphore_mem>>) src(%arg18 : memref<64x80xf32, #tpu.memory_space<vmem>>) dst(%dma_wait3A_92 : memref<64x80xf32, #tpu.memory_space<vmem_shared>>)
      tpu.yield
    }) : () -> ()
    %mul3A_40 = arith.constant 640 : i32
    %mul3A_41 = arith.muli %arg1, %mul3A_40 : i32
    %add3A_42 = arith.constant 512 : i32
    %add3A_43 = arith.addi %mul3A_41, %add3A_42 : i32
    "tpu.region"() ({
      %run_scoped3A_84 = tpu.sem_alloc : memref<!tpu.dma_semaphore, #tpu.memory_space<semaphore_mem>>
      %dma_start3A_85 = arith.constant 0 : i32
      %dma_start3A_86 = tpu.memref_slice %arg23[%add3A_43, %dma_start3A_85] : memref<10240x80xf32, #tpu.memory_space<vmem_shared>> -> memref<64x80xf32, #tpu.memory_space<vmem_shared>>
      %dma_start3A_87 = arith.constant 0 : i32
      %dma_start3A_88 = tpu.memref_slice %arg23[%add3A_43, %dma_start3A_87] : memref<10240x80xf32, #tpu.memory_space<vmem_shared>> -> memref<64x80xf32, #tpu.memory_space<vmem_shared>>
      tpu.enqueue_dma source(%arg18 : memref<64x80xf32, #tpu.memory_space<vmem>>) target(%dma_start3A_88 : memref<64x80xf32, #tpu.memory_space<vmem_shared>>) target_semaphore(%run_scoped3A_84 : memref<!tpu.dma_semaphore, #tpu.memory_space<semaphore_mem>>)
      %dma_wait3A_89 = arith.constant 0 : i32
      %dma_wait3A_90 = tpu.memref_slice %arg23[%add3A_43, %dma_wait3A_89] : memref<10240x80xf32, #tpu.memory_space<vmem_shared>> -> memref<64x80xf32, #tpu.memory_space<vmem_shared>>
      %dma_wait3A_91 = arith.constant 0 : i32
      %dma_wait3A_92 = tpu.memref_slice %arg23[%add3A_43, %dma_wait3A_91] : memref<10240x80xf32, #tpu.memory_space<vmem_shared>> -> memref<64x80xf32, #tpu.memory_space<vmem_shared>>
      tpu.wait_dma2 semaphore(%run_scoped3A_84 : memref<!tpu.dma_semaphore, #tpu.memory_space<semaphore_mem>>) src(%arg18 : memref<64x80xf32, #tpu.memory_space<vmem>>) dst(%dma_wait3A_92 : memref<64x80xf32, #tpu.memory_space<vmem_shared>>)
      tpu.yield
    }) : () -> ()
    %mul3A_44 = arith.constant 640 : i32
    %mul3A_45 = arith.muli %arg1, %mul3A_44 : i32
    %add3A_46 = arith.constant 576 : i32
    %add3A_47 = arith.addi %mul3A_45, %add3A_46 : i32
    "tpu.region"() ({
      %run_scoped3A_84 = tpu.sem_alloc : memref<!tpu.dma_semaphore, #tpu.memory_space<semaphore_mem>>
      %dma_start3A_85 = arith.constant 0 : i32
      %dma_start3A_86 = tpu.memref_slice %arg23[%add3A_47, %dma_start3A_85] : memref<10240x80xf32, #tpu.memory_space<vmem_shared>> -> memref<64x80xf32, #tpu.memory_space<vmem_shared>>
      %dma_start3A_87 = arith.constant 0 : i32
      %dma_start3A_88 = tpu.memref_slice %arg23[%add3A_47, %dma_start3A_87] : memref<10240x80xf32, #tpu.memory_space<vmem_shared>> -> memref<64x80xf32, #tpu.memory_space<vmem_shared>>
      tpu.enqueue_dma source(%arg18 : memref<64x80xf32, #tpu.memory_space<vmem>>) target(%dma_start3A_88 : memref<64x80xf32, #tpu.memory_space<vmem_shared>>) target_semaphore(%run_scoped3A_84 : memref<!tpu.dma_semaphore, #tpu.memory_space<semaphore_mem>>)
      %dma_wait3A_89 = arith.constant 0 : i32
      %dma_wait3A_90 = tpu.memref_slice %arg23[%add3A_47, %dma_wait3A_89] : memref<10240x80xf32, #tpu.memory_space<vmem_shared>> -> memref<64x80xf32, #tpu.memory_space<vmem_shared>>
      %dma_wait3A_91 = arith.constant 0 : i32
      %dma_wait3A_92 = tpu.memref_slice %arg23[%add3A_47, %dma_wait3A_91] : memref<10240x80xf32, #tpu.memory_space<vmem_shared>> -> memref<64x80xf32, #tpu.memory_space<vmem_shared>>
      tpu.wait_dma2 semaphore(%run_scoped3A_84 : memref<!tpu.dma_semaphore, #tpu.memory_space<semaphore_mem>>) src(%arg18 : memref<64x80xf32, #tpu.memory_space<vmem>>) dst(%dma_wait3A_92 : memref<64x80xf32, #tpu.memory_space<vmem_shared>>)
      tpu.yield
    }) : () -> ()
    %barrier3A = arith.constant 0 : index
    tpu.barrier barrier_id(%barrier3A)
    %iota3A = tpu.iota {dimensions = array<i32: 0>} : vector<16xi32>
    %eq3A = arith.constant 0 : i32
    %eq3A_48 = vector.broadcast %eq3A : i32 to vector<16xi32>
    %eq3A_49 = arith.cmpi eq, %iota3A, %eq3A_48 : vector<16xi32>
    %jit3A = arith.constant 1.000000e+00 : f32
    %jit3A_50 = arith.constant 0.000000e+00 : f32
    %broadcast_in_dim3A_51 = vector.broadcast %jit3A : f32 to vector<16xf32>
    %broadcast_in_dim3A_52 = vector.broadcast %jit3A_50 : f32 to vector<16xf32>
    %select_n3A = arith.select %eq3A_49, %broadcast_in_dim3A_51, %broadcast_in_dim3A_52 : vector<16xi1>, vector<16xf32>
    %get3A = arith.constant 0 : index
    %get3A_53 = tpu.vector_load %arg12[%get3A] {strides = array<i32>} : memref<16xf32, #tpu.memory_space<vmem>>, vector<16xf32>,
    %dma_start3A = arith.constant 0 : i32
    %dma_start3A_54 = arith.constant 0 : i32
    %dma_start3A_55 = tpu.memref_slice %arg8[%dma_start3A, %dma_start3A_54] : memref<162x64xi32, #tpu.memory_space<vmem>> -> memref<1x64xi32, #tpu.memory_space<vmem>>
    %dma_start3A_56 = tpu.memref_squeeze %dma_start3A_55 : memref<1x64xi32, #tpu.memory_space<vmem>> -> memref<64xi32, #tpu.memory_space<vmem>>
    %dma_start3A_57 = arith.constant 0 : i32
    %dma_start3A_58 = arith.constant 0 : i32
    %dma_start3A_59 = tpu.memref_slice %arg4[%dma_start3A_57, %dma_start3A_58] : memref<10240x64xf32, #tpu.memory_space<hbm>> -> memref<10240x64xf32, #tpu.memory_space<hbm>>
    tpu.enqueue_indirect_dma source(%dma_start3A_59 : memref<10240x64xf32, #tpu.memory_space<hbm>>) target(%arg14 : memref<64x64xf32, #tpu.memory_space<vmem>>) offsets(%dma_start3A_56 : memref<64xi32, #tpu.memory_space<vmem>>) semaphore(%arg19 : memref<!tpu.dma_semaphore, #tpu.memory_space<semaphore_mem>>)
    %scan3A_60 = arith.constant 0 : i32
    %scan3A_61 = arith.constant 0 : i32
    %scan3A_62 = arith.constant 81 : i32
    %scan3A_63 = arith.addi %scan3A_61, %scan3A_62 : i32
    %scan3A_64 = arith.constant 1 : i32
    scf.for %scan3A_84 = %scan3A_61 to %scan3A_63 step %scan3A_64  : i32 {
      %mul3A_85 = arith.constant 2 : i32
      %mul3A_86 = arith.muli %scan3A_84, %mul3A_85 : i32
      %add3A_87 = arith.constant 0 : i32
      %add3A_88 = arith.addi %mul3A_86, %add3A_87 : i32
      %add3A_89 = arith.constant 1 : i32
      %add3A_90 = arith.addi %add3A_88, %add3A_89 : i32
      %lt3A = arith.constant 162 : i32
      %lt3A_91 = arith.cmpi slt, %add3A_90, %lt3A : i32
      %convert_element_type3A = arith.extui %lt3A_91 : i1 to i32
      %cond3A = arith.constant 0 : i32
      %cond3A_92 = arith.cmpi ne, %convert_element_type3A, %cond3A : i32
      scf.if %cond3A_92 {
        %add3A_280 = arith.constant 1 : i32
        %add3A_281 = arith.addi %add3A_88, %add3A_280 : i32
        %dma_start3A_282 = arith.constant 0 : i32
        %dma_start3A_283 = tpu.memref_slice %arg8[%add3A_281, %dma_start3A_282] : memref<162x64xi32, #tpu.memory_space<vmem>> -> memref<1x64xi32, #tpu.memory_space<vmem>>
        %dma_start3A_284 = tpu.memref_squeeze %dma_start3A_283 : memref<1x64xi32, #tpu.memory_space<vmem>> -> memref<64xi32, #tpu.memory_space<vmem>>
        %dma_start3A_285 = arith.constant 0 : i32
        %dma_start3A_286 = arith.constant 0 : i32
        %dma_start3A_287 = tpu.memref_slice %arg4[%dma_start3A_285, %dma_start3A_286] : memref<10240x64xf32, #tpu.memory_space<hbm>> -> memref<10240x64xf32, #tpu.memory_space<hbm>>
        tpu.enqueue_indirect_dma source(%dma_start3A_287 : memref<10240x64xf32, #tpu.memory_space<hbm>>) target(%arg15 : memref<64x64xf32, #tpu.memory_space<vmem>>) offsets(%dma_start3A_284 : memref<64xi32, #tpu.memory_space<vmem>>) semaphore(%arg20 : memref<!tpu.dma_semaphore, #tpu.memory_space<semaphore_mem>>)
      } else {
      }
      %get3A_93 = arith.index_cast %add3A_88 : i32 to index
      %get3A_94 = arith.constant 0 : index
      %get3A_95 = tpu.vector_load %arg8[%get3A_93, %get3A_94] {strides = array<i32>} : memref<162x64xi32, #tpu.memory_space<vmem>>, vector<16xi32>,
      %get3A_96 = arith.index_cast %add3A_88 : i32 to index
      %get3A_97 = arith.constant 0 : index
      %get3A_98 = tpu.vector_load %arg9[%get3A_96, %get3A_97] {strides = array<i32>} : memref<162x64xi32, #tpu.memory_space<vmem>>, vector<16xi32>,
      %gather3A = tpu.vector_load_idx %arg10[%get3A_95] : memref<10240xf32, #tpu.memory_space<vmem>>[vector<16xi32>], vector<16xf32>,
      %gather3A_99 = tpu.vector_load_idx %arg11[%get3A_98] : memref<10240xf32, #tpu.memory_space<vmem>>[vector<16xi32>], vector<16xf32>,
      %add3A_100 = arith.addf %gather3A, %gather3A_99 : vector<16xf32>
      %mul3A_101 = arith.constant 2.000000e-01 : f32
      %mul3A_102 = vector.broadcast %mul3A_101 : f32 to vector<16xf32>
      %mul3A_103 = arith.mulf %mul3A_102, %add3A_100 : vector<16xf32>
      %max3A = arith.maximumf %add3A_100, %mul3A_103 : vector<16xf32>
      %sub3A = arith.subf %max3A, %get3A_53 : vector<16xf32>
      %exp3A = math.exp %sub3A : vector<16xf32>
      %swap3A = arith.constant 0 : index
      %swap3A_104 = tpu.vector_load %arg13[%swap3A] {strides = array<i32>} : memref<64xf32, #tpu.memory_space<vmem>>, vector<16xf32>,
      tpu.vector_store %arg13[%swap3A], %exp3A {strides = array<i32>} : memref<64xf32, #tpu.memory_space<vmem>>, vector<16xf32>,
      %get3A_105 = arith.index_cast %add3A_88 : i32 to index
      %get3A_106 = arith.constant 16 : index
      %get3A_107 = tpu.vector_load %arg8[%get3A_105, %get3A_106] {strides = array<i32>} : memref<162x64xi32, #tpu.memory_space<vmem>>, vector<16xi32>,
      %get3A_108 = arith.index_cast %add3A_88 : i32 to index
      %get3A_109 = arith.constant 16 : index
      %get3A_110 = tpu.vector_load %arg9[%get3A_108, %get3A_109] {strides = array<i32>} : memref<162x64xi32, #tpu.memory_space<vmem>>, vector<16xi32>,
      %gather3A_111 = tpu.vector_load_idx %arg10[%get3A_107] : memref<10240xf32, #tpu.memory_space<vmem>>[vector<16xi32>], vector<16xf32>,
      %gather3A_112 = tpu.vector_load_idx %arg11[%get3A_110] : memref<10240xf32, #tpu.memory_space<vmem>>[vector<16xi32>], vector<16xf32>,
      %add3A_113 = arith.addf %gather3A_111, %gather3A_112 : vector<16xf32>
      %mul3A_114 = arith.constant 2.000000e-01 : f32
      %mul3A_115 = vector.broadcast %mul3A_114 : f32 to vector<16xf32>
      %mul3A_116 = arith.mulf %mul3A_115, %add3A_113 : vector<16xf32>
      %max3A_117 = arith.maximumf %add3A_113, %mul3A_116 : vector<16xf32>
      %sub3A_118 = arith.subf %max3A_117, %get3A_53 : vector<16xf32>
      %exp3A_119 = math.exp %sub3A_118 : vector<16xf32>
      %swap3A_120 = arith.constant 16 : index
      %swap3A_121 = tpu.vector_load %arg13[%swap3A_120] {strides = array<i32>} : memref<64xf32, #tpu.memory_space<vmem>>, vector<16xf32>,
      tpu.vector_store %arg13[%swap3A_120], %exp3A_119 {strides = array<i32>} : memref<64xf32, #tpu.memory_space<vmem>>, vector<16xf32>,
      %get3A_122 = arith.index_cast %add3A_88 : i32 to index
      %get3A_123 = arith.constant 32 : index
      %get3A_124 = tpu.vector_load %arg8[%get3A_122, %get3A_123] {strides = array<i32>} : memref<162x64xi32, #tpu.memory_space<vmem>>, vector<16xi32>,
      %get3A_125 = arith.index_cast %add3A_88 : i32 to index
      %get3A_126 = arith.constant 32 : index
      %get3A_127 = tpu.vector_load %arg9[%get3A_125, %get3A_126] {strides = array<i32>} : memref<162x64xi32, #tpu.memory_space<vmem>>, vector<16xi32>,
      %gather3A_128 = tpu.vector_load_idx %arg10[%get3A_124] : memref<10240xf32, #tpu.memory_space<vmem>>[vector<16xi32>], vector<16xf32>,
      %gather3A_129 = tpu.vector_load_idx %arg11[%get3A_127] : memref<10240xf32, #tpu.memory_space<vmem>>[vector<16xi32>], vector<16xf32>,
      %add3A_130 = arith.addf %gather3A_128, %gather3A_129 : vector<16xf32>
      %mul3A_131 = arith.constant 2.000000e-01 : f32
      %mul3A_132 = vector.broadcast %mul3A_131 : f32 to vector<16xf32>
      %mul3A_133 = arith.mulf %mul3A_132, %add3A_130 : vector<16xf32>
      %max3A_134 = arith.maximumf %add3A_130, %mul3A_133 : vector<16xf32>
      %sub3A_135 = arith.subf %max3A_134, %get3A_53 : vector<16xf32>
      %exp3A_136 = math.exp %sub3A_135 : vector<16xf32>
      %swap3A_137 = arith.constant 32 : index
      %swap3A_138 = tpu.vector_load %arg13[%swap3A_137] {strides = array<i32>} : memref<64xf32, #tpu.memory_space<vmem>>, vector<16xf32>,
      tpu.vector_store %arg13[%swap3A_137], %exp3A_136 {strides = array<i32>} : memref<64xf32, #tpu.memory_space<vmem>>, vector<16xf32>,
      %get3A_139 = arith.index_cast %add3A_88 : i32 to index
      %get3A_140 = arith.constant 48 : index
      %get3A_141 = tpu.vector_load %arg8[%get3A_139, %get3A_140] {strides = array<i32>} : memref<162x64xi32, #tpu.memory_space<vmem>>, vector<16xi32>,
      %get3A_142 = arith.index_cast %add3A_88 : i32 to index
      %get3A_143 = arith.constant 48 : index
      %get3A_144 = tpu.vector_load %arg9[%get3A_142, %get3A_143] {strides = array<i32>} : memref<162x64xi32, #tpu.memory_space<vmem>>, vector<16xi32>,
      %gather3A_145 = tpu.vector_load_idx %arg10[%get3A_141] : memref<10240xf32, #tpu.memory_space<vmem>>[vector<16xi32>], vector<16xf32>,
      %gather3A_146 = tpu.vector_load_idx %arg11[%get3A_144] : memref<10240xf32, #tpu.memory_space<vmem>>[vector<16xi32>], vector<16xf32>,
      %add3A_147 = arith.addf %gather3A_145, %gather3A_146 : vector<16xf32>
      %mul3A_148 = arith.constant 2.000000e-01 : f32
      %mul3A_149 = vector.broadcast %mul3A_148 : f32 to vector<16xf32>
      %mul3A_150 = arith.mulf %mul3A_149, %add3A_147 : vector<16xf32>
      %max3A_151 = arith.maximumf %add3A_147, %mul3A_150 : vector<16xf32>
      %sub3A_152 = arith.subf %max3A_151, %get3A_53 : vector<16xf32>
      %exp3A_153 = math.exp %sub3A_152 : vector<16xf32>
      %swap3A_154 = arith.constant 48 : index
      %swap3A_155 = tpu.vector_load %arg13[%swap3A_154] {strides = array<i32>} : memref<64xf32, #tpu.memory_space<vmem>>, vector<16xf32>,
      tpu.vector_store %arg13[%swap3A_154], %exp3A_153 {strides = array<i32>} : memref<64xf32, #tpu.memory_space<vmem>>, vector<16xf32>,
      %dma_wait3A_156 = arith.constant 0 : i32
      %dma_wait3A_157 = tpu.memref_slice %arg8[%add3A_88, %dma_wait3A_156] : memref<162x64xi32, #tpu.memory_space<vmem>> -> memref<1x64xi32, #tpu.memory_space<vmem>>
      %dma_wait3A_158 = tpu.memref_squeeze %dma_wait3A_157 : memref<1x64xi32, #tpu.memory_space<vmem>> -> memref<64xi32, #tpu.memory_space<vmem>>
      %dma_wait3A_159 = arith.constant 0 : i32
      %dma_wait3A_160 = arith.constant 0 : i32
      %dma_wait3A_161 = tpu.memref_slice %arg4[%dma_wait3A_159, %dma_wait3A_160] : memref<10240x64xf32, #tpu.memory_space<hbm>> -> memref<10240x64xf32, #tpu.memory_space<hbm>>
      tpu.wait_indirect_dma semaphore(%arg19 : memref<!tpu.dma_semaphore, #tpu.memory_space<semaphore_mem>>) src(%dma_wait3A_161 : memref<10240x64xf32, #tpu.memory_space<hbm>>) dst(%arg14 : memref<64x64xf32, #tpu.memory_space<vmem>>)
      %ge3A = arith.constant 2 : i32
      %ge3A_162 = arith.cmpi sge, %add3A_88, %ge3A : i32
      %convert_element_type3A_163 = arith.extui %ge3A_162 : i1 to i32
      %cond3A_164 = arith.constant 0 : i32
      %cond3A_165 = arith.cmpi ne, %convert_element_type3A_163, %cond3A_164 : i32
      scf.if %cond3A_165 {
        %sub3A_280 = arith.constant 2 : i32
        %sub3A_281 = arith.subi %add3A_88, %sub3A_280 : i32
        %dma_wait3A_282 = arith.constant 0 : i32
        %dma_wait3A_283 = tpu.memref_slice %arg9[%sub3A_281, %dma_wait3A_282] : memref<162x64xi32, #tpu.memory_space<vmem>> -> memref<1x64xi32, #tpu.memory_space<vmem>>
        %dma_wait3A_284 = tpu.memref_squeeze %dma_wait3A_283 : memref<1x64xi32, #tpu.memory_space<vmem>> -> memref<64xi32, #tpu.memory_space<vmem>>
        %dma_wait3A_285 = arith.constant 0 : i32
        %dma_wait3A_286 = arith.constant 0 : i32
        %dma_wait3A_287 = tpu.memref_slice %arg23[%dma_wait3A_285, %dma_wait3A_286] : memref<10240x80xf32, #tpu.memory_space<vmem_shared>> -> memref<10240x80xf32, #tpu.memory_space<vmem_shared>>
        tpu.wait_indirect_dma semaphore(%arg21 : memref<!tpu.dma_semaphore, #tpu.memory_space<semaphore_mem>>) src(%arg16 : memref<64x80xf32, #tpu.memory_space<vmem>>) dst(%dma_wait3A_287 : memref<10240x80xf32, #tpu.memory_space<vmem_shared>>)
      } else {
      }
      %scan3A_166 = arith.constant 0 : i32
      %scan3A_167 = arith.constant 0 : i32
      %scan3A_168 = arith.constant 64 : i32
      %scan3A_169 = arith.addi %scan3A_167, %scan3A_168 : i32
      %scan3A_170 = arith.constant 1 : i32
      scf.for %scan3A_280 = %scan3A_167 to %scan3A_169 step %scan3A_170  : i32 {
        %broadcast_in_dim3A_281 = vector.broadcast %scan3A_280 : i32 to vector<16xi32>
        %gather3A_282 = tpu.vector_load_idx %arg13[%broadcast_in_dim3A_281] : memref<64xf32, #tpu.memory_space<vmem>>[vector<16xi32>], vector<16xf32>,
        %get3A_283 = arith.index_cast %scan3A_280 : i32 to index
        %get3A_284 = arith.constant 0 : index
        %get3A_285 = tpu.vector_load %arg14[%get3A_283, %get3A_284] {strides = array<i32>} : memref<64x64xf32, #tpu.memory_space<vmem>>, vector<16xf32>,
        %mul3A_286 = arith.mulf %get3A_285, %gather3A_282 : vector<16xf32>
        %swap3A_287 = arith.index_cast %scan3A_280 : i32 to index
        %swap3A_288 = arith.constant 0 : index
        %swap3A_289 = tpu.vector_load %arg16[%swap3A_287, %swap3A_288] {strides = array<i32>} : memref<64x80xf32, #tpu.memory_space<vmem>>, vector<16xf32>,
        tpu.vector_store %arg16[%swap3A_287, %swap3A_288], %mul3A_286 {strides = array<i32>} : memref<64x80xf32, #tpu.memory_space<vmem>>, vector<16xf32>,
        %get3A_290 = arith.index_cast %scan3A_280 : i32 to index
        %get3A_291 = arith.constant 16 : index
        %get3A_292 = tpu.vector_load %arg14[%get3A_290, %get3A_291] {strides = array<i32>} : memref<64x64xf32, #tpu.memory_space<vmem>>, vector<16xf32>,
        %mul3A_293 = arith.mulf %get3A_292, %gather3A_282 : vector<16xf32>
        %swap3A_294 = arith.index_cast %scan3A_280 : i32 to index
        %swap3A_295 = arith.constant 16 : index
        %swap3A_296 = tpu.vector_load %arg16[%swap3A_294, %swap3A_295] {strides = array<i32>} : memref<64x80xf32, #tpu.memory_space<vmem>>, vector<16xf32>,
        tpu.vector_store %arg16[%swap3A_294, %swap3A_295], %mul3A_293 {strides = array<i32>} : memref<64x80xf32, #tpu.memory_space<vmem>>, vector<16xf32>,
        %get3A_297 = arith.index_cast %scan3A_280 : i32 to index
        %get3A_298 = arith.constant 32 : index
        %get3A_299 = tpu.vector_load %arg14[%get3A_297, %get3A_298] {strides = array<i32>} : memref<64x64xf32, #tpu.memory_space<vmem>>, vector<16xf32>,
        %mul3A_300 = arith.mulf %get3A_299, %gather3A_282 : vector<16xf32>
        %swap3A_301 = arith.index_cast %scan3A_280 : i32 to index
        %swap3A_302 = arith.constant 32 : index
        %swap3A_303 = tpu.vector_load %arg16[%swap3A_301, %swap3A_302] {strides = array<i32>} : memref<64x80xf32, #tpu.memory_space<vmem>>, vector<16xf32>,
        tpu.vector_store %arg16[%swap3A_301, %swap3A_302], %mul3A_300 {strides = array<i32>} : memref<64x80xf32, #tpu.memory_space<vmem>>, vector<16xf32>,
        %get3A_304 = arith.index_cast %scan3A_280 : i32 to index
        %get3A_305 = arith.constant 48 : index
        %get3A_306 = tpu.vector_load %arg14[%get3A_304, %get3A_305] {strides = array<i32>} : memref<64x64xf32, #tpu.memory_space<vmem>>, vector<16xf32>,
        %mul3A_307 = arith.mulf %get3A_306, %gather3A_282 : vector<16xf32>
        %swap3A_308 = arith.index_cast %scan3A_280 : i32 to index
        %swap3A_309 = arith.constant 48 : index
        %swap3A_310 = tpu.vector_load %arg16[%swap3A_308, %swap3A_309] {strides = array<i32>} : memref<64x80xf32, #tpu.memory_space<vmem>>, vector<16xf32>,
        tpu.vector_store %arg16[%swap3A_308, %swap3A_309], %mul3A_307 {strides = array<i32>} : memref<64x80xf32, #tpu.memory_space<vmem>>, vector<16xf32>,
        %mul3A_311 = arith.mulf %gather3A_282, %select_n3A : vector<16xf32>
        %swap3A_312 = arith.index_cast %scan3A_280 : i32 to index
        %swap3A_313 = arith.constant 64 : index
        %swap3A_314 = tpu.vector_load %arg16[%swap3A_312, %swap3A_313] {strides = array<i32>} : memref<64x80xf32, #tpu.memory_space<vmem>>, vector<16xf32>,
        tpu.vector_store %arg16[%swap3A_312, %swap3A_313], %mul3A_311 {strides = array<i32>} : memref<64x80xf32, #tpu.memory_space<vmem>>, vector<16xf32>,
      }
      %scan3A_171 = arith.constant 64 : i32
      %dma_start3A_172 = arith.constant 0 : i32
      %dma_start3A_173 = tpu.memref_slice %arg9[%add3A_88, %dma_start3A_172] : memref<162x64xi32, #tpu.memory_space<vmem>> -> memref<1x64xi32, #tpu.memory_space<vmem>>
      %dma_start3A_174 = tpu.memref_squeeze %dma_start3A_173 : memref<1x64xi32, #tpu.memory_space<vmem>> -> memref<64xi32, #tpu.memory_space<vmem>>
      %dma_start3A_175 = arith.constant 0 : i32
      %dma_start3A_176 = arith.constant 0 : i32
      %dma_start3A_177 = tpu.memref_slice %arg23[%dma_start3A_175, %dma_start3A_176] : memref<10240x80xf32, #tpu.memory_space<vmem_shared>> -> memref<10240x80xf32, #tpu.memory_space<vmem_shared>>
      tpu.enqueue_indirect_dma source(%arg16 : memref<64x80xf32, #tpu.memory_space<vmem>>) target(%dma_start3A_177 : memref<10240x80xf32, #tpu.memory_space<vmem_shared>>) offsets(%dma_start3A_174 : memref<64xi32, #tpu.memory_space<vmem>>) semaphore(%arg21 : memref<!tpu.dma_semaphore, #tpu.memory_space<semaphore_mem>>) {add = true}
      %mul3A_178 = arith.constant 2 : i32
      %mul3A_179 = arith.muli %scan3A_84, %mul3A_178 : i32
      %add3A_180 = arith.constant 1 : i32
      %add3A_181 = arith.addi %mul3A_179, %add3A_180 : i32
      %add3A_182 = arith.constant 1 : i32
      %add3A_183 = arith.addi %add3A_181, %add3A_182 : i32
      %lt3A_184 = arith.constant 162 : i32
      %lt3A_185 = arith.cmpi slt, %add3A_183, %lt3A_184 : i32
      %convert_element_type3A_186 = arith.extui %lt3A_185 : i1 to i32
      %cond3A_187 = arith.constant 0 : i32
      %cond3A_188 = arith.cmpi ne, %convert_element_type3A_186, %cond3A_187 : i32
      scf.if %cond3A_188 {
        %add3A_280 = arith.constant 1 : i32
        %add3A_281 = arith.addi %add3A_181, %add3A_280 : i32
        %dma_start3A_282 = arith.constant 0 : i32
        %dma_start3A_283 = tpu.memref_slice %arg8[%add3A_281, %dma_start3A_282] : memref<162x64xi32, #tpu.memory_space<vmem>> -> memref<1x64xi32, #tpu.memory_space<vmem>>
        %dma_start3A_284 = tpu.memref_squeeze %dma_start3A_283 : memref<1x64xi32, #tpu.memory_space<vmem>> -> memref<64xi32, #tpu.memory_space<vmem>>
        %dma_start3A_285 = arith.constant 0 : i32
        %dma_start3A_286 = arith.constant 0 : i32
        %dma_start3A_287 = tpu.memref_slice %arg4[%dma_start3A_285, %dma_start3A_286] : memref<10240x64xf32, #tpu.memory_space<hbm>> -> memref<10240x64xf32, #tpu.memory_space<hbm>>
        tpu.enqueue_indirect_dma source(%dma_start3A_287 : memref<10240x64xf32, #tpu.memory_space<hbm>>) target(%arg14 : memref<64x64xf32, #tpu.memory_space<vmem>>) offsets(%dma_start3A_284 : memref<64xi32, #tpu.memory_space<vmem>>) semaphore(%arg19 : memref<!tpu.dma_semaphore, #tpu.memory_space<semaphore_mem>>)
      } else {
      }
      %get3A_189 = arith.index_cast %add3A_181 : i32 to index
      %get3A_190 = arith.constant 0 : index
      %get3A_191 = tpu.vector_load %arg8[%get3A_189, %get3A_190] {strides = array<i32>} : memref<162x64xi32, #tpu.memory_space<vmem>>, vector<16xi32>,
      %get3A_192 = arith.index_cast %add3A_181 : i32 to index
      %get3A_193 = arith.constant 0 : index
      %get3A_194 = tpu.vector_load %arg9[%get3A_192, %get3A_193] {strides = array<i32>} : memref<162x64xi32, #tpu.memory_space<vmem>>, vector<16xi32>,
      %gather3A_195 = tpu.vector_load_idx %arg10[%get3A_191] : memref<10240xf32, #tpu.memory_space<vmem>>[vector<16xi32>], vector<16xf32>,
      %gather3A_196 = tpu.vector_load_idx %arg11[%get3A_194] : memref<10240xf32, #tpu.memory_space<vmem>>[vector<16xi32>], vector<16xf32>,
      %add3A_197 = arith.addf %gather3A_195, %gather3A_196 : vector<16xf32>
      %mul3A_198 = arith.constant 2.000000e-01 : f32
      %mul3A_199 = vector.broadcast %mul3A_198 : f32 to vector<16xf32>
      %mul3A_200 = arith.mulf %mul3A_199, %add3A_197 : vector<16xf32>
      %max3A_201 = arith.maximumf %add3A_197, %mul3A_200 : vector<16xf32>
      %sub3A_202 = arith.subf %max3A_201, %get3A_53 : vector<16xf32>
      %exp3A_203 = math.exp %sub3A_202 : vector<16xf32>
      %swap3A_204 = arith.constant 0 : index
      %swap3A_205 = tpu.vector_load %arg13[%swap3A_204] {strides = array<i32>} : memref<64xf32, #tpu.memory_space<vmem>>, vector<16xf32>,
      tpu.vector_store %arg13[%swap3A_204], %exp3A_203 {strides = array<i32>} : memref<64xf32, #tpu.memory_space<vmem>>, vector<16xf32>,
      %get3A_206 = arith.index_cast %add3A_181 : i32 to index
      %get3A_207 = arith.constant 16 : index
      %get3A_208 = tpu.vector_load %arg8[%get3A_206, %get3A_207] {strides = array<i32>} : memref<162x64xi32, #tpu.memory_space<vmem>>, vector<16xi32>,
      %get3A_209 = arith.index_cast %add3A_181 : i32 to index
      %get3A_210 = arith.constant 16 : index
      %get3A_211 = tpu.vector_load %arg9[%get3A_209, %get3A_210] {strides = array<i32>} : memref<162x64xi32, #tpu.memory_space<vmem>>, vector<16xi32>,
      %gather3A_212 = tpu.vector_load_idx %arg10[%get3A_208] : memref<10240xf32, #tpu.memory_space<vmem>>[vector<16xi32>], vector<16xf32>,
      %gather3A_213 = tpu.vector_load_idx %arg11[%get3A_211] : memref<10240xf32, #tpu.memory_space<vmem>>[vector<16xi32>], vector<16xf32>,
      %add3A_214 = arith.addf %gather3A_212, %gather3A_213 : vector<16xf32>
      %mul3A_215 = arith.constant 2.000000e-01 : f32
      %mul3A_216 = vector.broadcast %mul3A_215 : f32 to vector<16xf32>
      %mul3A_217 = arith.mulf %mul3A_216, %add3A_214 : vector<16xf32>
      %max3A_218 = arith.maximumf %add3A_214, %mul3A_217 : vector<16xf32>
      %sub3A_219 = arith.subf %max3A_218, %get3A_53 : vector<16xf32>
      %exp3A_220 = math.exp %sub3A_219 : vector<16xf32>
      %swap3A_221 = arith.constant 16 : index
      %swap3A_222 = tpu.vector_load %arg13[%swap3A_221] {strides = array<i32>} : memref<64xf32, #tpu.memory_space<vmem>>, vector<16xf32>,
      tpu.vector_store %arg13[%swap3A_221], %exp3A_220 {strides = array<i32>} : memref<64xf32, #tpu.memory_space<vmem>>, vector<16xf32>,
      %get3A_223 = arith.index_cast %add3A_181 : i32 to index
      %get3A_224 = arith.constant 32 : index
      %get3A_225 = tpu.vector_load %arg8[%get3A_223, %get3A_224] {strides = array<i32>} : memref<162x64xi32, #tpu.memory_space<vmem>>, vector<16xi32>,
      %get3A_226 = arith.index_cast %add3A_181 : i32 to index
      %get3A_227 = arith.constant 32 : index
      %get3A_228 = tpu.vector_load %arg9[%get3A_226, %get3A_227] {strides = array<i32>} : memref<162x64xi32, #tpu.memory_space<vmem>>, vector<16xi32>,
      %gather3A_229 = tpu.vector_load_idx %arg10[%get3A_225] : memref<10240xf32, #tpu.memory_space<vmem>>[vector<16xi32>], vector<16xf32>,
      %gather3A_230 = tpu.vector_load_idx %arg11[%get3A_228] : memref<10240xf32, #tpu.memory_space<vmem>>[vector<16xi32>], vector<16xf32>,
      %add3A_231 = arith.addf %gather3A_229, %gather3A_230 : vector<16xf32>
      %mul3A_232 = arith.constant 2.000000e-01 : f32
      %mul3A_233 = vector.broadcast %mul3A_232 : f32 to vector<16xf32>
      %mul3A_234 = arith.mulf %mul3A_233, %add3A_231 : vector<16xf32>
      %max3A_235 = arith.maximumf %add3A_231, %mul3A_234 : vector<16xf32>
      %sub3A_236 = arith.subf %max3A_235, %get3A_53 : vector<16xf32>
      %exp3A_237 = math.exp %sub3A_236 : vector<16xf32>
      %swap3A_238 = arith.constant 32 : index
      %swap3A_239 = tpu.vector_load %arg13[%swap3A_238] {strides = array<i32>} : memref<64xf32, #tpu.memory_space<vmem>>, vector<16xf32>,
      tpu.vector_store %arg13[%swap3A_238], %exp3A_237 {strides = array<i32>} : memref<64xf32, #tpu.memory_space<vmem>>, vector<16xf32>,
      %get3A_240 = arith.index_cast %add3A_181 : i32 to index
      %get3A_241 = arith.constant 48 : index
      %get3A_242 = tpu.vector_load %arg8[%get3A_240, %get3A_241] {strides = array<i32>} : memref<162x64xi32, #tpu.memory_space<vmem>>, vector<16xi32>,
      %get3A_243 = arith.index_cast %add3A_181 : i32 to index
      %get3A_244 = arith.constant 48 : index
      %get3A_245 = tpu.vector_load %arg9[%get3A_243, %get3A_244] {strides = array<i32>} : memref<162x64xi32, #tpu.memory_space<vmem>>, vector<16xi32>,
      %gather3A_246 = tpu.vector_load_idx %arg10[%get3A_242] : memref<10240xf32, #tpu.memory_space<vmem>>[vector<16xi32>], vector<16xf32>,
      %gather3A_247 = tpu.vector_load_idx %arg11[%get3A_245] : memref<10240xf32, #tpu.memory_space<vmem>>[vector<16xi32>], vector<16xf32>,
      %add3A_248 = arith.addf %gather3A_246, %gather3A_247 : vector<16xf32>
      %mul3A_249 = arith.constant 2.000000e-01 : f32
      %mul3A_250 = vector.broadcast %mul3A_249 : f32 to vector<16xf32>
      %mul3A_251 = arith.mulf %mul3A_250, %add3A_248 : vector<16xf32>
      %max3A_252 = arith.maximumf %add3A_248, %mul3A_251 : vector<16xf32>
      %sub3A_253 = arith.subf %max3A_252, %get3A_53 : vector<16xf32>
      %exp3A_254 = math.exp %sub3A_253 : vector<16xf32>
      %swap3A_255 = arith.constant 48 : index
      %swap3A_256 = tpu.vector_load %arg13[%swap3A_255] {strides = array<i32>} : memref<64xf32, #tpu.memory_space<vmem>>, vector<16xf32>,
      tpu.vector_store %arg13[%swap3A_255], %exp3A_254 {strides = array<i32>} : memref<64xf32, #tpu.memory_space<vmem>>, vector<16xf32>,
      %dma_wait3A_257 = arith.constant 0 : i32
      %dma_wait3A_258 = tpu.memref_slice %arg8[%add3A_181, %dma_wait3A_257] : memref<162x64xi32, #tpu.memory_space<vmem>> -> memref<1x64xi32, #tpu.memory_space<vmem>>
      %dma_wait3A_259 = tpu.memref_squeeze %dma_wait3A_258 : memref<1x64xi32, #tpu.memory_space<vmem>> -> memref<64xi32, #tpu.memory_space<vmem>>
      %dma_wait3A_260 = arith.constant 0 : i32
      %dma_wait3A_261 = arith.constant 0 : i32
      %dma_wait3A_262 = tpu.memref_slice %arg4[%dma_wait3A_260, %dma_wait3A_261] : memref<10240x64xf32, #tpu.memory_space<hbm>> -> memref<10240x64xf32, #tpu.memory_space<hbm>>
      tpu.wait_indirect_dma semaphore(%arg20 : memref<!tpu.dma_semaphore, #tpu.memory_space<semaphore_mem>>) src(%dma_wait3A_262 : memref<10240x64xf32, #tpu.memory_space<hbm>>) dst(%arg15 : memref<64x64xf32, #tpu.memory_space<vmem>>)
      %ge3A_263 = arith.constant 2 : i32
      %ge3A_264 = arith.cmpi sge, %add3A_181, %ge3A_263 : i32
      %convert_element_type3A_265 = arith.extui %ge3A_264 : i1 to i32
      %cond3A_266 = arith.constant 0 : i32
      %cond3A_267 = arith.cmpi ne, %convert_element_type3A_265, %cond3A_266 : i32
      scf.if %cond3A_267 {
        %sub3A_280 = arith.constant 2 : i32
        %sub3A_281 = arith.subi %add3A_181, %sub3A_280 : i32
        %dma_wait3A_282 = arith.constant 0 : i32
        %dma_wait3A_283 = tpu.memref_slice %arg9[%sub3A_281, %dma_wait3A_282] : memref<162x64xi32, #tpu.memory_space<vmem>> -> memref<1x64xi32, #tpu.memory_space<vmem>>
        %dma_wait3A_284 = tpu.memref_squeeze %dma_wait3A_283 : memref<1x64xi32, #tpu.memory_space<vmem>> -> memref<64xi32, #tpu.memory_space<vmem>>
        %dma_wait3A_285 = arith.constant 0 : i32
        %dma_wait3A_286 = arith.constant 0 : i32
        %dma_wait3A_287 = tpu.memref_slice %arg23[%dma_wait3A_285, %dma_wait3A_286] : memref<10240x80xf32, #tpu.memory_space<vmem_shared>> -> memref<10240x80xf32, #tpu.memory_space<vmem_shared>>
        tpu.wait_indirect_dma semaphore(%arg22 : memref<!tpu.dma_semaphore, #tpu.memory_space<semaphore_mem>>) src(%arg17 : memref<64x80xf32, #tpu.memory_space<vmem>>) dst(%dma_wait3A_287 : memref<10240x80xf32, #tpu.memory_space<vmem_shared>>)
      } else {
      }
      %scan3A_268 = arith.constant 0 : i32
      %scan3A_269 = arith.constant 0 : i32
      %scan3A_270 = arith.constant 64 : i32
      %scan3A_271 = arith.addi %scan3A_269, %scan3A_270 : i32
      %scan3A_272 = arith.constant 1 : i32
      scf.for %scan3A_280 = %scan3A_269 to %scan3A_271 step %scan3A_272  : i32 {
        %broadcast_in_dim3A_281 = vector.broadcast %scan3A_280 : i32 to vector<16xi32>
        %gather3A_282 = tpu.vector_load_idx %arg13[%broadcast_in_dim3A_281] : memref<64xf32, #tpu.memory_space<vmem>>[vector<16xi32>], vector<16xf32>,
        %get3A_283 = arith.index_cast %scan3A_280 : i32 to index
        %get3A_284 = arith.constant 0 : index
        %get3A_285 = tpu.vector_load %arg15[%get3A_283, %get3A_284] {strides = array<i32>} : memref<64x64xf32, #tpu.memory_space<vmem>>, vector<16xf32>,
        %mul3A_286 = arith.mulf %get3A_285, %gather3A_282 : vector<16xf32>
        %swap3A_287 = arith.index_cast %scan3A_280 : i32 to index
        %swap3A_288 = arith.constant 0 : index
        %swap3A_289 = tpu.vector_load %arg17[%swap3A_287, %swap3A_288] {strides = array<i32>} : memref<64x80xf32, #tpu.memory_space<vmem>>, vector<16xf32>,
        tpu.vector_store %arg17[%swap3A_287, %swap3A_288], %mul3A_286 {strides = array<i32>} : memref<64x80xf32, #tpu.memory_space<vmem>>, vector<16xf32>,
        %get3A_290 = arith.index_cast %scan3A_280 : i32 to index
        %get3A_291 = arith.constant 16 : index
        %get3A_292 = tpu.vector_load %arg15[%get3A_290, %get3A_291] {strides = array<i32>} : memref<64x64xf32, #tpu.memory_space<vmem>>, vector<16xf32>,
        %mul3A_293 = arith.mulf %get3A_292, %gather3A_282 : vector<16xf32>
        %swap3A_294 = arith.index_cast %scan3A_280 : i32 to index
        %swap3A_295 = arith.constant 16 : index
        %swap3A_296 = tpu.vector_load %arg17[%swap3A_294, %swap3A_295] {strides = array<i32>} : memref<64x80xf32, #tpu.memory_space<vmem>>, vector<16xf32>,
        tpu.vector_store %arg17[%swap3A_294, %swap3A_295], %mul3A_293 {strides = array<i32>} : memref<64x80xf32, #tpu.memory_space<vmem>>, vector<16xf32>,
        %get3A_297 = arith.index_cast %scan3A_280 : i32 to index
        %get3A_298 = arith.constant 32 : index
        %get3A_299 = tpu.vector_load %arg15[%get3A_297, %get3A_298] {strides = array<i32>} : memref<64x64xf32, #tpu.memory_space<vmem>>, vector<16xf32>,
        %mul3A_300 = arith.mulf %get3A_299, %gather3A_282 : vector<16xf32>
        %swap3A_301 = arith.index_cast %scan3A_280 : i32 to index
        %swap3A_302 = arith.constant 32 : index
        %swap3A_303 = tpu.vector_load %arg17[%swap3A_301, %swap3A_302] {strides = array<i32>} : memref<64x80xf32, #tpu.memory_space<vmem>>, vector<16xf32>,
        tpu.vector_store %arg17[%swap3A_301, %swap3A_302], %mul3A_300 {strides = array<i32>} : memref<64x80xf32, #tpu.memory_space<vmem>>, vector<16xf32>,
        %get3A_304 = arith.index_cast %scan3A_280 : i32 to index
        %get3A_305 = arith.constant 48 : index
        %get3A_306 = tpu.vector_load %arg15[%get3A_304, %get3A_305] {strides = array<i32>} : memref<64x64xf32, #tpu.memory_space<vmem>>, vector<16xf32>,
        %mul3A_307 = arith.mulf %get3A_306, %gather3A_282 : vector<16xf32>
        %swap3A_308 = arith.index_cast %scan3A_280 : i32 to index
        %swap3A_309 = arith.constant 48 : index
        %swap3A_310 = tpu.vector_load %arg17[%swap3A_308, %swap3A_309] {strides = array<i32>} : memref<64x80xf32, #tpu.memory_space<vmem>>, vector<16xf32>,
        tpu.vector_store %arg17[%swap3A_308, %swap3A_309], %mul3A_307 {strides = array<i32>} : memref<64x80xf32, #tpu.memory_space<vmem>>, vector<16xf32>,
        %mul3A_311 = arith.mulf %gather3A_282, %select_n3A : vector<16xf32>
        %swap3A_312 = arith.index_cast %scan3A_280 : i32 to index
        %swap3A_313 = arith.constant 64 : index
        %swap3A_314 = tpu.vector_load %arg17[%swap3A_312, %swap3A_313] {strides = array<i32>} : memref<64x80xf32, #tpu.memory_space<vmem>>, vector<16xf32>,
        tpu.vector_store %arg17[%swap3A_312, %swap3A_313], %mul3A_311 {strides = array<i32>} : memref<64x80xf32, #tpu.memory_space<vmem>>, vector<16xf32>,
      }
      %scan3A_273 = arith.constant 64 : i32
      %dma_start3A_274 = arith.constant 0 : i32
      %dma_start3A_275 = tpu.memref_slice %arg9[%add3A_181, %dma_start3A_274] : memref<162x64xi32, #tpu.memory_space<vmem>> -> memref<1x64xi32, #tpu.memory_space<vmem>>
      %dma_start3A_276 = tpu.memref_squeeze %dma_start3A_275 : memref<1x64xi32, #tpu.memory_space<vmem>> -> memref<64xi32, #tpu.memory_space<vmem>>
      %dma_start3A_277 = arith.constant 0 : i32
      %dma_start3A_278 = arith.constant 0 : i32
      %dma_start3A_279 = tpu.memref_slice %arg23[%dma_start3A_277, %dma_start3A_278] : memref<10240x80xf32, #tpu.memory_space<vmem_shared>> -> memref<10240x80xf32, #tpu.memory_space<vmem_shared>>
      tpu.enqueue_indirect_dma source(%arg17 : memref<64x80xf32, #tpu.memory_space<vmem>>) target(%dma_start3A_279 : memref<10240x80xf32, #tpu.memory_space<vmem_shared>>) offsets(%dma_start3A_276 : memref<64xi32, #tpu.memory_space<vmem>>) semaphore(%arg22 : memref<!tpu.dma_semaphore, #tpu.memory_space<semaphore_mem>>) {add = true}
    }
    %scan3A_65 = arith.constant 81 : i32
    %dma_wait3A = arith.constant 160 : i32
    %dma_wait3A_66 = arith.constant 0 : i32
    %dma_wait3A_67 = tpu.memref_slice %arg9[%dma_wait3A, %dma_wait3A_66] : memref<162x64xi32, #tpu.memory_space<vmem>> -> memref<1x64xi32, #tpu.memory_space<vmem>>
    %dma_wait3A_68 = tpu.memref_squeeze %dma_wait3A_67 : memref<1x64xi32, #tpu.memory_space<vmem>> -> memref<64xi32, #tpu.memory_space<vmem>>
    %dma_wait3A_69 = arith.constant 0 : i32
    %dma_wait3A_70 = arith.constant 0 : i32
    %dma_wait3A_71 = tpu.memref_slice %arg23[%dma_wait3A_69, %dma_wait3A_70] : memref<10240x80xf32, #tpu.memory_space<vmem_shared>> -> memref<10240x80xf32, #tpu.memory_space<vmem_shared>>
    tpu.wait_indirect_dma semaphore(%arg21 : memref<!tpu.dma_semaphore, #tpu.memory_space<semaphore_mem>>) src(%arg16 : memref<64x80xf32, #tpu.memory_space<vmem>>) dst(%dma_wait3A_71 : memref<10240x80xf32, #tpu.memory_space<vmem_shared>>)
    %dma_wait3A_72 = arith.constant 161 : i32
    %dma_wait3A_73 = arith.constant 0 : i32
    %dma_wait3A_74 = tpu.memref_slice %arg9[%dma_wait3A_72, %dma_wait3A_73] : memref<162x64xi32, #tpu.memory_space<vmem>> -> memref<1x64xi32, #tpu.memory_space<vmem>>
    %dma_wait3A_75 = tpu.memref_squeeze %dma_wait3A_74 : memref<1x64xi32, #tpu.memory_space<vmem>> -> memref<64xi32, #tpu.memory_space<vmem>>
    %dma_wait3A_76 = arith.constant 0 : i32
    %dma_wait3A_77 = arith.constant 0 : i32
    %dma_wait3A_78 = tpu.memref_slice %arg23[%dma_wait3A_76, %dma_wait3A_77] : memref<10240x80xf32, #tpu.memory_space<vmem_shared>> -> memref<10240x80xf32, #tpu.memory_space<vmem_shared>>
    tpu.wait_indirect_dma semaphore(%arg22 : memref<!tpu.dma_semaphore, #tpu.memory_space<semaphore_mem>>) src(%arg17 : memref<64x80xf32, #tpu.memory_space<vmem>>) dst(%dma_wait3A_78 : memref<10240x80xf32, #tpu.memory_space<vmem_shared>>)
    %barrier3A_79 = arith.constant 0 : index
    tpu.barrier barrier_id(%barrier3A_79)
    %mul3A_80 = arith.constant 640 : i32
    %mul3A_81 = arith.muli %arg1, %mul3A_80 : i32
    %mul3A_82 = arith.constant 640 : i32
    %mul3A_83 = arith.muli %arg1, %mul3A_82 : i32
    "tpu.region"() ({
      %run_scoped3A_84 = tpu.sem_alloc : memref<!tpu.dma_semaphore, #tpu.memory_space<semaphore_mem>>
      %dma_start3A_85 = arith.constant 0 : i32
      %dma_start3A_86 = tpu.memref_slice %arg7[%arg0, %mul3A_83, %dma_start3A_85] : memref<2x10240x80xf32, #tpu.memory_space<hbm>> -> memref<1x640x80xf32, #tpu.memory_space<hbm>>
      %dma_start3A_87 = tpu.memref_squeeze %dma_start3A_86 : memref<1x640x80xf32, #tpu.memory_space<hbm>> -> memref<640x80xf32, #tpu.memory_space<hbm>>
      %dma_start3A_88 = arith.constant 0 : i32
      %dma_start3A_89 = tpu.memref_slice %arg23[%mul3A_81, %dma_start3A_88] : memref<10240x80xf32, #tpu.memory_space<vmem_shared>> -> memref<640x80xf32, #tpu.memory_space<vmem_shared>>
      tpu.enqueue_dma source(%dma_start3A_89 : memref<640x80xf32, #tpu.memory_space<vmem_shared>>) target(%dma_start3A_87 : memref<640x80xf32, #tpu.memory_space<hbm>>) target_semaphore(%run_scoped3A_84 : memref<!tpu.dma_semaphore, #tpu.memory_space<semaphore_mem>>)
      %dma_wait3A_90 = arith.constant 0 : i32
      %dma_wait3A_91 = tpu.memref_slice %arg7[%arg0, %mul3A_83, %dma_wait3A_90] : memref<2x10240x80xf32, #tpu.memory_space<hbm>> -> memref<1x640x80xf32, #tpu.memory_space<hbm>>
      %dma_wait3A_92 = tpu.memref_squeeze %dma_wait3A_91 : memref<1x640x80xf32, #tpu.memory_space<hbm>> -> memref<640x80xf32, #tpu.memory_space<hbm>>
      %dma_wait3A_93 = arith.constant 0 : i32
      %dma_wait3A_94 = tpu.memref_slice %arg23[%mul3A_81, %dma_wait3A_93] : memref<10240x80xf32, #tpu.memory_space<vmem_shared>> -> memref<640x80xf32, #tpu.memory_space<vmem_shared>>
      tpu.wait_dma2 semaphore(%run_scoped3A_84 : memref<!tpu.dma_semaphore, #tpu.memory_space<semaphore_mem>>) src(%dma_wait3A_94 : memref<640x80xf32, #tpu.memory_space<vmem_shared>>) dst(%dma_wait3A_92 : memref<640x80xf32, #tpu.memory_space<hbm>>)
      tpu.yield
    }) : () -> ()
    return
  }
}

#map = affine_map<(d0, d1) -> (0, 0, 0)>
#map1 = affine_map<(d0, d1) -> (0, 0)>
#map2 = affine_map<(d0, d1) -> (0)>
module attributes {stable_mosaic.version = 14 : i64} {
  func.func @conv(%arg0: i32, %arg1: i32, %arg2: memref<32x162x64xi32, #tpu.memory_space<hbm>>, %arg3: memref<32x162x64xi32, #tpu.memory_space<hbm>>, %arg4: memref<10240x64xf32, #tpu.memory_space<hbm>>, %arg5: memref<2x10240xf32, #tpu.memory_space<hbm>>, %arg6: memref<16xf32, #tpu.memory_space<hbm>>, %arg7: memref<2x10240x80xf32, #tpu.memory_space<hbm>>, %arg8: memref<162x64xi32, #tpu.memory_space<vmem>>, %arg9: memref<162x64xi32, #tpu.memory_space<vmem>>, %arg10: memref<10240xf32, #tpu.memory_space<vmem>>, %arg11: memref<10240xf32, #tpu.memory_space<vmem>>, %arg12: memref<16xf32, #tpu.memory_space<vmem>>, %arg13: memref<64xf32, #tpu.memory_space<vmem>>, %arg14: memref<64x64xf32, #tpu.memory_space<vmem>>, %arg15: memref<64x64xf32, #tpu.memory_space<vmem>>, %arg16: memref<64x80xf32, #tpu.memory_space<vmem>>, %arg17: memref<64x80xf32, #tpu.memory_space<vmem>>, %arg18: memref<64x80xf32, #tpu.memory_space<vmem>>, %arg19: memref<!tpu.dma_semaphore, #tpu.memory_space<semaphore_mem>>, %arg20: memref<!tpu.dma_semaphore, #tpu.memory_space<semaphore_mem>>, %arg21: memref<!tpu.dma_semaphore, #tpu.memory_space<semaphore_mem>>, %arg22: memref<!tpu.dma_semaphore, #tpu.memory_space<semaphore_mem>>, %arg23: memref<10240x80xf32, #tpu.memory_space<vmem_shared>>) attributes {dimension_semantics = [#tpu.dimension_semantics<core_parallel>, #tpu.dimension_semantics<subcore_parallel>], iteration_bounds = array<i64: 2, 16>, scalar_prefetch = 0 : i64, scratch_operands = 16 : i64, tpu.core_type = #tpu.core_type<sc_vector_subcore>, window_params = [{transform_indices = #map}, {transform_indices = #map}, {transform_indices = #map1}, {transform_indices = #map1}, {transform_indices = #map2}, {transform_indices = #map}]} {
    %mul3A = arith.constant 16 : i32
    %mul3A_0 = arith.muli %arg0, %mul3A : i32
    %add3A = arith.addi %mul3A_0, %arg1 : i32
    "tpu.region"() ({
      %run_scoped3A_84 = tpu.sem_alloc : memref<!tpu.dma_semaphore, #tpu.memory_space<semaphore_mem>>
      %dma_start3A_85 = arith.constant 0 : i32
      %dma_start3A_86 = arith.constant 0 : i32
      %dma_start3A_87 = tpu.memref_slice %arg2[%add3A, %dma_start3A_85, %dma_start3A_86] : memref<32x162x64xi32, #tpu.memory_space<hbm>> -> memref<1x162x64xi32, #tpu.memory_space<hbm>>
      %dma_start3A_88 = tpu.memref_squeeze %dma_start3A_87 : memref<1x162x64xi32, #tpu.memory_space<hbm>> -> memref<162x64xi32, #tpu.memory_space<hbm>>
      %dma_start3A_89 = arith.constant 0 : i32
      %dma_start3A_90 = arith.constant 0 : i32
      %dma_start3A_91 = tpu.memref_slice %arg2[%add3A, %dma_start3A_89, %dma_start3A_90] : memref<32x162x64xi32, #tpu.memory_space<hbm>> -> memref<1x162x64xi32, #tpu.memory_space<hbm>>
      %dma_start3A_92 = tpu.memref_squeeze %dma_start3A_91 : memref<1x162x64xi32, #tpu.memory_space<hbm>> -> memref<162x64xi32, #tpu.memory_space<hbm>>
      tpu.enqueue_dma source(%dma_start3A_92 : memref<162x64xi32, #tpu.memory_space<hbm>>) target(%arg8 : memref<162x64xi32, #tpu.memory_space<vmem>>) target_semaphore(%run_scoped3A_84 : memref<!tpu.dma_semaphore, #tpu.memory_space<semaphore_mem>>)
      %dma_wait3A_93 = arith.constant 0 : i32
      %dma_wait3A_94 = arith.constant 0 : i32
      %dma_wait3A_95 = tpu.memref_slice %arg2[%add3A, %dma_wait3A_93, %dma_wait3A_94] : memref<32x162x64xi32, #tpu.memory_space<hbm>> -> memref<1x162x64xi32, #tpu.memory_space<hbm>>
      %dma_wait3A_96 = tpu.memref_squeeze %dma_wait3A_95 : memref<1x162x64xi32, #tpu.memory_space<hbm>> -> memref<162x64xi32, #tpu.memory_space<hbm>>
      %dma_wait3A_97 = arith.constant 0 : i32
      %dma_wait3A_98 = arith.constant 0 : i32
      %dma_wait3A_99 = tpu.memref_slice %arg2[%add3A, %dma_wait3A_97, %dma_wait3A_98] : memref<32x162x64xi32, #tpu.memory_space<hbm>> -> memref<1x162x64xi32, #tpu.memory_space<hbm>>
      %dma_wait3A_100 = tpu.memref_squeeze %dma_wait3A_99 : memref<1x162x64xi32, #tpu.memory_space<hbm>> -> memref<162x64xi32, #tpu.memory_space<hbm>>
      tpu.wait_dma2 semaphore(%run_scoped3A_84 : memref<!tpu.dma_semaphore, #tpu.memory_space<semaphore_mem>>) src(%dma_wait3A_100 : memref<162x64xi32, #tpu.memory_space<hbm>>) dst(%arg8 : memref<162x64xi32, #tpu.memory_space<vmem>>)
      tpu.yield
    }) : () -> ()
    "tpu.region"() ({
      %run_scoped3A_84 = tpu.sem_alloc : memref<!tpu.dma_semaphore, #tpu.memory_space<semaphore_mem>>
      %dma_start3A_85 = arith.constant 0 : i32
      %dma_start3A_86 = arith.constant 0 : i32
      %dma_start3A_87 = tpu.memref_slice %arg3[%add3A, %dma_start3A_85, %dma_start3A_86] : memref<32x162x64xi32, #tpu.memory_space<hbm>> -> memref<1x162x64xi32, #tpu.memory_space<hbm>>
      %dma_start3A_88 = tpu.memref_squeeze %dma_start3A_87 : memref<1x162x64xi32, #tpu.memory_space<hbm>> -> memref<162x64xi32, #tpu.memory_space<hbm>>
      %dma_start3A_89 = arith.constant 0 : i32
      %dma_start3A_90 = arith.constant 0 : i32
      %dma_start3A_91 = tpu.memref_slice %arg3[%add3A, %dma_start3A_89, %dma_start3A_90] : memref<32x162x64xi32, #tpu.memory_space<hbm>> -> memref<1x162x64xi32, #tpu.memory_space<hbm>>
      %dma_start3A_92 = tpu.memref_squeeze %dma_start3A_91 : memref<1x162x64xi32, #tpu.memory_space<hbm>> -> memref<162x64xi32, #tpu.memory_space<hbm>>
      tpu.enqueue_dma source(%dma_start3A_92 : memref<162x64xi32, #tpu.memory_space<hbm>>) target(%arg9 : memref<162x64xi32, #tpu.memory_space<vmem>>) target_semaphore(%run_scoped3A_84 : memref<!tpu.dma_semaphore, #tpu.memory_space<semaphore_mem>>)
      %dma_wait3A_93 = arith.constant 0 : i32
      %dma_wait3A_94 = arith.constant 0 : i32
      %dma_wait3A_95 = tpu.memref_slice %arg3[%add3A, %dma_wait3A_93, %dma_wait3A_94] : memref<32x162x64xi32, #tpu.memory_space<hbm>> -> memref<1x162x64xi32, #tpu.memory_space<hbm>>
      %dma_wait3A_96 = tpu.memref_squeeze %dma_wait3A_95 : memref<1x162x64xi32, #tpu.memory_space<hbm>> -> memref<162x64xi32, #tpu.memory_space<hbm>>
      %dma_wait3A_97 = arith.constant 0 : i32
      %dma_wait3A_98 = arith.constant 0 : i32
      %dma_wait3A_99 = tpu.memref_slice %arg3[%add3A, %dma_wait3A_97, %dma_wait3A_98] : memref<32x162x64xi32, #tpu.memory_space<hbm>> -> memref<1x162x64xi32, #tpu.memory_space<hbm>>
      %dma_wait3A_100 = tpu.memref_squeeze %dma_wait3A_99 : memref<1x162x64xi32, #tpu.memory_space<hbm>> -> memref<162x64xi32, #tpu.memory_space<hbm>>
      tpu.wait_dma2 semaphore(%run_scoped3A_84 : memref<!tpu.dma_semaphore, #tpu.memory_space<semaphore_mem>>) src(%dma_wait3A_100 : memref<162x64xi32, #tpu.memory_space<hbm>>) dst(%arg9 : memref<162x64xi32, #tpu.memory_space<vmem>>)
      tpu.yield
    }) : () -> ()
    %run_scoped3A = arith.constant 0 : i32
    "tpu.region"() ({
      %run_scoped3A_84 = tpu.sem_alloc : memref<!tpu.dma_semaphore, #tpu.memory_space<semaphore_mem>>
      %dma_start3A_85 = arith.constant 0 : i32
      %dma_start3A_86 = tpu.memref_slice %arg5[%run_scoped3A, %dma_start3A_85] : memref<2x10240xf32, #tpu.memory_space<hbm>> -> memref<1x10240xf32, #tpu.memory_space<hbm>>
      %dma_start3A_87 = tpu.memref_squeeze %dma_start3A_86 : memref<1x10240xf32, #tpu.memory_space<hbm>> -> memref<10240xf32, #tpu.memory_space<hbm>>
      %dma_start3A_88 = arith.constant 0 : i32
      %dma_start3A_89 = tpu.memref_slice %arg5[%run_scoped3A, %dma_start3A_88] : memref<2x10240xf32, #tpu.memory_space<hbm>> -> memref<1x10240xf32, #tpu.memory_space<hbm>>
      %dma_start3A_90 = tpu.memref_squeeze %dma_start3A_89 : memref<1x10240xf32, #tpu.memory_space<hbm>> -> memref<10240xf32, #tpu.memory_space<hbm>>
      tpu.enqueue_dma source(%dma_start3A_90 : memref<10240xf32, #tpu.memory_space<hbm>>) target(%arg10 : memref<10240xf32, #tpu.memory_space<vmem>>) target_semaphore(%run_scoped3A_84 : memref<!tpu.dma_semaphore, #tpu.memory_space<semaphore_mem>>)
      %dma_wait3A_91 = arith.constant 0 : i32
      %dma_wait3A_92 = tpu.memref_slice %arg5[%run_scoped3A, %dma_wait3A_91] : memref<2x10240xf32, #tpu.memory_space<hbm>> -> memref<1x10240xf32, #tpu.memory_space<hbm>>
      %dma_wait3A_93 = tpu.memref_squeeze %dma_wait3A_92 : memref<1x10240xf32, #tpu.memory_space<hbm>> -> memref<10240xf32, #tpu.memory_space<hbm>>
      %dma_wait3A_94 = arith.constant 0 : i32
      %dma_wait3A_95 = tpu.memref_slice %arg5[%run_scoped3A, %dma_wait3A_94] : memref<2x10240xf32, #tpu.memory_space<hbm>> -> memref<1x10240xf32, #tpu.memory_space<hbm>>
      %dma_wait3A_96 = tpu.memref_squeeze %dma_wait3A_95 : memref<1x10240xf32, #tpu.memory_space<hbm>> -> memref<10240xf32, #tpu.memory_space<hbm>>
      tpu.wait_dma2 semaphore(%run_scoped3A_84 : memref<!tpu.dma_semaphore, #tpu.memory_space<semaphore_mem>>) src(%dma_wait3A_96 : memref<10240xf32, #tpu.memory_space<hbm>>) dst(%arg10 : memref<10240xf32, #tpu.memory_space<vmem>>)
      tpu.yield
    }) : () -> ()
    %run_scoped3A_1 = arith.constant 1 : i32
    "tpu.region"() ({
      %run_scoped3A_84 = tpu.sem_alloc : memref<!tpu.dma_semaphore, #tpu.memory_space<semaphore_mem>>
      %dma_start3A_85 = arith.constant 0 : i32
      %dma_start3A_86 = tpu.memref_slice %arg5[%run_scoped3A_1, %dma_start3A_85] : memref<2x10240xf32, #tpu.memory_space<hbm>> -> memref<1x10240xf32, #tpu.memory_space<hbm>>
      %dma_start3A_87 = tpu.memref_squeeze %dma_start3A_86 : memref<1x10240xf32, #tpu.memory_space<hbm>> -> memref<10240xf32, #tpu.memory_space<hbm>>
      %dma_start3A_88 = arith.constant 0 : i32
      %dma_start3A_89 = tpu.memref_slice %arg5[%run_scoped3A_1, %dma_start3A_88] : memref<2x10240xf32, #tpu.memory_space<hbm>> -> memref<1x10240xf32, #tpu.memory_space<hbm>>
      %dma_start3A_90 = tpu.memref_squeeze %dma_start3A_89 : memref<1x10240xf32, #tpu.memory_space<hbm>> -> memref<10240xf32, #tpu.memory_space<hbm>>
      tpu.enqueue_dma source(%dma_start3A_90 : memref<10240xf32, #tpu.memory_space<hbm>>) target(%arg11 : memref<10240xf32, #tpu.memory_space<vmem>>) target_semaphore(%run_scoped3A_84 : memref<!tpu.dma_semaphore, #tpu.memory_space<semaphore_mem>>)
      %dma_wait3A_91 = arith.constant 0 : i32
      %dma_wait3A_92 = tpu.memref_slice %arg5[%run_scoped3A_1, %dma_wait3A_91] : memref<2x10240xf32, #tpu.memory_space<hbm>> -> memref<1x10240xf32, #tpu.memory_space<hbm>>
      %dma_wait3A_93 = tpu.memref_squeeze %dma_wait3A_92 : memref<1x10240xf32, #tpu.memory_space<hbm>> -> memref<10240xf32, #tpu.memory_space<hbm>>
      %dma_wait3A_94 = arith.constant 0 : i32
      %dma_wait3A_95 = tpu.memref_slice %arg5[%run_scoped3A_1, %dma_wait3A_94] : memref<2x10240xf32, #tpu.memory_space<hbm>> -> memref<1x10240xf32, #tpu.memory_space<hbm>>
      %dma_wait3A_96 = tpu.memref_squeeze %dma_wait3A_95 : memref<1x10240xf32, #tpu.memory_space<hbm>> -> memref<10240xf32, #tpu.memory_space<hbm>>
      tpu.wait_dma2 semaphore(%run_scoped3A_84 : memref<!tpu.dma_semaphore, #tpu.memory_space<semaphore_mem>>) src(%dma_wait3A_96 : memref<10240xf32, #tpu.memory_space<hbm>>) dst(%arg11 : memref<10240xf32, #tpu.memory_space<vmem>>)
      tpu.yield
    }) : () -> ()
    "tpu.region"() ({
      %run_scoped3A_84 = tpu.sem_alloc : memref<!tpu.dma_semaphore, #tpu.memory_space<semaphore_mem>>
      tpu.enqueue_dma source(%arg6 : memref<16xf32, #tpu.memory_space<hbm>>) target(%arg12 : memref<16xf32, #tpu.memory_space<vmem>>) target_semaphore(%run_scoped3A_84 : memref<!tpu.dma_semaphore, #tpu.memory_space<semaphore_mem>>)
      tpu.wait_dma2 semaphore(%run_scoped3A_84 : memref<!tpu.dma_semaphore, #tpu.memory_space<semaphore_mem>>) src(%arg6 : memref<16xf32, #tpu.memory_space<hbm>>) dst(%arg12 : memref<16xf32, #tpu.memory_space<vmem>>)
      tpu.yield
    }) : () -> ()
    %broadcast_in_dim3A = arith.constant 0.000000e+00 : f32
    %broadcast_in_dim3A_2 = vector.broadcast %broadcast_in_dim3A : f32 to vector<16xf32>
    %scan3A = arith.constant 0 : i32
    %scan3A_3 = arith.constant 0 : i32
    %scan3A_4 = arith.constant 64 : i32
    %scan3A_5 = arith.addi %scan3A_3, %scan3A_4 : i32
    %scan3A_6 = arith.constant 1 : i32
    scf.for %scan3A_84 = %scan3A_3 to %scan3A_5 step %scan3A_6  : i32 {
      %swap3A = arith.index_cast %scan3A_84 : i32 to index
      %swap3A_85 = arith.constant 0 : index
      %swap3A_86 = tpu.vector_load %arg18[%swap3A, %swap3A_85] {strides = array<i32>} : memref<64x80xf32, #tpu.memory_space<vmem>>, vector<16xf32>,
      tpu.vector_store %arg18[%swap3A, %swap3A_85], %broadcast_in_dim3A_2 {strides = array<i32>} : memref<64x80xf32, #tpu.memory_space<vmem>>, vector<16xf32>,
      %swap3A_87 = arith.index_cast %scan3A_84 : i32 to index
      %swap3A_88 = arith.constant 16 : index
      %swap3A_89 = tpu.vector_load %arg18[%swap3A_87, %swap3A_88] {strides = array<i32>} : memref<64x80xf32, #tpu.memory_space<vmem>>, vector<16xf32>,
      tpu.vector_store %arg18[%swap3A_87, %swap3A_88], %broadcast_in_dim3A_2 {strides = array<i32>} : memref<64x80xf32, #tpu.memory_space<vmem>>, vector<16xf32>,
      %swap3A_90 = arith.index_cast %scan3A_84 : i32 to index
      %swap3A_91 = arith.constant 32 : index
      %swap3A_92 = tpu.vector_load %arg18[%swap3A_90, %swap3A_91] {strides = array<i32>} : memref<64x80xf32, #tpu.memory_space<vmem>>, vector<16xf32>,
      tpu.vector_store %arg18[%swap3A_90, %swap3A_91], %broadcast_in_dim3A_2 {strides = array<i32>} : memref<64x80xf32, #tpu.memory_space<vmem>>, vector<16xf32>,
      %swap3A_93 = arith.index_cast %scan3A_84 : i32 to index
      %swap3A_94 = arith.constant 48 : index
      %swap3A_95 = tpu.vector_load %arg18[%swap3A_93, %swap3A_94] {strides = array<i32>} : memref<64x80xf32, #tpu.memory_space<vmem>>, vector<16xf32>,
      tpu.vector_store %arg18[%swap3A_93, %swap3A_94], %broadcast_in_dim3A_2 {strides = array<i32>} : memref<64x80xf32, #tpu.memory_space<vmem>>, vector<16xf32>,
      %swap3A_96 = arith.index_cast %scan3A_84 : i32 to index
      %swap3A_97 = arith.constant 64 : index
      %swap3A_98 = tpu.vector_load %arg18[%swap3A_96, %swap3A_97] {strides = array<i32>} : memref<64x80xf32, #tpu.memory_space<vmem>>, vector<16xf32>,
      tpu.vector_store %arg18[%swap3A_96, %swap3A_97], %broadcast_in_dim3A_2 {strides = array<i32>} : memref<64x80xf32, #tpu.memory_space<vmem>>, vector<16xf32>,
    }
    %scan3A_7 = arith.constant 64 : i32
    %mul3A_8 = arith.constant 640 : i32
    %mul3A_9 = arith.muli %arg1, %mul3A_8 : i32
    %add3A_10 = arith.constant 0 : i32
    %add3A_11 = arith.addi %mul3A_9, %add3A_10 : i32
    "tpu.region"() ({
      %run_scoped3A_84 = tpu.sem_alloc : memref<!tpu.dma_semaphore, #tpu.memory_space<semaphore_mem>>
      %dma_start3A_85 = arith.constant 0 : i32
      %dma_start3A_86 = tpu.memref_slice %arg23[%add3A_11, %dma_start3A_85] : memref<10240x80xf32, #tpu.memory_space<vmem_shared>> -> memref<64x80xf32, #tpu.memory_space<vmem_shared>>
      %dma_start3A_87 = arith.constant 0 : i32
      %dma_start3A_88 = tpu.memref_slice %arg23[%add3A_11, %dma_start3A_87] : memref<10240x80xf32, #tpu.memory_space<vmem_shared>> -> memref<64x80xf32, #tpu.memory_space<vmem_shared>>
      tpu.enqueue_dma source(%arg18 : memref<64x80xf32, #tpu.memory_space<vmem>>) target(%dma_start3A_88 : memref<64x80xf32, #tpu.memory_space<vmem_shared>>) target_semaphore(%run_scoped3A_84 : memref<!tpu.dma_semaphore, #tpu.memory_space<semaphore_mem>>)
      %dma_wait3A_89 = arith.constant 0 : i32
      %dma_wait3A_90 = tpu.memref_slice %arg23[%add3A_11, %dma_wait3A_89] : memref<10240x80xf32, #tpu.memory_space<vmem_shared>> -> memref<64x80xf32, #tpu.memory_space<vmem_shared>>
      %dma_wait3A_91 = arith.constant 0 : i32
      %dma_wait3A_92 = tpu.memref_slice %arg23[%add3A_11, %dma_wait3A_91] : memref<10240x80xf32, #tpu.memory_space<vmem_shared>> -> memref<64x80xf32, #tpu.memory_space<vmem_shared>>
      tpu.wait_dma2 semaphore(%run_scoped3A_84 : memref<!tpu.dma_semaphore, #tpu.memory_space<semaphore_mem>>) src(%arg18 : memref<64x80xf32, #tpu.memory_space<vmem>>) dst(%dma_wait3A_92 : memref<64x80xf32, #tpu.memory_space<vmem_shared>>)
      tpu.yield
    }) : () -> ()
    %mul3A_12 = arith.constant 640 : i32
    %mul3A_13 = arith.muli %arg1, %mul3A_12 : i32
    %add3A_14 = arith.constant 64 : i32
    %add3A_15 = arith.addi %mul3A_13, %add3A_14 : i32
    "tpu.region"() ({
      %run_scoped3A_84 = tpu.sem_alloc : memref<!tpu.dma_semaphore, #tpu.memory_space<semaphore_mem>>
      %dma_start3A_85 = arith.constant 0 : i32
      %dma_start3A_86 = tpu.memref_slice %arg23[%add3A_15, %dma_start3A_85] : memref<10240x80xf32, #tpu.memory_space<vmem_shared>> -> memref<64x80xf32, #tpu.memory_space<vmem_shared>>
      %dma_start3A_87 = arith.constant 0 : i32
      %dma_start3A_88 = tpu.memref_slice %arg23[%add3A_15, %dma_start3A_87] : memref<10240x80xf32, #tpu.memory_space<vmem_shared>> -> memref<64x80xf32, #tpu.memory_space<vmem_shared>>
      tpu.enqueue_dma source(%arg18 : memref<64x80xf32, #tpu.memory_space<vmem>>) target(%dma_start3A_88 : memref<64x80xf32, #tpu.memory_space<vmem_shared>>) target_semaphore(%run_scoped3A_84 : memref<!tpu.dma_semaphore, #tpu.memory_space<semaphore_mem>>)
      %dma_wait3A_89 = arith.constant 0 : i32
      %dma_wait3A_90 = tpu.memref_slice %arg23[%add3A_15, %dma_wait3A_89] : memref<10240x80xf32, #tpu.memory_space<vmem_shared>> -> memref<64x80xf32, #tpu.memory_space<vmem_shared>>
      %dma_wait3A_91 = arith.constant 0 : i32
      %dma_wait3A_92 = tpu.memref_slice %arg23[%add3A_15, %dma_wait3A_91] : memref<10240x80xf32, #tpu.memory_space<vmem_shared>> -> memref<64x80xf32, #tpu.memory_space<vmem_shared>>
      tpu.wait_dma2 semaphore(%run_scoped3A_84 : memref<!tpu.dma_semaphore, #tpu.memory_space<semaphore_mem>>) src(%arg18 : memref<64x80xf32, #tpu.memory_space<vmem>>) dst(%dma_wait3A_92 : memref<64x80xf32, #tpu.memory_space<vmem_shared>>)
      tpu.yield
    }) : () -> ()
    %mul3A_16 = arith.constant 640 : i32
    %mul3A_17 = arith.muli %arg1, %mul3A_16 : i32
    %add3A_18 = arith.constant 128 : i32
    %add3A_19 = arith.addi %mul3A_17, %add3A_18 : i32
    "tpu.region"() ({
      %run_scoped3A_84 = tpu.sem_alloc : memref<!tpu.dma_semaphore, #tpu.memory_space<semaphore_mem>>
      %dma_start3A_85 = arith.constant 0 : i32
      %dma_start3A_86 = tpu.memref_slice %arg23[%add3A_19, %dma_start3A_85] : memref<10240x80xf32, #tpu.memory_space<vmem_shared>> -> memref<64x80xf32, #tpu.memory_space<vmem_shared>>
      %dma_start3A_87 = arith.constant 0 : i32
      %dma_start3A_88 = tpu.memref_slice %arg23[%add3A_19, %dma_start3A_87] : memref<10240x80xf32, #tpu.memory_space<vmem_shared>> -> memref<64x80xf32, #tpu.memory_space<vmem_shared>>
      tpu.enqueue_dma source(%arg18 : memref<64x80xf32, #tpu.memory_space<vmem>>) target(%dma_start3A_88 : memref<64x80xf32, #tpu.memory_space<vmem_shared>>) target_semaphore(%run_scoped3A_84 : memref<!tpu.dma_semaphore, #tpu.memory_space<semaphore_mem>>)
      %dma_wait3A_89 = arith.constant 0 : i32
      %dma_wait3A_90 = tpu.memref_slice %arg23[%add3A_19, %dma_wait3A_89] : memref<10240x80xf32, #tpu.memory_space<vmem_shared>> -> memref<64x80xf32, #tpu.memory_space<vmem_shared>>
      %dma_wait3A_91 = arith.constant 0 : i32
      %dma_wait3A_92 = tpu.memref_slice %arg23[%add3A_19, %dma_wait3A_91] : memref<10240x80xf32, #tpu.memory_space<vmem_shared>> -> memref<64x80xf32, #tpu.memory_space<vmem_shared>>
      tpu.wait_dma2 semaphore(%run_scoped3A_84 : memref<!tpu.dma_semaphore, #tpu.memory_space<semaphore_mem>>) src(%arg18 : memref<64x80xf32, #tpu.memory_space<vmem>>) dst(%dma_wait3A_92 : memref<64x80xf32, #tpu.memory_space<vmem_shared>>)
      tpu.yield
    }) : () -> ()
    %mul3A_20 = arith.constant 640 : i32
    %mul3A_21 = arith.muli %arg1, %mul3A_20 : i32
    %add3A_22 = arith.constant 192 : i32
    %add3A_23 = arith.addi %mul3A_21, %add3A_22 : i32
    "tpu.region"() ({
      %run_scoped3A_84 = tpu.sem_alloc : memref<!tpu.dma_semaphore, #tpu.memory_space<semaphore_mem>>
      %dma_start3A_85 = arith.constant 0 : i32
      %dma_start3A_86 = tpu.memref_slice %arg23[%add3A_23, %dma_start3A_85] : memref<10240x80xf32, #tpu.memory_space<vmem_shared>> -> memref<64x80xf32, #tpu.memory_space<vmem_shared>>
      %dma_start3A_87 = arith.constant 0 : i32
      %dma_start3A_88 = tpu.memref_slice %arg23[%add3A_23, %dma_start3A_87] : memref<10240x80xf32, #tpu.memory_space<vmem_shared>> -> memref<64x80xf32, #tpu.memory_space<vmem_shared>>
      tpu.enqueue_dma source(%arg18 : memref<64x80xf32, #tpu.memory_space<vmem>>) target(%dma_start3A_88 : memref<64x80xf32, #tpu.memory_space<vmem_shared>>) target_semaphore(%run_scoped3A_84 : memref<!tpu.dma_semaphore, #tpu.memory_space<semaphore_mem>>)
      %dma_wait3A_89 = arith.constant 0 : i32
      %dma_wait3A_90 = tpu.memref_slice %arg23[%add3A_23, %dma_wait3A_89] : memref<10240x80xf32, #tpu.memory_space<vmem_shared>> -> memref<64x80xf32, #tpu.memory_space<vmem_shared>>
      %dma_wait3A_91 = arith.constant 0 : i32
      %dma_wait3A_92 = tpu.memref_slice %arg23[%add3A_23, %dma_wait3A_91] : memref<10240x80xf32, #tpu.memory_space<vmem_shared>> -> memref<64x80xf32, #tpu.memory_space<vmem_shared>>
      tpu.wait_dma2 semaphore(%run_scoped3A_84 : memref<!tpu.dma_semaphore, #tpu.memory_space<semaphore_mem>>) src(%arg18 : memref<64x80xf32, #tpu.memory_space<vmem>>) dst(%dma_wait3A_92 : memref<64x80xf32, #tpu.memory_space<vmem_shared>>)
      tpu.yield
    }) : () -> ()
    %mul3A_24 = arith.constant 640 : i32
    %mul3A_25 = arith.muli %arg1, %mul3A_24 : i32
    %add3A_26 = arith.constant 256 : i32
    %add3A_27 = arith.addi %mul3A_25, %add3A_26 : i32
    "tpu.region"() ({
      %run_scoped3A_84 = tpu.sem_alloc : memref<!tpu.dma_semaphore, #tpu.memory_space<semaphore_mem>>
      %dma_start3A_85 = arith.constant 0 : i32
      %dma_start3A_86 = tpu.memref_slice %arg23[%add3A_27, %dma_start3A_85] : memref<10240x80xf32, #tpu.memory_space<vmem_shared>> -> memref<64x80xf32, #tpu.memory_space<vmem_shared>>
      %dma_start3A_87 = arith.constant 0 : i32
      %dma_start3A_88 = tpu.memref_slice %arg23[%add3A_27, %dma_start3A_87] : memref<10240x80xf32, #tpu.memory_space<vmem_shared>> -> memref<64x80xf32, #tpu.memory_space<vmem_shared>>
      tpu.enqueue_dma source(%arg18 : memref<64x80xf32, #tpu.memory_space<vmem>>) target(%dma_start3A_88 : memref<64x80xf32, #tpu.memory_space<vmem_shared>>) target_semaphore(%run_scoped3A_84 : memref<!tpu.dma_semaphore, #tpu.memory_space<semaphore_mem>>)
      %dma_wait3A_89 = arith.constant 0 : i32
      %dma_wait3A_90 = tpu.memref_slice %arg23[%add3A_27, %dma_wait3A_89] : memref<10240x80xf32, #tpu.memory_space<vmem_shared>> -> memref<64x80xf32, #tpu.memory_space<vmem_shared>>
      %dma_wait3A_91 = arith.constant 0 : i32
      %dma_wait3A_92 = tpu.memref_slice %arg23[%add3A_27, %dma_wait3A_91] : memref<10240x80xf32, #tpu.memory_space<vmem_shared>> -> memref<64x80xf32, #tpu.memory_space<vmem_shared>>
      tpu.wait_dma2 semaphore(%run_scoped3A_84 : memref<!tpu.dma_semaphore, #tpu.memory_space<semaphore_mem>>) src(%arg18 : memref<64x80xf32, #tpu.memory_space<vmem>>) dst(%dma_wait3A_92 : memref<64x80xf32, #tpu.memory_space<vmem_shared>>)
      tpu.yield
    }) : () -> ()
    %mul3A_28 = arith.constant 640 : i32
    %mul3A_29 = arith.muli %arg1, %mul3A_28 : i32
    %add3A_30 = arith.constant 320 : i32
    %add3A_31 = arith.addi %mul3A_29, %add3A_30 : i32
    "tpu.region"() ({
      %run_scoped3A_84 = tpu.sem_alloc : memref<!tpu.dma_semaphore, #tpu.memory_space<semaphore_mem>>
      %dma_start3A_85 = arith.constant 0 : i32
      %dma_start3A_86 = tpu.memref_slice %arg23[%add3A_31, %dma_start3A_85] : memref<10240x80xf32, #tpu.memory_space<vmem_shared>> -> memref<64x80xf32, #tpu.memory_space<vmem_shared>>
      %dma_start3A_87 = arith.constant 0 : i32
      %dma_start3A_88 = tpu.memref_slice %arg23[%add3A_31, %dma_start3A_87] : memref<10240x80xf32, #tpu.memory_space<vmem_shared>> -> memref<64x80xf32, #tpu.memory_space<vmem_shared>>
      tpu.enqueue_dma source(%arg18 : memref<64x80xf32, #tpu.memory_space<vmem>>) target(%dma_start3A_88 : memref<64x80xf32, #tpu.memory_space<vmem_shared>>) target_semaphore(%run_scoped3A_84 : memref<!tpu.dma_semaphore, #tpu.memory_space<semaphore_mem>>)
      %dma_wait3A_89 = arith.constant 0 : i32
      %dma_wait3A_90 = tpu.memref_slice %arg23[%add3A_31, %dma_wait3A_89] : memref<10240x80xf32, #tpu.memory_space<vmem_shared>> -> memref<64x80xf32, #tpu.memory_space<vmem_shared>>
      %dma_wait3A_91 = arith.constant 0 : i32
      %dma_wait3A_92 = tpu.memref_slice %arg23[%add3A_31, %dma_wait3A_91] : memref<10240x80xf32, #tpu.memory_space<vmem_shared>> -> memref<64x80xf32, #tpu.memory_space<vmem_shared>>
      tpu.wait_dma2 semaphore(%run_scoped3A_84 : memref<!tpu.dma_semaphore, #tpu.memory_space<semaphore_mem>>) src(%arg18 : memref<64x80xf32, #tpu.memory_space<vmem>>) dst(%dma_wait3A_92 : memref<64x80xf32, #tpu.memory_space<vmem_shared>>)
      tpu.yield
    }) : () -> ()
    %mul3A_32 = arith.constant 640 : i32
    %mul3A_33 = arith.muli %arg1, %mul3A_32 : i32
    %add3A_34 = arith.constant 384 : i32
    %add3A_35 = arith.addi %mul3A_33, %add3A_34 : i32
    "tpu.region"() ({
      %run_scoped3A_84 = tpu.sem_alloc : memref<!tpu.dma_semaphore, #tpu.memory_space<semaphore_mem>>
      %dma_start3A_85 = arith.constant 0 : i32
      %dma_start3A_86 = tpu.memref_slice %arg23[%add3A_35, %dma_start3A_85] : memref<10240x80xf32, #tpu.memory_space<vmem_shared>> -> memref<64x80xf32, #tpu.memory_space<vmem_shared>>
      %dma_start3A_87 = arith.constant 0 : i32
      %dma_start3A_88 = tpu.memref_slice %arg23[%add3A_35, %dma_start3A_87] : memref<10240x80xf32, #tpu.memory_space<vmem_shared>> -> memref<64x80xf32, #tpu.memory_space<vmem_shared>>
      tpu.enqueue_dma source(%arg18 : memref<64x80xf32, #tpu.memory_space<vmem>>) target(%dma_start3A_88 : memref<64x80xf32, #tpu.memory_space<vmem_shared>>) target_semaphore(%run_scoped3A_84 : memref<!tpu.dma_semaphore, #tpu.memory_space<semaphore_mem>>)
      %dma_wait3A_89 = arith.constant 0 : i32
      %dma_wait3A_90 = tpu.memref_slice %arg23[%add3A_35, %dma_wait3A_89] : memref<10240x80xf32, #tpu.memory_space<vmem_shared>> -> memref<64x80xf32, #tpu.memory_space<vmem_shared>>
      %dma_wait3A_91 = arith.constant 0 : i32
      %dma_wait3A_92 = tpu.memref_slice %arg23[%add3A_35, %dma_wait3A_91] : memref<10240x80xf32, #tpu.memory_space<vmem_shared>> -> memref<64x80xf32, #tpu.memory_space<vmem_shared>>
      tpu.wait_dma2 semaphore(%run_scoped3A_84 : memref<!tpu.dma_semaphore, #tpu.memory_space<semaphore_mem>>) src(%arg18 : memref<64x80xf32, #tpu.memory_space<vmem>>) dst(%dma_wait3A_92 : memref<64x80xf32, #tpu.memory_space<vmem_shared>>)
      tpu.yield
    }) : () -> ()
    %mul3A_36 = arith.constant 640 : i32
    %mul3A_37 = arith.muli %arg1, %mul3A_36 : i32
    %add3A_38 = arith.constant 448 : i32
    %add3A_39 = arith.addi %mul3A_37, %add3A_38 : i32
    "tpu.region"() ({
      %run_scoped3A_84 = tpu.sem_alloc : memref<!tpu.dma_semaphore, #tpu.memory_space<semaphore_mem>>
      %dma_start3A_85 = arith.constant 0 : i32
      %dma_start3A_86 = tpu.memref_slice %arg23[%add3A_39, %dma_start3A_85] : memref<10240x80xf32, #tpu.memory_space<vmem_shared>> -> memref<64x80xf32, #tpu.memory_space<vmem_shared>>
      %dma_start3A_87 = arith.constant 0 : i32
      %dma_start3A_88 = tpu.memref_slice %arg23[%add3A_39, %dma_start3A_87] : memref<10240x80xf32, #tpu.memory_space<vmem_shared>> -> memref<64x80xf32, #tpu.memory_space<vmem_shared>>
      tpu.enqueue_dma source(%arg18 : memref<64x80xf32, #tpu.memory_space<vmem>>) target(%dma_start3A_88 : memref<64x80xf32, #tpu.memory_space<vmem_shared>>) target_semaphore(%run_scoped3A_84 : memref<!tpu.dma_semaphore, #tpu.memory_space<semaphore_mem>>)
      %dma_wait3A_89 = arith.constant 0 : i32
      %dma_wait3A_90 = tpu.memref_slice %arg23[%add3A_39, %dma_wait3A_89] : memref<10240x80xf32, #tpu.memory_space<vmem_shared>> -> memref<64x80xf32, #tpu.memory_space<vmem_shared>>
      %dma_wait3A_91 = arith.constant 0 : i32
      %dma_wait3A_92 = tpu.memref_slice %arg23[%add3A_39, %dma_wait3A_91] : memref<10240x80xf32, #tpu.memory_space<vmem_shared>> -> memref<64x80xf32, #tpu.memory_space<vmem_shared>>
      tpu.wait_dma2 semaphore(%run_scoped3A_84 : memref<!tpu.dma_semaphore, #tpu.memory_space<semaphore_mem>>) src(%arg18 : memref<64x80xf32, #tpu.memory_space<vmem>>) dst(%dma_wait3A_92 : memref<64x80xf32, #tpu.memory_space<vmem_shared>>)
      tpu.yield
    }) : () -> ()
    %mul3A_40 = arith.constant 640 : i32
    %mul3A_41 = arith.muli %arg1, %mul3A_40 : i32
    %add3A_42 = arith.constant 512 : i32
    %add3A_43 = arith.addi %mul3A_41, %add3A_42 : i32
    "tpu.region"() ({
      %run_scoped3A_84 = tpu.sem_alloc : memref<!tpu.dma_semaphore, #tpu.memory_space<semaphore_mem>>
      %dma_start3A_85 = arith.constant 0 : i32
      %dma_start3A_86 = tpu.memref_slice %arg23[%add3A_43, %dma_start3A_85] : memref<10240x80xf32, #tpu.memory_space<vmem_shared>> -> memref<64x80xf32, #tpu.memory_space<vmem_shared>>
      %dma_start3A_87 = arith.constant 0 : i32
      %dma_start3A_88 = tpu.memref_slice %arg23[%add3A_43, %dma_start3A_87] : memref<10240x80xf32, #tpu.memory_space<vmem_shared>> -> memref<64x80xf32, #tpu.memory_space<vmem_shared>>
      tpu.enqueue_dma source(%arg18 : memref<64x80xf32, #tpu.memory_space<vmem>>) target(%dma_start3A_88 : memref<64x80xf32, #tpu.memory_space<vmem_shared>>) target_semaphore(%run_scoped3A_84 : memref<!tpu.dma_semaphore, #tpu.memory_space<semaphore_mem>>)
      %dma_wait3A_89 = arith.constant 0 : i32
      %dma_wait3A_90 = tpu.memref_slice %arg23[%add3A_43, %dma_wait3A_89] : memref<10240x80xf32, #tpu.memory_space<vmem_shared>> -> memref<64x80xf32, #tpu.memory_space<vmem_shared>>
      %dma_wait3A_91 = arith.constant 0 : i32
      %dma_wait3A_92 = tpu.memref_slice %arg23[%add3A_43, %dma_wait3A_91] : memref<10240x80xf32, #tpu.memory_space<vmem_shared>> -> memref<64x80xf32, #tpu.memory_space<vmem_shared>>
      tpu.wait_dma2 semaphore(%run_scoped3A_84 : memref<!tpu.dma_semaphore, #tpu.memory_space<semaphore_mem>>) src(%arg18 : memref<64x80xf32, #tpu.memory_space<vmem>>) dst(%dma_wait3A_92 : memref<64x80xf32, #tpu.memory_space<vmem_shared>>)
      tpu.yield
    }) : () -> ()
    %mul3A_44 = arith.constant 640 : i32
    %mul3A_45 = arith.muli %arg1, %mul3A_44 : i32
    %add3A_46 = arith.constant 576 : i32
    %add3A_47 = arith.addi %mul3A_45, %add3A_46 : i32
    "tpu.region"() ({
      %run_scoped3A_84 = tpu.sem_alloc : memref<!tpu.dma_semaphore, #tpu.memory_space<semaphore_mem>>
      %dma_start3A_85 = arith.constant 0 : i32
      %dma_start3A_86 = tpu.memref_slice %arg23[%add3A_47, %dma_start3A_85] : memref<10240x80xf32, #tpu.memory_space<vmem_shared>> -> memref<64x80xf32, #tpu.memory_space<vmem_shared>>
      %dma_start3A_87 = arith.constant 0 : i32
      %dma_start3A_88 = tpu.memref_slice %arg23[%add3A_47, %dma_start3A_87] : memref<10240x80xf32, #tpu.memory_space<vmem_shared>> -> memref<64x80xf32, #tpu.memory_space<vmem_shared>>
      tpu.enqueue_dma source(%arg18 : memref<64x80xf32, #tpu.memory_space<vmem>>) target(%dma_start3A_88 : memref<64x80xf32, #tpu.memory_space<vmem_shared>>) target_semaphore(%run_scoped3A_84 : memref<!tpu.dma_semaphore, #tpu.memory_space<semaphore_mem>>)
      %dma_wait3A_89 = arith.constant 0 : i32
      %dma_wait3A_90 = tpu.memref_slice %arg23[%add3A_47, %dma_wait3A_89] : memref<10240x80xf32, #tpu.memory_space<vmem_shared>> -> memref<64x80xf32, #tpu.memory_space<vmem_shared>>
      %dma_wait3A_91 = arith.constant 0 : i32
      %dma_wait3A_92 = tpu.memref_slice %arg23[%add3A_47, %dma_wait3A_91] : memref<10240x80xf32, #tpu.memory_space<vmem_shared>> -> memref<64x80xf32, #tpu.memory_space<vmem_shared>>
      tpu.wait_dma2 semaphore(%run_scoped3A_84 : memref<!tpu.dma_semaphore, #tpu.memory_space<semaphore_mem>>) src(%arg18 : memref<64x80xf32, #tpu.memory_space<vmem>>) dst(%dma_wait3A_92 : memref<64x80xf32, #tpu.memory_space<vmem_shared>>)
      tpu.yield
    }) : () -> ()
    %barrier3A = arith.constant 0 : index
    tpu.barrier barrier_id(%barrier3A)
    %iota3A = tpu.iota {dimensions = array<i32: 0>} : vector<16xi32>
    %eq3A = arith.constant 0 : i32
    %eq3A_48 = vector.broadcast %eq3A : i32 to vector<16xi32>
    %eq3A_49 = arith.cmpi eq, %iota3A, %eq3A_48 : vector<16xi32>
    %jit3A = arith.constant 1.000000e+00 : f32
    %jit3A_50 = arith.constant 0.000000e+00 : f32
    %broadcast_in_dim3A_51 = vector.broadcast %jit3A : f32 to vector<16xf32>
    %broadcast_in_dim3A_52 = vector.broadcast %jit3A_50 : f32 to vector<16xf32>
    %select_n3A = arith.select %eq3A_49, %broadcast_in_dim3A_51, %broadcast_in_dim3A_52 : vector<16xi1>, vector<16xf32>
    %get3A = arith.constant 0 : index
    %get3A_53 = tpu.vector_load %arg12[%get3A] {strides = array<i32>} : memref<16xf32, #tpu.memory_space<vmem>>, vector<16xf32>,
    %dma_start3A = arith.constant 0 : i32
    %dma_start3A_54 = arith.constant 0 : i32
    %dma_start3A_55 = tpu.memref_slice %arg8[%dma_start3A, %dma_start3A_54] : memref<162x64xi32, #tpu.memory_space<vmem>> -> memref<1x64xi32, #tpu.memory_space<vmem>>
    %dma_start3A_56 = tpu.memref_squeeze %dma_start3A_55 : memref<1x64xi32, #tpu.memory_space<vmem>> -> memref<64xi32, #tpu.memory_space<vmem>>
    %dma_start3A_57 = arith.constant 0 : i32
    %dma_start3A_58 = arith.constant 0 : i32
    %dma_start3A_59 = tpu.memref_slice %arg4[%dma_start3A_57, %dma_start3A_58] : memref<10240x64xf32, #tpu.memory_space<hbm>> -> memref<10240x64xf32, #tpu.memory_space<hbm>>
    tpu.enqueue_indirect_dma source(%dma_start3A_59 : memref<10240x64xf32, #tpu.memory_space<hbm>>) target(%arg14 : memref<64x64xf32, #tpu.memory_space<vmem>>) offsets(%dma_start3A_56 : memref<64xi32, #tpu.memory_space<vmem>>) semaphore(%arg19 : memref<!tpu.dma_semaphore, #tpu.memory_space<semaphore_mem>>)
    %scan3A_60 = arith.constant 0 : i32
    %scan3A_61 = arith.constant 0 : i32
    %scan3A_62 = arith.constant 81 : i32
    %scan3A_63 = arith.addi %scan3A_61, %scan3A_62 : i32
    %scan3A_64 = arith.constant 1 : i32
    scf.for %scan3A_84 = %scan3A_61 to %scan3A_63 step %scan3A_64  : i32 {
      %mul3A_85 = arith.constant 2 : i32
      %mul3A_86 = arith.muli %scan3A_84, %mul3A_85 : i32
      %add3A_87 = arith.constant 0 : i32
      %add3A_88 = arith.addi %mul3A_86, %add3A_87 : i32
      %add3A_89 = arith.constant 1 : i32
      %add3A_90 = arith.addi %add3A_88, %add3A_89 : i32
      %lt3A = arith.constant 162 : i32
      %lt3A_91 = arith.cmpi slt, %add3A_90, %lt3A : i32
      %convert_element_type3A = arith.extui %lt3A_91 : i1 to i32
      %cond3A = arith.constant 0 : i32
      %cond3A_92 = arith.cmpi ne, %convert_element_type3A, %cond3A : i32
      scf.if %cond3A_92 {
        %add3A_280 = arith.constant 1 : i32
        %add3A_281 = arith.addi %add3A_88, %add3A_280 : i32
        %dma_start3A_282 = arith.constant 0 : i32
        %dma_start3A_283 = tpu.memref_slice %arg8[%add3A_281, %dma_start3A_282] : memref<162x64xi32, #tpu.memory_space<vmem>> -> memref<1x64xi32, #tpu.memory_space<vmem>>
        %dma_start3A_284 = tpu.memref_squeeze %dma_start3A_283 : memref<1x64xi32, #tpu.memory_space<vmem>> -> memref<64xi32, #tpu.memory_space<vmem>>
        %dma_start3A_285 = arith.constant 0 : i32
        %dma_start3A_286 = arith.constant 0 : i32
        %dma_start3A_287 = tpu.memref_slice %arg4[%dma_start3A_285, %dma_start3A_286] : memref<10240x64xf32, #tpu.memory_space<hbm>> -> memref<10240x64xf32, #tpu.memory_space<hbm>>
        tpu.enqueue_indirect_dma source(%dma_start3A_287 : memref<10240x64xf32, #tpu.memory_space<hbm>>) target(%arg15 : memref<64x64xf32, #tpu.memory_space<vmem>>) offsets(%dma_start3A_284 : memref<64xi32, #tpu.memory_space<vmem>>) semaphore(%arg20 : memref<!tpu.dma_semaphore, #tpu.memory_space<semaphore_mem>>)
      } else {
      }
      %get3A_93 = arith.index_cast %add3A_88 : i32 to index
      %get3A_94 = arith.constant 0 : index
      %get3A_95 = tpu.vector_load %arg8[%get3A_93, %get3A_94] {strides = array<i32>} : memref<162x64xi32, #tpu.memory_space<vmem>>, vector<16xi32>,
      %get3A_96 = arith.index_cast %add3A_88 : i32 to index
      %get3A_97 = arith.constant 0 : index
      %get3A_98 = tpu.vector_load %arg9[%get3A_96, %get3A_97] {strides = array<i32>} : memref<162x64xi32, #tpu.memory_space<vmem>>, vector<16xi32>,
      %gather3A = tpu.vector_load_idx %arg10[%get3A_95] : memref<10240xf32, #tpu.memory_space<vmem>>[vector<16xi32>], vector<16xf32>,
      %gather3A_99 = tpu.vector_load_idx %arg11[%get3A_98] : memref<10240xf32, #tpu.memory_space<vmem>>[vector<16xi32>], vector<16xf32>,
      %add3A_100 = arith.addf %gather3A, %gather3A_99 : vector<16xf32>
      %mul3A_101 = arith.constant 2.000000e-01 : f32
      %mul3A_102 = vector.broadcast %mul3A_101 : f32 to vector<16xf32>
      %mul3A_103 = arith.mulf %mul3A_102, %add3A_100 : vector<16xf32>
      %max3A = arith.maximumf %add3A_100, %mul3A_103 : vector<16xf32>
      %sub3A = arith.subf %max3A, %get3A_53 : vector<16xf32>
      %exp3A = math.exp %sub3A : vector<16xf32>
      %swap3A = arith.constant 0 : index
      %swap3A_104 = tpu.vector_load %arg13[%swap3A] {strides = array<i32>} : memref<64xf32, #tpu.memory_space<vmem>>, vector<16xf32>,
      tpu.vector_store %arg13[%swap3A], %exp3A {strides = array<i32>} : memref<64xf32, #tpu.memory_space<vmem>>, vector<16xf32>,
      %get3A_105 = arith.index_cast %add3A_88 : i32 to index
      %get3A_106 = arith.constant 16 : index
      %get3A_107 = tpu.vector_load %arg8[%get3A_105, %get3A_106] {strides = array<i32>} : memref<162x64xi32, #tpu.memory_space<vmem>>, vector<16xi32>,
      %get3A_108 = arith.index_cast %add3A_88 : i32 to index
      %get3A_109 = arith.constant 16 : index
      %get3A_110 = tpu.vector_load %arg9[%get3A_108, %get3A_109] {strides = array<i32>} : memref<162x64xi32, #tpu.memory_space<vmem>>, vector<16xi32>,
      %gather3A_111 = tpu.vector_load_idx %arg10[%get3A_107] : memref<10240xf32, #tpu.memory_space<vmem>>[vector<16xi32>], vector<16xf32>,
      %gather3A_112 = tpu.vector_load_idx %arg11[%get3A_110] : memref<10240xf32, #tpu.memory_space<vmem>>[vector<16xi32>], vector<16xf32>,
      %add3A_113 = arith.addf %gather3A_111, %gather3A_112 : vector<16xf32>
      %mul3A_114 = arith.constant 2.000000e-01 : f32
      %mul3A_115 = vector.broadcast %mul3A_114 : f32 to vector<16xf32>
      %mul3A_116 = arith.mulf %mul3A_115, %add3A_113 : vector<16xf32>
      %max3A_117 = arith.maximumf %add3A_113, %mul3A_116 : vector<16xf32>
      %sub3A_118 = arith.subf %max3A_117, %get3A_53 : vector<16xf32>
      %exp3A_119 = math.exp %sub3A_118 : vector<16xf32>
      %swap3A_120 = arith.constant 16 : index
      %swap3A_121 = tpu.vector_load %arg13[%swap3A_120] {strides = array<i32>} : memref<64xf32, #tpu.memory_space<vmem>>, vector<16xf32>,
      tpu.vector_store %arg13[%swap3A_120], %exp3A_119 {strides = array<i32>} : memref<64xf32, #tpu.memory_space<vmem>>, vector<16xf32>,
      %get3A_122 = arith.index_cast %add3A_88 : i32 to index
      %get3A_123 = arith.constant 32 : index
      %get3A_124 = tpu.vector_load %arg8[%get3A_122, %get3A_123] {strides = array<i32>} : memref<162x64xi32, #tpu.memory_space<vmem>>, vector<16xi32>,
      %get3A_125 = arith.index_cast %add3A_88 : i32 to index
      %get3A_126 = arith.constant 32 : index
      %get3A_127 = tpu.vector_load %arg9[%get3A_125, %get3A_126] {strides = array<i32>} : memref<162x64xi32, #tpu.memory_space<vmem>>, vector<16xi32>,
      %gather3A_128 = tpu.vector_load_idx %arg10[%get3A_124] : memref<10240xf32, #tpu.memory_space<vmem>>[vector<16xi32>], vector<16xf32>,
      %gather3A_129 = tpu.vector_load_idx %arg11[%get3A_127] : memref<10240xf32, #tpu.memory_space<vmem>>[vector<16xi32>], vector<16xf32>,
      %add3A_130 = arith.addf %gather3A_128, %gather3A_129 : vector<16xf32>
      %mul3A_131 = arith.constant 2.000000e-01 : f32
      %mul3A_132 = vector.broadcast %mul3A_131 : f32 to vector<16xf32>
      %mul3A_133 = arith.mulf %mul3A_132, %add3A_130 : vector<16xf32>
      %max3A_134 = arith.maximumf %add3A_130, %mul3A_133 : vector<16xf32>
      %sub3A_135 = arith.subf %max3A_134, %get3A_53 : vector<16xf32>
      %exp3A_136 = math.exp %sub3A_135 : vector<16xf32>
      %swap3A_137 = arith.constant 32 : index
      %swap3A_138 = tpu.vector_load %arg13[%swap3A_137] {strides = array<i32>} : memref<64xf32, #tpu.memory_space<vmem>>, vector<16xf32>,
      tpu.vector_store %arg13[%swap3A_137], %exp3A_136 {strides = array<i32>} : memref<64xf32, #tpu.memory_space<vmem>>, vector<16xf32>,
      %get3A_139 = arith.index_cast %add3A_88 : i32 to index
      %get3A_140 = arith.constant 48 : index
      %get3A_141 = tpu.vector_load %arg8[%get3A_139, %get3A_140] {strides = array<i32>} : memref<162x64xi32, #tpu.memory_space<vmem>>, vector<16xi32>,
      %get3A_142 = arith.index_cast %add3A_88 : i32 to index
      %get3A_143 = arith.constant 48 : index
      %get3A_144 = tpu.vector_load %arg9[%get3A_142, %get3A_143] {strides = array<i32>} : memref<162x64xi32, #tpu.memory_space<vmem>>, vector<16xi32>,
      %gather3A_145 = tpu.vector_load_idx %arg10[%get3A_141] : memref<10240xf32, #tpu.memory_space<vmem>>[vector<16xi32>], vector<16xf32>,
      %gather3A_146 = tpu.vector_load_idx %arg11[%get3A_144] : memref<10240xf32, #tpu.memory_space<vmem>>[vector<16xi32>], vector<16xf32>,
      %add3A_147 = arith.addf %gather3A_145, %gather3A_146 : vector<16xf32>
      %mul3A_148 = arith.constant 2.000000e-01 : f32
      %mul3A_149 = vector.broadcast %mul3A_148 : f32 to vector<16xf32>
      %mul3A_150 = arith.mulf %mul3A_149, %add3A_147 : vector<16xf32>
      %max3A_151 = arith.maximumf %add3A_147, %mul3A_150 : vector<16xf32>
      %sub3A_152 = arith.subf %max3A_151, %get3A_53 : vector<16xf32>
      %exp3A_153 = math.exp %sub3A_152 : vector<16xf32>
      %swap3A_154 = arith.constant 48 : index
      %swap3A_155 = tpu.vector_load %arg13[%swap3A_154] {strides = array<i32>} : memref<64xf32, #tpu.memory_space<vmem>>, vector<16xf32>,
      tpu.vector_store %arg13[%swap3A_154], %exp3A_153 {strides = array<i32>} : memref<64xf32, #tpu.memory_space<vmem>>, vector<16xf32>,
      %dma_wait3A_156 = arith.constant 0 : i32
      %dma_wait3A_157 = tpu.memref_slice %arg8[%add3A_88, %dma_wait3A_156] : memref<162x64xi32, #tpu.memory_space<vmem>> -> memref<1x64xi32, #tpu.memory_space<vmem>>
      %dma_wait3A_158 = tpu.memref_squeeze %dma_wait3A_157 : memref<1x64xi32, #tpu.memory_space<vmem>> -> memref<64xi32, #tpu.memory_space<vmem>>
      %dma_wait3A_159 = arith.constant 0 : i32
      %dma_wait3A_160 = arith.constant 0 : i32
      %dma_wait3A_161 = tpu.memref_slice %arg4[%dma_wait3A_159, %dma_wait3A_160] : memref<10240x64xf32, #tpu.memory_space<hbm>> -> memref<10240x64xf32, #tpu.memory_space<hbm>>
      tpu.wait_indirect_dma semaphore(%arg19 : memref<!tpu.dma_semaphore, #tpu.memory_space<semaphore_mem>>) src(%dma_wait3A_161 : memref<10240x64xf32, #tpu.memory_space<hbm>>) dst(%arg14 : memref<64x64xf32, #tpu.memory_space<vmem>>)
      %ge3A = arith.constant 2 : i32
      %ge3A_162 = arith.cmpi sge, %add3A_88, %ge3A : i32
      %convert_element_type3A_163 = arith.extui %ge3A_162 : i1 to i32
      %cond3A_164 = arith.constant 0 : i32
      %cond3A_165 = arith.cmpi ne, %convert_element_type3A_163, %cond3A_164 : i32
      scf.if %cond3A_165 {
        %sub3A_280 = arith.constant 2 : i32
        %sub3A_281 = arith.subi %add3A_88, %sub3A_280 : i32
        %dma_wait3A_282 = arith.constant 0 : i32
        %dma_wait3A_283 = tpu.memref_slice %arg9[%sub3A_281, %dma_wait3A_282] : memref<162x64xi32, #tpu.memory_space<vmem>> -> memref<1x64xi32, #tpu.memory_space<vmem>>
        %dma_wait3A_284 = tpu.memref_squeeze %dma_wait3A_283 : memref<1x64xi32, #tpu.memory_space<vmem>> -> memref<64xi32, #tpu.memory_space<vmem>>
        %dma_wait3A_285 = arith.constant 0 : i32
        %dma_wait3A_286 = arith.constant 0 : i32
        %dma_wait3A_287 = tpu.memref_slice %arg23[%dma_wait3A_285, %dma_wait3A_286] : memref<10240x80xf32, #tpu.memory_space<vmem_shared>> -> memref<10240x80xf32, #tpu.memory_space<vmem_shared>>
        tpu.wait_indirect_dma semaphore(%arg21 : memref<!tpu.dma_semaphore, #tpu.memory_space<semaphore_mem>>) src(%arg16 : memref<64x80xf32, #tpu.memory_space<vmem>>) dst(%dma_wait3A_287 : memref<10240x80xf32, #tpu.memory_space<vmem_shared>>)
      } else {
      }
      %scan3A_166 = arith.constant 0 : i32
      %scan3A_167 = arith.constant 0 : i32
      %scan3A_168 = arith.constant 64 : i32
      %scan3A_169 = arith.addi %scan3A_167, %scan3A_168 : i32
      %scan3A_170 = arith.constant 1 : i32
      scf.for %scan3A_280 = %scan3A_167 to %scan3A_169 step %scan3A_170  : i32 {
        %broadcast_in_dim3A_281 = vector.broadcast %scan3A_280 : i32 to vector<16xi32>
        %gather3A_282 = tpu.vector_load_idx %arg13[%broadcast_in_dim3A_281] : memref<64xf32, #tpu.memory_space<vmem>>[vector<16xi32>], vector<16xf32>,
        %get3A_283 = arith.index_cast %scan3A_280 : i32 to index
        %get3A_284 = arith.constant 0 : index
        %get3A_285 = tpu.vector_load %arg14[%get3A_283, %get3A_284] {strides = array<i32>} : memref<64x64xf32, #tpu.memory_space<vmem>>, vector<16xf32>,
        %mul3A_286 = arith.mulf %get3A_285, %gather3A_282 : vector<16xf32>
        %swap3A_287 = arith.index_cast %scan3A_280 : i32 to index
        %swap3A_288 = arith.constant 0 : index
        %swap3A_289 = tpu.vector_load %arg16[%swap3A_287, %swap3A_288] {strides = array<i32>} : memref<64x80xf32, #tpu.memory_space<vmem>>, vector<16xf32>,
        tpu.vector_store %arg16[%swap3A_287, %swap3A_288], %mul3A_286 {strides = array<i32>} : memref<64x80xf32, #tpu.memory_space<vmem>>, vector<16xf32>,
        %get3A_290 = arith.index_cast %scan3A_280 : i32 to index
        %get3A_291 = arith.constant 16 : index
        %get3A_292 = tpu.vector_load %arg14[%get3A_290, %get3A_291] {strides = array<i32>} : memref<64x64xf32, #tpu.memory_space<vmem>>, vector<16xf32>,
        %mul3A_293 = arith.mulf %get3A_292, %gather3A_282 : vector<16xf32>
        %swap3A_294 = arith.index_cast %scan3A_280 : i32 to index
        %swap3A_295 = arith.constant 16 : index
        %swap3A_296 = tpu.vector_load %arg16[%swap3A_294, %swap3A_295] {strides = array<i32>} : memref<64x80xf32, #tpu.memory_space<vmem>>, vector<16xf32>,
        tpu.vector_store %arg16[%swap3A_294, %swap3A_295], %mul3A_293 {strides = array<i32>} : memref<64x80xf32, #tpu.memory_space<vmem>>, vector<16xf32>,
        %get3A_297 = arith.index_cast %scan3A_280 : i32 to index
        %get3A_298 = arith.constant 32 : index
        %get3A_299 = tpu.vector_load %arg14[%get3A_297, %get3A_298] {strides = array<i32>} : memref<64x64xf32, #tpu.memory_space<vmem>>, vector<16xf32>,
        %mul3A_300 = arith.mulf %get3A_299, %gather3A_282 : vector<16xf32>
        %swap3A_301 = arith.index_cast %scan3A_280 : i32 to index
        %swap3A_302 = arith.constant 32 : index
        %swap3A_303 = tpu.vector_load %arg16[%swap3A_301, %swap3A_302] {strides = array<i32>} : memref<64x80xf32, #tpu.memory_space<vmem>>, vector<16xf32>,
        tpu.vector_store %arg16[%swap3A_301, %swap3A_302], %mul3A_300 {strides = array<i32>} : memref<64x80xf32, #tpu.memory_space<vmem>>, vector<16xf32>,
        %get3A_304 = arith.index_cast %scan3A_280 : i32 to index
        %get3A_305 = arith.constant 48 : index
        %get3A_306 = tpu.vector_load %arg14[%get3A_304, %get3A_305] {strides = array<i32>} : memref<64x64xf32, #tpu.memory_space<vmem>>, vector<16xf32>,
        %mul3A_307 = arith.mulf %get3A_306, %gather3A_282 : vector<16xf32>
        %swap3A_308 = arith.index_cast %scan3A_280 : i32 to index
        %swap3A_309 = arith.constant 48 : index
        %swap3A_310 = tpu.vector_load %arg16[%swap3A_308, %swap3A_309] {strides = array<i32>} : memref<64x80xf32, #tpu.memory_space<vmem>>, vector<16xf32>,
        tpu.vector_store %arg16[%swap3A_308, %swap3A_309], %mul3A_307 {strides = array<i32>} : memref<64x80xf32, #tpu.memory_space<vmem>>, vector<16xf32>,
        %mul3A_311 = arith.mulf %gather3A_282, %select_n3A : vector<16xf32>
        %swap3A_312 = arith.index_cast %scan3A_280 : i32 to index
        %swap3A_313 = arith.constant 64 : index
        %swap3A_314 = tpu.vector_load %arg16[%swap3A_312, %swap3A_313] {strides = array<i32>} : memref<64x80xf32, #tpu.memory_space<vmem>>, vector<16xf32>,
        tpu.vector_store %arg16[%swap3A_312, %swap3A_313], %mul3A_311 {strides = array<i32>} : memref<64x80xf32, #tpu.memory_space<vmem>>, vector<16xf32>,
      }
      %scan3A_171 = arith.constant 64 : i32
      %dma_start3A_172 = arith.constant 0 : i32
      %dma_start3A_173 = tpu.memref_slice %arg9[%add3A_88, %dma_start3A_172] : memref<162x64xi32, #tpu.memory_space<vmem>> -> memref<1x64xi32, #tpu.memory_space<vmem>>
      %dma_start3A_174 = tpu.memref_squeeze %dma_start3A_173 : memref<1x64xi32, #tpu.memory_space<vmem>> -> memref<64xi32, #tpu.memory_space<vmem>>
      %dma_start3A_175 = arith.constant 0 : i32
      %dma_start3A_176 = arith.constant 0 : i32
      %dma_start3A_177 = tpu.memref_slice %arg23[%dma_start3A_175, %dma_start3A_176] : memref<10240x80xf32, #tpu.memory_space<vmem_shared>> -> memref<10240x80xf32, #tpu.memory_space<vmem_shared>>
      tpu.enqueue_indirect_dma source(%arg16 : memref<64x80xf32, #tpu.memory_space<vmem>>) target(%dma_start3A_177 : memref<10240x80xf32, #tpu.memory_space<vmem_shared>>) offsets(%dma_start3A_174 : memref<64xi32, #tpu.memory_space<vmem>>) semaphore(%arg21 : memref<!tpu.dma_semaphore, #tpu.memory_space<semaphore_mem>>) {add = true}
      %mul3A_178 = arith.constant 2 : i32
      %mul3A_179 = arith.muli %scan3A_84, %mul3A_178 : i32
      %add3A_180 = arith.constant 1 : i32
      %add3A_181 = arith.addi %mul3A_179, %add3A_180 : i32
      %add3A_182 = arith.constant 1 : i32
      %add3A_183 = arith.addi %add3A_181, %add3A_182 : i32
      %lt3A_184 = arith.constant 162 : i32
      %lt3A_185 = arith.cmpi slt, %add3A_183, %lt3A_184 : i32
      %convert_element_type3A_186 = arith.extui %lt3A_185 : i1 to i32
      %cond3A_187 = arith.constant 0 : i32
      %cond3A_188 = arith.cmpi ne, %convert_element_type3A_186, %cond3A_187 : i32
      scf.if %cond3A_188 {
        %add3A_280 = arith.constant 1 : i32
        %add3A_281 = arith.addi %add3A_181, %add3A_280 : i32
        %dma_start3A_282 = arith.constant 0 : i32
        %dma_start3A_283 = tpu.memref_slice %arg8[%add3A_281, %dma_start3A_282] : memref<162x64xi32, #tpu.memory_space<vmem>> -> memref<1x64xi32, #tpu.memory_space<vmem>>
        %dma_start3A_284 = tpu.memref_squeeze %dma_start3A_283 : memref<1x64xi32, #tpu.memory_space<vmem>> -> memref<64xi32, #tpu.memory_space<vmem>>
        %dma_start3A_285 = arith.constant 0 : i32
        %dma_start3A_286 = arith.constant 0 : i32
        %dma_start3A_287 = tpu.memref_slice %arg4[%dma_start3A_285, %dma_start3A_286] : memref<10240x64xf32, #tpu.memory_space<hbm>> -> memref<10240x64xf32, #tpu.memory_space<hbm>>
        tpu.enqueue_indirect_dma source(%dma_start3A_287 : memref<10240x64xf32, #tpu.memory_space<hbm>>) target(%arg14 : memref<64x64xf32, #tpu.memory_space<vmem>>) offsets(%dma_start3A_284 : memref<64xi32, #tpu.memory_space<vmem>>) semaphore(%arg19 : memref<!tpu.dma_semaphore, #tpu.memory_space<semaphore_mem>>)
      } else {
      }
      %get3A_189 = arith.index_cast %add3A_181 : i32 to index
      %get3A_190 = arith.constant 0 : index
      %get3A_191 = tpu.vector_load %arg8[%get3A_189, %get3A_190] {strides = array<i32>} : memref<162x64xi32, #tpu.memory_space<vmem>>, vector<16xi32>,
      %get3A_192 = arith.index_cast %add3A_181 : i32 to index
      %get3A_193 = arith.constant 0 : index
      %get3A_194 = tpu.vector_load %arg9[%get3A_192, %get3A_193] {strides = array<i32>} : memref<162x64xi32, #tpu.memory_space<vmem>>, vector<16xi32>,
      %gather3A_195 = tpu.vector_load_idx %arg10[%get3A_191] : memref<10240xf32, #tpu.memory_space<vmem>>[vector<16xi32>], vector<16xf32>,
      %gather3A_196 = tpu.vector_load_idx %arg11[%get3A_194] : memref<10240xf32, #tpu.memory_space<vmem>>[vector<16xi32>], vector<16xf32>,
      %add3A_197 = arith.addf %gather3A_195, %gather3A_196 : vector<16xf32>
      %mul3A_198 = arith.constant 2.000000e-01 : f32
      %mul3A_199 = vector.broadcast %mul3A_198 : f32 to vector<16xf32>
      %mul3A_200 = arith.mulf %mul3A_199, %add3A_197 : vector<16xf32>
      %max3A_201 = arith.maximumf %add3A_197, %mul3A_200 : vector<16xf32>
      %sub3A_202 = arith.subf %max3A_201, %get3A_53 : vector<16xf32>
      %exp3A_203 = math.exp %sub3A_202 : vector<16xf32>
      %swap3A_204 = arith.constant 0 : index
      %swap3A_205 = tpu.vector_load %arg13[%swap3A_204] {strides = array<i32>} : memref<64xf32, #tpu.memory_space<vmem>>, vector<16xf32>,
      tpu.vector_store %arg13[%swap3A_204], %exp3A_203 {strides = array<i32>} : memref<64xf32, #tpu.memory_space<vmem>>, vector<16xf32>,
      %get3A_206 = arith.index_cast %add3A_181 : i32 to index
      %get3A_207 = arith.constant 16 : index
      %get3A_208 = tpu.vector_load %arg8[%get3A_206, %get3A_207] {strides = array<i32>} : memref<162x64xi32, #tpu.memory_space<vmem>>, vector<16xi32>,
      %get3A_209 = arith.index_cast %add3A_181 : i32 to index
      %get3A_210 = arith.constant 16 : index
      %get3A_211 = tpu.vector_load %arg9[%get3A_209, %get3A_210] {strides = array<i32>} : memref<162x64xi32, #tpu.memory_space<vmem>>, vector<16xi32>,
      %gather3A_212 = tpu.vector_load_idx %arg10[%get3A_208] : memref<10240xf32, #tpu.memory_space<vmem>>[vector<16xi32>], vector<16xf32>,
      %gather3A_213 = tpu.vector_load_idx %arg11[%get3A_211] : memref<10240xf32, #tpu.memory_space<vmem>>[vector<16xi32>], vector<16xf32>,
      %add3A_214 = arith.addf %gather3A_212, %gather3A_213 : vector<16xf32>
      %mul3A_215 = arith.constant 2.000000e-01 : f32
      %mul3A_216 = vector.broadcast %mul3A_215 : f32 to vector<16xf32>
      %mul3A_217 = arith.mulf %mul3A_216, %add3A_214 : vector<16xf32>
      %max3A_218 = arith.maximumf %add3A_214, %mul3A_217 : vector<16xf32>
      %sub3A_219 = arith.subf %max3A_218, %get3A_53 : vector<16xf32>
      %exp3A_220 = math.exp %sub3A_219 : vector<16xf32>
      %swap3A_221 = arith.constant 16 : index
      %swap3A_222 = tpu.vector_load %arg13[%swap3A_221] {strides = array<i32>} : memref<64xf32, #tpu.memory_space<vmem>>, vector<16xf32>,
      tpu.vector_store %arg13[%swap3A_221], %exp3A_220 {strides = array<i32>} : memref<64xf32, #tpu.memory_space<vmem>>, vector<16xf32>,
      %get3A_223 = arith.index_cast %add3A_181 : i32 to index
      %get3A_224 = arith.constant 32 : index
      %get3A_225 = tpu.vector_load %arg8[%get3A_223, %get3A_224] {strides = array<i32>} : memref<162x64xi32, #tpu.memory_space<vmem>>, vector<16xi32>,
      %get3A_226 = arith.index_cast %add3A_181 : i32 to index
      %get3A_227 = arith.constant 32 : index
      %get3A_228 = tpu.vector_load %arg9[%get3A_226, %get3A_227] {strides = array<i32>} : memref<162x64xi32, #tpu.memory_space<vmem>>, vector<16xi32>,
      %gather3A_229 = tpu.vector_load_idx %arg10[%get3A_225] : memref<10240xf32, #tpu.memory_space<vmem>>[vector<16xi32>], vector<16xf32>,
      %gather3A_230 = tpu.vector_load_idx %arg11[%get3A_228] : memref<10240xf32, #tpu.memory_space<vmem>>[vector<16xi32>], vector<16xf32>,
      %add3A_231 = arith.addf %gather3A_229, %gather3A_230 : vector<16xf32>
      %mul3A_232 = arith.constant 2.000000e-01 : f32
      %mul3A_233 = vector.broadcast %mul3A_232 : f32 to vector<16xf32>
      %mul3A_234 = arith.mulf %mul3A_233, %add3A_231 : vector<16xf32>
      %max3A_235 = arith.maximumf %add3A_231, %mul3A_234 : vector<16xf32>
      %sub3A_236 = arith.subf %max3A_235, %get3A_53 : vector<16xf32>
      %exp3A_237 = math.exp %sub3A_236 : vector<16xf32>
      %swap3A_238 = arith.constant 32 : index
      %swap3A_239 = tpu.vector_load %arg13[%swap3A_238] {strides = array<i32>} : memref<64xf32, #tpu.memory_space<vmem>>, vector<16xf32>,
      tpu.vector_store %arg13[%swap3A_238], %exp3A_237 {strides = array<i32>} : memref<64xf32, #tpu.memory_space<vmem>>, vector<16xf32>,
      %get3A_240 = arith.index_cast %add3A_181 : i32 to index
      %get3A_241 = arith.constant 48 : index
      %get3A_242 = tpu.vector_load %arg8[%get3A_240, %get3A_241] {strides = array<i32>} : memref<162x64xi32, #tpu.memory_space<vmem>>, vector<16xi32>,
      %get3A_243 = arith.index_cast %add3A_181 : i32 to index
      %get3A_244 = arith.constant 48 : index
      %get3A_245 = tpu.vector_load %arg9[%get3A_243, %get3A_244] {strides = array<i32>} : memref<162x64xi32, #tpu.memory_space<vmem>>, vector<16xi32>,
      %gather3A_246 = tpu.vector_load_idx %arg10[%get3A_242] : memref<10240xf32, #tpu.memory_space<vmem>>[vector<16xi32>], vector<16xf32>,
      %gather3A_247 = tpu.vector_load_idx %arg11[%get3A_245] : memref<10240xf32, #tpu.memory_space<vmem>>[vector<16xi32>], vector<16xf32>,
      %add3A_248 = arith.addf %gather3A_246, %gather3A_247 : vector<16xf32>
      %mul3A_249 = arith.constant 2.000000e-01 : f32
      %mul3A_250 = vector.broadcast %mul3A_249 : f32 to vector<16xf32>
      %mul3A_251 = arith.mulf %mul3A_250, %add3A_248 : vector<16xf32>
      %max3A_252 = arith.maximumf %add3A_248, %mul3A_251 : vector<16xf32>
      %sub3A_253 = arith.subf %max3A_252, %get3A_53 : vector<16xf32>
      %exp3A_254 = math.exp %sub3A_253 : vector<16xf32>
      %swap3A_255 = arith.constant 48 : index
      %swap3A_256 = tpu.vector_load %arg13[%swap3A_255] {strides = array<i32>} : memref<64xf32, #tpu.memory_space<vmem>>, vector<16xf32>,
      tpu.vector_store %arg13[%swap3A_255], %exp3A_254 {strides = array<i32>} : memref<64xf32, #tpu.memory_space<vmem>>, vector<16xf32>,
      %dma_wait3A_257 = arith.constant 0 : i32
      %dma_wait3A_258 = tpu.memref_slice %arg8[%add3A_181, %dma_wait3A_257] : memref<162x64xi32, #tpu.memory_space<vmem>> -> memref<1x64xi32, #tpu.memory_space<vmem>>
      %dma_wait3A_259 = tpu.memref_squeeze %dma_wait3A_258 : memref<1x64xi32, #tpu.memory_space<vmem>> -> memref<64xi32, #tpu.memory_space<vmem>>
      %dma_wait3A_260 = arith.constant 0 : i32
      %dma_wait3A_261 = arith.constant 0 : i32
      %dma_wait3A_262 = tpu.memref_slice %arg4[%dma_wait3A_260, %dma_wait3A_261] : memref<10240x64xf32, #tpu.memory_space<hbm>> -> memref<10240x64xf32, #tpu.memory_space<hbm>>
      tpu.wait_indirect_dma semaphore(%arg20 : memref<!tpu.dma_semaphore, #tpu.memory_space<semaphore_mem>>) src(%dma_wait3A_262 : memref<10240x64xf32, #tpu.memory_space<hbm>>) dst(%arg15 : memref<64x64xf32, #tpu.memory_space<vmem>>)
      %ge3A_263 = arith.constant 2 : i32
      %ge3A_264 = arith.cmpi sge, %add3A_181, %ge3A_263 : i32
      %convert_element_type3A_265 = arith.extui %ge3A_264 : i1 to i32
      %cond3A_266 = arith.constant 0 : i32
      %cond3A_267 = arith.cmpi ne, %convert_element_type3A_265, %cond3A_266 : i32
      scf.if %cond3A_267 {
        %sub3A_280 = arith.constant 2 : i32
        %sub3A_281 = arith.subi %add3A_181, %sub3A_280 : i32
        %dma_wait3A_282 = arith.constant 0 : i32
        %dma_wait3A_283 = tpu.memref_slice %arg9[%sub3A_281, %dma_wait3A_282] : memref<162x64xi32, #tpu.memory_space<vmem>> -> memref<1x64xi32, #tpu.memory_space<vmem>>
        %dma_wait3A_284 = tpu.memref_squeeze %dma_wait3A_283 : memref<1x64xi32, #tpu.memory_space<vmem>> -> memref<64xi32, #tpu.memory_space<vmem>>
        %dma_wait3A_285 = arith.constant 0 : i32
        %dma_wait3A_286 = arith.constant 0 : i32
        %dma_wait3A_287 = tpu.memref_slice %arg23[%dma_wait3A_285, %dma_wait3A_286] : memref<10240x80xf32, #tpu.memory_space<vmem_shared>> -> memref<10240x80xf32, #tpu.memory_space<vmem_shared>>
        tpu.wait_indirect_dma semaphore(%arg22 : memref<!tpu.dma_semaphore, #tpu.memory_space<semaphore_mem>>) src(%arg17 : memref<64x80xf32, #tpu.memory_space<vmem>>) dst(%dma_wait3A_287 : memref<10240x80xf32, #tpu.memory_space<vmem_shared>>)
      } else {
      }
      %scan3A_268 = arith.constant 0 : i32
      %scan3A_269 = arith.constant 0 : i32
      %scan3A_270 = arith.constant 64 : i32
      %scan3A_271 = arith.addi %scan3A_269, %scan3A_270 : i32
      %scan3A_272 = arith.constant 1 : i32
      scf.for %scan3A_280 = %scan3A_269 to %scan3A_271 step %scan3A_272  : i32 {
        %broadcast_in_dim3A_281 = vector.broadcast %scan3A_280 : i32 to vector<16xi32>
        %gather3A_282 = tpu.vector_load_idx %arg13[%broadcast_in_dim3A_281] : memref<64xf32, #tpu.memory_space<vmem>>[vector<16xi32>], vector<16xf32>,
        %get3A_283 = arith.index_cast %scan3A_280 : i32 to index
        %get3A_284 = arith.constant 0 : index
        %get3A_285 = tpu.vector_load %arg15[%get3A_283, %get3A_284] {strides = array<i32>} : memref<64x64xf32, #tpu.memory_space<vmem>>, vector<16xf32>,
        %mul3A_286 = arith.mulf %get3A_285, %gather3A_282 : vector<16xf32>
        %swap3A_287 = arith.index_cast %scan3A_280 : i32 to index
        %swap3A_288 = arith.constant 0 : index
        %swap3A_289 = tpu.vector_load %arg17[%swap3A_287, %swap3A_288] {strides = array<i32>} : memref<64x80xf32, #tpu.memory_space<vmem>>, vector<16xf32>,
        tpu.vector_store %arg17[%swap3A_287, %swap3A_288], %mul3A_286 {strides = array<i32>} : memref<64x80xf32, #tpu.memory_space<vmem>>, vector<16xf32>,
        %get3A_290 = arith.index_cast %scan3A_280 : i32 to index
        %get3A_291 = arith.constant 16 : index
        %get3A_292 = tpu.vector_load %arg15[%get3A_290, %get3A_291] {strides = array<i32>} : memref<64x64xf32, #tpu.memory_space<vmem>>, vector<16xf32>,
        %mul3A_293 = arith.mulf %get3A_292, %gather3A_282 : vector<16xf32>
        %swap3A_294 = arith.index_cast %scan3A_280 : i32 to index
        %swap3A_295 = arith.constant 16 : index
        %swap3A_296 = tpu.vector_load %arg17[%swap3A_294, %swap3A_295] {strides = array<i32>} : memref<64x80xf32, #tpu.memory_space<vmem>>, vector<16xf32>,
        tpu.vector_store %arg17[%swap3A_294, %swap3A_295], %mul3A_293 {strides = array<i32>} : memref<64x80xf32, #tpu.memory_space<vmem>>, vector<16xf32>,
        %get3A_297 = arith.index_cast %scan3A_280 : i32 to index
        %get3A_298 = arith.constant 32 : index
        %get3A_299 = tpu.vector_load %arg15[%get3A_297, %get3A_298] {strides = array<i32>} : memref<64x64xf32, #tpu.memory_space<vmem>>, vector<16xf32>,
        %mul3A_300 = arith.mulf %get3A_299, %gather3A_282 : vector<16xf32>
        %swap3A_301 = arith.index_cast %scan3A_280 : i32 to index
        %swap3A_302 = arith.constant 32 : index
        %swap3A_303 = tpu.vector_load %arg17[%swap3A_301, %swap3A_302] {strides = array<i32>} : memref<64x80xf32, #tpu.memory_space<vmem>>, vector<16xf32>,
        tpu.vector_store %arg17[%swap3A_301, %swap3A_302], %mul3A_300 {strides = array<i32>} : memref<64x80xf32, #tpu.memory_space<vmem>>, vector<16xf32>,
        %get3A_304 = arith.index_cast %scan3A_280 : i32 to index
        %get3A_305 = arith.constant 48 : index
        %get3A_306 = tpu.vector_load %arg15[%get3A_304, %get3A_305] {strides = array<i32>} : memref<64x64xf32, #tpu.memory_space<vmem>>, vector<16xf32>,
        %mul3A_307 = arith.mulf %get3A_306, %gather3A_282 : vector<16xf32>
        %swap3A_308 = arith.index_cast %scan3A_280 : i32 to index
        %swap3A_309 = arith.constant 48 : index
        %swap3A_310 = tpu.vector_load %arg17[%swap3A_308, %swap3A_309] {strides = array<i32>} : memref<64x80xf32, #tpu.memory_space<vmem>>, vector<16xf32>,
        tpu.vector_store %arg17[%swap3A_308, %swap3A_309], %mul3A_307 {strides = array<i32>} : memref<64x80xf32, #tpu.memory_space<vmem>>, vector<16xf32>,
        %mul3A_311 = arith.mulf %gather3A_282, %select_n3A : vector<16xf32>
        %swap3A_312 = arith.index_cast %scan3A_280 : i32 to index
        %swap3A_313 = arith.constant 64 : index
        %swap3A_314 = tpu.vector_load %arg17[%swap3A_312, %swap3A_313] {strides = array<i32>} : memref<64x80xf32, #tpu.memory_space<vmem>>, vector<16xf32>,
        tpu.vector_store %arg17[%swap3A_312, %swap3A_313], %mul3A_311 {strides = array<i32>} : memref<64x80xf32, #tpu.memory_space<vmem>>, vector<16xf32>,
      }
      %scan3A_273 = arith.constant 64 : i32
      %dma_start3A_274 = arith.constant 0 : i32
      %dma_start3A_275 = tpu.memref_slice %arg9[%add3A_181, %dma_start3A_274] : memref<162x64xi32, #tpu.memory_space<vmem>> -> memref<1x64xi32, #tpu.memory_space<vmem>>
      %dma_start3A_276 = tpu.memref_squeeze %dma_start3A_275 : memref<1x64xi32, #tpu.memory_space<vmem>> -> memref<64xi32, #tpu.memory_space<vmem>>
      %dma_start3A_277 = arith.constant 0 : i32
      %dma_start3A_278 = arith.constant 0 : i32
      %dma_start3A_279 = tpu.memref_slice %arg23[%dma_start3A_277, %dma_start3A_278] : memref<10240x80xf32, #tpu.memory_space<vmem_shared>> -> memref<10240x80xf32, #tpu.memory_space<vmem_shared>>
      tpu.enqueue_indirect_dma source(%arg17 : memref<64x80xf32, #tpu.memory_space<vmem>>) target(%dma_start3A_279 : memref<10240x80xf32, #tpu.memory_space<vmem_shared>>) offsets(%dma_start3A_276 : memref<64xi32, #tpu.memory_space<vmem>>) semaphore(%arg22 : memref<!tpu.dma_semaphore, #tpu.memory_space<semaphore_mem>>) {add = true}
    }
    %scan3A_65 = arith.constant 81 : i32
    %dma_wait3A = arith.constant 160 : i32
    %dma_wait3A_66 = arith.constant 0 : i32
    %dma_wait3A_67 = tpu.memref_slice %arg9[%dma_wait3A, %dma_wait3A_66] : memref<162x64xi32, #tpu.memory_space<vmem>> -> memref<1x64xi32, #tpu.memory_space<vmem>>
    %dma_wait3A_68 = tpu.memref_squeeze %dma_wait3A_67 : memref<1x64xi32, #tpu.memory_space<vmem>> -> memref<64xi32, #tpu.memory_space<vmem>>
    %dma_wait3A_69 = arith.constant 0 : i32
    %dma_wait3A_70 = arith.constant 0 : i32
    %dma_wait3A_71 = tpu.memref_slice %arg23[%dma_wait3A_69, %dma_wait3A_70] : memref<10240x80xf32, #tpu.memory_space<vmem_shared>> -> memref<10240x80xf32, #tpu.memory_space<vmem_shared>>
    tpu.wait_indirect_dma semaphore(%arg21 : memref<!tpu.dma_semaphore, #tpu.memory_space<semaphore_mem>>) src(%arg16 : memref<64x80xf32, #tpu.memory_space<vmem>>) dst(%dma_wait3A_71 : memref<10240x80xf32, #tpu.memory_space<vmem_shared>>)
    %dma_wait3A_72 = arith.constant 161 : i32
    %dma_wait3A_73 = arith.constant 0 : i32
    %dma_wait3A_74 = tpu.memref_slice %arg9[%dma_wait3A_72, %dma_wait3A_73] : memref<162x64xi32, #tpu.memory_space<vmem>> -> memref<1x64xi32, #tpu.memory_space<vmem>>
    %dma_wait3A_75 = tpu.memref_squeeze %dma_wait3A_74 : memref<1x64xi32, #tpu.memory_space<vmem>> -> memref<64xi32, #tpu.memory_space<vmem>>
    %dma_wait3A_76 = arith.constant 0 : i32
    %dma_wait3A_77 = arith.constant 0 : i32
    %dma_wait3A_78 = tpu.memref_slice %arg23[%dma_wait3A_76, %dma_wait3A_77] : memref<10240x80xf32, #tpu.memory_space<vmem_shared>> -> memref<10240x80xf32, #tpu.memory_space<vmem_shared>>
    tpu.wait_indirect_dma semaphore(%arg22 : memref<!tpu.dma_semaphore, #tpu.memory_space<semaphore_mem>>) src(%arg17 : memref<64x80xf32, #tpu.memory_space<vmem>>) dst(%dma_wait3A_78 : memref<10240x80xf32, #tpu.memory_space<vmem_shared>>)
    %barrier3A_79 = arith.constant 0 : index
    tpu.barrier barrier_id(%barrier3A_79)
    %mul3A_80 = arith.constant 640 : i32
    %mul3A_81 = arith.muli %arg1, %mul3A_80 : i32
    %mul3A_82 = arith.constant 640 : i32
    %mul3A_83 = arith.muli %arg1, %mul3A_82 : i32
    "tpu.region"() ({
      %run_scoped3A_84 = tpu.sem_alloc : memref<!tpu.dma_semaphore, #tpu.memory_space<semaphore_mem>>
      %dma_start3A_85 = arith.constant 0 : i32
      %dma_start3A_86 = tpu.memref_slice %arg7[%arg0, %mul3A_83, %dma_start3A_85] : memref<2x10240x80xf32, #tpu.memory_space<hbm>> -> memref<1x640x80xf32, #tpu.memory_space<hbm>>
      %dma_start3A_87 = tpu.memref_squeeze %dma_start3A_86 : memref<1x640x80xf32, #tpu.memory_space<hbm>> -> memref<640x80xf32, #tpu.memory_space<hbm>>
      %dma_start3A_88 = arith.constant 0 : i32
      %dma_start3A_89 = tpu.memref_slice %arg23[%mul3A_81, %dma_start3A_88] : memref<10240x80xf32, #tpu.memory_space<vmem_shared>> -> memref<640x80xf32, #tpu.memory_space<vmem_shared>>
      tpu.enqueue_dma source(%dma_start3A_89 : memref<640x80xf32, #tpu.memory_space<vmem_shared>>) target(%dma_start3A_87 : memref<640x80xf32, #tpu.memory_space<hbm>>) target_semaphore(%run_scoped3A_84 : memref<!tpu.dma_semaphore, #tpu.memory_space<semaphore_mem>>)
      %dma_wait3A_90 = arith.constant 0 : i32
      %dma_wait3A_91 = tpu.memref_slice %arg7[%arg0, %mul3A_83, %dma_wait3A_90] : memref<2x10240x80xf32, #tpu.memory_space<hbm>> -> memref<1x640x80xf32, #tpu.memory_space<hbm>>
      %dma_wait3A_92 = tpu.memref_squeeze %dma_wait3A_91 : memref<1x640x80xf32, #tpu.memory_space<hbm>> -> memref<640x80xf32, #tpu.memory_space<hbm>>
      %dma_wait3A_93 = arith.constant 0 : i32
      %dma_wait3A_94 = tpu.memref_slice %arg23[%mul3A_81, %dma_wait3A_93] : memref<10240x80xf32, #tpu.memory_space<vmem_shared>> -> memref<640x80xf32, #tpu.memory_space<vmem_shared>>
      tpu.wait_dma2 semaphore(%run_scoped3A_84 : memref<!tpu.dma_semaphore, #tpu.memory_space<semaphore_mem>>) src(%dma_wait3A_94 : memref<640x80xf32, #tpu.memory_space<vmem_shared>>) dst(%dma_wait3A_92 : memref<640x80xf32, #tpu.memory_space<hbm>>)
      tpu.yield
    }) : () -> ()
    return
  }
}

#map = affine_map<(d0, d1) -> (0, 0, 0)>
#map1 = affine_map<(d0, d1) -> (0, 0)>
#map2 = affine_map<(d0, d1) -> (0)>
module attributes {stable_mosaic.version = 14 : i64} {
  func.func @conv(%arg0: i32, %arg1: i32, %arg2: memref<32x162x64xi32, #tpu.memory_space<hbm>>, %arg3: memref<32x162x64xi32, #tpu.memory_space<hbm>>, %arg4: memref<10240x64xf32, #tpu.memory_space<hbm>>, %arg5: memref<2x10240xf32, #tpu.memory_space<hbm>>, %arg6: memref<16xf32, #tpu.memory_space<hbm>>, %arg7: memref<2x10240x80xf32, #tpu.memory_space<hbm>>, %arg8: memref<162x64xi32, #tpu.memory_space<vmem>>, %arg9: memref<162x64xi32, #tpu.memory_space<vmem>>, %arg10: memref<10240xf32, #tpu.memory_space<vmem>>, %arg11: memref<10240xf32, #tpu.memory_space<vmem>>, %arg12: memref<16xf32, #tpu.memory_space<vmem>>, %arg13: memref<64xf32, #tpu.memory_space<vmem>>, %arg14: memref<64x64xf32, #tpu.memory_space<vmem>>, %arg15: memref<64x64xf32, #tpu.memory_space<vmem>>, %arg16: memref<64x80xf32, #tpu.memory_space<vmem>>, %arg17: memref<64x80xf32, #tpu.memory_space<vmem>>, %arg18: memref<64x80xf32, #tpu.memory_space<vmem>>, %arg19: memref<!tpu.dma_semaphore, #tpu.memory_space<semaphore_mem>>, %arg20: memref<!tpu.dma_semaphore, #tpu.memory_space<semaphore_mem>>, %arg21: memref<!tpu.dma_semaphore, #tpu.memory_space<semaphore_mem>>, %arg22: memref<!tpu.dma_semaphore, #tpu.memory_space<semaphore_mem>>, %arg23: memref<10240x80xf32, #tpu.memory_space<vmem_shared>>) attributes {dimension_semantics = [#tpu.dimension_semantics<core_parallel>, #tpu.dimension_semantics<subcore_parallel>], iteration_bounds = array<i64: 2, 16>, scalar_prefetch = 0 : i64, scratch_operands = 16 : i64, tpu.core_type = #tpu.core_type<sc_vector_subcore>, window_params = [{transform_indices = #map}, {transform_indices = #map}, {transform_indices = #map1}, {transform_indices = #map1}, {transform_indices = #map2}, {transform_indices = #map}]} {
    %mul3A = arith.constant 16 : i32
    %mul3A_0 = arith.muli %arg0, %mul3A : i32
    %add3A = arith.addi %mul3A_0, %arg1 : i32
    "tpu.region"() ({
      %run_scoped3A_84 = tpu.sem_alloc : memref<!tpu.dma_semaphore, #tpu.memory_space<semaphore_mem>>
      %dma_start3A_85 = arith.constant 0 : i32
      %dma_start3A_86 = arith.constant 0 : i32
      %dma_start3A_87 = tpu.memref_slice %arg2[%add3A, %dma_start3A_85, %dma_start3A_86] : memref<32x162x64xi32, #tpu.memory_space<hbm>> -> memref<1x162x64xi32, #tpu.memory_space<hbm>>
      %dma_start3A_88 = tpu.memref_squeeze %dma_start3A_87 : memref<1x162x64xi32, #tpu.memory_space<hbm>> -> memref<162x64xi32, #tpu.memory_space<hbm>>
      %dma_start3A_89 = arith.constant 0 : i32
      %dma_start3A_90 = arith.constant 0 : i32
      %dma_start3A_91 = tpu.memref_slice %arg2[%add3A, %dma_start3A_89, %dma_start3A_90] : memref<32x162x64xi32, #tpu.memory_space<hbm>> -> memref<1x162x64xi32, #tpu.memory_space<hbm>>
      %dma_start3A_92 = tpu.memref_squeeze %dma_start3A_91 : memref<1x162x64xi32, #tpu.memory_space<hbm>> -> memref<162x64xi32, #tpu.memory_space<hbm>>
      tpu.enqueue_dma source(%dma_start3A_92 : memref<162x64xi32, #tpu.memory_space<hbm>>) target(%arg8 : memref<162x64xi32, #tpu.memory_space<vmem>>) target_semaphore(%run_scoped3A_84 : memref<!tpu.dma_semaphore, #tpu.memory_space<semaphore_mem>>)
      %dma_wait3A_93 = arith.constant 0 : i32
      %dma_wait3A_94 = arith.constant 0 : i32
      %dma_wait3A_95 = tpu.memref_slice %arg2[%add3A, %dma_wait3A_93, %dma_wait3A_94] : memref<32x162x64xi32, #tpu.memory_space<hbm>> -> memref<1x162x64xi32, #tpu.memory_space<hbm>>
      %dma_wait3A_96 = tpu.memref_squeeze %dma_wait3A_95 : memref<1x162x64xi32, #tpu.memory_space<hbm>> -> memref<162x64xi32, #tpu.memory_space<hbm>>
      %dma_wait3A_97 = arith.constant 0 : i32
      %dma_wait3A_98 = arith.constant 0 : i32
      %dma_wait3A_99 = tpu.memref_slice %arg2[%add3A, %dma_wait3A_97, %dma_wait3A_98] : memref<32x162x64xi32, #tpu.memory_space<hbm>> -> memref<1x162x64xi32, #tpu.memory_space<hbm>>
      %dma_wait3A_100 = tpu.memref_squeeze %dma_wait3A_99 : memref<1x162x64xi32, #tpu.memory_space<hbm>> -> memref<162x64xi32, #tpu.memory_space<hbm>>
      tpu.wait_dma2 semaphore(%run_scoped3A_84 : memref<!tpu.dma_semaphore, #tpu.memory_space<semaphore_mem>>) src(%dma_wait3A_100 : memref<162x64xi32, #tpu.memory_space<hbm>>) dst(%arg8 : memref<162x64xi32, #tpu.memory_space<vmem>>)
      tpu.yield
    }) : () -> ()
    "tpu.region"() ({
      %run_scoped3A_84 = tpu.sem_alloc : memref<!tpu.dma_semaphore, #tpu.memory_space<semaphore_mem>>
      %dma_start3A_85 = arith.constant 0 : i32
      %dma_start3A_86 = arith.constant 0 : i32
      %dma_start3A_87 = tpu.memref_slice %arg3[%add3A, %dma_start3A_85, %dma_start3A_86] : memref<32x162x64xi32, #tpu.memory_space<hbm>> -> memref<1x162x64xi32, #tpu.memory_space<hbm>>
      %dma_start3A_88 = tpu.memref_squeeze %dma_start3A_87 : memref<1x162x64xi32, #tpu.memory_space<hbm>> -> memref<162x64xi32, #tpu.memory_space<hbm>>
      %dma_start3A_89 = arith.constant 0 : i32
      %dma_start3A_90 = arith.constant 0 : i32
      %dma_start3A_91 = tpu.memref_slice %arg3[%add3A, %dma_start3A_89, %dma_start3A_90] : memref<32x162x64xi32, #tpu.memory_space<hbm>> -> memref<1x162x64xi32, #tpu.memory_space<hbm>>
      %dma_start3A_92 = tpu.memref_squeeze %dma_start3A_91 : memref<1x162x64xi32, #tpu.memory_space<hbm>> -> memref<162x64xi32, #tpu.memory_space<hbm>>
      tpu.enqueue_dma source(%dma_start3A_92 : memref<162x64xi32, #tpu.memory_space<hbm>>) target(%arg9 : memref<162x64xi32, #tpu.memory_space<vmem>>) target_semaphore(%run_scoped3A_84 : memref<!tpu.dma_semaphore, #tpu.memory_space<semaphore_mem>>)
      %dma_wait3A_93 = arith.constant 0 : i32
      %dma_wait3A_94 = arith.constant 0 : i32
      %dma_wait3A_95 = tpu.memref_slice %arg3[%add3A, %dma_wait3A_93, %dma_wait3A_94] : memref<32x162x64xi32, #tpu.memory_space<hbm>> -> memref<1x162x64xi32, #tpu.memory_space<hbm>>
      %dma_wait3A_96 = tpu.memref_squeeze %dma_wait3A_95 : memref<1x162x64xi32, #tpu.memory_space<hbm>> -> memref<162x64xi32, #tpu.memory_space<hbm>>
      %dma_wait3A_97 = arith.constant 0 : i32
      %dma_wait3A_98 = arith.constant 0 : i32
      %dma_wait3A_99 = tpu.memref_slice %arg3[%add3A, %dma_wait3A_97, %dma_wait3A_98] : memref<32x162x64xi32, #tpu.memory_space<hbm>> -> memref<1x162x64xi32, #tpu.memory_space<hbm>>
      %dma_wait3A_100 = tpu.memref_squeeze %dma_wait3A_99 : memref<1x162x64xi32, #tpu.memory_space<hbm>> -> memref<162x64xi32, #tpu.memory_space<hbm>>
      tpu.wait_dma2 semaphore(%run_scoped3A_84 : memref<!tpu.dma_semaphore, #tpu.memory_space<semaphore_mem>>) src(%dma_wait3A_100 : memref<162x64xi32, #tpu.memory_space<hbm>>) dst(%arg9 : memref<162x64xi32, #tpu.memory_space<vmem>>)
      tpu.yield
    }) : () -> ()
    %run_scoped3A = arith.constant 0 : i32
    "tpu.region"() ({
      %run_scoped3A_84 = tpu.sem_alloc : memref<!tpu.dma_semaphore, #tpu.memory_space<semaphore_mem>>
      %dma_start3A_85 = arith.constant 0 : i32
      %dma_start3A_86 = tpu.memref_slice %arg5[%run_scoped3A, %dma_start3A_85] : memref<2x10240xf32, #tpu.memory_space<hbm>> -> memref<1x10240xf32, #tpu.memory_space<hbm>>
      %dma_start3A_87 = tpu.memref_squeeze %dma_start3A_86 : memref<1x10240xf32, #tpu.memory_space<hbm>> -> memref<10240xf32, #tpu.memory_space<hbm>>
      %dma_start3A_88 = arith.constant 0 : i32
      %dma_start3A_89 = tpu.memref_slice %arg5[%run_scoped3A, %dma_start3A_88] : memref<2x10240xf32, #tpu.memory_space<hbm>> -> memref<1x10240xf32, #tpu.memory_space<hbm>>
      %dma_start3A_90 = tpu.memref_squeeze %dma_start3A_89 : memref<1x10240xf32, #tpu.memory_space<hbm>> -> memref<10240xf32, #tpu.memory_space<hbm>>
      tpu.enqueue_dma source(%dma_start3A_90 : memref<10240xf32, #tpu.memory_space<hbm>>) target(%arg10 : memref<10240xf32, #tpu.memory_space<vmem>>) target_semaphore(%run_scoped3A_84 : memref<!tpu.dma_semaphore, #tpu.memory_space<semaphore_mem>>)
      %dma_wait3A_91 = arith.constant 0 : i32
      %dma_wait3A_92 = tpu.memref_slice %arg5[%run_scoped3A, %dma_wait3A_91] : memref<2x10240xf32, #tpu.memory_space<hbm>> -> memref<1x10240xf32, #tpu.memory_space<hbm>>
      %dma_wait3A_93 = tpu.memref_squeeze %dma_wait3A_92 : memref<1x10240xf32, #tpu.memory_space<hbm>> -> memref<10240xf32, #tpu.memory_space<hbm>>
      %dma_wait3A_94 = arith.constant 0 : i32
      %dma_wait3A_95 = tpu.memref_slice %arg5[%run_scoped3A, %dma_wait3A_94] : memref<2x10240xf32, #tpu.memory_space<hbm>> -> memref<1x10240xf32, #tpu.memory_space<hbm>>
      %dma_wait3A_96 = tpu.memref_squeeze %dma_wait3A_95 : memref<1x10240xf32, #tpu.memory_space<hbm>> -> memref<10240xf32, #tpu.memory_space<hbm>>
      tpu.wait_dma2 semaphore(%run_scoped3A_84 : memref<!tpu.dma_semaphore, #tpu.memory_space<semaphore_mem>>) src(%dma_wait3A_96 : memref<10240xf32, #tpu.memory_space<hbm>>) dst(%arg10 : memref<10240xf32, #tpu.memory_space<vmem>>)
      tpu.yield
    }) : () -> ()
    %run_scoped3A_1 = arith.constant 1 : i32
    "tpu.region"() ({
      %run_scoped3A_84 = tpu.sem_alloc : memref<!tpu.dma_semaphore, #tpu.memory_space<semaphore_mem>>
      %dma_start3A_85 = arith.constant 0 : i32
      %dma_start3A_86 = tpu.memref_slice %arg5[%run_scoped3A_1, %dma_start3A_85] : memref<2x10240xf32, #tpu.memory_space<hbm>> -> memref<1x10240xf32, #tpu.memory_space<hbm>>
      %dma_start3A_87 = tpu.memref_squeeze %dma_start3A_86 : memref<1x10240xf32, #tpu.memory_space<hbm>> -> memref<10240xf32, #tpu.memory_space<hbm>>
      %dma_start3A_88 = arith.constant 0 : i32
      %dma_start3A_89 = tpu.memref_slice %arg5[%run_scoped3A_1, %dma_start3A_88] : memref<2x10240xf32, #tpu.memory_space<hbm>> -> memref<1x10240xf32, #tpu.memory_space<hbm>>
      %dma_start3A_90 = tpu.memref_squeeze %dma_start3A_89 : memref<1x10240xf32, #tpu.memory_space<hbm>> -> memref<10240xf32, #tpu.memory_space<hbm>>
      tpu.enqueue_dma source(%dma_start3A_90 : memref<10240xf32, #tpu.memory_space<hbm>>) target(%arg11 : memref<10240xf32, #tpu.memory_space<vmem>>) target_semaphore(%run_scoped3A_84 : memref<!tpu.dma_semaphore, #tpu.memory_space<semaphore_mem>>)
      %dma_wait3A_91 = arith.constant 0 : i32
      %dma_wait3A_92 = tpu.memref_slice %arg5[%run_scoped3A_1, %dma_wait3A_91] : memref<2x10240xf32, #tpu.memory_space<hbm>> -> memref<1x10240xf32, #tpu.memory_space<hbm>>
      %dma_wait3A_93 = tpu.memref_squeeze %dma_wait3A_92 : memref<1x10240xf32, #tpu.memory_space<hbm>> -> memref<10240xf32, #tpu.memory_space<hbm>>
      %dma_wait3A_94 = arith.constant 0 : i32
      %dma_wait3A_95 = tpu.memref_slice %arg5[%run_scoped3A_1, %dma_wait3A_94] : memref<2x10240xf32, #tpu.memory_space<hbm>> -> memref<1x10240xf32, #tpu.memory_space<hbm>>
      %dma_wait3A_96 = tpu.memref_squeeze %dma_wait3A_95 : memref<1x10240xf32, #tpu.memory_space<hbm>> -> memref<10240xf32, #tpu.memory_space<hbm>>
      tpu.wait_dma2 semaphore(%run_scoped3A_84 : memref<!tpu.dma_semaphore, #tpu.memory_space<semaphore_mem>>) src(%dma_wait3A_96 : memref<10240xf32, #tpu.memory_space<hbm>>) dst(%arg11 : memref<10240xf32, #tpu.memory_space<vmem>>)
      tpu.yield
    }) : () -> ()
    "tpu.region"() ({
      %run_scoped3A_84 = tpu.sem_alloc : memref<!tpu.dma_semaphore, #tpu.memory_space<semaphore_mem>>
      tpu.enqueue_dma source(%arg6 : memref<16xf32, #tpu.memory_space<hbm>>) target(%arg12 : memref<16xf32, #tpu.memory_space<vmem>>) target_semaphore(%run_scoped3A_84 : memref<!tpu.dma_semaphore, #tpu.memory_space<semaphore_mem>>)
      tpu.wait_dma2 semaphore(%run_scoped3A_84 : memref<!tpu.dma_semaphore, #tpu.memory_space<semaphore_mem>>) src(%arg6 : memref<16xf32, #tpu.memory_space<hbm>>) dst(%arg12 : memref<16xf32, #tpu.memory_space<vmem>>)
      tpu.yield
    }) : () -> ()
    %broadcast_in_dim3A = arith.constant 0.000000e+00 : f32
    %broadcast_in_dim3A_2 = vector.broadcast %broadcast_in_dim3A : f32 to vector<16xf32>
    %scan3A = arith.constant 0 : i32
    %scan3A_3 = arith.constant 0 : i32
    %scan3A_4 = arith.constant 64 : i32
    %scan3A_5 = arith.addi %scan3A_3, %scan3A_4 : i32
    %scan3A_6 = arith.constant 1 : i32
    scf.for %scan3A_84 = %scan3A_3 to %scan3A_5 step %scan3A_6  : i32 {
      %swap3A = arith.index_cast %scan3A_84 : i32 to index
      %swap3A_85 = arith.constant 0 : index
      %swap3A_86 = tpu.vector_load %arg18[%swap3A, %swap3A_85] {strides = array<i32>} : memref<64x80xf32, #tpu.memory_space<vmem>>, vector<16xf32>,
      tpu.vector_store %arg18[%swap3A, %swap3A_85], %broadcast_in_dim3A_2 {strides = array<i32>} : memref<64x80xf32, #tpu.memory_space<vmem>>, vector<16xf32>,
      %swap3A_87 = arith.index_cast %scan3A_84 : i32 to index
      %swap3A_88 = arith.constant 16 : index
      %swap3A_89 = tpu.vector_load %arg18[%swap3A_87, %swap3A_88] {strides = array<i32>} : memref<64x80xf32, #tpu.memory_space<vmem>>, vector<16xf32>,
      tpu.vector_store %arg18[%swap3A_87, %swap3A_88], %broadcast_in_dim3A_2 {strides = array<i32>} : memref<64x80xf32, #tpu.memory_space<vmem>>, vector<16xf32>,
      %swap3A_90 = arith.index_cast %scan3A_84 : i32 to index
      %swap3A_91 = arith.constant 32 : index
      %swap3A_92 = tpu.vector_load %arg18[%swap3A_90, %swap3A_91] {strides = array<i32>} : memref<64x80xf32, #tpu.memory_space<vmem>>, vector<16xf32>,
      tpu.vector_store %arg18[%swap3A_90, %swap3A_91], %broadcast_in_dim3A_2 {strides = array<i32>} : memref<64x80xf32, #tpu.memory_space<vmem>>, vector<16xf32>,
      %swap3A_93 = arith.index_cast %scan3A_84 : i32 to index
      %swap3A_94 = arith.constant 48 : index
      %swap3A_95 = tpu.vector_load %arg18[%swap3A_93, %swap3A_94] {strides = array<i32>} : memref<64x80xf32, #tpu.memory_space<vmem>>, vector<16xf32>,
      tpu.vector_store %arg18[%swap3A_93, %swap3A_94], %broadcast_in_dim3A_2 {strides = array<i32>} : memref<64x80xf32, #tpu.memory_space<vmem>>, vector<16xf32>,
      %swap3A_96 = arith.index_cast %scan3A_84 : i32 to index
      %swap3A_97 = arith.constant 64 : index
      %swap3A_98 = tpu.vector_load %arg18[%swap3A_96, %swap3A_97] {strides = array<i32>} : memref<64x80xf32, #tpu.memory_space<vmem>>, vector<16xf32>,
      tpu.vector_store %arg18[%swap3A_96, %swap3A_97], %broadcast_in_dim3A_2 {strides = array<i32>} : memref<64x80xf32, #tpu.memory_space<vmem>>, vector<16xf32>,
    }
    %scan3A_7 = arith.constant 64 : i32
    %mul3A_8 = arith.constant 640 : i32
    %mul3A_9 = arith.muli %arg1, %mul3A_8 : i32
    %add3A_10 = arith.constant 0 : i32
    %add3A_11 = arith.addi %mul3A_9, %add3A_10 : i32
    "tpu.region"() ({
      %run_scoped3A_84 = tpu.sem_alloc : memref<!tpu.dma_semaphore, #tpu.memory_space<semaphore_mem>>
      %dma_start3A_85 = arith.constant 0 : i32
      %dma_start3A_86 = tpu.memref_slice %arg23[%add3A_11, %dma_start3A_85] : memref<10240x80xf32, #tpu.memory_space<vmem_shared>> -> memref<64x80xf32, #tpu.memory_space<vmem_shared>>
      %dma_start3A_87 = arith.constant 0 : i32
      %dma_start3A_88 = tpu.memref_slice %arg23[%add3A_11, %dma_start3A_87] : memref<10240x80xf32, #tpu.memory_space<vmem_shared>> -> memref<64x80xf32, #tpu.memory_space<vmem_shared>>
      tpu.enqueue_dma source(%arg18 : memref<64x80xf32, #tpu.memory_space<vmem>>) target(%dma_start3A_88 : memref<64x80xf32, #tpu.memory_space<vmem_shared>>) target_semaphore(%run_scoped3A_84 : memref<!tpu.dma_semaphore, #tpu.memory_space<semaphore_mem>>)
      %dma_wait3A_89 = arith.constant 0 : i32
      %dma_wait3A_90 = tpu.memref_slice %arg23[%add3A_11, %dma_wait3A_89] : memref<10240x80xf32, #tpu.memory_space<vmem_shared>> -> memref<64x80xf32, #tpu.memory_space<vmem_shared>>
      %dma_wait3A_91 = arith.constant 0 : i32
      %dma_wait3A_92 = tpu.memref_slice %arg23[%add3A_11, %dma_wait3A_91] : memref<10240x80xf32, #tpu.memory_space<vmem_shared>> -> memref<64x80xf32, #tpu.memory_space<vmem_shared>>
      tpu.wait_dma2 semaphore(%run_scoped3A_84 : memref<!tpu.dma_semaphore, #tpu.memory_space<semaphore_mem>>) src(%arg18 : memref<64x80xf32, #tpu.memory_space<vmem>>) dst(%dma_wait3A_92 : memref<64x80xf32, #tpu.memory_space<vmem_shared>>)
      tpu.yield
    }) : () -> ()
    %mul3A_12 = arith.constant 640 : i32
    %mul3A_13 = arith.muli %arg1, %mul3A_12 : i32
    %add3A_14 = arith.constant 64 : i32
    %add3A_15 = arith.addi %mul3A_13, %add3A_14 : i32
    "tpu.region"() ({
      %run_scoped3A_84 = tpu.sem_alloc : memref<!tpu.dma_semaphore, #tpu.memory_space<semaphore_mem>>
      %dma_start3A_85 = arith.constant 0 : i32
      %dma_start3A_86 = tpu.memref_slice %arg23[%add3A_15, %dma_start3A_85] : memref<10240x80xf32, #tpu.memory_space<vmem_shared>> -> memref<64x80xf32, #tpu.memory_space<vmem_shared>>
      %dma_start3A_87 = arith.constant 0 : i32
      %dma_start3A_88 = tpu.memref_slice %arg23[%add3A_15, %dma_start3A_87] : memref<10240x80xf32, #tpu.memory_space<vmem_shared>> -> memref<64x80xf32, #tpu.memory_space<vmem_shared>>
      tpu.enqueue_dma source(%arg18 : memref<64x80xf32, #tpu.memory_space<vmem>>) target(%dma_start3A_88 : memref<64x80xf32, #tpu.memory_space<vmem_shared>>) target_semaphore(%run_scoped3A_84 : memref<!tpu.dma_semaphore, #tpu.memory_space<semaphore_mem>>)
      %dma_wait3A_89 = arith.constant 0 : i32
      %dma_wait3A_90 = tpu.memref_slice %arg23[%add3A_15, %dma_wait3A_89] : memref<10240x80xf32, #tpu.memory_space<vmem_shared>> -> memref<64x80xf32, #tpu.memory_space<vmem_shared>>
      %dma_wait3A_91 = arith.constant 0 : i32
      %dma_wait3A_92 = tpu.memref_slice %arg23[%add3A_15, %dma_wait3A_91] : memref<10240x80xf32, #tpu.memory_space<vmem_shared>> -> memref<64x80xf32, #tpu.memory_space<vmem_shared>>
      tpu.wait_dma2 semaphore(%run_scoped3A_84 : memref<!tpu.dma_semaphore, #tpu.memory_space<semaphore_mem>>) src(%arg18 : memref<64x80xf32, #tpu.memory_space<vmem>>) dst(%dma_wait3A_92 : memref<64x80xf32, #tpu.memory_space<vmem_shared>>)
      tpu.yield
    }) : () -> ()
    %mul3A_16 = arith.constant 640 : i32
    %mul3A_17 = arith.muli %arg1, %mul3A_16 : i32
    %add3A_18 = arith.constant 128 : i32
    %add3A_19 = arith.addi %mul3A_17, %add3A_18 : i32
    "tpu.region"() ({
      %run_scoped3A_84 = tpu.sem_alloc : memref<!tpu.dma_semaphore, #tpu.memory_space<semaphore_mem>>
      %dma_start3A_85 = arith.constant 0 : i32
      %dma_start3A_86 = tpu.memref_slice %arg23[%add3A_19, %dma_start3A_85] : memref<10240x80xf32, #tpu.memory_space<vmem_shared>> -> memref<64x80xf32, #tpu.memory_space<vmem_shared>>
      %dma_start3A_87 = arith.constant 0 : i32
      %dma_start3A_88 = tpu.memref_slice %arg23[%add3A_19, %dma_start3A_87] : memref<10240x80xf32, #tpu.memory_space<vmem_shared>> -> memref<64x80xf32, #tpu.memory_space<vmem_shared>>
      tpu.enqueue_dma source(%arg18 : memref<64x80xf32, #tpu.memory_space<vmem>>) target(%dma_start3A_88 : memref<64x80xf32, #tpu.memory_space<vmem_shared>>) target_semaphore(%run_scoped3A_84 : memref<!tpu.dma_semaphore, #tpu.memory_space<semaphore_mem>>)
      %dma_wait3A_89 = arith.constant 0 : i32
      %dma_wait3A_90 = tpu.memref_slice %arg23[%add3A_19, %dma_wait3A_89] : memref<10240x80xf32, #tpu.memory_space<vmem_shared>> -> memref<64x80xf32, #tpu.memory_space<vmem_shared>>
      %dma_wait3A_91 = arith.constant 0 : i32
      %dma_wait3A_92 = tpu.memref_slice %arg23[%add3A_19, %dma_wait3A_91] : memref<10240x80xf32, #tpu.memory_space<vmem_shared>> -> memref<64x80xf32, #tpu.memory_space<vmem_shared>>
      tpu.wait_dma2 semaphore(%run_scoped3A_84 : memref<!tpu.dma_semaphore, #tpu.memory_space<semaphore_mem>>) src(%arg18 : memref<64x80xf32, #tpu.memory_space<vmem>>) dst(%dma_wait3A_92 : memref<64x80xf32, #tpu.memory_space<vmem_shared>>)
      tpu.yield
    }) : () -> ()
    %mul3A_20 = arith.constant 640 : i32
    %mul3A_21 = arith.muli %arg1, %mul3A_20 : i32
    %add3A_22 = arith.constant 192 : i32
    %add3A_23 = arith.addi %mul3A_21, %add3A_22 : i32
    "tpu.region"() ({
      %run_scoped3A_84 = tpu.sem_alloc : memref<!tpu.dma_semaphore, #tpu.memory_space<semaphore_mem>>
      %dma_start3A_85 = arith.constant 0 : i32
      %dma_start3A_86 = tpu.memref_slice %arg23[%add3A_23, %dma_start3A_85] : memref<10240x80xf32, #tpu.memory_space<vmem_shared>> -> memref<64x80xf32, #tpu.memory_space<vmem_shared>>
      %dma_start3A_87 = arith.constant 0 : i32
      %dma_start3A_88 = tpu.memref_slice %arg23[%add3A_23, %dma_start3A_87] : memref<10240x80xf32, #tpu.memory_space<vmem_shared>> -> memref<64x80xf32, #tpu.memory_space<vmem_shared>>
      tpu.enqueue_dma source(%arg18 : memref<64x80xf32, #tpu.memory_space<vmem>>) target(%dma_start3A_88 : memref<64x80xf32, #tpu.memory_space<vmem_shared>>) target_semaphore(%run_scoped3A_84 : memref<!tpu.dma_semaphore, #tpu.memory_space<semaphore_mem>>)
      %dma_wait3A_89 = arith.constant 0 : i32
      %dma_wait3A_90 = tpu.memref_slice %arg23[%add3A_23, %dma_wait3A_89] : memref<10240x80xf32, #tpu.memory_space<vmem_shared>> -> memref<64x80xf32, #tpu.memory_space<vmem_shared>>
      %dma_wait3A_91 = arith.constant 0 : i32
      %dma_wait3A_92 = tpu.memref_slice %arg23[%add3A_23, %dma_wait3A_91] : memref<10240x80xf32, #tpu.memory_space<vmem_shared>> -> memref<64x80xf32, #tpu.memory_space<vmem_shared>>
      tpu.wait_dma2 semaphore(%run_scoped3A_84 : memref<!tpu.dma_semaphore, #tpu.memory_space<semaphore_mem>>) src(%arg18 : memref<64x80xf32, #tpu.memory_space<vmem>>) dst(%dma_wait3A_92 : memref<64x80xf32, #tpu.memory_space<vmem_shared>>)
      tpu.yield
    }) : () -> ()
    %mul3A_24 = arith.constant 640 : i32
    %mul3A_25 = arith.muli %arg1, %mul3A_24 : i32
    %add3A_26 = arith.constant 256 : i32
    %add3A_27 = arith.addi %mul3A_25, %add3A_26 : i32
    "tpu.region"() ({
      %run_scoped3A_84 = tpu.sem_alloc : memref<!tpu.dma_semaphore, #tpu.memory_space<semaphore_mem>>
      %dma_start3A_85 = arith.constant 0 : i32
      %dma_start3A_86 = tpu.memref_slice %arg23[%add3A_27, %dma_start3A_85] : memref<10240x80xf32, #tpu.memory_space<vmem_shared>> -> memref<64x80xf32, #tpu.memory_space<vmem_shared>>
      %dma_start3A_87 = arith.constant 0 : i32
      %dma_start3A_88 = tpu.memref_slice %arg23[%add3A_27, %dma_start3A_87] : memref<10240x80xf32, #tpu.memory_space<vmem_shared>> -> memref<64x80xf32, #tpu.memory_space<vmem_shared>>
      tpu.enqueue_dma source(%arg18 : memref<64x80xf32, #tpu.memory_space<vmem>>) target(%dma_start3A_88 : memref<64x80xf32, #tpu.memory_space<vmem_shared>>) target_semaphore(%run_scoped3A_84 : memref<!tpu.dma_semaphore, #tpu.memory_space<semaphore_mem>>)
      %dma_wait3A_89 = arith.constant 0 : i32
      %dma_wait3A_90 = tpu.memref_slice %arg23[%add3A_27, %dma_wait3A_89] : memref<10240x80xf32, #tpu.memory_space<vmem_shared>> -> memref<64x80xf32, #tpu.memory_space<vmem_shared>>
      %dma_wait3A_91 = arith.constant 0 : i32
      %dma_wait3A_92 = tpu.memref_slice %arg23[%add3A_27, %dma_wait3A_91] : memref<10240x80xf32, #tpu.memory_space<vmem_shared>> -> memref<64x80xf32, #tpu.memory_space<vmem_shared>>
      tpu.wait_dma2 semaphore(%run_scoped3A_84 : memref<!tpu.dma_semaphore, #tpu.memory_space<semaphore_mem>>) src(%arg18 : memref<64x80xf32, #tpu.memory_space<vmem>>) dst(%dma_wait3A_92 : memref<64x80xf32, #tpu.memory_space<vmem_shared>>)
      tpu.yield
    }) : () -> ()
    %mul3A_28 = arith.constant 640 : i32
    %mul3A_29 = arith.muli %arg1, %mul3A_28 : i32
    %add3A_30 = arith.constant 320 : i32
    %add3A_31 = arith.addi %mul3A_29, %add3A_30 : i32
    "tpu.region"() ({
      %run_scoped3A_84 = tpu.sem_alloc : memref<!tpu.dma_semaphore, #tpu.memory_space<semaphore_mem>>
      %dma_start3A_85 = arith.constant 0 : i32
      %dma_start3A_86 = tpu.memref_slice %arg23[%add3A_31, %dma_start3A_85] : memref<10240x80xf32, #tpu.memory_space<vmem_shared>> -> memref<64x80xf32, #tpu.memory_space<vmem_shared>>
      %dma_start3A_87 = arith.constant 0 : i32
      %dma_start3A_88 = tpu.memref_slice %arg23[%add3A_31, %dma_start3A_87] : memref<10240x80xf32, #tpu.memory_space<vmem_shared>> -> memref<64x80xf32, #tpu.memory_space<vmem_shared>>
      tpu.enqueue_dma source(%arg18 : memref<64x80xf32, #tpu.memory_space<vmem>>) target(%dma_start3A_88 : memref<64x80xf32, #tpu.memory_space<vmem_shared>>) target_semaphore(%run_scoped3A_84 : memref<!tpu.dma_semaphore, #tpu.memory_space<semaphore_mem>>)
      %dma_wait3A_89 = arith.constant 0 : i32
      %dma_wait3A_90 = tpu.memref_slice %arg23[%add3A_31, %dma_wait3A_89] : memref<10240x80xf32, #tpu.memory_space<vmem_shared>> -> memref<64x80xf32, #tpu.memory_space<vmem_shared>>
      %dma_wait3A_91 = arith.constant 0 : i32
      %dma_wait3A_92 = tpu.memref_slice %arg23[%add3A_31, %dma_wait3A_91] : memref<10240x80xf32, #tpu.memory_space<vmem_shared>> -> memref<64x80xf32, #tpu.memory_space<vmem_shared>>
      tpu.wait_dma2 semaphore(%run_scoped3A_84 : memref<!tpu.dma_semaphore, #tpu.memory_space<semaphore_mem>>) src(%arg18 : memref<64x80xf32, #tpu.memory_space<vmem>>) dst(%dma_wait3A_92 : memref<64x80xf32, #tpu.memory_space<vmem_shared>>)
      tpu.yield
    }) : () -> ()
    %mul3A_32 = arith.constant 640 : i32
    %mul3A_33 = arith.muli %arg1, %mul3A_32 : i32
    %add3A_34 = arith.constant 384 : i32
    %add3A_35 = arith.addi %mul3A_33, %add3A_34 : i32
    "tpu.region"() ({
      %run_scoped3A_84 = tpu.sem_alloc : memref<!tpu.dma_semaphore, #tpu.memory_space<semaphore_mem>>
      %dma_start3A_85 = arith.constant 0 : i32
      %dma_start3A_86 = tpu.memref_slice %arg23[%add3A_35, %dma_start3A_85] : memref<10240x80xf32, #tpu.memory_space<vmem_shared>> -> memref<64x80xf32, #tpu.memory_space<vmem_shared>>
      %dma_start3A_87 = arith.constant 0 : i32
      %dma_start3A_88 = tpu.memref_slice %arg23[%add3A_35, %dma_start3A_87] : memref<10240x80xf32, #tpu.memory_space<vmem_shared>> -> memref<64x80xf32, #tpu.memory_space<vmem_shared>>
      tpu.enqueue_dma source(%arg18 : memref<64x80xf32, #tpu.memory_space<vmem>>) target(%dma_start3A_88 : memref<64x80xf32, #tpu.memory_space<vmem_shared>>) target_semaphore(%run_scoped3A_84 : memref<!tpu.dma_semaphore, #tpu.memory_space<semaphore_mem>>)
      %dma_wait3A_89 = arith.constant 0 : i32
      %dma_wait3A_90 = tpu.memref_slice %arg23[%add3A_35, %dma_wait3A_89] : memref<10240x80xf32, #tpu.memory_space<vmem_shared>> -> memref<64x80xf32, #tpu.memory_space<vmem_shared>>
      %dma_wait3A_91 = arith.constant 0 : i32
      %dma_wait3A_92 = tpu.memref_slice %arg23[%add3A_35, %dma_wait3A_91] : memref<10240x80xf32, #tpu.memory_space<vmem_shared>> -> memref<64x80xf32, #tpu.memory_space<vmem_shared>>
      tpu.wait_dma2 semaphore(%run_scoped3A_84 : memref<!tpu.dma_semaphore, #tpu.memory_space<semaphore_mem>>) src(%arg18 : memref<64x80xf32, #tpu.memory_space<vmem>>) dst(%dma_wait3A_92 : memref<64x80xf32, #tpu.memory_space<vmem_shared>>)
      tpu.yield
    }) : () -> ()
    %mul3A_36 = arith.constant 640 : i32
    %mul3A_37 = arith.muli %arg1, %mul3A_36 : i32
    %add3A_38 = arith.constant 448 : i32
    %add3A_39 = arith.addi %mul3A_37, %add3A_38 : i32
    "tpu.region"() ({
      %run_scoped3A_84 = tpu.sem_alloc : memref<!tpu.dma_semaphore, #tpu.memory_space<semaphore_mem>>
      %dma_start3A_85 = arith.constant 0 : i32
      %dma_start3A_86 = tpu.memref_slice %arg23[%add3A_39, %dma_start3A_85] : memref<10240x80xf32, #tpu.memory_space<vmem_shared>> -> memref<64x80xf32, #tpu.memory_space<vmem_shared>>
      %dma_start3A_87 = arith.constant 0 : i32
      %dma_start3A_88 = tpu.memref_slice %arg23[%add3A_39, %dma_start3A_87] : memref<10240x80xf32, #tpu.memory_space<vmem_shared>> -> memref<64x80xf32, #tpu.memory_space<vmem_shared>>
      tpu.enqueue_dma source(%arg18 : memref<64x80xf32, #tpu.memory_space<vmem>>) target(%dma_start3A_88 : memref<64x80xf32, #tpu.memory_space<vmem_shared>>) target_semaphore(%run_scoped3A_84 : memref<!tpu.dma_semaphore, #tpu.memory_space<semaphore_mem>>)
      %dma_wait3A_89 = arith.constant 0 : i32
      %dma_wait3A_90 = tpu.memref_slice %arg23[%add3A_39, %dma_wait3A_89] : memref<10240x80xf32, #tpu.memory_space<vmem_shared>> -> memref<64x80xf32, #tpu.memory_space<vmem_shared>>
      %dma_wait3A_91 = arith.constant 0 : i32
      %dma_wait3A_92 = tpu.memref_slice %arg23[%add3A_39, %dma_wait3A_91] : memref<10240x80xf32, #tpu.memory_space<vmem_shared>> -> memref<64x80xf32, #tpu.memory_space<vmem_shared>>
      tpu.wait_dma2 semaphore(%run_scoped3A_84 : memref<!tpu.dma_semaphore, #tpu.memory_space<semaphore_mem>>) src(%arg18 : memref<64x80xf32, #tpu.memory_space<vmem>>) dst(%dma_wait3A_92 : memref<64x80xf32, #tpu.memory_space<vmem_shared>>)
      tpu.yield
    }) : () -> ()
    %mul3A_40 = arith.constant 640 : i32
    %mul3A_41 = arith.muli %arg1, %mul3A_40 : i32
    %add3A_42 = arith.constant 512 : i32
    %add3A_43 = arith.addi %mul3A_41, %add3A_42 : i32
    "tpu.region"() ({
      %run_scoped3A_84 = tpu.sem_alloc : memref<!tpu.dma_semaphore, #tpu.memory_space<semaphore_mem>>
      %dma_start3A_85 = arith.constant 0 : i32
      %dma_start3A_86 = tpu.memref_slice %arg23[%add3A_43, %dma_start3A_85] : memref<10240x80xf32, #tpu.memory_space<vmem_shared>> -> memref<64x80xf32, #tpu.memory_space<vmem_shared>>
      %dma_start3A_87 = arith.constant 0 : i32
      %dma_start3A_88 = tpu.memref_slice %arg23[%add3A_43, %dma_start3A_87] : memref<10240x80xf32, #tpu.memory_space<vmem_shared>> -> memref<64x80xf32, #tpu.memory_space<vmem_shared>>
      tpu.enqueue_dma source(%arg18 : memref<64x80xf32, #tpu.memory_space<vmem>>) target(%dma_start3A_88 : memref<64x80xf32, #tpu.memory_space<vmem_shared>>) target_semaphore(%run_scoped3A_84 : memref<!tpu.dma_semaphore, #tpu.memory_space<semaphore_mem>>)
      %dma_wait3A_89 = arith.constant 0 : i32
      %dma_wait3A_90 = tpu.memref_slice %arg23[%add3A_43, %dma_wait3A_89] : memref<10240x80xf32, #tpu.memory_space<vmem_shared>> -> memref<64x80xf32, #tpu.memory_space<vmem_shared>>
      %dma_wait3A_91 = arith.constant 0 : i32
      %dma_wait3A_92 = tpu.memref_slice %arg23[%add3A_43, %dma_wait3A_91] : memref<10240x80xf32, #tpu.memory_space<vmem_shared>> -> memref<64x80xf32, #tpu.memory_space<vmem_shared>>
      tpu.wait_dma2 semaphore(%run_scoped3A_84 : memref<!tpu.dma_semaphore, #tpu.memory_space<semaphore_mem>>) src(%arg18 : memref<64x80xf32, #tpu.memory_space<vmem>>) dst(%dma_wait3A_92 : memref<64x80xf32, #tpu.memory_space<vmem_shared>>)
      tpu.yield
    }) : () -> ()
    %mul3A_44 = arith.constant 640 : i32
    %mul3A_45 = arith.muli %arg1, %mul3A_44 : i32
    %add3A_46 = arith.constant 576 : i32
    %add3A_47 = arith.addi %mul3A_45, %add3A_46 : i32
    "tpu.region"() ({
      %run_scoped3A_84 = tpu.sem_alloc : memref<!tpu.dma_semaphore, #tpu.memory_space<semaphore_mem>>
      %dma_start3A_85 = arith.constant 0 : i32
      %dma_start3A_86 = tpu.memref_slice %arg23[%add3A_47, %dma_start3A_85] : memref<10240x80xf32, #tpu.memory_space<vmem_shared>> -> memref<64x80xf32, #tpu.memory_space<vmem_shared>>
      %dma_start3A_87 = arith.constant 0 : i32
      %dma_start3A_88 = tpu.memref_slice %arg23[%add3A_47, %dma_start3A_87] : memref<10240x80xf32, #tpu.memory_space<vmem_shared>> -> memref<64x80xf32, #tpu.memory_space<vmem_shared>>
      tpu.enqueue_dma source(%arg18 : memref<64x80xf32, #tpu.memory_space<vmem>>) target(%dma_start3A_88 : memref<64x80xf32, #tpu.memory_space<vmem_shared>>) target_semaphore(%run_scoped3A_84 : memref<!tpu.dma_semaphore, #tpu.memory_space<semaphore_mem>>)
      %dma_wait3A_89 = arith.constant 0 : i32
      %dma_wait3A_90 = tpu.memref_slice %arg23[%add3A_47, %dma_wait3A_89] : memref<10240x80xf32, #tpu.memory_space<vmem_shared>> -> memref<64x80xf32, #tpu.memory_space<vmem_shared>>
      %dma_wait3A_91 = arith.constant 0 : i32
      %dma_wait3A_92 = tpu.memref_slice %arg23[%add3A_47, %dma_wait3A_91] : memref<10240x80xf32, #tpu.memory_space<vmem_shared>> -> memref<64x80xf32, #tpu.memory_space<vmem_shared>>
      tpu.wait_dma2 semaphore(%run_scoped3A_84 : memref<!tpu.dma_semaphore, #tpu.memory_space<semaphore_mem>>) src(%arg18 : memref<64x80xf32, #tpu.memory_space<vmem>>) dst(%dma_wait3A_92 : memref<64x80xf32, #tpu.memory_space<vmem_shared>>)
      tpu.yield
    }) : () -> ()
    %barrier3A = arith.constant 0 : index
    tpu.barrier barrier_id(%barrier3A)
    %iota3A = tpu.iota {dimensions = array<i32: 0>} : vector<16xi32>
    %eq3A = arith.constant 0 : i32
    %eq3A_48 = vector.broadcast %eq3A : i32 to vector<16xi32>
    %eq3A_49 = arith.cmpi eq, %iota3A, %eq3A_48 : vector<16xi32>
    %jit3A = arith.constant 1.000000e+00 : f32
    %jit3A_50 = arith.constant 0.000000e+00 : f32
    %broadcast_in_dim3A_51 = vector.broadcast %jit3A : f32 to vector<16xf32>
    %broadcast_in_dim3A_52 = vector.broadcast %jit3A_50 : f32 to vector<16xf32>
    %select_n3A = arith.select %eq3A_49, %broadcast_in_dim3A_51, %broadcast_in_dim3A_52 : vector<16xi1>, vector<16xf32>
    %get3A = arith.constant 0 : index
    %get3A_53 = tpu.vector_load %arg12[%get3A] {strides = array<i32>} : memref<16xf32, #tpu.memory_space<vmem>>, vector<16xf32>,
    %dma_start3A = arith.constant 0 : i32
    %dma_start3A_54 = arith.constant 0 : i32
    %dma_start3A_55 = tpu.memref_slice %arg8[%dma_start3A, %dma_start3A_54] : memref<162x64xi32, #tpu.memory_space<vmem>> -> memref<1x64xi32, #tpu.memory_space<vmem>>
    %dma_start3A_56 = tpu.memref_squeeze %dma_start3A_55 : memref<1x64xi32, #tpu.memory_space<vmem>> -> memref<64xi32, #tpu.memory_space<vmem>>
    %dma_start3A_57 = arith.constant 0 : i32
    %dma_start3A_58 = arith.constant 0 : i32
    %dma_start3A_59 = tpu.memref_slice %arg4[%dma_start3A_57, %dma_start3A_58] : memref<10240x64xf32, #tpu.memory_space<hbm>> -> memref<10240x64xf32, #tpu.memory_space<hbm>>
    tpu.enqueue_indirect_dma source(%dma_start3A_59 : memref<10240x64xf32, #tpu.memory_space<hbm>>) target(%arg14 : memref<64x64xf32, #tpu.memory_space<vmem>>) offsets(%dma_start3A_56 : memref<64xi32, #tpu.memory_space<vmem>>) semaphore(%arg19 : memref<!tpu.dma_semaphore, #tpu.memory_space<semaphore_mem>>)
    %scan3A_60 = arith.constant 0 : i32
    %scan3A_61 = arith.constant 0 : i32
    %scan3A_62 = arith.constant 81 : i32
    %scan3A_63 = arith.addi %scan3A_61, %scan3A_62 : i32
    %scan3A_64 = arith.constant 1 : i32
    scf.for %scan3A_84 = %scan3A_61 to %scan3A_63 step %scan3A_64  : i32 {
      %mul3A_85 = arith.constant 2 : i32
      %mul3A_86 = arith.muli %scan3A_84, %mul3A_85 : i32
      %add3A_87 = arith.constant 0 : i32
      %add3A_88 = arith.addi %mul3A_86, %add3A_87 : i32
      %add3A_89 = arith.constant 1 : i32
      %add3A_90 = arith.addi %add3A_88, %add3A_89 : i32
      %lt3A = arith.constant 162 : i32
      %lt3A_91 = arith.cmpi slt, %add3A_90, %lt3A : i32
      %convert_element_type3A = arith.extui %lt3A_91 : i1 to i32
      %cond3A = arith.constant 0 : i32
      %cond3A_92 = arith.cmpi ne, %convert_element_type3A, %cond3A : i32
      scf.if %cond3A_92 {
        %add3A_280 = arith.constant 1 : i32
        %add3A_281 = arith.addi %add3A_88, %add3A_280 : i32
        %dma_start3A_282 = arith.constant 0 : i32
        %dma_start3A_283 = tpu.memref_slice %arg8[%add3A_281, %dma_start3A_282] : memref<162x64xi32, #tpu.memory_space<vmem>> -> memref<1x64xi32, #tpu.memory_space<vmem>>
        %dma_start3A_284 = tpu.memref_squeeze %dma_start3A_283 : memref<1x64xi32, #tpu.memory_space<vmem>> -> memref<64xi32, #tpu.memory_space<vmem>>
        %dma_start3A_285 = arith.constant 0 : i32
        %dma_start3A_286 = arith.constant 0 : i32
        %dma_start3A_287 = tpu.memref_slice %arg4[%dma_start3A_285, %dma_start3A_286] : memref<10240x64xf32, #tpu.memory_space<hbm>> -> memref<10240x64xf32, #tpu.memory_space<hbm>>
        tpu.enqueue_indirect_dma source(%dma_start3A_287 : memref<10240x64xf32, #tpu.memory_space<hbm>>) target(%arg15 : memref<64x64xf32, #tpu.memory_space<vmem>>) offsets(%dma_start3A_284 : memref<64xi32, #tpu.memory_space<vmem>>) semaphore(%arg20 : memref<!tpu.dma_semaphore, #tpu.memory_space<semaphore_mem>>)
      } else {
      }
      %get3A_93 = arith.index_cast %add3A_88 : i32 to index
      %get3A_94 = arith.constant 0 : index
      %get3A_95 = tpu.vector_load %arg8[%get3A_93, %get3A_94] {strides = array<i32>} : memref<162x64xi32, #tpu.memory_space<vmem>>, vector<16xi32>,
      %get3A_96 = arith.index_cast %add3A_88 : i32 to index
      %get3A_97 = arith.constant 0 : index
      %get3A_98 = tpu.vector_load %arg9[%get3A_96, %get3A_97] {strides = array<i32>} : memref<162x64xi32, #tpu.memory_space<vmem>>, vector<16xi32>,
      %gather3A = tpu.vector_load_idx %arg10[%get3A_95] : memref<10240xf32, #tpu.memory_space<vmem>>[vector<16xi32>], vector<16xf32>,
      %gather3A_99 = tpu.vector_load_idx %arg11[%get3A_98] : memref<10240xf32, #tpu.memory_space<vmem>>[vector<16xi32>], vector<16xf32>,
      %add3A_100 = arith.addf %gather3A, %gather3A_99 : vector<16xf32>
      %mul3A_101 = arith.constant 2.000000e-01 : f32
      %mul3A_102 = vector.broadcast %mul3A_101 : f32 to vector<16xf32>
      %mul3A_103 = arith.mulf %mul3A_102, %add3A_100 : vector<16xf32>
      %max3A = arith.maximumf %add3A_100, %mul3A_103 : vector<16xf32>
      %sub3A = arith.subf %max3A, %get3A_53 : vector<16xf32>
      %exp3A = math.exp %sub3A : vector<16xf32>
      %swap3A = arith.constant 0 : index
      %swap3A_104 = tpu.vector_load %arg13[%swap3A] {strides = array<i32>} : memref<64xf32, #tpu.memory_space<vmem>>, vector<16xf32>,
      tpu.vector_store %arg13[%swap3A], %exp3A {strides = array<i32>} : memref<64xf32, #tpu.memory_space<vmem>>, vector<16xf32>,
      %get3A_105 = arith.index_cast %add3A_88 : i32 to index
      %get3A_106 = arith.constant 16 : index
      %get3A_107 = tpu.vector_load %arg8[%get3A_105, %get3A_106] {strides = array<i32>} : memref<162x64xi32, #tpu.memory_space<vmem>>, vector<16xi32>,
      %get3A_108 = arith.index_cast %add3A_88 : i32 to index
      %get3A_109 = arith.constant 16 : index
      %get3A_110 = tpu.vector_load %arg9[%get3A_108, %get3A_109] {strides = array<i32>} : memref<162x64xi32, #tpu.memory_space<vmem>>, vector<16xi32>,
      %gather3A_111 = tpu.vector_load_idx %arg10[%get3A_107] : memref<10240xf32, #tpu.memory_space<vmem>>[vector<16xi32>], vector<16xf32>,
      %gather3A_112 = tpu.vector_load_idx %arg11[%get3A_110] : memref<10240xf32, #tpu.memory_space<vmem>>[vector<16xi32>], vector<16xf32>,
      %add3A_113 = arith.addf %gather3A_111, %gather3A_112 : vector<16xf32>
      %mul3A_114 = arith.constant 2.000000e-01 : f32
      %mul3A_115 = vector.broadcast %mul3A_114 : f32 to vector<16xf32>
      %mul3A_116 = arith.mulf %mul3A_115, %add3A_113 : vector<16xf32>
      %max3A_117 = arith.maximumf %add3A_113, %mul3A_116 : vector<16xf32>
      %sub3A_118 = arith.subf %max3A_117, %get3A_53 : vector<16xf32>
      %exp3A_119 = math.exp %sub3A_118 : vector<16xf32>
      %swap3A_120 = arith.constant 16 : index
      %swap3A_121 = tpu.vector_load %arg13[%swap3A_120] {strides = array<i32>} : memref<64xf32, #tpu.memory_space<vmem>>, vector<16xf32>,
      tpu.vector_store %arg13[%swap3A_120], %exp3A_119 {strides = array<i32>} : memref<64xf32, #tpu.memory_space<vmem>>, vector<16xf32>,
      %get3A_122 = arith.index_cast %add3A_88 : i32 to index
      %get3A_123 = arith.constant 32 : index
      %get3A_124 = tpu.vector_load %arg8[%get3A_122, %get3A_123] {strides = array<i32>} : memref<162x64xi32, #tpu.memory_space<vmem>>, vector<16xi32>,
      %get3A_125 = arith.index_cast %add3A_88 : i32 to index
      %get3A_126 = arith.constant 32 : index
      %get3A_127 = tpu.vector_load %arg9[%get3A_125, %get3A_126] {strides = array<i32>} : memref<162x64xi32, #tpu.memory_space<vmem>>, vector<16xi32>,
      %gather3A_128 = tpu.vector_load_idx %arg10[%get3A_124] : memref<10240xf32, #tpu.memory_space<vmem>>[vector<16xi32>], vector<16xf32>,
      %gather3A_129 = tpu.vector_load_idx %arg11[%get3A_127] : memref<10240xf32, #tpu.memory_space<vmem>>[vector<16xi32>], vector<16xf32>,
      %add3A_130 = arith.addf %gather3A_128, %gather3A_129 : vector<16xf32>
      %mul3A_131 = arith.constant 2.000000e-01 : f32
      %mul3A_132 = vector.broadcast %mul3A_131 : f32 to vector<16xf32>
      %mul3A_133 = arith.mulf %mul3A_132, %add3A_130 : vector<16xf32>
      %max3A_134 = arith.maximumf %add3A_130, %mul3A_133 : vector<16xf32>
      %sub3A_135 = arith.subf %max3A_134, %get3A_53 : vector<16xf32>
      %exp3A_136 = math.exp %sub3A_135 : vector<16xf32>
      %swap3A_137 = arith.constant 32 : index
      %swap3A_138 = tpu.vector_load %arg13[%swap3A_137] {strides = array<i32>} : memref<64xf32, #tpu.memory_space<vmem>>, vector<16xf32>,
      tpu.vector_store %arg13[%swap3A_137], %exp3A_136 {strides = array<i32>} : memref<64xf32, #tpu.memory_space<vmem>>, vector<16xf32>,
      %get3A_139 = arith.index_cast %add3A_88 : i32 to index
      %get3A_140 = arith.constant 48 : index
      %get3A_141 = tpu.vector_load %arg8[%get3A_139, %get3A_140] {strides = array<i32>} : memref<162x64xi32, #tpu.memory_space<vmem>>, vector<16xi32>,
      %get3A_142 = arith.index_cast %add3A_88 : i32 to index
      %get3A_143 = arith.constant 48 : index
      %get3A_144 = tpu.vector_load %arg9[%get3A_142, %get3A_143] {strides = array<i32>} : memref<162x64xi32, #tpu.memory_space<vmem>>, vector<16xi32>,
      %gather3A_145 = tpu.vector_load_idx %arg10[%get3A_141] : memref<10240xf32, #tpu.memory_space<vmem>>[vector<16xi32>], vector<16xf32>,
      %gather3A_146 = tpu.vector_load_idx %arg11[%get3A_144] : memref<10240xf32, #tpu.memory_space<vmem>>[vector<16xi32>], vector<16xf32>,
      %add3A_147 = arith.addf %gather3A_145, %gather3A_146 : vector<16xf32>
      %mul3A_148 = arith.constant 2.000000e-01 : f32
      %mul3A_149 = vector.broadcast %mul3A_148 : f32 to vector<16xf32>
      %mul3A_150 = arith.mulf %mul3A_149, %add3A_147 : vector<16xf32>
      %max3A_151 = arith.maximumf %add3A_147, %mul3A_150 : vector<16xf32>
      %sub3A_152 = arith.subf %max3A_151, %get3A_53 : vector<16xf32>
      %exp3A_153 = math.exp %sub3A_152 : vector<16xf32>
      %swap3A_154 = arith.constant 48 : index
      %swap3A_155 = tpu.vector_load %arg13[%swap3A_154] {strides = array<i32>} : memref<64xf32, #tpu.memory_space<vmem>>, vector<16xf32>,
      tpu.vector_store %arg13[%swap3A_154], %exp3A_153 {strides = array<i32>} : memref<64xf32, #tpu.memory_space<vmem>>, vector<16xf32>,
      %dma_wait3A_156 = arith.constant 0 : i32
      %dma_wait3A_157 = tpu.memref_slice %arg8[%add3A_88, %dma_wait3A_156] : memref<162x64xi32, #tpu.memory_space<vmem>> -> memref<1x64xi32, #tpu.memory_space<vmem>>
      %dma_wait3A_158 = tpu.memref_squeeze %dma_wait3A_157 : memref<1x64xi32, #tpu.memory_space<vmem>> -> memref<64xi32, #tpu.memory_space<vmem>>
      %dma_wait3A_159 = arith.constant 0 : i32
      %dma_wait3A_160 = arith.constant 0 : i32
      %dma_wait3A_161 = tpu.memref_slice %arg4[%dma_wait3A_159, %dma_wait3A_160] : memref<10240x64xf32, #tpu.memory_space<hbm>> -> memref<10240x64xf32, #tpu.memory_space<hbm>>
      tpu.wait_indirect_dma semaphore(%arg19 : memref<!tpu.dma_semaphore, #tpu.memory_space<semaphore_mem>>) src(%dma_wait3A_161 : memref<10240x64xf32, #tpu.memory_space<hbm>>) dst(%arg14 : memref<64x64xf32, #tpu.memory_space<vmem>>)
      %ge3A = arith.constant 2 : i32
      %ge3A_162 = arith.cmpi sge, %add3A_88, %ge3A : i32
      %convert_element_type3A_163 = arith.extui %ge3A_162 : i1 to i32
      %cond3A_164 = arith.constant 0 : i32
      %cond3A_165 = arith.cmpi ne, %convert_element_type3A_163, %cond3A_164 : i32
      scf.if %cond3A_165 {
        %sub3A_280 = arith.constant 2 : i32
        %sub3A_281 = arith.subi %add3A_88, %sub3A_280 : i32
        %dma_wait3A_282 = arith.constant 0 : i32
        %dma_wait3A_283 = tpu.memref_slice %arg9[%sub3A_281, %dma_wait3A_282] : memref<162x64xi32, #tpu.memory_space<vmem>> -> memref<1x64xi32, #tpu.memory_space<vmem>>
        %dma_wait3A_284 = tpu.memref_squeeze %dma_wait3A_283 : memref<1x64xi32, #tpu.memory_space<vmem>> -> memref<64xi32, #tpu.memory_space<vmem>>
        %dma_wait3A_285 = arith.constant 0 : i32
        %dma_wait3A_286 = arith.constant 0 : i32
        %dma_wait3A_287 = tpu.memref_slice %arg23[%dma_wait3A_285, %dma_wait3A_286] : memref<10240x80xf32, #tpu.memory_space<vmem_shared>> -> memref<10240x80xf32, #tpu.memory_space<vmem_shared>>
        tpu.wait_indirect_dma semaphore(%arg21 : memref<!tpu.dma_semaphore, #tpu.memory_space<semaphore_mem>>) src(%arg16 : memref<64x80xf32, #tpu.memory_space<vmem>>) dst(%dma_wait3A_287 : memref<10240x80xf32, #tpu.memory_space<vmem_shared>>)
      } else {
      }
      %scan3A_166 = arith.constant 0 : i32
      %scan3A_167 = arith.constant 0 : i32
      %scan3A_168 = arith.constant 64 : i32
      %scan3A_169 = arith.addi %scan3A_167, %scan3A_168 : i32
      %scan3A_170 = arith.constant 1 : i32
      scf.for %scan3A_280 = %scan3A_167 to %scan3A_169 step %scan3A_170  : i32 {
        %broadcast_in_dim3A_281 = vector.broadcast %scan3A_280 : i32 to vector<16xi32>
        %gather3A_282 = tpu.vector_load_idx %arg13[%broadcast_in_dim3A_281] : memref<64xf32, #tpu.memory_space<vmem>>[vector<16xi32>], vector<16xf32>,
        %get3A_283 = arith.index_cast %scan3A_280 : i32 to index
        %get3A_284 = arith.constant 0 : index
        %get3A_285 = tpu.vector_load %arg14[%get3A_283, %get3A_284] {strides = array<i32>} : memref<64x64xf32, #tpu.memory_space<vmem>>, vector<16xf32>,
        %mul3A_286 = arith.mulf %get3A_285, %gather3A_282 : vector<16xf32>
        %swap3A_287 = arith.index_cast %scan3A_280 : i32 to index
        %swap3A_288 = arith.constant 0 : index
        %swap3A_289 = tpu.vector_load %arg16[%swap3A_287, %swap3A_288] {strides = array<i32>} : memref<64x80xf32, #tpu.memory_space<vmem>>, vector<16xf32>,
        tpu.vector_store %arg16[%swap3A_287, %swap3A_288], %mul3A_286 {strides = array<i32>} : memref<64x80xf32, #tpu.memory_space<vmem>>, vector<16xf32>,
        %get3A_290 = arith.index_cast %scan3A_280 : i32 to index
        %get3A_291 = arith.constant 16 : index
        %get3A_292 = tpu.vector_load %arg14[%get3A_290, %get3A_291] {strides = array<i32>} : memref<64x64xf32, #tpu.memory_space<vmem>>, vector<16xf32>,
        %mul3A_293 = arith.mulf %get3A_292, %gather3A_282 : vector<16xf32>
        %swap3A_294 = arith.index_cast %scan3A_280 : i32 to index
        %swap3A_295 = arith.constant 16 : index
        %swap3A_296 = tpu.vector_load %arg16[%swap3A_294, %swap3A_295] {strides = array<i32>} : memref<64x80xf32, #tpu.memory_space<vmem>>, vector<16xf32>,
        tpu.vector_store %arg16[%swap3A_294, %swap3A_295], %mul3A_293 {strides = array<i32>} : memref<64x80xf32, #tpu.memory_space<vmem>>, vector<16xf32>,
        %get3A_297 = arith.index_cast %scan3A_280 : i32 to index
        %get3A_298 = arith.constant 32 : index
        %get3A_299 = tpu.vector_load %arg14[%get3A_297, %get3A_298] {strides = array<i32>} : memref<64x64xf32, #tpu.memory_space<vmem>>, vector<16xf32>,
        %mul3A_300 = arith.mulf %get3A_299, %gather3A_282 : vector<16xf32>
        %swap3A_301 = arith.index_cast %scan3A_280 : i32 to index
        %swap3A_302 = arith.constant 32 : index
        %swap3A_303 = tpu.vector_load %arg16[%swap3A_301, %swap3A_302] {strides = array<i32>} : memref<64x80xf32, #tpu.memory_space<vmem>>, vector<16xf32>,
        tpu.vector_store %arg16[%swap3A_301, %swap3A_302], %mul3A_300 {strides = array<i32>} : memref<64x80xf32, #tpu.memory_space<vmem>>, vector<16xf32>,
        %get3A_304 = arith.index_cast %scan3A_280 : i32 to index
        %get3A_305 = arith.constant 48 : index
        %get3A_306 = tpu.vector_load %arg14[%get3A_304, %get3A_305] {strides = array<i32>} : memref<64x64xf32, #tpu.memory_space<vmem>>, vector<16xf32>,
        %mul3A_307 = arith.mulf %get3A_306, %gather3A_282 : vector<16xf32>
        %swap3A_308 = arith.index_cast %scan3A_280 : i32 to index
        %swap3A_309 = arith.constant 48 : index
        %swap3A_310 = tpu.vector_load %arg16[%swap3A_308, %swap3A_309] {strides = array<i32>} : memref<64x80xf32, #tpu.memory_space<vmem>>, vector<16xf32>,
        tpu.vector_store %arg16[%swap3A_308, %swap3A_309], %mul3A_307 {strides = array<i32>} : memref<64x80xf32, #tpu.memory_space<vmem>>, vector<16xf32>,
        %mul3A_311 = arith.mulf %gather3A_282, %select_n3A : vector<16xf32>
        %swap3A_312 = arith.index_cast %scan3A_280 : i32 to index
        %swap3A_313 = arith.constant 64 : index
        %swap3A_314 = tpu.vector_load %arg16[%swap3A_312, %swap3A_313] {strides = array<i32>} : memref<64x80xf32, #tpu.memory_space<vmem>>, vector<16xf32>,
        tpu.vector_store %arg16[%swap3A_312, %swap3A_313], %mul3A_311 {strides = array<i32>} : memref<64x80xf32, #tpu.memory_space<vmem>>, vector<16xf32>,
      }
      %scan3A_171 = arith.constant 64 : i32
      %dma_start3A_172 = arith.constant 0 : i32
      %dma_start3A_173 = tpu.memref_slice %arg9[%add3A_88, %dma_start3A_172] : memref<162x64xi32, #tpu.memory_space<vmem>> -> memref<1x64xi32, #tpu.memory_space<vmem>>
      %dma_start3A_174 = tpu.memref_squeeze %dma_start3A_173 : memref<1x64xi32, #tpu.memory_space<vmem>> -> memref<64xi32, #tpu.memory_space<vmem>>
      %dma_start3A_175 = arith.constant 0 : i32
      %dma_start3A_176 = arith.constant 0 : i32
      %dma_start3A_177 = tpu.memref_slice %arg23[%dma_start3A_175, %dma_start3A_176] : memref<10240x80xf32, #tpu.memory_space<vmem_shared>> -> memref<10240x80xf32, #tpu.memory_space<vmem_shared>>
      tpu.enqueue_indirect_dma source(%arg16 : memref<64x80xf32, #tpu.memory_space<vmem>>) target(%dma_start3A_177 : memref<10240x80xf32, #tpu.memory_space<vmem_shared>>) offsets(%dma_start3A_174 : memref<64xi32, #tpu.memory_space<vmem>>) semaphore(%arg21 : memref<!tpu.dma_semaphore, #tpu.memory_space<semaphore_mem>>) {add = true}
      %mul3A_178 = arith.constant 2 : i32
      %mul3A_179 = arith.muli %scan3A_84, %mul3A_178 : i32
      %add3A_180 = arith.constant 1 : i32
      %add3A_181 = arith.addi %mul3A_179, %add3A_180 : i32
      %add3A_182 = arith.constant 1 : i32
      %add3A_183 = arith.addi %add3A_181, %add3A_182 : i32
      %lt3A_184 = arith.constant 162 : i32
      %lt3A_185 = arith.cmpi slt, %add3A_183, %lt3A_184 : i32
      %convert_element_type3A_186 = arith.extui %lt3A_185 : i1 to i32
      %cond3A_187 = arith.constant 0 : i32
      %cond3A_188 = arith.cmpi ne, %convert_element_type3A_186, %cond3A_187 : i32
      scf.if %cond3A_188 {
        %add3A_280 = arith.constant 1 : i32
        %add3A_281 = arith.addi %add3A_181, %add3A_280 : i32
        %dma_start3A_282 = arith.constant 0 : i32
        %dma_start3A_283 = tpu.memref_slice %arg8[%add3A_281, %dma_start3A_282] : memref<162x64xi32, #tpu.memory_space<vmem>> -> memref<1x64xi32, #tpu.memory_space<vmem>>
        %dma_start3A_284 = tpu.memref_squeeze %dma_start3A_283 : memref<1x64xi32, #tpu.memory_space<vmem>> -> memref<64xi32, #tpu.memory_space<vmem>>
        %dma_start3A_285 = arith.constant 0 : i32
        %dma_start3A_286 = arith.constant 0 : i32
        %dma_start3A_287 = tpu.memref_slice %arg4[%dma_start3A_285, %dma_start3A_286] : memref<10240x64xf32, #tpu.memory_space<hbm>> -> memref<10240x64xf32, #tpu.memory_space<hbm>>
        tpu.enqueue_indirect_dma source(%dma_start3A_287 : memref<10240x64xf32, #tpu.memory_space<hbm>>) target(%arg14 : memref<64x64xf32, #tpu.memory_space<vmem>>) offsets(%dma_start3A_284 : memref<64xi32, #tpu.memory_space<vmem>>) semaphore(%arg19 : memref<!tpu.dma_semaphore, #tpu.memory_space<semaphore_mem>>)
      } else {
      }
      %get3A_189 = arith.index_cast %add3A_181 : i32 to index
      %get3A_190 = arith.constant 0 : index
      %get3A_191 = tpu.vector_load %arg8[%get3A_189, %get3A_190] {strides = array<i32>} : memref<162x64xi32, #tpu.memory_space<vmem>>, vector<16xi32>,
      %get3A_192 = arith.index_cast %add3A_181 : i32 to index
      %get3A_193 = arith.constant 0 : index
      %get3A_194 = tpu.vector_load %arg9[%get3A_192, %get3A_193] {strides = array<i32>} : memref<162x64xi32, #tpu.memory_space<vmem>>, vector<16xi32>,
      %gather3A_195 = tpu.vector_load_idx %arg10[%get3A_191] : memref<10240xf32, #tpu.memory_space<vmem>>[vector<16xi32>], vector<16xf32>,
      %gather3A_196 = tpu.vector_load_idx %arg11[%get3A_194] : memref<10240xf32, #tpu.memory_space<vmem>>[vector<16xi32>], vector<16xf32>,
      %add3A_197 = arith.addf %gather3A_195, %gather3A_196 : vector<16xf32>
      %mul3A_198 = arith.constant 2.000000e-01 : f32
      %mul3A_199 = vector.broadcast %mul3A_198 : f32 to vector<16xf32>
      %mul3A_200 = arith.mulf %mul3A_199, %add3A_197 : vector<16xf32>
      %max3A_201 = arith.maximumf %add3A_197, %mul3A_200 : vector<16xf32>
      %sub3A_202 = arith.subf %max3A_201, %get3A_53 : vector<16xf32>
      %exp3A_203 = math.exp %sub3A_202 : vector<16xf32>
      %swap3A_204 = arith.constant 0 : index
      %swap3A_205 = tpu.vector_load %arg13[%swap3A_204] {strides = array<i32>} : memref<64xf32, #tpu.memory_space<vmem>>, vector<16xf32>,
      tpu.vector_store %arg13[%swap3A_204], %exp3A_203 {strides = array<i32>} : memref<64xf32, #tpu.memory_space<vmem>>, vector<16xf32>,
      %get3A_206 = arith.index_cast %add3A_181 : i32 to index
      %get3A_207 = arith.constant 16 : index
      %get3A_208 = tpu.vector_load %arg8[%get3A_206, %get3A_207] {strides = array<i32>} : memref<162x64xi32, #tpu.memory_space<vmem>>, vector<16xi32>,
      %get3A_209 = arith.index_cast %add3A_181 : i32 to index
      %get3A_210 = arith.constant 16 : index
      %get3A_211 = tpu.vector_load %arg9[%get3A_209, %get3A_210] {strides = array<i32>} : memref<162x64xi32, #tpu.memory_space<vmem>>, vector<16xi32>,
      %gather3A_212 = tpu.vector_load_idx %arg10[%get3A_208] : memref<10240xf32, #tpu.memory_space<vmem>>[vector<16xi32>], vector<16xf32>,
      %gather3A_213 = tpu.vector_load_idx %arg11[%get3A_211] : memref<10240xf32, #tpu.memory_space<vmem>>[vector<16xi32>], vector<16xf32>,
      %add3A_214 = arith.addf %gather3A_212, %gather3A_213 : vector<16xf32>
      %mul3A_215 = arith.constant 2.000000e-01 : f32
      %mul3A_216 = vector.broadcast %mul3A_215 : f32 to vector<16xf32>
      %mul3A_217 = arith.mulf %mul3A_216, %add3A_214 : vector<16xf32>
      %max3A_218 = arith.maximumf %add3A_214, %mul3A_217 : vector<16xf32>
      %sub3A_219 = arith.subf %max3A_218, %get3A_53 : vector<16xf32>
      %exp3A_220 = math.exp %sub3A_219 : vector<16xf32>
      %swap3A_221 = arith.constant 16 : index
      %swap3A_222 = tpu.vector_load %arg13[%swap3A_221] {strides = array<i32>} : memref<64xf32, #tpu.memory_space<vmem>>, vector<16xf32>,
      tpu.vector_store %arg13[%swap3A_221], %exp3A_220 {strides = array<i32>} : memref<64xf32, #tpu.memory_space<vmem>>, vector<16xf32>,
      %get3A_223 = arith.index_cast %add3A_181 : i32 to index
      %get3A_224 = arith.constant 32 : index
      %get3A_225 = tpu.vector_load %arg8[%get3A_223, %get3A_224] {strides = array<i32>} : memref<162x64xi32, #tpu.memory_space<vmem>>, vector<16xi32>,
      %get3A_226 = arith.index_cast %add3A_181 : i32 to index
      %get3A_227 = arith.constant 32 : index
      %get3A_228 = tpu.vector_load %arg9[%get3A_226, %get3A_227] {strides = array<i32>} : memref<162x64xi32, #tpu.memory_space<vmem>>, vector<16xi32>,
      %gather3A_229 = tpu.vector_load_idx %arg10[%get3A_225] : memref<10240xf32, #tpu.memory_space<vmem>>[vector<16xi32>], vector<16xf32>,
      %gather3A_230 = tpu.vector_load_idx %arg11[%get3A_228] : memref<10240xf32, #tpu.memory_space<vmem>>[vector<16xi32>], vector<16xf32>,
      %add3A_231 = arith.addf %gather3A_229, %gather3A_230 : vector<16xf32>
      %mul3A_232 = arith.constant 2.000000e-01 : f32
      %mul3A_233 = vector.broadcast %mul3A_232 : f32 to vector<16xf32>
      %mul3A_234 = arith.mulf %mul3A_233, %add3A_231 : vector<16xf32>
      %max3A_235 = arith.maximumf %add3A_231, %mul3A_234 : vector<16xf32>
      %sub3A_236 = arith.subf %max3A_235, %get3A_53 : vector<16xf32>
      %exp3A_237 = math.exp %sub3A_236 : vector<16xf32>
      %swap3A_238 = arith.constant 32 : index
      %swap3A_239 = tpu.vector_load %arg13[%swap3A_238] {strides = array<i32>} : memref<64xf32, #tpu.memory_space<vmem>>, vector<16xf32>,
      tpu.vector_store %arg13[%swap3A_238], %exp3A_237 {strides = array<i32>} : memref<64xf32, #tpu.memory_space<vmem>>, vector<16xf32>,
      %get3A_240 = arith.index_cast %add3A_181 : i32 to index
      %get3A_241 = arith.constant 48 : index
      %get3A_242 = tpu.vector_load %arg8[%get3A_240, %get3A_241] {strides = array<i32>} : memref<162x64xi32, #tpu.memory_space<vmem>>, vector<16xi32>,
      %get3A_243 = arith.index_cast %add3A_181 : i32 to index
      %get3A_244 = arith.constant 48 : index
      %get3A_245 = tpu.vector_load %arg9[%get3A_243, %get3A_244] {strides = array<i32>} : memref<162x64xi32, #tpu.memory_space<vmem>>, vector<16xi32>,
      %gather3A_246 = tpu.vector_load_idx %arg10[%get3A_242] : memref<10240xf32, #tpu.memory_space<vmem>>[vector<16xi32>], vector<16xf32>,
      %gather3A_247 = tpu.vector_load_idx %arg11[%get3A_245] : memref<10240xf32, #tpu.memory_space<vmem>>[vector<16xi32>], vector<16xf32>,
      %add3A_248 = arith.addf %gather3A_246, %gather3A_247 : vector<16xf32>
      %mul3A_249 = arith.constant 2.000000e-01 : f32
      %mul3A_250 = vector.broadcast %mul3A_249 : f32 to vector<16xf32>
      %mul3A_251 = arith.mulf %mul3A_250, %add3A_248 : vector<16xf32>
      %max3A_252 = arith.maximumf %add3A_248, %mul3A_251 : vector<16xf32>
      %sub3A_253 = arith.subf %max3A_252, %get3A_53 : vector<16xf32>
      %exp3A_254 = math.exp %sub3A_253 : vector<16xf32>
      %swap3A_255 = arith.constant 48 : index
      %swap3A_256 = tpu.vector_load %arg13[%swap3A_255] {strides = array<i32>} : memref<64xf32, #tpu.memory_space<vmem>>, vector<16xf32>,
      tpu.vector_store %arg13[%swap3A_255], %exp3A_254 {strides = array<i32>} : memref<64xf32, #tpu.memory_space<vmem>>, vector<16xf32>,
      %dma_wait3A_257 = arith.constant 0 : i32
      %dma_wait3A_258 = tpu.memref_slice %arg8[%add3A_181, %dma_wait3A_257] : memref<162x64xi32, #tpu.memory_space<vmem>> -> memref<1x64xi32, #tpu.memory_space<vmem>>
      %dma_wait3A_259 = tpu.memref_squeeze %dma_wait3A_258 : memref<1x64xi32, #tpu.memory_space<vmem>> -> memref<64xi32, #tpu.memory_space<vmem>>
      %dma_wait3A_260 = arith.constant 0 : i32
      %dma_wait3A_261 = arith.constant 0 : i32
      %dma_wait3A_262 = tpu.memref_slice %arg4[%dma_wait3A_260, %dma_wait3A_261] : memref<10240x64xf32, #tpu.memory_space<hbm>> -> memref<10240x64xf32, #tpu.memory_space<hbm>>
      tpu.wait_indirect_dma semaphore(%arg20 : memref<!tpu.dma_semaphore, #tpu.memory_space<semaphore_mem>>) src(%dma_wait3A_262 : memref<10240x64xf32, #tpu.memory_space<hbm>>) dst(%arg15 : memref<64x64xf32, #tpu.memory_space<vmem>>)
      %ge3A_263 = arith.constant 2 : i32
      %ge3A_264 = arith.cmpi sge, %add3A_181, %ge3A_263 : i32
      %convert_element_type3A_265 = arith.extui %ge3A_264 : i1 to i32
      %cond3A_266 = arith.constant 0 : i32
      %cond3A_267 = arith.cmpi ne, %convert_element_type3A_265, %cond3A_266 : i32
      scf.if %cond3A_267 {
        %sub3A_280 = arith.constant 2 : i32
        %sub3A_281 = arith.subi %add3A_181, %sub3A_280 : i32
        %dma_wait3A_282 = arith.constant 0 : i32
        %dma_wait3A_283 = tpu.memref_slice %arg9[%sub3A_281, %dma_wait3A_282] : memref<162x64xi32, #tpu.memory_space<vmem>> -> memref<1x64xi32, #tpu.memory_space<vmem>>
        %dma_wait3A_284 = tpu.memref_squeeze %dma_wait3A_283 : memref<1x64xi32, #tpu.memory_space<vmem>> -> memref<64xi32, #tpu.memory_space<vmem>>
        %dma_wait3A_285 = arith.constant 0 : i32
        %dma_wait3A_286 = arith.constant 0 : i32
        %dma_wait3A_287 = tpu.memref_slice %arg23[%dma_wait3A_285, %dma_wait3A_286] : memref<10240x80xf32, #tpu.memory_space<vmem_shared>> -> memref<10240x80xf32, #tpu.memory_space<vmem_shared>>
        tpu.wait_indirect_dma semaphore(%arg22 : memref<!tpu.dma_semaphore, #tpu.memory_space<semaphore_mem>>) src(%arg17 : memref<64x80xf32, #tpu.memory_space<vmem>>) dst(%dma_wait3A_287 : memref<10240x80xf32, #tpu.memory_space<vmem_shared>>)
      } else {
      }
      %scan3A_268 = arith.constant 0 : i32
      %scan3A_269 = arith.constant 0 : i32
      %scan3A_270 = arith.constant 64 : i32
      %scan3A_271 = arith.addi %scan3A_269, %scan3A_270 : i32
      %scan3A_272 = arith.constant 1 : i32
      scf.for %scan3A_280 = %scan3A_269 to %scan3A_271 step %scan3A_272  : i32 {
        %broadcast_in_dim3A_281 = vector.broadcast %scan3A_280 : i32 to vector<16xi32>
        %gather3A_282 = tpu.vector_load_idx %arg13[%broadcast_in_dim3A_281] : memref<64xf32, #tpu.memory_space<vmem>>[vector<16xi32>], vector<16xf32>,
        %get3A_283 = arith.index_cast %scan3A_280 : i32 to index
        %get3A_284 = arith.constant 0 : index
        %get3A_285 = tpu.vector_load %arg15[%get3A_283, %get3A_284] {strides = array<i32>} : memref<64x64xf32, #tpu.memory_space<vmem>>, vector<16xf32>,
        %mul3A_286 = arith.mulf %get3A_285, %gather3A_282 : vector<16xf32>
        %swap3A_287 = arith.index_cast %scan3A_280 : i32 to index
        %swap3A_288 = arith.constant 0 : index
        %swap3A_289 = tpu.vector_load %arg17[%swap3A_287, %swap3A_288] {strides = array<i32>} : memref<64x80xf32, #tpu.memory_space<vmem>>, vector<16xf32>,
        tpu.vector_store %arg17[%swap3A_287, %swap3A_288], %mul3A_286 {strides = array<i32>} : memref<64x80xf32, #tpu.memory_space<vmem>>, vector<16xf32>,
        %get3A_290 = arith.index_cast %scan3A_280 : i32 to index
        %get3A_291 = arith.constant 16 : index
        %get3A_292 = tpu.vector_load %arg15[%get3A_290, %get3A_291] {strides = array<i32>} : memref<64x64xf32, #tpu.memory_space<vmem>>, vector<16xf32>,
        %mul3A_293 = arith.mulf %get3A_292, %gather3A_282 : vector<16xf32>
        %swap3A_294 = arith.index_cast %scan3A_280 : i32 to index
        %swap3A_295 = arith.constant 16 : index
        %swap3A_296 = tpu.vector_load %arg17[%swap3A_294, %swap3A_295] {strides = array<i32>} : memref<64x80xf32, #tpu.memory_space<vmem>>, vector<16xf32>,
        tpu.vector_store %arg17[%swap3A_294, %swap3A_295], %mul3A_293 {strides = array<i32>} : memref<64x80xf32, #tpu.memory_space<vmem>>, vector<16xf32>,
        %get3A_297 = arith.index_cast %scan3A_280 : i32 to index
        %get3A_298 = arith.constant 32 : index
        %get3A_299 = tpu.vector_load %arg15[%get3A_297, %get3A_298] {strides = array<i32>} : memref<64x64xf32, #tpu.memory_space<vmem>>, vector<16xf32>,
        %mul3A_300 = arith.mulf %get3A_299, %gather3A_282 : vector<16xf32>
        %swap3A_301 = arith.index_cast %scan3A_280 : i32 to index
        %swap3A_302 = arith.constant 32 : index
        %swap3A_303 = tpu.vector_load %arg17[%swap3A_301, %swap3A_302] {strides = array<i32>} : memref<64x80xf32, #tpu.memory_space<vmem>>, vector<16xf32>,
        tpu.vector_store %arg17[%swap3A_301, %swap3A_302], %mul3A_300 {strides = array<i32>} : memref<64x80xf32, #tpu.memory_space<vmem>>, vector<16xf32>,
        %get3A_304 = arith.index_cast %scan3A_280 : i32 to index
        %get3A_305 = arith.constant 48 : index
        %get3A_306 = tpu.vector_load %arg15[%get3A_304, %get3A_305] {strides = array<i32>} : memref<64x64xf32, #tpu.memory_space<vmem>>, vector<16xf32>,
        %mul3A_307 = arith.mulf %get3A_306, %gather3A_282 : vector<16xf32>
        %swap3A_308 = arith.index_cast %scan3A_280 : i32 to index
        %swap3A_309 = arith.constant 48 : index
        %swap3A_310 = tpu.vector_load %arg17[%swap3A_308, %swap3A_309] {strides = array<i32>} : memref<64x80xf32, #tpu.memory_space<vmem>>, vector<16xf32>,
        tpu.vector_store %arg17[%swap3A_308, %swap3A_309], %mul3A_307 {strides = array<i32>} : memref<64x80xf32, #tpu.memory_space<vmem>>, vector<16xf32>,
        %mul3A_311 = arith.mulf %gather3A_282, %select_n3A : vector<16xf32>
        %swap3A_312 = arith.index_cast %scan3A_280 : i32 to index
        %swap3A_313 = arith.constant 64 : index
        %swap3A_314 = tpu.vector_load %arg17[%swap3A_312, %swap3A_313] {strides = array<i32>} : memref<64x80xf32, #tpu.memory_space<vmem>>, vector<16xf32>,
        tpu.vector_store %arg17[%swap3A_312, %swap3A_313], %mul3A_311 {strides = array<i32>} : memref<64x80xf32, #tpu.memory_space<vmem>>, vector<16xf32>,
      }
      %scan3A_273 = arith.constant 64 : i32
      %dma_start3A_274 = arith.constant 0 : i32
      %dma_start3A_275 = tpu.memref_slice %arg9[%add3A_181, %dma_start3A_274] : memref<162x64xi32, #tpu.memory_space<vmem>> -> memref<1x64xi32, #tpu.memory_space<vmem>>
      %dma_start3A_276 = tpu.memref_squeeze %dma_start3A_275 : memref<1x64xi32, #tpu.memory_space<vmem>> -> memref<64xi32, #tpu.memory_space<vmem>>
      %dma_start3A_277 = arith.constant 0 : i32
      %dma_start3A_278 = arith.constant 0 : i32
      %dma_start3A_279 = tpu.memref_slice %arg23[%dma_start3A_277, %dma_start3A_278] : memref<10240x80xf32, #tpu.memory_space<vmem_shared>> -> memref<10240x80xf32, #tpu.memory_space<vmem_shared>>
      tpu.enqueue_indirect_dma source(%arg17 : memref<64x80xf32, #tpu.memory_space<vmem>>) target(%dma_start3A_279 : memref<10240x80xf32, #tpu.memory_space<vmem_shared>>) offsets(%dma_start3A_276 : memref<64xi32, #tpu.memory_space<vmem>>) semaphore(%arg22 : memref<!tpu.dma_semaphore, #tpu.memory_space<semaphore_mem>>) {add = true}
    }
    %scan3A_65 = arith.constant 81 : i32
    %dma_wait3A = arith.constant 160 : i32
    %dma_wait3A_66 = arith.constant 0 : i32
    %dma_wait3A_67 = tpu.memref_slice %arg9[%dma_wait3A, %dma_wait3A_66] : memref<162x64xi32, #tpu.memory_space<vmem>> -> memref<1x64xi32, #tpu.memory_space<vmem>>
    %dma_wait3A_68 = tpu.memref_squeeze %dma_wait3A_67 : memref<1x64xi32, #tpu.memory_space<vmem>> -> memref<64xi32, #tpu.memory_space<vmem>>
    %dma_wait3A_69 = arith.constant 0 : i32
    %dma_wait3A_70 = arith.constant 0 : i32
    %dma_wait3A_71 = tpu.memref_slice %arg23[%dma_wait3A_69, %dma_wait3A_70] : memref<10240x80xf32, #tpu.memory_space<vmem_shared>> -> memref<10240x80xf32, #tpu.memory_space<vmem_shared>>
    tpu.wait_indirect_dma semaphore(%arg21 : memref<!tpu.dma_semaphore, #tpu.memory_space<semaphore_mem>>) src(%arg16 : memref<64x80xf32, #tpu.memory_space<vmem>>) dst(%dma_wait3A_71 : memref<10240x80xf32, #tpu.memory_space<vmem_shared>>)
    %dma_wait3A_72 = arith.constant 161 : i32
    %dma_wait3A_73 = arith.constant 0 : i32
    %dma_wait3A_74 = tpu.memref_slice %arg9[%dma_wait3A_72, %dma_wait3A_73] : memref<162x64xi32, #tpu.memory_space<vmem>> -> memref<1x64xi32, #tpu.memory_space<vmem>>
    %dma_wait3A_75 = tpu.memref_squeeze %dma_wait3A_74 : memref<1x64xi32, #tpu.memory_space<vmem>> -> memref<64xi32, #tpu.memory_space<vmem>>
    %dma_wait3A_76 = arith.constant 0 : i32
    %dma_wait3A_77 = arith.constant 0 : i32
    %dma_wait3A_78 = tpu.memref_slice %arg23[%dma_wait3A_76, %dma_wait3A_77] : memref<10240x80xf32, #tpu.memory_space<vmem_shared>> -> memref<10240x80xf32, #tpu.memory_space<vmem_shared>>
    tpu.wait_indirect_dma semaphore(%arg22 : memref<!tpu.dma_semaphore, #tpu.memory_space<semaphore_mem>>) src(%arg17 : memref<64x80xf32, #tpu.memory_space<vmem>>) dst(%dma_wait3A_78 : memref<10240x80xf32, #tpu.memory_space<vmem_shared>>)
    %barrier3A_79 = arith.constant 0 : index
    tpu.barrier barrier_id(%barrier3A_79)
    %mul3A_80 = arith.constant 640 : i32
    %mul3A_81 = arith.muli %arg1, %mul3A_80 : i32
    %mul3A_82 = arith.constant 640 : i32
    %mul3A_83 = arith.muli %arg1, %mul3A_82 : i32
    "tpu.region"() ({
      %run_scoped3A_84 = tpu.sem_alloc : memref<!tpu.dma_semaphore, #tpu.memory_space<semaphore_mem>>
      %dma_start3A_85 = arith.constant 0 : i32
      %dma_start3A_86 = tpu.memref_slice %arg7[%arg0, %mul3A_83, %dma_start3A_85] : memref<2x10240x80xf32, #tpu.memory_space<hbm>> -> memref<1x640x80xf32, #tpu.memory_space<hbm>>
      %dma_start3A_87 = tpu.memref_squeeze %dma_start3A_86 : memref<1x640x80xf32, #tpu.memory_space<hbm>> -> memref<640x80xf32, #tpu.memory_space<hbm>>
      %dma_start3A_88 = arith.constant 0 : i32
      %dma_start3A_89 = tpu.memref_slice %arg23[%mul3A_81, %dma_start3A_88] : memref<10240x80xf32, #tpu.memory_space<vmem_shared>> -> memref<640x80xf32, #tpu.memory_space<vmem_shared>>
      tpu.enqueue_dma source(%dma_start3A_89 : memref<640x80xf32, #tpu.memory_space<vmem_shared>>) target(%dma_start3A_87 : memref<640x80xf32, #tpu.memory_space<hbm>>) target_semaphore(%run_scoped3A_84 : memref<!tpu.dma_semaphore, #tpu.memory_space<semaphore_mem>>)
      %dma_wait3A_90 = arith.constant 0 : i32
      %dma_wait3A_91 = tpu.memref_slice %arg7[%arg0, %mul3A_83, %dma_wait3A_90] : memref<2x10240x80xf32, #tpu.memory_space<hbm>> -> memref<1x640x80xf32, #tpu.memory_space<hbm>>
      %dma_wait3A_92 = tpu.memref_squeeze %dma_wait3A_91 : memref<1x640x80xf32, #tpu.memory_space<hbm>> -> memref<640x80xf32, #tpu.memory_space<hbm>>
      %dma_wait3A_93 = arith.constant 0 : i32
      %dma_wait3A_94 = tpu.memref_slice %arg23[%mul3A_81, %dma_wait3A_93] : memref<10240x80xf32, #tpu.memory_space<vmem_shared>> -> memref<640x80xf32, #tpu.memory_space<vmem_shared>>
      tpu.wait_dma2 semaphore(%run_scoped3A_84 : memref<!tpu.dma_semaphore, #tpu.memory_space<semaphore_mem>>) src(%dma_wait3A_94 : memref<640x80xf32, #tpu.memory_space<vmem_shared>>) dst(%dma_wait3A_92 : memref<640x80xf32, #tpu.memory_space<hbm>>)
      tpu.yield
    }) : () -> ()
    return
  }
}

module attributes {stable_mosaic.version = 14 : i64} {
  func.func @_prep1_body(%arg0: i32, %arg1: memref<1024x128xf32, #tpu.memory_space<vmem>>, %arg2: memref<1024x128xf32, #tpu.memory_space<vmem>>, %arg3: memref<128x64xf32, #tpu.memory_space<vmem>>, %arg4: memref<128x8xf32, #tpu.memory_space<vmem>>, %arg5: memref<1024x64xf32, #tpu.memory_space<vmem>>, %arg6: memref<1024x64xf32, #tpu.memory_space<vmem>>, %arg7: memref<1024x8xf32, #tpu.memory_space<vmem>>) attributes {dimension_semantics = [#tpu.dimension_semantics<arbitrary>], iteration_bounds = array<i64: 10>, scalar_prefetch = 0 : i64, scratch_operands = 0 : i64, tpu.core_type = #tpu.core_type<tc>, window_params = [{transform_indices = @transform_0, window_bounds = array<i64: 1024, 128>}, {transform_indices = @transform_1, window_bounds = array<i64: 1024, 128>}, {pipeline_mode = #tpu.pipeline_mode<synchronous>, transform_indices = @transform_2, window_bounds = array<i64: 128, 64>}, {pipeline_mode = #tpu.pipeline_mode<synchronous>, transform_indices = @transform_3, window_bounds = array<i64: 128, 8>}, {transform_indices = @transform_4, window_bounds = array<i64: 1024, 64>}, {transform_indices = @transform_5, window_bounds = array<i64: 1024, 64>}, {transform_indices = @transform_6, window_bounds = array<i64: 1024, 8>}]} {
    %get3A = arith.constant 0 : index
    %get3A_0 = arith.constant 0 : index
    %get3A_1 = vector.load %arg1[%get3A, %get3A_0] : memref<1024x128xf32, #tpu.memory_space<vmem>>, vector<1024x128xf32>
    %get3A_2 = arith.constant 0 : index
    %get3A_3 = arith.constant 0 : index
    %get3A_4 = vector.load %arg3[%get3A_2, %get3A_3] : memref<128x64xf32, #tpu.memory_space<vmem>>, vector<128x64xf32>
    %dot_general3A = arith.constant dense<0.000000e+00> : vector<1024x64xf32>
    %dot_general3A_5 = tpu.matmul %get3A_1, %get3A_4, %dot_general3A {dimension_numbers = #tpu.dot_dimension_numbers<[1], [0], [0], [1], [0, 0, 1, 1], [], []>, transpose_lhs_hint = false} : vector<1024x128xf32>, vector<128x64xf32>, vector<1024x64xf32> -> vector<1024x64xf32>
    %get3A_6 = arith.constant 0 : index
    %get3A_7 = arith.constant 0 : index
    %get3A_8 = vector.load %arg2[%get3A_6, %get3A_7] : memref<1024x128xf32, #tpu.memory_space<vmem>>, vector<1024x128xf32>
    %get3A_9 = arith.constant 0 : index
    %get3A_10 = arith.constant 0 : index
    %get3A_11 = vector.load %arg3[%get3A_9, %get3A_10] : memref<128x64xf32, #tpu.memory_space<vmem>>, vector<128x64xf32>
    %dot_general3A_12 = arith.constant dense<0.000000e+00> : vector<1024x64xf32>
    %dot_general3A_13 = tpu.matmul %get3A_8, %get3A_11, %dot_general3A_12 {dimension_numbers = #tpu.dot_dimension_numbers<[1], [0], [0], [1], [0, 0, 1, 1], [], []>, transpose_lhs_hint = false} : vector<1024x128xf32>, vector<128x64xf32>, vector<1024x64xf32> -> vector<1024x64xf32>
    %swap3A = arith.constant 0 : index
    %swap3A_14 = arith.constant 0 : index
    %swap3A_15 = vector.load %arg5[%swap3A, %swap3A_14] : memref<1024x64xf32, #tpu.memory_space<vmem>>, vector<1024x64xf32>
    tpu.vector_store %arg5[%swap3A, %swap3A_14], %dot_general3A_5 {strides = array<i32>} : memref<1024x64xf32, #tpu.memory_space<vmem>>, vector<1024x64xf32>,
    %swap3A_16 = arith.constant 0 : index
    %swap3A_17 = arith.constant 0 : index
    %swap3A_18 = vector.load %arg6[%swap3A_16, %swap3A_17] : memref<1024x64xf32, #tpu.memory_space<vmem>>, vector<1024x64xf32>
    tpu.vector_store %arg6[%swap3A_16, %swap3A_17], %dot_general3A_13 {strides = array<i32>} : memref<1024x64xf32, #tpu.memory_space<vmem>>, vector<1024x64xf32>,
    %concatenate3A = tpu.concatenate %dot_general3A_5, %dot_general3A_13 in 1 : vector<1024x64xf32>, vector<1024x64xf32> -> vector<1024x128xf32>
    %get3A_19 = arith.constant 0 : index
    %get3A_20 = arith.constant 0 : index
    %get3A_21 = vector.load %arg4[%get3A_19, %get3A_20] : memref<128x8xf32, #tpu.memory_space<vmem>>, vector<128x8xf32>
    %dot_general3A_22 = arith.constant dense<0.000000e+00> : vector<1024x8xf32>
    %dot_general3A_23 = tpu.matmul %concatenate3A, %get3A_21, %dot_general3A_22 {dimension_numbers = #tpu.dot_dimension_numbers<[1], [0], [0], [1], [0, 0, 1, 1], [], []>, transpose_lhs_hint = false} : vector<1024x128xf32>, vector<128x8xf32>, vector<1024x8xf32> -> vector<1024x8xf32>
    %swap3A_24 = arith.constant 0 : index
    %swap3A_25 = arith.constant 0 : index
    %swap3A_26 = vector.load %arg7[%swap3A_24, %swap3A_25] : memref<1024x8xf32, #tpu.memory_space<vmem>>, vector<1024x8xf32>
    tpu.vector_store %arg7[%swap3A_24, %swap3A_25], %dot_general3A_23 {strides = array<i32>} : memref<1024x8xf32, #tpu.memory_space<vmem>>, vector<1024x8xf32>,
    return
  }
  func.func @transform_0(%arg0: i32) -> (i32, i32) {
    %c0_i32 = arith.constant 0 : i32
    %c0_i32_0 = arith.constant 0 : i32
    return %arg0, %c0_i32 : i32, i32
  }
  func.func @transform_1(%arg0: i32) -> (i32, i32) {
    %c0_i32 = arith.constant 0 : i32
    %c0_i32_0 = arith.constant 0 : i32
    return %arg0, %c0_i32 : i32, i32
  }
  func.func @transform_2(%arg0: i32) -> (i32, i32) {
    %c0_i32 = arith.constant 0 : i32
    %c0_i32_0 = arith.constant 0 : i32
    %c0_i32_1 = arith.constant 0 : i32
    return %c0_i32, %c0_i32_0 : i32, i32
  }
  func.func @transform_3(%arg0: i32) -> (i32, i32) {
    %c0_i32 = arith.constant 0 : i32
    %c0_i32_0 = arith.constant 0 : i32
    %c0_i32_1 = arith.constant 0 : i32
    return %c0_i32, %c0_i32_0 : i32, i32
  }
  func.func @transform_4(%arg0: i32) -> (i32, i32) {
    %c0_i32 = arith.constant 0 : i32
    %c0_i32_0 = arith.constant 0 : i32
    return %arg0, %c0_i32 : i32, i32
  }
  func.func @transform_5(%arg0: i32) -> (i32, i32) {
    %c0_i32 = arith.constant 0 : i32
    %c0_i32_0 = arith.constant 0 : i32
    return %arg0, %c0_i32 : i32, i32
  }
  func.func @transform_6(%arg0: i32) -> (i32, i32) {
    %c0_i32 = arith.constant 0 : i32
    %c0_i32_0 = arith.constant 0 : i32
    return %arg0, %c0_i32 : i32, i32
  }
}

module attributes {stable_mosaic.version = 14 : i64} {
  func.func @_mid_body(%arg0: i32, %arg1: memref<1024x80xf32, #tpu.memory_space<vmem>>, %arg2: memref<1024x80xf32, #tpu.memory_space<vmem>>, %arg3: memref<1024x80xf32, #tpu.memory_space<vmem>>, %arg4: memref<1024x80xf32, #tpu.memory_space<vmem>>, %arg5: memref<1x64xf32, #tpu.memory_space<vmem>>, %arg6: memref<64x128xf32, #tpu.memory_space<vmem>>, %arg7: memref<128x8xf32, #tpu.memory_space<vmem>>, %arg8: memref<1024x64xf32, #tpu.memory_space<vmem>>, %arg9: memref<1024x128xf32, #tpu.memory_space<vmem>>, %arg10: memref<1024x64xf32, #tpu.memory_space<vmem>>, %arg11: memref<1024x64xf32, #tpu.memory_space<vmem>>, %arg12: memref<1024x8xf32, #tpu.memory_space<vmem>>) attributes {dimension_semantics = [#tpu.dimension_semantics<arbitrary>], iteration_bounds = array<i64: 10>, scalar_prefetch = 0 : i64, scratch_operands = 0 : i64, tpu.core_type = #tpu.core_type<tc>, window_params = [{transform_indices = @transform_0, window_bounds = array<i64: 1024, 80>}, {transform_indices = @transform_1, window_bounds = array<i64: 1024, 80>}, {transform_indices = @transform_2, window_bounds = array<i64: 1024, 80>}, {transform_indices = @transform_3, window_bounds = array<i64: 1024, 80>}, {pipeline_mode = #tpu.pipeline_mode<synchronous>, transform_indices = @transform_4, window_bounds = array<i64: 1, 64>}, {pipeline_mode = #tpu.pipeline_mode<synchronous>, transform_indices = @transform_5, window_bounds = array<i64: 64, 128>}, {pipeline_mode = #tpu.pipeline_mode<synchronous>, transform_indices = @transform_6, window_bounds = array<i64: 128, 8>}, {transform_indices = @transform_7, window_bounds = array<i64: 1024, 64>}, {transform_indices = @transform_8, window_bounds = array<i64: 1024, 128>}, {transform_indices = @transform_9, window_bounds = array<i64: 1024, 64>}, {transform_indices = @transform_10, window_bounds = array<i64: 1024, 64>}, {transform_indices = @transform_11, window_bounds = array<i64: 1024, 8>}]} {
    %get3A = arith.constant 0 : index
    %get3A_0 = arith.constant 0 : index
    %get3A_1 = vector.load %arg1[%get3A, %get3A_0] : memref<1024x80xf32, #tpu.memory_space<vmem>>, vector<1024x80xf32>
    %get3A_2 = arith.constant 0 : index
    %get3A_3 = arith.constant 0 : index
    %get3A_4 = vector.load %arg2[%get3A_2, %get3A_3] : memref<1024x80xf32, #tpu.memory_space<vmem>>, vector<1024x80xf32>
    %add3A = arith.addf %get3A_1, %get3A_4 : vector<1024x80xf32>
    %get3A_5 = arith.constant 0 : index
    %get3A_6 = arith.constant 0 : index
    %get3A_7 = vector.load %arg3[%get3A_5, %get3A_6] : memref<1024x80xf32, #tpu.memory_space<vmem>>, vector<1024x80xf32>
    %get3A_8 = arith.constant 0 : index
    %get3A_9 = arith.constant 0 : index
    %get3A_10 = vector.load %arg4[%get3A_8, %get3A_9] : memref<1024x80xf32, #tpu.memory_space<vmem>>, vector<1024x80xf32>
    %add3A_11 = arith.addf %get3A_7, %get3A_10 : vector<1024x80xf32>
    %slice3A = vector.extract_strided_slice %add3A {offsets = [0, 0], sizes = [1024, 64], strides = [1, 1]} : vector<1024x80xf32> to vector<1024x64xf32>
    %slice3A_12 = vector.extract_strided_slice %add3A {offsets = [0, 64], sizes = [1024, 1], strides = [1, 1]} : vector<1024x80xf32> to vector<1024x1xf32>
    %add3A_13 = arith.constant 1.000000e-16 : f32
    %add3A_14 = vector.broadcast %add3A_13 : f32 to vector<1024x1xf32>
    %add3A_15 = arith.addf %slice3A_12, %add3A_14 : vector<1024x1xf32>
    %div3A = vector.broadcast %add3A_15 : vector<1024x1xf32> to vector<1024x64xf32>
    %div3A_16 = arith.divf %slice3A, %div3A : vector<1024x64xf32>
    %get3A_17 = arith.constant 0 : index
    %get3A_18 = arith.constant 0 : index
    %get3A_19 = vector.load %arg5[%get3A_17, %get3A_18] : memref<1x64xf32, #tpu.memory_space<vmem>>, vector<1x64xf32>
    %add3A_20 = vector.broadcast %get3A_19 : vector<1x64xf32> to vector<1024x64xf32>
    %add3A_21 = arith.addf %div3A_16, %add3A_20 : vector<1024x64xf32>
    %slice3A_22 = vector.extract_strided_slice %add3A_11 {offsets = [0, 0], sizes = [1024, 64], strides = [1, 1]} : vector<1024x80xf32> to vector<1024x64xf32>
    %slice3A_23 = vector.extract_strided_slice %add3A_11 {offsets = [0, 64], sizes = [1024, 1], strides = [1, 1]} : vector<1024x80xf32> to vector<1024x1xf32>
    %add3A_24 = arith.constant 1.000000e-16 : f32
    %add3A_25 = vector.broadcast %add3A_24 : f32 to vector<1024x1xf32>
    %add3A_26 = arith.addf %slice3A_23, %add3A_25 : vector<1024x1xf32>
    %div3A_27 = vector.broadcast %add3A_26 : vector<1024x1xf32> to vector<1024x64xf32>
    %div3A_28 = arith.divf %slice3A_22, %div3A_27 : vector<1024x64xf32>
    %get3A_29 = arith.constant 0 : index
    %get3A_30 = arith.constant 0 : index
    %get3A_31 = vector.load %arg5[%get3A_29, %get3A_30] : memref<1x64xf32, #tpu.memory_space<vmem>>, vector<1x64xf32>
    %add3A_32 = vector.broadcast %get3A_31 : vector<1x64xf32> to vector<1024x64xf32>
    %add3A_33 = arith.addf %div3A_28, %add3A_32 : vector<1024x64xf32>
    %swap3A = arith.constant 0 : index
    %swap3A_34 = arith.constant 0 : index
    %swap3A_35 = vector.load %arg8[%swap3A, %swap3A_34] : memref<1024x64xf32, #tpu.memory_space<vmem>>, vector<1024x64xf32>
    tpu.vector_store %arg8[%swap3A, %swap3A_34], %add3A_21 {strides = array<i32>} : memref<1024x64xf32, #tpu.memory_space<vmem>>, vector<1024x64xf32>,
    %max3A = arith.constant 0.000000e+00 : f32
    %max3A_36 = vector.broadcast %max3A : f32 to vector<1024x64xf32>
    %max3A_37 = arith.maximumf %add3A_21, %max3A_36 : vector<1024x64xf32>
    %max3A_38 = arith.constant 0.000000e+00 : f32
    %max3A_39 = vector.broadcast %max3A_38 : f32 to vector<1024x64xf32>
    %max3A_40 = arith.maximumf %add3A_33, %max3A_39 : vector<1024x64xf32>
    %concatenate3A = tpu.concatenate %max3A_37, %max3A_40 in 1 : vector<1024x64xf32>, vector<1024x64xf32> -> vector<1024x128xf32>
    %swap3A_41 = arith.constant 0 : index
    %swap3A_42 = arith.constant 0 : index
    %swap3A_43 = vector.load %arg9[%swap3A_41, %swap3A_42] : memref<1024x128xf32, #tpu.memory_space<vmem>>, vector<1024x128xf32>
    tpu.vector_store %arg9[%swap3A_41, %swap3A_42], %concatenate3A {strides = array<i32>} : memref<1024x128xf32, #tpu.memory_space<vmem>>, vector<1024x128xf32>,
    %get3A_44 = arith.constant 0 : index
    %get3A_45 = arith.constant 0 : index
    %get3A_46 = vector.load %arg6[%get3A_44, %get3A_45] : memref<64x128xf32, #tpu.memory_space<vmem>>, vector<64x128xf32>
    %dot_general3A = arith.constant dense<0.000000e+00> : vector<1024x128xf32>
    %dot_general3A_47 = tpu.matmul %add3A_21, %get3A_46, %dot_general3A {dimension_numbers = #tpu.dot_dimension_numbers<[1], [0], [0], [1], [0, 0, 1, 1], [], []>, transpose_lhs_hint = false} : vector<1024x64xf32>, vector<64x128xf32>, vector<1024x128xf32> -> vector<1024x128xf32>
    %slice3A_48 = vector.extract_strided_slice %dot_general3A_47 {offsets = [0, 0], sizes = [1024, 64], strides = [1, 1]} : vector<1024x128xf32> to vector<1024x64xf32>
    %swap3A_49 = arith.constant 0 : index
    %swap3A_50 = arith.constant 0 : index
    %swap3A_51 = vector.load %arg10[%swap3A_49, %swap3A_50] : memref<1024x64xf32, #tpu.memory_space<vmem>>, vector<1024x64xf32>
    tpu.vector_store %arg10[%swap3A_49, %swap3A_50], %slice3A_48 {strides = array<i32>} : memref<1024x64xf32, #tpu.memory_space<vmem>>, vector<1024x64xf32>,
    %slice3A_52 = vector.extract_strided_slice %dot_general3A_47 {offsets = [0, 64], sizes = [1024, 64], strides = [1, 1]} : vector<1024x128xf32> to vector<1024x64xf32>
    %swap3A_53 = arith.constant 0 : index
    %swap3A_54 = arith.constant 0 : index
    %swap3A_55 = vector.load %arg11[%swap3A_53, %swap3A_54] : memref<1024x64xf32, #tpu.memory_space<vmem>>, vector<1024x64xf32>
    tpu.vector_store %arg11[%swap3A_53, %swap3A_54], %slice3A_52 {strides = array<i32>} : memref<1024x64xf32, #tpu.memory_space<vmem>>, vector<1024x64xf32>,
    %get3A_56 = arith.constant 0 : index
    %get3A_57 = arith.constant 0 : index
    %get3A_58 = vector.load %arg7[%get3A_56, %get3A_57] : memref<128x8xf32, #tpu.memory_space<vmem>>, vector<128x8xf32>
    %dot_general3A_59 = arith.constant dense<0.000000e+00> : vector<1024x8xf32>
    %dot_general3A_60 = tpu.matmul %dot_general3A_47, %get3A_58, %dot_general3A_59 {dimension_numbers = #tpu.dot_dimension_numbers<[1], [0], [0], [1], [0, 0, 1, 1], [], []>, transpose_lhs_hint = false} : vector<1024x128xf32>, vector<128x8xf32>, vector<1024x8xf32> -> vector<1024x8xf32>
    %swap3A_61 = arith.constant 0 : index
    %swap3A_62 = arith.constant 0 : index
    %swap3A_63 = vector.load %arg12[%swap3A_61, %swap3A_62] : memref<1024x8xf32, #tpu.memory_space<vmem>>, vector<1024x8xf32>
    tpu.vector_store %arg12[%swap3A_61, %swap3A_62], %dot_general3A_60 {strides = array<i32>} : memref<1024x8xf32, #tpu.memory_space<vmem>>, vector<1024x8xf32>,
    return
  }
  func.func @transform_0(%arg0: i32) -> (i32, i32) {
    %c0_i32 = arith.constant 0 : i32
    %c0_i32_0 = arith.constant 0 : i32
    return %arg0, %c0_i32 : i32, i32
  }
  func.func @transform_1(%arg0: i32) -> (i32, i32) {
    %c0_i32 = arith.constant 0 : i32
    %c0_i32_0 = arith.constant 0 : i32
    return %arg0, %c0_i32 : i32, i32
  }
  func.func @transform_2(%arg0: i32) -> (i32, i32) {
    %c0_i32 = arith.constant 0 : i32
    %c0_i32_0 = arith.constant 0 : i32
    return %arg0, %c0_i32 : i32, i32
  }
  func.func @transform_3(%arg0: i32) -> (i32, i32) {
    %c0_i32 = arith.constant 0 : i32
    %c0_i32_0 = arith.constant 0 : i32
    return %arg0, %c0_i32 : i32, i32
  }
  func.func @transform_4(%arg0: i32) -> (i32, i32) {
    %c0_i32 = arith.constant 0 : i32
    %c0_i32_0 = arith.constant 0 : i32
    %c0_i32_1 = arith.constant 0 : i32
    return %c0_i32, %c0_i32_0 : i32, i32
  }
  func.func @transform_5(%arg0: i32) -> (i32, i32) {
    %c0_i32 = arith.constant 0 : i32
    %c0_i32_0 = arith.constant 0 : i32
    %c0_i32_1 = arith.constant 0 : i32
    return %c0_i32, %c0_i32_0 : i32, i32
  }
  func.func @transform_6(%arg0: i32) -> (i32, i32) {
    %c0_i32 = arith.constant 0 : i32
    %c0_i32_0 = arith.constant 0 : i32
    %c0_i32_1 = arith.constant 0 : i32
    return %c0_i32, %c0_i32_0 : i32, i32
  }
  func.func @transform_7(%arg0: i32) -> (i32, i32) {
    %c0_i32 = arith.constant 0 : i32
    %c0_i32_0 = arith.constant 0 : i32
    return %arg0, %c0_i32 : i32, i32
  }
  func.func @transform_8(%arg0: i32) -> (i32, i32) {
    %c0_i32 = arith.constant 0 : i32
    %c0_i32_0 = arith.constant 0 : i32
    return %arg0, %c0_i32 : i32, i32
  }
  func.func @transform_9(%arg0: i32) -> (i32, i32) {
    %c0_i32 = arith.constant 0 : i32
    %c0_i32_0 = arith.constant 0 : i32
    return %arg0, %c0_i32 : i32, i32
  }
  func.func @transform_10(%arg0: i32) -> (i32, i32) {
    %c0_i32 = arith.constant 0 : i32
    %c0_i32_0 = arith.constant 0 : i32
    return %arg0, %c0_i32 : i32, i32
  }
  func.func @transform_11(%arg0: i32) -> (i32, i32) {
    %c0_i32 = arith.constant 0 : i32
    %c0_i32_0 = arith.constant 0 : i32
    return %arg0, %c0_i32 : i32, i32
  }
}

module attributes {stable_mosaic.version = 14 : i64} {
  func.func @_readout_body(%arg0: i32, %arg1: memref<400x10000xf32, #tpu.memory_space<vmem>>, %arg2: memref<10000x128xf32, #tpu.memory_space<vmem>>, %arg3: memref<400x128xf32, #tpu.memory_space<vmem>>, %arg4: memref<400x8xf32, #tpu.memory_space<vmem>>) attributes {dimension_semantics = [#tpu.dimension_semantics<arbitrary>], iteration_bounds = array<i64: 25>, scalar_prefetch = 0 : i64, scratch_operands = 0 : i64, tpu.core_type = #tpu.core_type<tc>, window_params = [{transform_indices = @transform_0, window_bounds = array<i64: 400, 10000>}, {transform_indices = @transform_1, window_bounds = array<i64: 10000, 128>}, {transform_indices = @transform_2, window_bounds = array<i64: 400, 128>}, {transform_indices = @transform_3, window_bounds = array<i64: 400, 8>}]} {
    %get3A = arith.constant 0 : index
    %get3A_0 = arith.constant 0 : index
    %get3A_1 = vector.load %arg1[%get3A, %get3A_0] : memref<400x10000xf32, #tpu.memory_space<vmem>>, vector<400x10000xf32>
    %get3A_2 = arith.constant 0 : index
    %get3A_3 = arith.constant 0 : index
    %get3A_4 = vector.load %arg2[%get3A_2, %get3A_3] : memref<10000x128xf32, #tpu.memory_space<vmem>>, vector<10000x128xf32>
    %dot_general3A = arith.constant dense<0.000000e+00> : vector<400x128xf32>
    %dot_general3A_5 = tpu.matmul %get3A_1, %get3A_4, %dot_general3A {dimension_numbers = #tpu.dot_dimension_numbers<[1], [0], [0], [1], [0, 0, 1, 1], [], []>, transpose_lhs_hint = false} : vector<400x10000xf32>, vector<10000x128xf32>, vector<400x128xf32> -> vector<400x128xf32>
    %swap3A = arith.constant 0 : index
    %swap3A_6 = arith.constant 0 : index
    %swap3A_7 = vector.load %arg3[%swap3A, %swap3A_6] : memref<400x128xf32, #tpu.memory_space<vmem>>, vector<400x128xf32>
    tpu.vector_store %arg3[%swap3A, %swap3A_6], %dot_general3A_5 {strides = array<i32>} : memref<400x128xf32, #tpu.memory_space<vmem>>, vector<400x128xf32>,
    %reduce_sum3A = arith.constant dense<0.000000e+00> : vector<400xf32>
    %reduce_sum3A_8 = vector.multi_reduction <add>, %get3A_1, %reduce_sum3A [1] : vector<400x10000xf32> to vector<400xf32>
    %broadcast_in_dim3A = vector.shape_cast %reduce_sum3A_8 : vector<400xf32> to vector<400x1xf32>
    %broadcast_in_dim3A_9 = vector.shape_cast %broadcast_in_dim3A : vector<400x1xf32> to vector<400x1xf32>
    %broadcast_in_dim3A_10 = vector.broadcast %broadcast_in_dim3A_9 : vector<400x1xf32> to vector<400x8xf32>
    %swap3A_11 = arith.constant 0 : index
    %swap3A_12 = arith.constant 0 : index
    %swap3A_13 = vector.load %arg4[%swap3A_11, %swap3A_12] : memref<400x8xf32, #tpu.memory_space<vmem>>, vector<400x8xf32>
    tpu.vector_store %arg4[%swap3A_11, %swap3A_12], %broadcast_in_dim3A_10 {strides = array<i32>} : memref<400x8xf32, #tpu.memory_space<vmem>>, vector<400x8xf32>,
    return
  }
  func.func @transform_0(%arg0: i32) -> (i32, i32) {
    %c0_i32 = arith.constant 0 : i32
    %c0_i32_0 = arith.constant 0 : i32
    return %arg0, %c0_i32 : i32, i32
  }
  func.func @transform_1(%arg0: i32) -> (i32, i32) {
    %c0_i32 = arith.constant 0 : i32
    %c0_i32_0 = arith.constant 0 : i32
    %c0_i32_1 = arith.constant 0 : i32
    return %c0_i32, %c0_i32_0 : i32, i32
  }
  func.func @transform_2(%arg0: i32) -> (i32, i32) {
    %c0_i32 = arith.constant 0 : i32
    %c0_i32_0 = arith.constant 0 : i32
    return %arg0, %c0_i32 : i32, i32
  }
  func.func @transform_3(%arg0: i32) -> (i32, i32) {
    %c0_i32 = arith.constant 0 : i32
    %c0_i32_0 = arith.constant 0 : i32
    return %arg0, %c0_i32 : i32, i32
  }
}

module attributes {stable_mosaic.version = 14 : i64} {
  func.func @_final_body(%arg0: i32, %arg1: memref<1000x80xf32, #tpu.memory_space<vmem>>, %arg2: memref<1000x80xf32, #tpu.memory_space<vmem>>, %arg3: memref<1000x80xf32, #tpu.memory_space<vmem>>, %arg4: memref<1000x80xf32, #tpu.memory_space<vmem>>, %arg5: memref<1x128xf32, #tpu.memory_space<vmem>>, %arg6: memref<1000x128xf32, #tpu.memory_space<vmem>>, %arg7: memref<1000x8xf32, #tpu.memory_space<vmem>>, %arg8: memref<1000x128xf32, #tpu.memory_space<vmem>>, %arg9: memref<64x64xf32, #tpu.memory_space<vmem>>, %arg10: memref<1000x128xf32, #tpu.memory_space<vmem>>, %arg11: memref<1000x2xf32, #tpu.memory_space<vmem>>, %arg12: memref<1000x2xf32, #tpu.memory_space<vmem>>) attributes {dimension_semantics = [#tpu.dimension_semantics<arbitrary>], iteration_bounds = array<i64: 10>, scalar_prefetch = 0 : i64, scratch_operands = 0 : i64, tpu.core_type = #tpu.core_type<tc>, window_params = [{transform_indices = @transform_0, window_bounds = array<i64: 1000, 80>}, {transform_indices = @transform_1, window_bounds = array<i64: 1000, 80>}, {transform_indices = @transform_2, window_bounds = array<i64: 1000, 80>}, {transform_indices = @transform_3, window_bounds = array<i64: 1000, 80>}, {pipeline_mode = #tpu.pipeline_mode<synchronous>, transform_indices = @transform_4, window_bounds = array<i64: 1, 128>}, {transform_indices = @transform_5, window_bounds = array<i64: 1000, 128>}, {transform_indices = @transform_6, window_bounds = array<i64: 1000, 8>}, {transform_indices = @transform_7, window_bounds = array<i64: 1000, 128>}, {pipeline_mode = #tpu.pipeline_mode<synchronous>, transform_indices = @transform_8, window_bounds = array<i64: 64, 64>}, {transform_indices = @transform_9, window_bounds = array<i64: 1000, 128>}, {transform_indices = @transform_10, window_bounds = array<i64: 1000, 2>}, {transform_indices = @transform_11, window_bounds = array<i64: 1000, 2>}]} {
    %get3A = arith.constant 0 : index
    %get3A_0 = arith.constant 0 : index
    %get3A_1 = vector.load %arg1[%get3A, %get3A_0] : memref<1000x80xf32, #tpu.memory_space<vmem>>, vector<1000x80xf32>
    %get3A_2 = arith.constant 0 : index
    %get3A_3 = arith.constant 0 : index
    %get3A_4 = vector.load %arg2[%get3A_2, %get3A_3] : memref<1000x80xf32, #tpu.memory_space<vmem>>, vector<1000x80xf32>
    %add3A = arith.addf %get3A_1, %get3A_4 : vector<1000x80xf32>
    %get3A_5 = arith.constant 0 : index
    %get3A_6 = arith.constant 0 : index
    %get3A_7 = vector.load %arg3[%get3A_5, %get3A_6] : memref<1000x80xf32, #tpu.memory_space<vmem>>, vector<1000x80xf32>
    %get3A_8 = arith.constant 0 : index
    %get3A_9 = arith.constant 0 : index
    %get3A_10 = vector.load %arg4[%get3A_8, %get3A_9] : memref<1000x80xf32, #tpu.memory_space<vmem>>, vector<1000x80xf32>
    %add3A_11 = arith.addf %get3A_7, %get3A_10 : vector<1000x80xf32>
    %slice3A = vector.extract_strided_slice %add3A {offsets = [0, 0], sizes = [1000, 64], strides = [1, 1]} : vector<1000x80xf32> to vector<1000x64xf32>
    %slice3A_12 = vector.extract_strided_slice %add3A {offsets = [0, 64], sizes = [1000, 1], strides = [1, 1]} : vector<1000x80xf32> to vector<1000x1xf32>
    %add3A_13 = arith.constant 1.000000e-16 : f32
    %add3A_14 = vector.broadcast %add3A_13 : f32 to vector<1000x1xf32>
    %add3A_15 = arith.addf %slice3A_12, %add3A_14 : vector<1000x1xf32>
    %div3A = vector.broadcast %add3A_15 : vector<1000x1xf32> to vector<1000x64xf32>
    %div3A_16 = arith.divf %slice3A, %div3A : vector<1000x64xf32>
    %slice3A_17 = vector.extract_strided_slice %add3A_11 {offsets = [0, 0], sizes = [1000, 64], strides = [1, 1]} : vector<1000x80xf32> to vector<1000x64xf32>
    %slice3A_18 = vector.extract_strided_slice %add3A_11 {offsets = [0, 64], sizes = [1000, 1], strides = [1, 1]} : vector<1000x80xf32> to vector<1000x1xf32>
    %add3A_19 = arith.constant 1.000000e-16 : f32
    %add3A_20 = vector.broadcast %add3A_19 : f32 to vector<1000x1xf32>
    %add3A_21 = arith.addf %slice3A_18, %add3A_20 : vector<1000x1xf32>
    %div3A_22 = vector.broadcast %add3A_21 : vector<1000x1xf32> to vector<1000x64xf32>
    %div3A_23 = arith.divf %slice3A_17, %div3A_22 : vector<1000x64xf32>
    %concatenate3A = tpu.concatenate %div3A_16, %div3A_23 in 1 : vector<1000x64xf32>, vector<1000x64xf32> -> vector<1000x128xf32>
    %get3A_24 = arith.constant 0 : index
    %get3A_25 = arith.constant 0 : index
    %get3A_26 = vector.load %arg5[%get3A_24, %get3A_25] : memref<1x128xf32, #tpu.memory_space<vmem>>, vector<1x128xf32>
    %add3A_27 = vector.broadcast %get3A_26 : vector<1x128xf32> to vector<1000x128xf32>
    %add3A_28 = arith.addf %concatenate3A, %add3A_27 : vector<1000x128xf32>
    %swap3A = arith.constant 0 : index
    %swap3A_29 = arith.constant 0 : index
    %swap3A_30 = vector.load %arg10[%swap3A, %swap3A_29] : memref<1000x128xf32, #tpu.memory_space<vmem>>, vector<1000x128xf32>
    tpu.vector_store %arg10[%swap3A, %swap3A_29], %add3A_28 {strides = array<i32>} : memref<1000x128xf32, #tpu.memory_space<vmem>>, vector<1000x128xf32>,
    %get3A_31 = arith.constant 0 : index
    %get3A_32 = arith.constant 0 : index
    %get3A_33 = vector.load %arg6[%get3A_31, %get3A_32] : memref<1000x128xf32, #tpu.memory_space<vmem>>, vector<1000x128xf32>
    %get3A_34 = arith.constant 0 : index
    %get3A_35 = arith.constant 0 : index
    %get3A_36 = vector.load %arg7[%get3A_34, %get3A_35] : memref<1000x8xf32, #tpu.memory_space<vmem>>, vector<1000x1xf32>
    %slice3A_37 = vector.extract_strided_slice %get3A_33 {offsets = [0, 0], sizes = [1000, 64], strides = [1, 1]} : vector<1000x128xf32> to vector<1000x64xf32>
    %div3A_38 = vector.broadcast %get3A_36 : vector<1000x1xf32> to vector<1000x64xf32>
    %div3A_39 = arith.divf %slice3A_37, %div3A_38 : vector<1000x64xf32>
    %mul3A = arith.mulf %div3A_39, %div3A_39 : vector<1000x64xf32>
    %reduce_sum3A = arith.constant dense<0.000000e+00> : vector<1000xf32>
    %reduce_sum3A_40 = vector.multi_reduction <add>, %mul3A, %reduce_sum3A [1] : vector<1000x64xf32> to vector<1000xf32>
    %broadcast_in_dim3A = vector.shape_cast %reduce_sum3A_40 : vector<1000xf32> to vector<1000x1xf32>
    %sqrt3A = math.sqrt %broadcast_in_dim3A : vector<1000x1xf32>
    %max3A = arith.constant 9.99999996E-13 : f32
    %max3A_41 = vector.broadcast %max3A : f32 to vector<1000x1xf32>
    %max3A_42 = arith.maximumf %sqrt3A, %max3A_41 : vector<1000x1xf32>
    %div3A_43 = vector.broadcast %max3A_42 : vector<1000x1xf32> to vector<1000x64xf32>
    %div3A_44 = arith.divf %div3A_39, %div3A_43 : vector<1000x64xf32>
    %neg3A = arith.constant 0.000000e+00 : f32
    %neg3A_45 = vector.broadcast %neg3A : f32 to vector<1000x64xf32>
    %neg3A_46 = arith.subf %neg3A_45, %div3A_44 : vector<1000x64xf32>
    %exp3A = math.exp %neg3A_46 : vector<1000x64xf32>
    %add3A_47 = arith.constant 1.000000e+00 : f32
    %add3A_48 = vector.broadcast %add3A_47 : f32 to vector<1000x64xf32>
    %add3A_49 = arith.addf %add3A_48, %exp3A : vector<1000x64xf32>
    %div3A_50 = arith.constant 1.000000e+00 : f32
    %div3A_51 = vector.broadcast %div3A_50 : f32 to vector<1000x64xf32>
    %div3A_52 = arith.divf %div3A_51, %add3A_49 : vector<1000x64xf32>
    %slice3A_53 = vector.extract_strided_slice %get3A_33 {offsets = [0, 64], sizes = [1000, 64], strides = [1, 1]} : vector<1000x128xf32> to vector<1000x64xf32>
    %div3A_54 = vector.broadcast %get3A_36 : vector<1000x1xf32> to vector<1000x64xf32>
    %div3A_55 = arith.divf %slice3A_53, %div3A_54 : vector<1000x64xf32>
    %mul3A_56 = arith.mulf %div3A_55, %div3A_55 : vector<1000x64xf32>
    %reduce_sum3A_57 = arith.constant dense<0.000000e+00> : vector<1000xf32>
    %reduce_sum3A_58 = vector.multi_reduction <add>, %mul3A_56, %reduce_sum3A_57 [1] : vector<1000x64xf32> to vector<1000xf32>
    %broadcast_in_dim3A_59 = vector.shape_cast %reduce_sum3A_58 : vector<1000xf32> to vector<1000x1xf32>
    %sqrt3A_60 = math.sqrt %broadcast_in_dim3A_59 : vector<1000x1xf32>
    %max3A_61 = arith.constant 9.99999996E-13 : f32
    %max3A_62 = vector.broadcast %max3A_61 : f32 to vector<1000x1xf32>
    %max3A_63 = arith.maximumf %sqrt3A_60, %max3A_62 : vector<1000x1xf32>
    %div3A_64 = vector.broadcast %max3A_63 : vector<1000x1xf32> to vector<1000x64xf32>
    %div3A_65 = arith.divf %div3A_55, %div3A_64 : vector<1000x64xf32>
    %neg3A_66 = arith.constant 0.000000e+00 : f32
    %neg3A_67 = vector.broadcast %neg3A_66 : f32 to vector<1000x64xf32>
    %neg3A_68 = arith.subf %neg3A_67, %div3A_65 : vector<1000x64xf32>
    %exp3A_69 = math.exp %neg3A_68 : vector<1000x64xf32>
    %add3A_70 = arith.constant 1.000000e+00 : f32
    %add3A_71 = vector.broadcast %add3A_70 : f32 to vector<1000x64xf32>
    %add3A_72 = arith.addf %add3A_71, %exp3A_69 : vector<1000x64xf32>
    %div3A_73 = arith.constant 1.000000e+00 : f32
    %div3A_74 = vector.broadcast %div3A_73 : f32 to vector<1000x64xf32>
    %div3A_75 = arith.divf %div3A_74, %add3A_72 : vector<1000x64xf32>
    %get3A_76 = arith.constant 0 : index
    %get3A_77 = arith.constant 0 : index
    %get3A_78 = vector.load %arg9[%get3A_76, %get3A_77] : memref<64x64xf32, #tpu.memory_space<vmem>>, vector<64x64xf32>
    %dot_general3A = arith.constant dense<0.000000e+00> : vector<1000x64xf32>
    %dot_general3A_79 = tpu.matmul %div3A_52, %get3A_78, %dot_general3A {dimension_numbers = #tpu.dot_dimension_numbers<[1], [0], [0], [1], [0, 0, 1, 1], [], []>, transpose_lhs_hint = false} : vector<1000x64xf32>, vector<64x64xf32>, vector<1000x64xf32> -> vector<1000x64xf32>
    %get3A_80 = arith.constant 0 : index
    %get3A_81 = arith.constant 0 : index
    %get3A_82 = vector.load %arg9[%get3A_80, %get3A_81] : memref<64x64xf32, #tpu.memory_space<vmem>>, vector<64x64xf32>
    %dot_general3A_83 = arith.constant dense<0.000000e+00> : vector<1000x64xf32>
    %dot_general3A_84 = tpu.matmul %div3A_75, %get3A_82, %dot_general3A_83 {dimension_numbers = #tpu.dot_dimension_numbers<[1], [0], [0], [1], [0, 0, 1, 1], [], []>, transpose_lhs_hint = false} : vector<1000x64xf32>, vector<64x64xf32>, vector<1000x64xf32> -> vector<1000x64xf32>
    %get3A_85 = arith.constant 0 : index
    %get3A_86 = arith.constant 0 : index
    %get3A_87 = vector.load %arg8[%get3A_85, %get3A_86] : memref<1000x128xf32, #tpu.memory_space<vmem>>, vector<1000x128xf32>
    %slice3A_88 = vector.extract_strided_slice %get3A_87 {offsets = [0, 0], sizes = [1000, 64], strides = [1, 1]} : vector<1000x128xf32> to vector<1000x64xf32>
    %get3A_89 = arith.constant 0 : index
    %get3A_90 = arith.constant 0 : index
    %get3A_91 = vector.load %arg8[%get3A_89, %get3A_90] : memref<1000x128xf32, #tpu.memory_space<vmem>>, vector<1000x128xf32>
    %slice3A_92 = vector.extract_strided_slice %get3A_91 {offsets = [0, 64], sizes = [1000, 64], strides = [1, 1]} : vector<1000x128xf32> to vector<1000x64xf32>
    %mul3A_93 = arith.mulf %slice3A_88, %dot_general3A_79 : vector<1000x64xf32>
    %reduce_sum3A_94 = arith.constant dense<0.000000e+00> : vector<1000xf32>
    %reduce_sum3A_95 = vector.multi_reduction <add>, %mul3A_93, %reduce_sum3A_94 [1] : vector<1000x64xf32> to vector<1000xf32>
    %broadcast_in_dim3A_96 = vector.shape_cast %reduce_sum3A_95 : vector<1000xf32> to vector<1000x1xf32>
    %mul3A_97 = arith.mulf %slice3A_92, %dot_general3A_79 : vector<1000x64xf32>
    %reduce_sum3A_98 = arith.constant dense<0.000000e+00> : vector<1000xf32>
    %reduce_sum3A_99 = vector.multi_reduction <add>, %mul3A_97, %reduce_sum3A_98 [1] : vector<1000x64xf32> to vector<1000xf32>
    %broadcast_in_dim3A_100 = vector.shape_cast %reduce_sum3A_99 : vector<1000xf32> to vector<1000x1xf32>
    %concatenate3A_101 = tpu.concatenate %broadcast_in_dim3A_96, %broadcast_in_dim3A_100 in 1 : vector<1000x1xf32>, vector<1000x1xf32> -> vector<1000x2xf32>
    %swap3A_102 = arith.constant 0 : index
    %swap3A_103 = arith.constant 0 : index
    %swap3A_104 = vector.load %arg11[%swap3A_102, %swap3A_103] : memref<1000x2xf32, #tpu.memory_space<vmem>>, vector<1000x2xf32>
    tpu.vector_store %arg11[%swap3A_102, %swap3A_103], %concatenate3A_101 {strides = array<i32>} : memref<1000x2xf32, #tpu.memory_space<vmem>>, vector<1000x2xf32>,
    %mul3A_105 = arith.mulf %slice3A_92, %dot_general3A_84 : vector<1000x64xf32>
    %reduce_sum3A_106 = arith.constant dense<0.000000e+00> : vector<1000xf32>
    %reduce_sum3A_107 = vector.multi_reduction <add>, %mul3A_105, %reduce_sum3A_106 [1] : vector<1000x64xf32> to vector<1000xf32>
    %broadcast_in_dim3A_108 = vector.shape_cast %reduce_sum3A_107 : vector<1000xf32> to vector<1000x1xf32>
    %mul3A_109 = arith.mulf %slice3A_88, %dot_general3A_84 : vector<1000x64xf32>
    %reduce_sum3A_110 = arith.constant dense<0.000000e+00> : vector<1000xf32>
    %reduce_sum3A_111 = vector.multi_reduction <add>, %mul3A_109, %reduce_sum3A_110 [1] : vector<1000x64xf32> to vector<1000xf32>
    %broadcast_in_dim3A_112 = vector.shape_cast %reduce_sum3A_111 : vector<1000xf32> to vector<1000x1xf32>
    %concatenate3A_113 = tpu.concatenate %broadcast_in_dim3A_108, %broadcast_in_dim3A_112 in 1 : vector<1000x1xf32>, vector<1000x1xf32> -> vector<1000x2xf32>
    %swap3A_114 = arith.constant 0 : index
    %swap3A_115 = arith.constant 0 : index
    %swap3A_116 = vector.load %arg12[%swap3A_114, %swap3A_115] : memref<1000x2xf32, #tpu.memory_space<vmem>>, vector<1000x2xf32>
    tpu.vector_store %arg12[%swap3A_114, %swap3A_115], %concatenate3A_113 {strides = array<i32>} : memref<1000x2xf32, #tpu.memory_space<vmem>>, vector<1000x2xf32>,
    return
  }
  func.func @transform_0(%arg0: i32) -> (i32, i32) {
    %c0_i32 = arith.constant 0 : i32
    %c0_i32_0 = arith.constant 0 : i32
    return %arg0, %c0_i32 : i32, i32
  }
  func.func @transform_1(%arg0: i32) -> (i32, i32) {
    %c0_i32 = arith.constant 0 : i32
    %c0_i32_0 = arith.constant 0 : i32
    return %arg0, %c0_i32 : i32, i32
  }
  func.func @transform_2(%arg0: i32) -> (i32, i32) {
    %c0_i32 = arith.constant 0 : i32
    %c0_i32_0 = arith.constant 0 : i32
    return %arg0, %c0_i32 : i32, i32
  }
  func.func @transform_3(%arg0: i32) -> (i32, i32) {
    %c0_i32 = arith.constant 0 : i32
    %c0_i32_0 = arith.constant 0 : i32
    return %arg0, %c0_i32 : i32, i32
  }
  func.func @transform_4(%arg0: i32) -> (i32, i32) {
    %c0_i32 = arith.constant 0 : i32
    %c0_i32_0 = arith.constant 0 : i32
    %c0_i32_1 = arith.constant 0 : i32
    return %c0_i32, %c0_i32_0 : i32, i32
  }
  func.func @transform_5(%arg0: i32) -> (i32, i32) {
    %c0_i32 = arith.constant 0 : i32
    %c0_i32_0 = arith.constant 0 : i32
    return %arg0, %c0_i32 : i32, i32
  }
  func.func @transform_6(%arg0: i32) -> (i32, i32) {
    %c0_i32 = arith.constant 0 : i32
    %c0_i32_0 = arith.constant 0 : i32
    return %arg0, %c0_i32 : i32, i32
  }
  func.func @transform_7(%arg0: i32) -> (i32, i32) {
    %c0_i32 = arith.constant 0 : i32
    %c0_i32_0 = arith.constant 0 : i32
    return %arg0, %c0_i32 : i32, i32
  }
  func.func @transform_8(%arg0: i32) -> (i32, i32) {
    %c0_i32 = arith.constant 0 : i32
    %c0_i32_0 = arith.constant 0 : i32
    %c0_i32_1 = arith.constant 0 : i32
    return %c0_i32, %c0_i32_0 : i32, i32
  }
  func.func @transform_9(%arg0: i32) -> (i32, i32) {
    %c0_i32 = arith.constant 0 : i32
    %c0_i32_0 = arith.constant 0 : i32
    return %arg0, %c0_i32 : i32, i32
  }
  func.func @transform_10(%arg0: i32) -> (i32, i32) {
    %c0_i32 = arith.constant 0 : i32
    %c0_i32_0 = arith.constant 0 : i32
    return %arg0, %c0_i32 : i32, i32
  }
  func.func @transform_11(%arg0: i32) -> (i32, i32) {
    %c0_i32 = arith.constant 0 : i32
    %c0_i32_0 = arith.constant 0 : i32
    return %arg0, %c0_i32 : i32, i32
  }
}

</mosaic_0001>

<sc_bundles>
// kernel: kernel.10.cloned.1.call-start
scs
__scs_entry_jumppad:
0x0: {  	(pc) =	sbr.rel $0x88, $3  }
0x1: {  	(tag) =	ssettag $0x0;
	lr =	simm.s32 $0x1  }
0x2: {  	[smem:$0x3F93] =	sst lr;
	_ =	strace $0xD0000000  }
0x3: {  	_ = 	snop  }
0x4: {  	_ = 	snop  }
0x5: {  	_ = 	snop  }
0x6: {  	_ = 	snop  }
0x7: {  	_ = 	snop  }
__scs_overlays_trampoline_lowered:
0x8: {  	[smem:$0x3FA2] =	sst s0  }
0x9: {  	[smem:$0x3FA3] =	sst s1  }
0xa: {  	[smem:$0x3FA4] =	sst s2  }
0xb: {  	[smem:$0x3FA5] =	sst s3  }
0xc: {  	[smem:$0x3FA6] =	sst s4  }
0xd: {  	[smem:$0x3FA7] =	sst s5  }
0xe: {  	[smem:$0x3FA8] =	sst s6  }
0xf: {  	[smem:$0x3FA9] =	sst s7  }
0x10: {  	[smem:$0x3FAA] =	sst s8  }
0x11: {  	[smem:$0x3FAB] =	sst s9;
	s0 =	simm.s32 @!p0 $0x0  }
0x12: {  	s1 =	sld [smem:$0x3F91];
	s0 =	simm.s32 @p0 $0x1  }
0x13: {  	[smem:$0x3FAC] =	sst s0;
	s0 =	simm.s32 @!p1 $0x0  }
0x14: {  	s2 =	sld [smem:$0x3F90];
	s0 =	simm.s32 @p1 $0x1  }
0x15: {  	[smem:$0x3FAD] =	sst s0;
	s0 =	simm.s32 @!p2 $0x0  }
0x16: {  	s3 =	sld [smem:$0x3FDB];
	s0 =	simm.s32 @p2 $0x1  }
0x17: {  	s4 =	simm.s32 $0x1BF5;
	[smem:$0x3FAF] =	sst s0  }
0x18: {  	s0 =	sld [smem:$0x3F92];
	_ =	swait.ge [sflag:s4], $0x0  }
0x19: {  	s7 =	sld [smem:$0x3F93]  }
0x1a: {  	s8 =	sadd.s32 $0xFFFFE003, lr  }
0x1b: {  	s9 =	sadd.s32 $0xFFFFFEF7, lr;
	s5 =	simm.s32 $0xFFFFFFFF;
	p2 =	slt.u32 s8, $0xFFFFF086  }
0x1c: {  	p1 =	slt.u32 s9, $0xF7A;
	s5 =	simm.s32 @!p2 $0x0  }
0x1d: {  	s5 =	simm.s32 @p1 $0x1;
	p0 =	seq.s32 s7, s2  }
0x1e: {  	s7 =	smul.u32 @!p0 $0xF7A, s2;
	p2 =	seq.s32 @!p0 s5, $0x0  }
0x1f: {  	s9 =	smul.u32 $0xF7A, s1;
	s8 =	simm.s32 @!p0 $0x1BF5;
	p2 =	por !p2, p0  }
0x20: {  	[sflag:s8] =	ssyncset.s32 @!p0 $0xFFFFF086;
	s6 =	sadd.s32 @!p0 s3, s7;
	s7 =	simm.s32 @!p0 $0x108  }
0x21: {  	s3 =	sadd.s32 s3, s9;
	s6 =	sadd.s32 @!p0 $0x88, s6;
	s7 =	simm.s32 @p2 $0x1082  }
0x22: {  	[simem:s7], [sflag:s8] =	dma.local @!p0 [hbm:s6], $0xF7A  }
0x23: {  	s9 =	sor.u32 $0xD0000000, s2;
	s6 =	simm.s32 $0x108;
	_ =	swait.ge @!p0 [sflag:s8], $0x0  }
0x24: {  	s3 =	sadd.s32 $0x88, s3;
	s6 =	simm.s32 @!p1 $0x1082;
	[sflag:s4] =	ssyncset.s32 $0xFFFFF086  }
0x25: {  	[simem:s6], [sflag:s4] =	dma.local [hbm:s3], $0xF7A  }
0x26: {  	[smem:$0x3F93] =	sst s1;
	(tag) =	ssettag s2;
	_ =	strace s9  }
0x27: {  	s1 =	sld [smem:$0x3FA3]  }
0x28: {  	s2 =	sld [smem:$0x3FA4]  }
0x29: {  	s4 =	sld [smem:$0x3FA6]  }
0x2a: {  	p0 =	seq.s32 s5, $0x0;
	s5 =	sld [smem:$0x3FA7]  }
0x2b: {  	s6 =	sld [smem:$0x3FA8]  }
0x2c: {  	s7 =	sld [smem:$0x3FA9]  }
0x2d: {  	s3 =	simm.s32 $0x108;
	s8 =	sld [smem:$0x3FAA]  }
0x2e: {  	s3 =	simm.s32 @!p0 $0x1082;
	s9 =	sld [smem:$0x3FAB]  }
0x2f: {  	lr =	sadd.s32 s0, s3;
	s0 =	sld [smem:$0x3FA2]  }
0x30: {  	s3 =	sld [smem:$0x3FA5]  }
0x31: {  	[smem:$0x3FAE] =	sst s10  }
0x32: {  	s10 =	sld [smem:$0x3FAC];
	_ =	sdelay $0x3  }
0x33: {  	p0 =	seq.s32 s10, $0x1;
	s10 =	sld [smem:$0x3FAE];
	_ =	sdelay $0x3  }
0x34: {  	[smem:$0x3FAE] =	sst s10  }
0x35: {  	s10 =	sld [smem:$0x3FAD];
	_ =	sdelay $0x3  }
0x36: {  	p1 =	seq.s32 s10, $0x1;
	s10 =	sld [smem:$0x3FAE];
	_ =	sdelay $0x3  }
0x37: {  	[smem:$0x3FAE] =	sst s10  }
0x38: {  	s10 =	sld [smem:$0x3FAF]  }
0x39: {  	_ = 	snop;
	(pc) =	sbr.ind lr, $3  }
0x3a: {  	_ = 	snop  }
0x3b: {  	_ = 	snop  }
0x3c: {  	p2 =	seq.s32 s10, $0x1;
	s10 =	sld [smem:$0x3FAE]  }
0x3d: {  	_ =	shalt  }
0x3e: {  	_ =	shalt  }
0x3f: {  	_ =	shalt  }
0x40: {  	_ =	shalt  }
0x41: {  	_ =	shalt  }
0x42: {  	_ =	shalt  }
0x43: {  	_ =	shalt  }
0x44: {  	_ =	shalt  }
0x45: {  	_ =	shalt  }
0x46: {  	_ =	shalt  }
0x47: {  	_ =	shalt  }
0x48: {  	_ =	shalt  }
0x49: {  	_ =	shalt  }
0x4a: {  	_ =	shalt  }
0x4b: {  	_ =	shalt  }
0x4c: {  	_ =	shalt  }
0x4d: {  	_ =	shalt  }
0x4e: {  	_ =	shalt  }
0x4f: {  	_ =	shalt  }
0x50: {  	_ =	shalt  }
0x51: {  	_ =	shalt  }
0x52: {  	_ =	shalt  }
0x53: {  	_ =	shalt  }
0x54: {  	_ =	shalt  }
0x55: {  	_ =	shalt  }
0x56: {  	_ =	shalt  }
0x57: {  	_ =	shalt  }
0x58: {  	_ =	shalt  }
0x59: {  	_ =	shalt  }
0x5a: {  	_ =	shalt  }
0x5b: {  	_ =	shalt  }
0x5c: {  	_ =	shalt  }
0x5d: {  	_ =	shalt  }
0x5e: {  	_ =	shalt  }
0x5f: {  	_ =	shalt  }
0x60: {  	_ =	shalt  }
0x61: {  	_ =	shalt  }
0x62: {  	_ =	shalt  }
0x63: {  	_ =	shalt  }
0x64: {  	_ =	shalt  }
0x65: {  	_ =	shalt  }
0x66: {  	_ =	shalt  }
0x67: {  	_ =	shalt  }
0x68: {  	_ =	shalt  }
0x69: {  	_ =	shalt  }
0x6a: {  	_ =	shalt  }
0x6b: {  	_ =	shalt  }
0x6c: {  	_ =	shalt  }
0x6d: {  	_ =	shalt  }
0x6e: {  	_ =	shalt  }
0x6f: {  	_ =	shalt  }
0x70: {  	_ =	shalt  }
0x71: {  	_ =	shalt  }
0x72: {  	_ =	shalt  }
0x73: {  	_ =	shalt  }
0x74: {  	_ =	shalt  }
0x75: {  	_ =	shalt  }
0x76: {  	_ =	shalt  }
0x77: {  	_ =	shalt  }
0x78: {  	_ =	shalt  }
0x79: {  	_ =	shalt  }
0x7a: {  	_ =	shalt  }
0x7b: {  	_ =	shalt  }
0x7c: {  	_ =	shalt  }
0x7d: {  	_ =	shalt  }
0x7e: {  	_ =	shalt  }
0x7f: {  	_ =	shalt  }
0x80: {  	_ =	shalt  }
0x81: {  	_ =	shalt  }
0x82: {  	_ =	shalt  }
0x83: {  	_ =	shalt  }
0x84: {  	_ =	shalt  }
0x85: {  	_ =	shalt  }
0x86: {  	_ =	shalt  }
0x87: {  	_ =	shalt  }
.Lfunc_end0:
.L_simem_size_0:
called_computation_lowered:
.L_overlay_start_0:
0x88: {  	s2 =	sld [smem:$0x3FD9]  }
0x89: {  	s3 =	sld [smem:$0x3FFE];
	_ =	sdelay $0x1  }
0x8a: {  	s1 =	srdreg.scid  }
0x8b: {  	s0 =	sand.u32 $0x1, s1  }
0x8c: {  	s15 =	sshll.u32 s0, $0xA;
	s2 =	sadd.s32 s3, s2  }
0x8d: {  	s2 =	sadd.s32 s2, s15  }
0x8e: {  	[smem:$0x3FBA] =	sst s2  }
0x8f: {  	_ = 	snop  }
0x90: {  	s2 =	sld [smem:$0x3FD0];
	_ =	sdelay $0x2  }
0x91: {  	s16 =	simm.s32 $0xB;
	s4 =	simm.s32 $0x10  }
0x92: {  	[smem:s4], [sflag:s16] =	dma.local [hbm:s2], $0x1  }
0x93: {  	_ =	swait.eq [sflag:s16], $0x1  }
0x94: {  	[sflag:s16] =	ssyncset.done $0x0  }
0x95: {  	[sflag:s16] =	ssyncadd.s32 $0xFFFFFFFF  }
0x96: {  	s17 =	sld [smem:$0x12];
	(tm) =	ssettm $0x1  }
0x97: {  	s18 =	sld [smem:$0x3FFB];
	_ =	sdelay $0x3  }
0x98: {  	_ =	strace s18  }
0x99: {  	s2 =	sld [smem:$0x3FFC];
	_ =	sdelay $0x3  }
0x9a: {  	_ =	strace s2  }
0x9b: {  	s2 =	sld [smem:$0x3FFD];
	_ =	sdelay $0x3  }
0x9c: {  	_ =	strace s2  }
0x9d: {  	_ =	strace $0x8FFFFFFF  }
0x9e: {  	s19 =	sld [smem:$0x3FDB];
	_ =	sdelay $0x1  }
0x9f: {  	s20 =	simm.s32 $_scs_section_size  }
0xa0: {  	s5 =	simm.s32 $_size__tile_overlayer_lowered;
	s6 =	simm.s32 $_tile_overlayer_lowered  }
0xa1: {  	s7 =	simm.s32 $0x1BFF;
	s21 =	sshll.u32 s6, $0x1;
	s4 =	sadd.s32 s20, s19  }
0xa2: {  	s22 =	simm.s32 $0x0;
	s5 =	sshll.u32 s5, $0x1;
	s6 =	sadd.s32 s21, s4  }
0xa3: {  	[timem:s22], [sflag:s7] =	dma.local [hbm:s6], s5  }
0xa4: {  	_ =	swait.ge [sflag:s7], s5  }
0xa5: {  	s5 =	ssub.s32 $0x0, s5;
	[sflag:s7] =	ssyncset.done $0x0  }
0xa6: {  	[sflag:s7] =	ssyncadd.s32 s5;
	_ =	sdelay $0x1  }
0xa7: {  	s23 =	simm.s32 $0x1B8B  }
0xa8: {  	_ =	swait.ge [sflag:s23], $0x1  }
0xa9: {  	[sflag:s23] =	ssyncset.done $0x0  }
0xaa: {  	[sflag:s23] =	ssyncadd.s32 $0xFFFFFFFF  }
0xab: {  	s5 =	sld [smem:$0x0]  }
0xac: {  	s6 =	sand.u32 $0xFFFFFFFE, s1  }
0xad: {  	p0 =	sne.s32 s1, s6  }
0xae: {  	s6 =	sshll.u32 @p0 s6, $0xE  }
0xaf: {  	s6 =	sadd.s32 @p0 $0x11B8D, s6;
	s7 =	sshll.u32 @p0 s5, $0x11  }
0xb0: {  	s6 =	sor.u32 @p0 s7, s6  }
0xb1: {  	[sflag:s6] =	ssyncadd.remote.s32 @p0 $0x1;
	_ =	sdelay $0x1  }
0xb2: {  	s6 =	simm.s32 @p0 $0x1B8D  }
0xb3: {  	_ =	swait.eq @p0 [sflag:s6], $0x1  }
0xb4: {  	[sflag:s6] =	ssyncadd.s32 @p0 $0xFFFFFFFF  }
0xb5: {  	s7 =	sshll.u32 @!p0 s1, $0xE  }
0xb6: {  	s7 =	sor.u32 @!p0 $0x4000, s7;
	s6 =	simm.s32 @!p0 $0x1B8D  }
0xb7: {  	s5 =	sshll.u32 @!p0 s5, $0x11;
	s7 =	sadd.s32 @!p0 $0x11B8D, s7;
	_ =	swait.eq @!p0 [sflag:s6], $0x1  }
0xb8: {  	s5 =	sor.u32 @!p0 s5, s7;
	[sflag:s6] =	ssyncadd.s32 @!p0 $0xFFFFFFFF  }
0xb9: {  	s25 =	simm.s32 $0x1B8E;
	s24 =	sld [smem:$0x3FFE];
	[sflag:s5] =	ssyncadd.remote.s32 @!p0 $0x1  }
0xba: {  	s26 =	simm.s32 $execute0_lowered;
	[smem:$0x3FD2] =	sst s25  }
0xbb: {  	s6 =	sshll.u32 s26, $0x1;
	_ =	strace $0x80000049;
	[dreg:$0x1] =	wrdreg $0xFFFFFFFF  }
0xbc: {  	s28 =	simm.s32 $_size_execute0_lowered;
	s4 =	sadd.s32 s4, s6;
	[dreg:$0x0] =	wrdreg $0x0  }
0xbd: {  	s6 =	sshll.u32 s28, $0x1;
	[dreg:$0x2] =	wrdreg s4  }
0xbe: {  	[dreg:$0x3] =	wrdreg s6  }
0xbf: {  	[dreg:$0x4] =	wrdreg $0xC0  }
0xc0: {  	_ =	task [dreg:s22], $0x5FFFF  }
0xc1: {  	[dreg:$0x1] =	wrdreg $0xFFFFFFFF  }
0xc2: {  	[dreg:$0x0] =	wrdreg $0x60  }
0xc3: {  	[dreg:$0x2] =	wrdreg s24  }
0xc4: {  	[dreg:$0x3] =	wrdreg s17  }
0xc5: {  	[dreg:$0x4] =	wrdreg $0xFD500  }
0xc6: {  	[dreg:$0x5] =	wrdreg $0x9  }
0xc7: {  	_ =	task.clear_ibuf [dreg:s22], $0x6FFFF;
	_ =	strace $0x90000049  }
0xc8: {  	s29 =	simm.s32 $0x9;
	_ =	strace $0x8000004B  }
0xc9: {  	_ =	swait.ge [sflag:s29], $0x1  }
0xca: {  	[sflag:s29] =	ssyncadd.s32 $0xFFFFFFFF  }
0xcb: {  	_ =	strace $0x9000004B  }
0xcc: {  	_ =	sfence  }
0xcd: {  	s30 =	sld [smem:$0x0];
	_ =	sdelay $0x2  }
0xce: {  	s31 =	sshll.u32 s1, $0xD;
	s1 =	sshrl.u32 s1, $0x2  }
0xcf: {  	s4 =	sand.u32 $0x4000, s31;
	s1 =	sadd.s32 s1, s30  }
0xd0: {  	s0 =	sor.u32 s4, s0;
	s1 =	sshll.u32 s1, $0x11  }
0xd1: {  	s0 =	sor.u32 s1, s0  }
0xd2: {  	s0 =	sadd.s32 $0x8F2B, s0  }
0xd3: {  	[sflag:s0] =	ssyncadd.remote.s32 $0x1  }
0xd4: {  	_ =	sfence.sel $0xFFFF  }
0xd5: {  	[dreg:$0x0] =	wrdreg $0xFFFFFFFF;
	(pc) =	sbr.abs _section_cstart, $3  }
0xd6: {  	[dreg:$0x1] =	wrdreg $0xFFFFFFFF  }
0xd7: {  	_ =	task.clear_ibuf [dreg:s22], $0x2FFFF;
	_ =	strace $0x9FFFFFFF  }
0xd8: {  	(tm) =	ssettm $0x7FFFFFFF  }
0xd9: {  	_ =	shalt  }
tec
execute0_lowered:
.L_overlay_start_1:
0x0: {  	(tag) =	ssettag $0x1  }
0x1: {  	s0 =	srdreg.scid  }
0x2: {  	s1 =	rddreg [dreg:$0x0];
	s8 =	stileid.u32  }
0x3: {  	s3 =	rddreg [dreg:$0x2];
	s4 =	simm.s32 $0x0;
	s28 =	simm.s32 $0xE950  }
0x4: {  	s29 =	simm.s32 $0x40;
	s31 =	simm.s32 $0xB150;
	s30 =	simm.s32 $0xD550  }
0x5: {  	s0 =	sand.u32 $0x1, s0;
	s6 =	smul.u32 $0xC800, s8;
	[smem:$0x7FF] =	sst s4  }
0x6: {  	s5 =	sadd.s32 $0x47600, s1;
	s9 =	sadd.s32 $0x5B600, s1;
	s2 =	sshll.u32 s0, $0x4  }
0x7: {  	s7 =	smul.u32 $0xC8000, s0;
	_ =	strace $0x8000004A;
	s0 =	ssub.s32 $0x2, s0  }
0x8: {  	[dreg:$0x4] =	wrdreg s9;
	s2 =	sor.u32 s8, s2;
	s8 =	smul.u32 $0x32000, s8  }
0x9: {  	s19 =	sshrl.u32 s0, $0x1;
	s10 =	sadd.s32 s6, s3;
	s2 =	smul.u32 $0x510, s2  }
0xa: {  	s7 =	sadd.s32 s6, s7;
	s0 =	ssub.s32 s0, s19;
	s6 =	simm.s32 $0x4  }
0xb: {  	s7 =	sshrl.u32 s7, $0x3;
	s8 =	sshrl.u32 s8, $0x2;
	s2 =	sadd.s32 s2, s1  }
0xc: {  	s7 =	sadd.s32 s7, s1;
	s21 =	sadd.s32 s8, s3;
	s1 =	sadd.s32 $0x5BB00, s1  }
0xd: {  	s20 =	sadd.s32 $0x1200, s2;
	s2 =	sadd.s32 $0xB400, s2;
	[dreg:$0x7] =	wrdreg s1  }
0xe: {  	s22 =	sadd.s32 $0x1400, s21;
	s23 =	sadd.s32 $0x2800, s21;
	[dreg:$0x5] =	wrdreg s20  }
0xf: {  	s24 =	sadd.s32 $0x3C00, s21;
	s25 =	sadd.s32 $0x5000, s21;
	[dreg:$0x6] =	wrdreg s2  }
0x10: {  	s26 =	sadd.s32 $0x6400, s21;
	s16 =	sadd.s32 $0x7800, s21;
	[dreg:$0x8] =	wrdreg s22  }
0x11: {  	s17 =	sadd.s32 $0x8C00, s21;
	s18 =	sadd.s32 $0xA000, s21;
	[dreg:$0x9] =	wrdreg s23  }
0x12: {  	s19 =	sadd.s32 $0xB400, s21;
	s21 =	smax.u32 s0, $0x1;
	[dreg:$0xa] =	wrdreg s24  }
0x13: {  	s1 =	simm.s32 $0x1;
	s0 =	simm.s32 $0x3;
	[dreg:$0xb] =	wrdreg s25  }
0x14: {  	[dreg:$0xc] =	wrdreg s26;
	s20 =	sadd.s32 $0x5C000, s7;
	s22 =	simm.s32 $0x5  }
0x15: {  	v0 =	vimm.f32 $0.0e+00;
	vm0 =	vcmask $0x300;
	s24 =	simm.s32 $0x5100;
	s25 =	simm.s32 $0x7900;
	s2 =	simm.s32 $0xA110  }
0x16: {  	v1 =	vsel vm0, $0x3F800000, v0;
	s23 =	simm.s32 $0xC150;
	s26 =	simm.s32 $0x2;
	s7 =	simm.s32 $0x0  }
.LBB2_1:
0x17: {  	s8 =	rddreg [dreg:$0x5]  }
0x18: {  	[tilespmem:s4], [sflag:$0x5] =	stream.linear.gather [hbm4b:s8+s4], $0x2880, $0x38;
	[tilespmem:$0x1C550] =	vst v63  }
0x19: {  	_ =	swait.ge [sflag:s22], $0x2880  }
0x1a: {  	[sflag:s22] =	ssyncset.done $0x0  }
0x1b: {  	s9 =	simm.s32 $0x2880;
	s11 =	rddreg [dreg:$0x6];
	[sflag:s22] =	ssyncadd.s32 $0xFFFFD780  }
0x1c: {  	[tilespmem:s9], [sflag:$0x5] =	stream.linear.gather [hbm4b:s11+s4], $0x2880, $0x38;
	[tilespmem:$0x1C550] =	vst v63  }
0x1d: {  	_ =	swait.ge [sflag:s22], $0x2880  }
0x1e: {  	[sflag:s22] =	ssyncset.done $0x0  }
0x1f: {  	s12 =	rddreg [dreg:$0x4];
	[sflag:s22] =	ssyncadd.s32 $0xFFFFD780  }
0x20: {  	[tilespmem:s24], [sflag:$0x5] =	stream.linear.gather [hbm4b:s12+s4], $0x2800, $0x38;
	[tilespmem:$0x1C550] =	vst v63  }
0x21: {  	_ =	swait.ge [sflag:s22], $0x2800  }
0x22: {  	[sflag:s22] =	ssyncset.done $0x0  }
0x23: {  	s13 =	rddreg [dreg:$0x7];
	[sflag:s22] =	ssyncadd.s32 $0xFFFFD800  }
0x24: {  	[tilespmem:s25], [sflag:$0x5] =	stream.linear.gather [hbm4b:s13+s4], $0x2800, $0x38;
	[tilespmem:$0x1C550] =	vst v63  }
0x25: {  	_ =	swait.ge [sflag:s22], $0x2800  }
0x26: {  	[sflag:s22] =	ssyncset.done $0x0  }
0x27: {  	[sflag:s22] =	ssyncadd.s32 $0xFFFFD800  }
0x28: {  	s15 =	simm.s32 $0xA100;
	s14 =	rddreg [dreg:$0x1]  }
0x29: {  	[tilespmem:s15], [sflag:$0x5] =	stream.linear.gather [hbm4b:s14+s4], $0x10, $0x38;
	[tilespmem:$0x1C550] =	vst v63  }
0x2a: {  	_ =	swait.ge [sflag:s22], $0x10  }
0x2b: {  	[sflag:s22] =	ssyncset.done $0x0  }
0x2c: {  	s8 =	simm.s32 $0x0;
	s9 =	simm.s32 $0x140;
	[sflag:s22] =	ssyncadd.s32 $0xFFFFFFF0  }
.LBB2_2:
0x2d: {  	p0 =	sne.s32 s9, $0x4EC0;
	[tilespmem:s8+$0xE990] =	vst v0;
	s11 =	smov.u32 s9;
	s9 =	sadd.s32 $0x140, s9  }
.Ltmp0:
0x2e: {  	[tilespmem:s8+$0xE980] =	vst v0;
	(pc) =	sbr.rel @p0 .LBB2_2-.Ltmp0, $4  }
0x2f: {  	[tilespmem:s8+$0xE970] =	vst v0  }
0x30: {  	[tilespmem:s8+$0xE950] =	vst v0  }
0x31: {  	[tilespmem:s8+$0xE960] =	vst v0  }
0x32: {  	s8 =	sshra.s32 s11, $0x2  }
0x33: {  	[tilespmem:s8+$0xE990] =	vst v0  }
0x34: {  	[tilespmem:s8+$0xE980] =	vst v0  }
0x35: {  	[tilespmem:s8+$0xE970] =	vst v0  }
0x36: {  	[tilespmem:s8+$0xE950] =	vst v0  }
0x37: {  	[tilespmem:s8+$0xE960] =	vst v0  }
0x38: {  	[spmem:s10] =	stream.linear.scatter [tilespmem:s28], [sflag:$0x5], $0x1400, $0x38;
	[tilespmem:$0x1C550] =	vst v63  }
0x39: {  	_ =	swait.ge [sflag:s22], $0x1400  }
0x3a: {  	[sflag:s22] =	ssyncset.done $0x0  }
0x3b: {  	s11 =	rddreg [dreg:$0x8];
	[sflag:s22] =	ssyncadd.s32 $0xFFFFEC00  }
0x3c: {  	[spmem:s11] =	stream.linear.scatter [tilespmem:s28], [sflag:$0x5], $0x1400, $0x38;
	[tilespmem:$0x1C550] =	vst v63  }
0x3d: {  	_ =	swait.ge [sflag:s22], $0x1400  }
0x3e: {  	[sflag:s22] =	ssyncset.done $0x0  }
0x3f: {  	s12 =	rddreg [dreg:$0x9];
	[sflag:s22] =	ssyncadd.s32 $0xFFFFEC00  }
0x40: {  	[spmem:s12] =	stream.linear.scatter [tilespmem:s28], [sflag:$0x5], $0x1400, $0x38;
	[tilespmem:$0x1C550] =	vst v63  }
0x41: {  	_ =	swait.ge [sflag:s22], $0x1400  }
0x42: {  	[sflag:s22] =	ssyncset.done $0x0  }
0x43: {  	s13 =	rddreg [dreg:$0xa];
	[sflag:s22] =	ssyncadd.s32 $0xFFFFEC00  }
0x44: {  	[spmem:s13] =	stream.linear.scatter [tilespmem:s28], [sflag:$0x5], $0x1400, $0x38;
	[tilespmem:$0x1C550] =	vst v63  }
0x45: {  	_ =	swait.ge [sflag:s22], $0x1400  }
0x46: {  	[sflag:s22] =	ssyncset.done $0x0  }
0x47: {  	s14 =	rddreg [dreg:$0xb];
	[sflag:s22] =	ssyncadd.s32 $0xFFFFEC00  }
0x48: {  	[spmem:s14] =	stream.linear.scatter [tilespmem:s28], [sflag:$0x5], $0x1400, $0x38;
	[tilespmem:$0x1C550] =	vst v63  }
0x49: {  	_ =	swait.ge [sflag:s22], $0x1400  }
0x4a: {  	[sflag:s22] =	ssyncset.done $0x0  }
0x4b: {  	s15 =	rddreg [dreg:$0xc];
	[sflag:s22] =	ssyncadd.s32 $0xFFFFEC00  }
0x4c: {  	[spmem:s15] =	stream.linear.scatter [tilespmem:s28], [sflag:$0x5], $0x1400, $0x38;
	[tilespmem:$0x1C550] =	vst v63  }
0x4d: {  	_ =	swait.ge [sflag:s22], $0x1400  }
0x4e: {  	[sflag:s22] =	ssyncset.done $0x0  }
0x4f: {  	[sflag:s22] =	ssyncadd.s32 $0xFFFFEC00  }
0x50: {  	[spmem:s16] =	stream.linear.scatter [tilespmem:s28], [sflag:$0x5], $0x1400, $0x38;
	[tilespmem:$0x1C550] =	vst v63  }
0x51: {  	_ =	swait.ge [sflag:s22], $0x1400  }
0x52: {  	[sflag:s22] =	ssyncset.done $0x0  }
0x53: {  	[sflag:s22] =	ssyncadd.s32 $0xFFFFEC00  }
0x54: {  	[spmem:s17] =	stream.linear.scatter [tilespmem:s28], [sflag:$0x5], $0x1400, $0x38;
	[tilespmem:$0x1C550] =	vst v63  }
0x55: {  	_ =	swait.ge [sflag:s22], $0x1400  }
0x56: {  	[sflag:s22] =	ssyncset.done $0x0  }
0x57: {  	[sflag:s22] =	ssyncadd.s32 $0xFFFFEC00  }
0x58: {  	[spmem:s18] =	stream.linear.scatter [tilespmem:s28], [sflag:$0x5], $0x1400, $0x38;
	[tilespmem:$0x1C550] =	vst v63  }
0x59: {  	_ =	swait.ge [sflag:s22], $0x1400  }
0x5a: {  	[sflag:s22] =	ssyncset.done $0x0  }
0x5b: {  	[sflag:s22] =	ssyncadd.s32 $0xFFFFEC00  }
0x5c: {  	[spmem:s19] =	stream.linear.scatter [tilespmem:s28], [sflag:$0x5], $0x1400, $0x38;
	[tilespmem:$0x1C550] =	vst v63  }
0x5d: {  	_ =	swait.ge [sflag:s22], $0x1400  }
0x5e: {  	[sflag:s22] =	ssyncset.done $0x0  }
0x5f: {  	[sflag:s22] =	ssyncadd.s32 $0xFFFFEC00  }
0x60: {  	s8 =	simm.s32 $0x0;
	s9 =	simm.s32 $0xA150;
	[bflag:$0x0] =	sbarrier.arrive $0xFFFF  }
0x61: {  	v2 =	vld [tilespmem:$0xA100];
	[tilespmem:s9], [sflag:$0x1] =	stream.indirect.gather [hbm4b:s5+s29], $0x40, s8, s29, $0xb8  }
0x62: {  	s9 =	simm.s32 $0x0  }
.LBB2_4:
0x63: {  	s11 =	sshllo.u32 s9, $0x1  }
0x64: {  	s11 =	sshll.u32 s11, $0x6  }
0x65: {  	s12 =	sand.u32 $0x3FFFFFC0, s11  }
0x66: {  	[tilespmem:s31], [sflag:$0x2] =	stream.indirect.gather [hbm4b:s5+s29], $0x40, s12, s29, $0xb8;
	[tilespmem:$0x1C550] =	vst v63  }
0x67: {  	s12 =	sshll.u32 s9, $0x7  }
0x68: {  	v3 =	vld [tilespmem:s12+$0x0]  }
0x69: {  	v4 =	vld [tilespmem:s12+$0x2880];
	_ =	sdelay $0x6  }
0x6a: {  	v3 =	vld.idx.msk [tilespmem:v3+s24+$0x0], $0xffff  }
0x6b: {  	v4 =	vld.idx.msk [tilespmem:v4+s25+$0x0], $0xffff;
	_ =	sdelay $0x4  }
0x6c: {  	v3 =	vadd.f32 v4, v3;
	_ =	sdelay $0x1  }
0x6d: {  	v4 =	vmul.f32 $2.000000030e-01, v3;
	_ =	sdelay $0x1  }
0x6e: {  	v3 =	vmax.f32 v3, v4  }
0x6f: {  	v3 =	vsub.f32 v3, v2;
	_ =	sdelay $0x1  }
0x70: {  	v3 =	vmul.f32 $1.442695020e+00, v3;
	_ =	sdelay $0x1  }
0x71: {  	(erf) = vpow2.f32 v3;
	_ =	sdelay $0x8  }
0x72: {  	v3 =	vpop (erf)  }
0x73: {  	[tilespmem:$0xA110] =	vst v3  }
0x74: {  	v3 =	vld [tilespmem:s12+$0x10]  }
0x75: {  	v4 =	vld [tilespmem:s12+$0x2890];
	_ =	sdelay $0x6  }
0x76: {  	v3 =	vld.idx.msk [tilespmem:v3+s24+$0x0], $0xffff  }
0x77: {  	v4 =	vld.idx.msk [tilespmem:v4+s25+$0x0], $0xffff;
	_ =	sdelay $0x4  }
0x78: {  	v3 =	vadd.f32 v4, v3;
	_ =	sdelay $0x1  }
0x79: {  	v4 =	vmul.f32 $2.000000030e-01, v3;
	_ =	sdelay $0x1  }
0x7a: {  	v3 =	vmax.f32 v3, v4  }
0x7b: {  	v3 =	vsub.f32 v3, v2;
	_ =	sdelay $0x1  }
0x7c: {  	v3 =	vmul.f32 $1.442695020e+00, v3;
	_ =	sdelay $0x1  }
0x7d: {  	(erf) = vpow2.f32 v3;
	_ =	sdelay $0x8  }
0x7e: {  	v3 =	vpop (erf)  }
0x7f: {  	[tilespmem:$0xA120] =	vst v3  }
0x80: {  	v3 =	vld [tilespmem:s12+$0x20]  }
0x81: {  	v4 =	vld [tilespmem:s12+$0x28A0];
	_ =	sdelay $0x6  }
0x82: {  	v3 =	vld.idx.msk [tilespmem:v3+s24+$0x0], $0xffff  }
0x83: {  	v4 =	vld.idx.msk [tilespmem:v4+s25+$0x0], $0xffff;
	_ =	sdelay $0x4  }
0x84: {  	v3 =	vadd.f32 v4, v3;
	_ =	sdelay $0x1  }
0x85: {  	v4 =	vmul.f32 $2.000000030e-01, v3;
	_ =	sdelay $0x1  }
0x86: {  	v3 =	vmax.f32 v3, v4  }
0x87: {  	v3 =	vsub.f32 v3, v2;
	_ =	sdelay $0x1  }
0x88: {  	v3 =	vmul.f32 $1.442695020e+00, v3;
	_ =	sdelay $0x1  }
0x89: {  	(erf) = vpow2.f32 v3;
	_ =	sdelay $0x8  }
0x8a: {  	v3 =	vpop (erf)  }
0x8b: {  	[tilespmem:$0xA130] =	vst v3  }
0x8c: {  	v3 =	vld [tilespmem:s12+$0x30]  }
0x8d: {  	v4 =	vld [tilespmem:s12+$0x28B0];
	_ =	sdelay $0x6  }
0x8e: {  	v3 =	vld.idx.msk [tilespmem:v3+s24+$0x0], $0xffff  }
0x8f: {  	v4 =	vld.idx.msk [tilespmem:v4+s25+$0x0], $0xffff;
	_ =	sdelay $0x4  }
0x90: {  	v3 =	vadd.f32 v4, v3;
	_ =	sdelay $0x1  }
0x91: {  	v4 =	vmul.f32 $2.000000030e-01, v3;
	_ =	sdelay $0x1  }
0x92: {  	v3 =	vmax.f32 v3, v4  }
0x93: {  	v3 =	vsub.f32 v3, v2;
	_ =	sdelay $0x1  }
0x94: {  	v3 =	vmul.f32 $1.442695020e+00, v3;
	_ =	sdelay $0x1  }
0x95: {  	(erf) = vpow2.f32 v3;
	_ =	sdelay $0x8  }
0x96: {  	v3 =	vpop (erf)  }
0x97: {  	[tilespmem:$0xA140] =	vst v3  }
0x98: {  	_ =	swait.ge [sflag:s1], $0x1000  }
0x99: {  	p0 =	seq.s32 s9, $0x0;
	v3 =	vmov s8;
	[sflag:s1] =	ssyncset.done $0x0  }
0x9a: {  	s13 =	simm.s32 @!p0 $0x3;
	[sflag:s1] =	ssyncadd.s32 $0xFFFFF000  }
0x9b: {  	_ =	swait.ge @!p0 [sflag:s13], $0x1400  }
0x9c: {  	[sflag:s13] =	ssyncset.done @!p0 $0x0  }
0x9d: {  	[sflag:s13] =	ssyncadd.s32 @!p0 $0xFFFFEC00  }
0x9e: {  	s13 =	simm.s32 $0xA170;
	v3 =	vld.idx.msk [tilespmem:v3+s2+$0x0], $0xffff  }
0x9f: {  	v4 =	vld [tilespmem:s13+$0xFFFFFFE0];
	_ =	sdelay $0x4  }
0xa0: {  	v4 =	vmul.f32 v4, v3  }
0xa1: {  	s14 =	simm.s32 $0xC170  }
0xa2: {  	[tilespmem:s14+$0xFFFFFFE0] =	vst v4  }
0xa3: {  	v4 =	vld [tilespmem:s13+$0xFFFFFFF0];
	_ =	sdelay $0x4  }
0xa4: {  	v4 =	vmul.f32 v4, v3;
	_ =	sdelay $0x1  }
0xa5: {  	[tilespmem:s14+$0xFFFFFFF0] =	vst v4  }
0xa6: {  	v4 =	vld [tilespmem:s13+$0x0];
	_ =	sdelay $0x4  }
0xa7: {  	v4 =	vmul.f32 v4, v3;
	_ =	sdelay $0x1  }
0xa8: {  	[tilespmem:s14+$0x0] =	vst v4  }
0xa9: {  	v4 =	vld [tilespmem:s13+$0x10]  }
0xaa: {  	v5 =	vmul.f32 v1, v3  }
0xab: {  	s15 =	simm.s32 $0x1  }
0xac: {  	s12 =	sadd.s32 $0x2880, s12;
	[tilespmem:s14+$0x20] =	vst v5;
	v5 =	vmov s15;
	s15 =	simm.s32 $0x2  }
.LBB2_5:
0xad: {  	p1 =	sne.s32 s15, $0x3F  }
0xae: {  	v3 =	vmul.f32 v4, v3;
	_ =	sdelay $0x1  }
0xaf: {  	[tilespmem:s14+$0x10] =	vst v3  }
0xb0: {  	s13 =	sadd.s32 $0x40, s13;
	v3 =	vld.idx.msk [tilespmem:v5+s2+$0x0], $0xffff  }
0xb1: {  	v4 =	vld [tilespmem:s13+$0xFFFFFFE0];
	_ =	sdelay $0x4  }
0xb2: {  	v5 =	vmul.f32 v1, v3;
	v4 =	vmul.f32 v4, v3  }
0xb3: {  	s14 =	sadd.s32 $0x50, s14  }
0xb4: {  	[tilespmem:s14+$0xFFFFFFE0] =	vst v4  }
0xb5: {  	v4 =	vld [tilespmem:s13+$0xFFFFFFF0];
	_ =	sdelay $0x4  }
0xb6: {  	v4 =	vmul.f32 v4, v3;
	_ =	sdelay $0x1  }
0xb7: {  	[tilespmem:s14+$0xFFFFFFF0] =	vst v4  }
0xb8: {  	v4 =	vld [tilespmem:s13+$0x0];
	_ =	sdelay $0x4  }
0xb9: {  	v4 =	vmul.f32 v4, v3;
	_ =	sdelay $0x1  }
.Ltmp1:
0xba: {  	[tilespmem:s14+$0x0] =	vst v4;
	(pc) =	sbr.rel @p1 .LBB2_5-.Ltmp1, $2  }
0xbb: {  	v4 =	vld [tilespmem:s13+$0x10];
	[tilespmem:s14+$0x20] =	vst v5;
	_ =	sdelay $0x2  }
0xbc: {  	v5 =	vmov s15;
	s15 =	sadd.s32 $0x1, s15  }
0xbd: {  	_ = 	snop  }
0xbe: {  	v3 =	vmul.f32 v4, v3;
	_ =	sdelay $0x1  }
0xbf: {  	[tilespmem:s14+$0x10] =	vst v3  }
0xc0: {  	s13 =	sadd.s32 $0x40, s13;
	v3 =	vld.idx.msk [tilespmem:v5+s2+$0x0], $0xffff  }
0xc1: {  	v4 =	vld [tilespmem:s13+$0xFFFFFFE0];
	_ =	sdelay $0x4  }
0xc2: {  	v4 =	vmul.f32 v4, v3  }
0xc3: {  	s15 =	sadd.s32 $0x50, s14  }
0xc4: {  	[tilespmem:s15+$0xFFFFFFE0] =	vst v4  }
0xc5: {  	v4 =	vld [tilespmem:s13+$0xFFFFFFF0];
	_ =	sdelay $0x4  }
0xc6: {  	v4 =	vmul.f32 v4, v3;
	_ =	sdelay $0x1  }
0xc7: {  	[tilespmem:s15+$0xFFFFFFF0] =	vst v4  }
0xc8: {  	v4 =	vld [tilespmem:s13+$0x0];
	_ =	sdelay $0x4  }
0xc9: {  	v4 =	vmul.f32 v4, v3;
	_ =	sdelay $0x1  }
0xca: {  	[tilespmem:s15+$0x0] =	vst v4  }
0xcb: {  	v4 =	vld [tilespmem:s13+$0x10];
	_ =	sdelay $0x3  }
0xcc: {  	v5 =	vmul.f32 v1, v3  }
0xcd: {  	v3 =	vmul.f32 v4, v3  }
0xce: {  	[tilespmem:s15+$0x20] =	vst v5  }
0xcf: {  	p1 =	seq.s32 s9, $0x50;
	[tilespmem:s15+$0x10] =	vst v3  }
0xd0: {  	[spmem:s3] =	stream.indirect.scatter.add.f32 [tilespmem:s23], [sflag:$0x3], $0x50, s12, s29, $0xb8;
	[tilespmem:$0x1C550] =	vst v63  }
0xd1: {  	s12 =	sshll.u32 @!p1 s9, $0x7  }
0xd2: {  	s12 =	sand.u32 @!p1 $0x3FFFFF80, s12  }
0xd3: {  	s14 =	simm.s32 @!p1 $0xA150;
	s13 =	simm.s32 @!p1 $0x40;
	s12 =	sadd.s32 @!p1 $0x80, s12  }
0xd4: {  	[tilespmem:s14], [sflag:$0x1] =	stream.indirect.gather @!p1 [hbm4b:s5+s13], $0x40, s12, s13, $0xb8;
	[tilespmem:$0x1C550] =	vst v63  }
0xd5: {  	v3 =	vld [tilespmem:s11+$0x0]  }
0xd6: {  	v4 =	vld [tilespmem:s11+$0x2880];
	_ =	sdelay $0x6  }
0xd7: {  	v3 =	vld.idx.msk [tilespmem:v3+s24+$0x0], $0xffff  }
0xd8: {  	v4 =	vld.idx.msk [tilespmem:v4+s25+$0x0], $0xffff;
	_ =	sdelay $0x4  }
0xd9: {  	v3 =	vadd.f32 v4, v3;
	_ =	sdelay $0x1  }
0xda: {  	v4 =	vmul.f32 $2.000000030e-01, v3;
	_ =	sdelay $0x1  }
0xdb: {  	v3 =	vmax.f32 v3, v4  }
0xdc: {  	v3 =	vsub.f32 v3, v2;
	_ =	sdelay $0x1  }
0xdd: {  	v3 =	vmul.f32 $1.442695020e+00, v3;
	_ =	sdelay $0x1  }
0xde: {  	(erf) = vpow2.f32 v3;
	_ =	sdelay $0x8  }
0xdf: {  	v3 =	vpop (erf)  }
0xe0: {  	[tilespmem:$0xA110] =	vst v3  }
0xe1: {  	v3 =	vld [tilespmem:s11+$0x10]  }
0xe2: {  	v4 =	vld [tilespmem:s11+$0x2890];
	_ =	sdelay $0x6  }
0xe3: {  	v3 =	vld.idx.msk [tilespmem:v3+s24+$0x0], $0xffff  }
0xe4: {  	v4 =	vld.idx.msk [tilespmem:v4+s25+$0x0], $0xffff;
	_ =	sdelay $0x4  }
0xe5: {  	v3 =	vadd.f32 v4, v3;
	_ =	sdelay $0x1  }
0xe6: {  	v4 =	vmul.f32 $2.000000030e-01, v3;
	_ =	sdelay $0x1  }
0xe7: {  	v3 =	vmax.f32 v3, v4  }
0xe8: {  	v3 =	vsub.f32 v3, v2;
	_ =	sdelay $0x1  }
0xe9: {  	v3 =	vmul.f32 $1.442695020e+00, v3;
	_ =	sdelay $0x1  }
0xea: {  	(erf) = vpow2.f32 v3;
	_ =	sdelay $0x8  }
0xeb: {  	v3 =	vpop (erf)  }
0xec: {  	[tilespmem:$0xA120] =	vst v3  }
0xed: {  	v3 =	vld [tilespmem:s11+$0x20]  }
0xee: {  	v4 =	vld [tilespmem:s11+$0x28A0];
	_ =	sdelay $0x6  }
0xef: {  	v3 =	vld.idx.msk [tilespmem:v3+s24+$0x0], $0xffff  }
0xf0: {  	v4 =	vld.idx.msk [tilespmem:v4+s25+$0x0], $0xffff;
	_ =	sdelay $0x4  }
0xf1: {  	v3 =	vadd.f32 v4, v3;
	_ =	sdelay $0x1  }
0xf2: {  	v4 =	vmul.f32 $2.000000030e-01, v3;
	_ =	sdelay $0x1  }
0xf3: {  	v3 =	vmax.f32 v3, v4  }
0xf4: {  	v3 =	vsub.f32 v3, v2;
	_ =	sdelay $0x1  }
0xf5: {  	v3 =	vmul.f32 $1.442695020e+00, v3;
	_ =	sdelay $0x1  }
0xf6: {  	(erf) = vpow2.f32 v3;
	_ =	sdelay $0x8  }
0xf7: {  	v3 =	vpop (erf)  }
0xf8: {  	[tilespmem:$0xA130] =	vst v3  }
0xf9: {  	v3 =	vld [tilespmem:s11+$0x30]  }
0xfa: {  	v4 =	vld [tilespmem:s11+$0x28B0];
	_ =	sdelay $0x6  }
0xfb: {  	v3 =	vld.idx.msk [tilespmem:v3+s24+$0x0], $0xffff  }
0xfc: {  	v4 =	vld.idx.msk [tilespmem:v4+s25+$0x0], $0xffff;
	_ =	sdelay $0x4  }
0xfd: {  	v3 =	vadd.f32 v4, v3;
	_ =	sdelay $0x1  }
0xfe: {  	v4 =	vmul.f32 $2.000000030e-01, v3;
	_ =	sdelay $0x1  }
0xff: {  	v3 =	vmax.f32 v3, v4  }
0x100: {  	v3 =	vsub.f32 v3, v2;
	_ =	sdelay $0x1  }
0x101: {  	v3 =	vmul.f32 $1.442695020e+00, v3;
	_ =	sdelay $0x1  }
0x102: {  	(erf) = vpow2.f32 v3;
	_ =	sdelay $0x8  }
0x103: {  	v3 =	vpop (erf)  }
0x104: {  	[tilespmem:$0xA140] =	vst v3  }
0x105: {  	s14 =	simm.s32 $0x0;
	_ =	swait.ge [sflag:s26], $0x1000  }
0x106: {  	v3 =	vmov s14;
	[sflag:s26] =	ssyncset.done $0x0  }
0x107: {  	s12 =	simm.s32 @!p0 $0x4;
	[sflag:s26] =	ssyncadd.s32 $0xFFFFF000  }
0x108: {  	_ =	swait.ge @!p0 [sflag:s12], $0x1400  }
0x109: {  	[sflag:s12] =	ssyncset.done @!p0 $0x0  }
0x10a: {  	[sflag:s12] =	ssyncadd.s32 @!p0 $0xFFFFEC00  }
0x10b: {  	s12 =	simm.s32 $0xB170;
	v3 =	vld.idx.msk [tilespmem:v3+s2+$0x0], $0xffff  }
0x10c: {  	v4 =	vld [tilespmem:s12+$0xFFFFFFE0];
	_ =	sdelay $0x4  }
0x10d: {  	v4 =	vmul.f32 v4, v3  }
0x10e: {  	s13 =	simm.s32 $0xD570  }
0x10f: {  	[tilespmem:s13+$0xFFFFFFE0] =	vst v4  }
0x110: {  	v4 =	vld [tilespmem:s12+$0xFFFFFFF0];
	_ =	sdelay $0x4  }
0x111: {  	v4 =	vmul.f32 v4, v3;
	_ =	sdelay $0x1  }
0x112: {  	[tilespmem:s13+$0xFFFFFFF0] =	vst v4  }
0x113: {  	v4 =	vld [tilespmem:s12+$0x0];
	_ =	sdelay $0x4  }
0x114: {  	v4 =	vmul.f32 v4, v3;
	_ =	sdelay $0x1  }
0x115: {  	[tilespmem:s13+$0x0] =	vst v4  }
0x116: {  	v4 =	vld [tilespmem:s12+$0x10]  }
0x117: {  	v5 =	vmul.f32 v1, v3  }
0x118: {  	s15 =	simm.s32 $0x1  }
0x119: {  	s11 =	sadd.s32 $0x2880, s11;
	s14 =	simm.s32 $0x2;
	[tilespmem:s13+$0x20] =	vst v5;
	v5 =	vmov s15  }
.LBB2_7:
0x11a: {  	p0 =	sne.s32 s14, $0x3F  }
0x11b: {  	v3 =	vmul.f32 v4, v3;
	_ =	sdelay $0x1  }
0x11c: {  	[tilespmem:s13+$0x10] =	vst v3  }
0x11d: {  	s12 =	sadd.s32 $0x40, s12;
	v3 =	vld.idx.msk [tilespmem:v5+s2+$0x0], $0xffff  }
0x11e: {  	v4 =	vld [tilespmem:s12+$0xFFFFFFE0];
	_ =	sdelay $0x4  }
0x11f: {  	v5 =	vmul.f32 v1, v3;
	v4 =	vmul.f32 v4, v3  }
0x120: {  	s13 =	sadd.s32 $0x50, s13  }
0x121: {  	[tilespmem:s13+$0xFFFFFFE0] =	vst v4  }
0x122: {  	v4 =	vld [tilespmem:s12+$0xFFFFFFF0];
	_ =	sdelay $0x4  }
0x123: {  	v4 =	vmul.f32 v4, v3;
	_ =	sdelay $0x1  }
0x124: {  	[tilespmem:s13+$0xFFFFFFF0] =	vst v4  }
0x125: {  	v4 =	vld [tilespmem:s12+$0x0];
	_ =	sdelay $0x4  }
0x126: {  	v4 =	vmul.f32 v4, v3;
	_ =	sdelay $0x1  }
.Ltmp2:
0x127: {  	[tilespmem:s13+$0x0] =	vst v4;
	(pc) =	sbr.rel @p0 .LBB2_7-.Ltmp2, $2  }
0x128: {  	v4 =	vld [tilespmem:s12+$0x10];
	[tilespmem:s13+$0x20] =	vst v5;
	_ =	sdelay $0x2  }
0x129: {  	v5 =	vmov s14;
	s14 =	sadd.s32 $0x1, s14  }
0x12a: {  	_ = 	snop  }
0x12b: {  	v3 =	vmul.f32 v4, v3;
	_ =	sdelay $0x1  }
0x12c: {  	[tilespmem:s13+$0x10] =	vst v3  }
0x12d: {  	s12 =	sadd.s32 $0x40, s12;
	v3 =	vld.idx.msk [tilespmem:v5+s2+$0x0], $0xffff  }
0x12e: {  	v63 =	vld [tilespmem:s12+$0xFFFFFFE0];
	_ =	sdelay $0x4  }
0x12f: {  	v4 =	vmul.f32 v63, v3  }
0x130: {  	s15 =	sadd.s32 $0x50, s13  }
0x131: {  	[tilespmem:s15+$0xFFFFFFE0] =	vst v4  }
0x132: {  	v4 =	vld [tilespmem:s12+$0xFFFFFFF0];
	_ =	sdelay $0x4  }
0x133: {  	v4 =	vmul.f32 v4, v3;
	_ =	sdelay $0x1  }
0x134: {  	[tilespmem:s15+$0xFFFFFFF0] =	vst v4  }
0x135: {  	v4 =	vld [tilespmem:s12+$0x0];
	_ =	sdelay $0x4  }
0x136: {  	v4 =	vmul.f32 v4, v3;
	_ =	sdelay $0x1  }
0x137: {  	[tilespmem:s15+$0x0] =	vst v4  }
0x138: {  	v4 =	vld [tilespmem:s12+$0x10];
	_ =	sdelay $0x1  }
0x139: {  	s9 =	sadd.s32 $0x1, s9  }
0x13a: {  	p0 =	sne.s32 s9, $0x51  }
.Ltmp3:
0x13b: {  	v5 =	vmul.f32 v1, v3;
	(pc) =	sbr.rel @p0 .LBB2_4-.Ltmp3, $4  }
0x13c: {  	v3 =	vmul.f32 v4, v3  }
0x13d: {  	[tilespmem:s15+$0x20] =	vst v5  }
0x13e: {  	[tilespmem:s15+$0x10] =	vst v3  }
0x13f: {  	[spmem:s3] =	stream.indirect.scatter.add.f32 [tilespmem:s30], [sflag:$0x4], $0x50, s11, s29, $0xb8;
	[tilespmem:$0x1C550] =	vst v63  }
0x140: {  	_ =	swait.ge [sflag:s0], $0x1400  }
0x141: {  	[sflag:s0] =	ssyncset.done $0x0  }
0x142: {  	[sflag:s0] =	ssyncadd.s32 $0xFFFFEC00  }
0x143: {  	s8 =	stileid.u32;
	_ =	swait.ge [sflag:s6], $0x1400  }
0x144: {  	s9 =	sshrl.u32 s10, $0x3;
	s7 =	sadd.s32 $0x1, s7;
	[sflag:s6] =	ssyncset.done $0x0  }
0x145: {  	s8 =	sshll.u32 s8, $0x6;
	p0 =	sne.s32 s7, s21;
	[sflag:s6] =	ssyncadd.s32 $0xFFFFEC00  }
.Ltmp4:
0x146: {  	s8 =	sor.u32 $0x1C05, s8;
	[bflag:$0x0] =	sbarrier.arrive $0xFFFF;
	(pc) =	sbr.rel @p0 .LBB2_1-.Ltmp4, $4  }
0x147: {  	[hbm:s20], [sflag:s8] =	dma.local [spmem:s9], $0x1900  }
0x148: {  	_ =	swait.ge [sflag:s22], $0x1900  }
0x149: {  	[sflag:s22] =	ssyncset.done $0x0  }
0x14a: {  	[sflag:s22] =	ssyncadd.s32 $0xFFFFE700  }
0x14b: {  	_ =	sfence.sel $0x180000  }
0x14c: {  	[bflag:$0x0] =	sbarrier.arrive $0xFFFF  }
0x14d: {  	_ =	strace $0x9000004A  }
0x14e: {  	s0 =	stileid.u32;
	[bflag:$0x2] =	sbarrier.arrive $0xFFFF  }
0x14f: {  	p0 =	sne.s32 s0, $0x0;
	s0 =	rddreg [dreg:$0x3]  }
0x150: {  	s0 =	sadd.s32 @!p0 $0x100000, s0  }
0x151: {  	[sflag:s0] =	ssyncadd.tile.s32 @!p0 $0x1;
	_ =	shalt  }
.Lfunc_end2:
_tile_overlayer_lowered:
.L_overlay_start_2:
0x152: {  	(tag) =	ssettag $0x2  }
0x153: {  	s0 =	rddreg [dreg:$0x0];
	s2 =	stileid.u32  }
0x154: {  	s1 =	rddreg [dreg:$0x1];
	p0 =	sne.s32 s2, $0x0  }
0x155: {  	s3 =	rddreg [dreg:$0x2];
	[bflag:$0x3] =	sbarrier.arrive $0xFFFF;
	s2 =	simm.s32 @!p0 $0x1C05  }
0x156: {  	[timem:s3], [sflag:s2] =	dma.local @!p0 [hbm:s0], s1  }
0x157: {  	s0 =	simm.s32 @!p0 $0x5  }
0x158: {  	_ =	swait.ge @!p0 [sflag:s0], s1  }
0x159: {  	s1 =	ssub.s32 @!p0 $0x0, s1;
	[sflag:s0] =	ssyncset.done @!p0 $0x0  }
0x15a: {  	[sflag:s0] =	ssyncadd.s32 @!p0 s1  }
0x15b: {  	[bflag:$0x3] =	sbarrier.arrive $0xFFFF  }
0x15c: {  	_ =	shalt  }

// kernel: kernel.13.cloned.1.call-start
scs
__scs_entry_jumppad:
0x0: {  	(pc) =	sbr.rel $0x88, $3  }
0x1: {  	(tag) =	ssettag $0x0;
	lr =	simm.s32 $0x1  }
0x2: {  	[smem:$0x3F93] =	sst lr;
	_ =	strace $0xD0000000  }
0x3: {  	_ = 	snop  }
0x4: {  	_ = 	snop  }
0x5: {  	_ = 	snop  }
0x6: {  	_ = 	snop  }
0x7: {  	_ = 	snop  }
__scs_overlays_trampoline_lowered:
0x8: {  	[smem:$0x3FA2] =	sst s0  }
0x9: {  	[smem:$0x3FA3] =	sst s1  }
0xa: {  	[smem:$0x3FA4] =	sst s2  }
0xb: {  	[smem:$0x3FA5] =	sst s3  }
0xc: {  	[smem:$0x3FA6] =	sst s4  }
0xd: {  	[smem:$0x3FA7] =	sst s5  }
0xe: {  	[smem:$0x3FA8] =	sst s6  }
0xf: {  	[smem:$0x3FA9] =	sst s7  }
0x10: {  	[smem:$0x3FAA] =	sst s8  }
0x11: {  	[smem:$0x3FAB] =	sst s9;
	s0 =	simm.s32 @!p0 $0x0  }
0x12: {  	s1 =	sld [smem:$0x3F91];
	s0 =	simm.s32 @p0 $0x1  }
0x13: {  	[smem:$0x3FAC] =	sst s0;
	s0 =	simm.s32 @!p1 $0x0  }
0x14: {  	s2 =	sld [smem:$0x3F90];
	s0 =	simm.s32 @p1 $0x1  }
0x15: {  	[smem:$0x3FAD] =	sst s0;
	s0 =	simm.s32 @!p2 $0x0  }
0x16: {  	s3 =	sld [smem:$0x3FDB];
	s0 =	simm.s32 @p2 $0x1  }
0x17: {  	s4 =	simm.s32 $0x1BF5;
	[smem:$0x3FAF] =	sst s0  }
0x18: {  	s0 =	sld [smem:$0x3F92];
	_ =	swait.ge [sflag:s4], $0x0  }
0x19: {  	s7 =	sld [smem:$0x3F93]  }
0x1a: {  	s8 =	sadd.s32 $0xFFFFE003, lr  }
0x1b: {  	s9 =	sadd.s32 $0xFFFFFEF7, lr;
	s5 =	simm.s32 $0xFFFFFFFF;
	p2 =	slt.u32 s8, $0xFFFFF086  }
0x1c: {  	p1 =	slt.u32 s9, $0xF7A;
	s5 =	simm.s32 @!p2 $0x0  }
0x1d: {  	s5 =	simm.s32 @p1 $0x1;
	p0 =	seq.s32 s7, s2  }
0x1e: {  	s7 =	smul.u32 @!p0 $0xF7A, s2;
	p2 =	seq.s32 @!p0 s5, $0x0  }
0x1f: {  	s9 =	smul.u32 $0xF7A, s1;
	s8 =	simm.s32 @!p0 $0x1BF5;
	p2 =	por !p2, p0  }
0x20: {  	[sflag:s8] =	ssyncset.s32 @!p0 $0xFFFFF086;
	s6 =	sadd.s32 @!p0 s3, s7;
	s7 =	simm.s32 @!p0 $0x108  }
0x21: {  	s3 =	sadd.s32 s3, s9;
	s6 =	sadd.s32 @!p0 $0x88, s6;
	s7 =	simm.s32 @p2 $0x1082  }
0x22: {  	[simem:s7], [sflag:s8] =	dma.local @!p0 [hbm:s6], $0xF7A  }
0x23: {  	s9 =	sor.u32 $0xD0000000, s2;
	s6 =	simm.s32 $0x108;
	_ =	swait.ge @!p0 [sflag:s8], $0x0  }
0x24: {  	s3 =	sadd.s32 $0x88, s3;
	s6 =	simm.s32 @!p1 $0x1082;
	[sflag:s4] =	ssyncset.s32 $0xFFFFF086  }
0x25: {  	[simem:s6], [sflag:s4] =	dma.local [hbm:s3], $0xF7A  }
0x26: {  	[smem:$0x3F93] =	sst s1;
	(tag) =	ssettag s2;
	_ =	strace s9  }
0x27: {  	s1 =	sld [smem:$0x3FA3]  }
0x28: {  	s2 =	sld [smem:$0x3FA4]  }
0x29: {  	s4 =	sld [smem:$0x3FA6]  }
0x2a: {  	p0 =	seq.s32 s5, $0x0;
	s5 =	sld [smem:$0x3FA7]  }
0x2b: {  	s6 =	sld [smem:$0x3FA8]  }
0x2c: {  	s7 =	sld [smem:$0x3FA9]  }
0x2d: {  	s3 =	simm.s32 $0x108;
	s8 =	sld [smem:$0x3FAA]  }
0x2e: {  	s3 =	simm.s32 @!p0 $0x1082;
	s9 =	sld [smem:$0x3FAB]  }
0x2f: {  	lr =	sadd.s32 s0, s3;
	s0 =	sld [smem:$0x3FA2]  }
0x30: {  	s3 =	sld [smem:$0x3FA5]  }
0x31: {  	[smem:$0x3FAE] =	sst s10  }
0x32: {  	s10 =	sld [smem:$0x3FAC];
	_ =	sdelay $0x3  }
0x33: {  	p0 =	seq.s32 s10, $0x1;
	s10 =	sld [smem:$0x3FAE];
	_ =	sdelay $0x3  }
0x34: {  	[smem:$0x3FAE] =	sst s10  }
0x35: {  	s10 =	sld [smem:$0x3FAD];
	_ =	sdelay $0x3  }
0x36: {  	p1 =	seq.s32 s10, $0x1;
	s10 =	sld [smem:$0x3FAE];
	_ =	sdelay $0x3  }
0x37: {  	[smem:$0x3FAE] =	sst s10  }
0x38: {  	s10 =	sld [smem:$0x3FAF]  }
0x39: {  	_ = 	snop;
	(pc) =	sbr.ind lr, $3  }
0x3a: {  	_ = 	snop  }
0x3b: {  	_ = 	snop  }
0x3c: {  	p2 =	seq.s32 s10, $0x1;
	s10 =	sld [smem:$0x3FAE]  }
0x3d: {  	_ =	shalt  }
0x3e: {  	_ =	shalt  }
0x3f: {  	_ =	shalt  }
0x40: {  	_ =	shalt  }
0x41: {  	_ =	shalt  }
0x42: {  	_ =	shalt  }
0x43: {  	_ =	shalt  }
0x44: {  	_ =	shalt  }
0x45: {  	_ =	shalt  }
0x46: {  	_ =	shalt  }
0x47: {  	_ =	shalt  }
0x48: {  	_ =	shalt  }
0x49: {  	_ =	shalt  }
0x4a: {  	_ =	shalt  }
0x4b: {  	_ =	shalt  }
0x4c: {  	_ =	shalt  }
0x4d: {  	_ =	shalt  }
0x4e: {  	_ =	shalt  }
0x4f: {  	_ =	shalt  }
0x50: {  	_ =	shalt  }
0x51: {  	_ =	shalt  }
0x52: {  	_ =	shalt  }
0x53: {  	_ =	shalt  }
0x54: {  	_ =	shalt  }
0x55: {  	_ =	shalt  }
0x56: {  	_ =	shalt  }
0x57: {  	_ =	shalt  }
0x58: {  	_ =	shalt  }
0x59: {  	_ =	shalt  }
0x5a: {  	_ =	shalt  }
0x5b: {  	_ =	shalt  }
0x5c: {  	_ =	shalt  }
0x5d: {  	_ =	shalt  }
0x5e: {  	_ =	shalt  }
0x5f: {  	_ =	shalt  }
0x60: {  	_ =	shalt  }
0x61: {  	_ =	shalt  }
0x62: {  	_ =	shalt  }
0x63: {  	_ =	shalt  }
0x64: {  	_ =	shalt  }
0x65: {  	_ =	shalt  }
0x66: {  	_ =	shalt  }
0x67: {  	_ =	shalt  }
0x68: {  	_ =	shalt  }
0x69: {  	_ =	shalt  }
0x6a: {  	_ =	shalt  }
0x6b: {  	_ =	shalt  }
0x6c: {  	_ =	shalt  }
0x6d: {  	_ =	shalt  }
0x6e: {  	_ =	shalt  }
0x6f: {  	_ =	shalt  }
0x70: {  	_ =	shalt  }
0x71: {  	_ =	shalt  }
0x72: {  	_ =	shalt  }
0x73: {  	_ =	shalt  }
0x74: {  	_ =	shalt  }
0x75: {  	_ =	shalt  }
0x76: {  	_ =	shalt  }
0x77: {  	_ =	shalt  }
0x78: {  	_ =	shalt  }
0x79: {  	_ =	shalt  }
0x7a: {  	_ =	shalt  }
0x7b: {  	_ =	shalt  }
0x7c: {  	_ =	shalt  }
0x7d: {  	_ =	shalt  }
0x7e: {  	_ =	shalt  }
0x7f: {  	_ =	shalt  }
0x80: {  	_ =	shalt  }
0x81: {  	_ =	shalt  }
0x82: {  	_ =	shalt  }
0x83: {  	_ =	shalt  }
0x84: {  	_ =	shalt  }
0x85: {  	_ =	shalt  }
0x86: {  	_ =	shalt  }
0x87: {  	_ =	shalt  }
.Lfunc_end0:
.L_simem_size_0:
called_computation.1_lowered:
.L_overlay_start_0:
0x88: {  	s2 =	sld [smem:$0x3FD9]  }
0x89: {  	s3 =	sld [smem:$0x3FFE];
	_ =	sdelay $0x1  }
0x8a: {  	s1 =	srdreg.scid  }
0x8b: {  	s0 =	sand.u32 $0x1, s1  }
0x8c: {  	s14 =	sshll.u32 s0, $0xA;
	s2 =	sadd.s32 s3, s2  }
0x8d: {  	s2 =	sadd.s32 s2, s14  }
0x8e: {  	[smem:$0x3FBA] =	sst s2  }
0x8f: {  	_ = 	snop  }
0x90: {  	s2 =	sld [smem:$0x3FD0];
	_ =	sdelay $0x2  }
0x91: {  	s15 =	simm.s32 $0xB;
	s4 =	simm.s32 $0x10  }
0x92: {  	[smem:s4], [sflag:s15] =	dma.local [hbm:s2], $0x1  }
0x93: {  	_ =	swait.eq [sflag:s15], $0x1  }
0x94: {  	s16 =	sld [smem:$0x10];
	[sflag:s15] =	ssyncset.done $0x0  }
0x95: {  	s17 =	sld [smem:$0x11];
	[sflag:s15] =	ssyncadd.s32 $0xFFFFFFFF  }
0x96: {  	s18 =	sld [smem:$0x13];
	(tm) =	ssettm $0x1  }
0x97: {  	s5 =	sld [smem:$0x3FFB];
	_ =	sdelay $0x3  }
0x98: {  	_ =	strace s5  }
0x99: {  	s5 =	sld [smem:$0x3FFC];
	_ =	sdelay $0x3  }
0x9a: {  	_ =	strace s5  }
0x9b: {  	s5 =	sld [smem:$0x3FFD];
	_ =	sdelay $0x3  }
0x9c: {  	_ =	strace s5  }
0x9d: {  	_ =	strace $0x8FFFFFFF  }
0x9e: {  	s19 =	sld [smem:$0x3FDB];
	_ =	sdelay $0x1  }
0x9f: {  	s6 =	simm.s32 $_scs_section_size  }
0xa0: {  	s7 =	simm.s32 $_size__tile_overlayer_lowered;
	s8 =	simm.s32 $_tile_overlayer_lowered  }
0xa1: {  	s22 =	simm.s32 $0x1BFF;
	s21 =	sshll.u32 s8, $0x1;
	s5 =	sadd.s32 s6, s19  }
0xa2: {  	s9 =	simm.s32 $0x0;
	s20 =	sshll.u32 s7, $0x1;
	s7 =	sadd.s32 s21, s5  }
0xa3: {  	[timem:s9], [sflag:s22] =	dma.local [hbm:s7], s20  }
0xa4: {  	_ =	swait.ge [sflag:s22], s20  }
0xa5: {  	s6 =	ssub.s32 $0x0, s20;
	[sflag:s22] =	ssyncset.done $0x0  }
0xa6: {  	[sflag:s22] =	ssyncadd.s32 s6;
	_ =	sdelay $0x1  }
0xa7: {  	s23 =	simm.s32 $0x1B8B  }
0xa8: {  	_ =	swait.ge [sflag:s23], $0x1  }
0xa9: {  	[sflag:s23] =	ssyncset.done $0x0  }
0xaa: {  	s25 =	simm.s32 $0x1B8E;
	s24 =	sld [smem:$0x3FFE];
	[sflag:s23] =	ssyncadd.s32 $0xFFFFFFFF  }
0xab: {  	s26 =	simm.s32 $execute0_lowered;
	[smem:$0x3FD2] =	sst s25  }
0xac: {  	s7 =	sshll.u32 s26, $0x1;
	_ =	strace $0x80000046;
	[dreg:$0x1] =	wrdreg $0xFFFFFFFF  }
0xad: {  	s28 =	simm.s32 $_size_execute0_lowered;
	s5 =	sadd.s32 s5, s7;
	[dreg:$0x0] =	wrdreg $0x0  }
0xae: {  	s7 =	sshll.u32 s28, $0x1;
	[dreg:$0x2] =	wrdreg s5  }
0xaf: {  	[dreg:$0x3] =	wrdreg s7  }
0xb0: {  	[dreg:$0x4] =	wrdreg $0xC0  }
0xb1: {  	_ =	task [dreg:s9], $0x5FFFF  }
0xb2: {  	[dreg:$0x1] =	wrdreg $0xFFFFFFFF  }
0xb3: {  	[dreg:$0x0] =	wrdreg $0x60  }
0xb4: {  	[dreg:$0x2] =	wrdreg s24  }
0xb5: {  	[dreg:$0x3] =	wrdreg s17  }
0xb6: {  	[dreg:$0x4] =	wrdreg s16  }
0xb7: {  	[dreg:$0x5] =	wrdreg s18  }
0xb8: {  	[dreg:$0x6] =	wrdreg $0xFD500  }
0xb9: {  	[dreg:$0x7] =	wrdreg $0xA  }
0xba: {  	_ =	task.clear_ibuf [dreg:s9], $0x8FFFF;
	_ =	strace $0x90000046  }
0xbb: {  	s29 =	simm.s32 $0xA;
	_ =	strace $0x80000048  }
0xbc: {  	_ =	swait.ge [sflag:s29], $0x1  }
0xbd: {  	[sflag:s29] =	ssyncadd.s32 $0xFFFFFFFF  }
0xbe: {  	_ =	strace $0x90000048  }
0xbf: {  	_ =	sfence  }
0xc0: {  	s30 =	sld [smem:$0x0];
	_ =	sdelay $0x2  }
0xc1: {  	s31 =	sshll.u32 s1, $0xD;
	s1 =	sshrl.u32 s1, $0x2  }
0xc2: {  	s3 =	sand.u32 $0x4000, s31;
	s1 =	sadd.s32 s1, s30  }
0xc3: {  	s0 =	sor.u32 s3, s0;
	s1 =	sshll.u32 s1, $0x11  }
0xc4: {  	s0 =	sor.u32 s1, s0  }
0xc5: {  	s0 =	sadd.s32 $0x8F2B, s0  }
0xc6: {  	[sflag:s0] =	ssyncadd.remote.s32 $0x1  }
0xc7: {  	_ =	sfence.sel $0xFFFF  }
0xc8: {  	[dreg:$0x0] =	wrdreg $0xFFFFFFFF;
	(pc) =	sbr.abs _section_cstart, $3  }
0xc9: {  	[dreg:$0x1] =	wrdreg $0xFFFFFFFF  }
0xca: {  	_ =	task.clear_ibuf [dreg:s9], $0x2FFFF;
	_ =	strace $0x9FFFFFFF  }
0xcb: {  	(tm) =	ssettm $0x7FFFFFFF  }
tec
execute0_lowered:
.L_overlay_start_1:
0x0: {  	(tag) =	ssettag $0x1  }
0x1: {  	s0 =	rddreg [dreg:$0x0]  }
0x2: {  	s1 =	rddreg [dreg:$0x1]  }
0x3: {  	s10 =	rddreg [dreg:$0x2]  }
0x4: {  	s5 =	rddreg [dreg:$0x4];
	s2 =	srdreg.scid  }
0x5: {  	s8 =	stileid.u32;
	s6 =	simm.s32 $0x0;
	s28 =	simm.s32 $0xE950  }
0x6: {  	s29 =	simm.s32 $0x40;
	s31 =	simm.s32 $0xB150;
	s30 =	simm.s32 $0x3  }
0x7: {  	s2 =	sand.u32 $0x1, s2;
	s4 =	smul.u32 $0xC800, s8;
	[smem:$0x7FF] =	sst s6  }
0x8: {  	s21 =	sadd.s32 $0x500, s10;
	s3 =	sshll.u32 s2, $0x4;
	s7 =	smul.u32 $0xC8000, s2  }
0x9: {  	_ =	strace $0x80000047;
	s3 =	sor.u32 s8, s3;
	s8 =	smul.u32 $0x32000, s8  }
0xa: {  	s2 =	ssub.s32 $0x2, s2;
	[dreg:$0x8] =	wrdreg s21;
	s3 =	smul.u32 $0x510, s3  }
0xb: {  	s9 =	sshrl.u32 s2, $0x1;
	s10 =	sadd.s32 s4, s5;
	s7 =	sadd.s32 s4, s7  }
0xc: {  	s2 =	ssub.s32 s2, s9;
	s4 =	simm.s32 $0xA110;
	s3 =	sadd.s32 s3, s0  }
0xd: {  	s7 =	sshrl.u32 s7, $0x3;
	s18 =	sshrl.u32 s8, $0x2;
	s19 =	sadd.s32 $0x1200, s3  }
0xe: {  	s20 =	sadd.s32 s18, s5;
	s3 =	sadd.s32 $0xB400, s3;
	[dreg:$0x6] =	wrdreg s19  }
0xf: {  	s21 =	smax.u32 s2, $0x1;
	s22 =	sadd.s32 $0x1400, s20;
	[dreg:$0x7] =	wrdreg s3  }
0x10: {  	s2 =	simm.s32 $0xC150;
	s23 =	sadd.s32 $0x2800, s20;
	[dreg:$0x9] =	wrdreg s22  }
0x11: {  	s0 =	sadd.s32 s7, s0;
	s24 =	sadd.s32 $0x3C00, s20;
	[dreg:$0xa] =	wrdreg s23  }
0x12: {  	s7 =	simm.s32 $0x0;
	s25 =	sadd.s32 $0x5000, s20;
	[dreg:$0xb] =	wrdreg s24  }
0x13: {  	s26 =	sadd.s32 $0x6400, s20;
	s16 =	sadd.s32 $0x7800, s20;
	[dreg:$0xc] =	wrdreg s25  }
0x14: {  	s17 =	sadd.s32 $0x8C00, s20;
	s18 =	sadd.s32 $0xA000, s20;
	[dreg:$0xd] =	wrdreg s26  }
0x15: {  	s19 =	sadd.s32 $0xB400, s20;
	s20 =	sadd.s32 $0x15600, s0;
	s22 =	simm.s32 $0x5  }
0x16: {  	v0 =	vimm.f32 $0.0e+00;
	vm0 =	vcmask $0x300;
	s24 =	simm.s32 $0x5100;
	s25 =	simm.s32 $0x7900;
	s0 =	simm.s32 $0x1  }
0x17: {  	v1 =	vsel vm0, $0x3F800000, v0;
	s23 =	simm.s32 $0x2;
	s26 =	simm.s32 $0xD550;
	s3 =	simm.s32 $0x4  }
.LBB2_1:
0x18: {  	s8 =	rddreg [dreg:$0x6]  }
0x19: {  	[tilespmem:s6], [sflag:$0x5] =	stream.linear.gather [hbm4b:s8+s6], $0x2880, $0x38;
	[tilespmem:$0x1C550] =	vst v63  }
0x1a: {  	_ =	swait.ge [sflag:s22], $0x2880  }
0x1b: {  	[sflag:s22] =	ssyncset.done $0x0  }
0x1c: {  	s9 =	simm.s32 $0x2880;
	s11 =	rddreg [dreg:$0x7];
	[sflag:s22] =	ssyncadd.s32 $0xFFFFD780  }
0x1d: {  	[tilespmem:s9], [sflag:$0x5] =	stream.linear.gather [hbm4b:s11+s6], $0x2880, $0x38;
	[tilespmem:$0x1C550] =	vst v63  }
0x1e: {  	_ =	swait.ge [sflag:s22], $0x2880  }
0x1f: {  	[sflag:s22] =	ssyncset.done $0x0  }
0x20: {  	[sflag:s22] =	ssyncadd.s32 $0xFFFFD780  }
0x21: {  	s12 =	rddreg [dreg:$0x2]  }
0x22: {  	[tilespmem:s24], [sflag:$0x5] =	stream.linear.gather [hbm4b:s12+s6], $0x2800, $0x38;
	[tilespmem:$0x1C550] =	vst v63  }
0x23: {  	_ =	swait.ge [sflag:s22], $0x2800  }
0x24: {  	[sflag:s22] =	ssyncset.done $0x0  }
0x25: {  	s13 =	rddreg [dreg:$0x8];
	[sflag:s22] =	ssyncadd.s32 $0xFFFFD800  }
0x26: {  	[tilespmem:s25], [sflag:$0x5] =	stream.linear.gather [hbm4b:s13+s6], $0x2800, $0x38;
	[tilespmem:$0x1C550] =	vst v63  }
0x27: {  	_ =	swait.ge [sflag:s22], $0x2800  }
0x28: {  	[sflag:s22] =	ssyncset.done $0x0  }
0x29: {  	[sflag:s22] =	ssyncadd.s32 $0xFFFFD800  }
0x2a: {  	s15 =	simm.s32 $0xA100;
	s14 =	rddreg [dreg:$0x3]  }
0x2b: {  	[tilespmem:s15], [sflag:$0x5] =	stream.linear.gather [hbm4b:s14+s6], $0x10, $0x38;
	[tilespmem:$0x1C550] =	vst v63  }
0x2c: {  	_ =	swait.ge [sflag:s22], $0x10  }
0x2d: {  	[sflag:s22] =	ssyncset.done $0x0  }
0x2e: {  	s8 =	simm.s32 $0x0;
	s9 =	simm.s32 $0x140;
	[sflag:s22] =	ssyncadd.s32 $0xFFFFFFF0  }
.LBB2_2:
0x2f: {  	p0 =	sne.s32 s9, $0x4EC0;
	[tilespmem:s8+$0xE990] =	vst v0;
	s11 =	smov.u32 s9;
	s9 =	sadd.s32 $0x140, s9  }
.Ltmp0:
0x30: {  	[tilespmem:s8+$0xE980] =	vst v0;
	(pc) =	sbr.rel @p0 .LBB2_2-.Ltmp0, $4  }
0x31: {  	[tilespmem:s8+$0xE970] =	vst v0  }
0x32: {  	[tilespmem:s8+$0xE950] =	vst v0  }
0x33: {  	[tilespmem:s8+$0xE960] =	vst v0  }
0x34: {  	s8 =	sshra.s32 s11, $0x2  }
0x35: {  	[tilespmem:s8+$0xE990] =	vst v0  }
0x36: {  	[tilespmem:s8+$0xE980] =	vst v0  }
0x37: {  	[tilespmem:s8+$0xE970] =	vst v0  }
0x38: {  	[tilespmem:s8+$0xE950] =	vst v0  }
0x39: {  	[tilespmem:s8+$0xE960] =	vst v0  }
0x3a: {  	[spmem:s10] =	stream.linear.scatter [tilespmem:s28], [sflag:$0x5], $0x1400, $0x38;
	[tilespmem:$0x1C550] =	vst v63  }
0x3b: {  	_ =	swait.ge [sflag:s22], $0x1400  }
0x3c: {  	[sflag:s22] =	ssyncset.done $0x0  }
0x3d: {  	s11 =	rddreg [dreg:$0x9];
	[sflag:s22] =	ssyncadd.s32 $0xFFFFEC00  }
0x3e: {  	[spmem:s11] =	stream.linear.scatter [tilespmem:s28], [sflag:$0x5], $0x1400, $0x38;
	[tilespmem:$0x1C550] =	vst v63  }
0x3f: {  	_ =	swait.ge [sflag:s22], $0x1400  }
0x40: {  	[sflag:s22] =	ssyncset.done $0x0  }
0x41: {  	s12 =	rddreg [dreg:$0xa];
	[sflag:s22] =	ssyncadd.s32 $0xFFFFEC00  }
0x42: {  	[spmem:s12] =	stream.linear.scatter [tilespmem:s28], [sflag:$0x5], $0x1400, $0x38;
	[tilespmem:$0x1C550] =	vst v63  }
0x43: {  	_ =	swait.ge [sflag:s22], $0x1400  }
0x44: {  	[sflag:s22] =	ssyncset.done $0x0  }
0x45: {  	s13 =	rddreg [dreg:$0xb];
	[sflag:s22] =	ssyncadd.s32 $0xFFFFEC00  }
0x46: {  	[spmem:s13] =	stream.linear.scatter [tilespmem:s28], [sflag:$0x5], $0x1400, $0x38;
	[tilespmem:$0x1C550] =	vst v63  }
0x47: {  	_ =	swait.ge [sflag:s22], $0x1400  }
0x48: {  	[sflag:s22] =	ssyncset.done $0x0  }
0x49: {  	s14 =	rddreg [dreg:$0xc];
	[sflag:s22] =	ssyncadd.s32 $0xFFFFEC00  }
0x4a: {  	[spmem:s14] =	stream.linear.scatter [tilespmem:s28], [sflag:$0x5], $0x1400, $0x38;
	[tilespmem:$0x1C550] =	vst v63  }
0x4b: {  	_ =	swait.ge [sflag:s22], $0x1400  }
0x4c: {  	[sflag:s22] =	ssyncset.done $0x0  }
0x4d: {  	s15 =	rddreg [dreg:$0xd];
	[sflag:s22] =	ssyncadd.s32 $0xFFFFEC00  }
0x4e: {  	[spmem:s15] =	stream.linear.scatter [tilespmem:s28], [sflag:$0x5], $0x1400, $0x38;
	[tilespmem:$0x1C550] =	vst v63  }
0x4f: {  	_ =	swait.ge [sflag:s22], $0x1400  }
0x50: {  	[sflag:s22] =	ssyncset.done $0x0  }
0x51: {  	[sflag:s22] =	ssyncadd.s32 $0xFFFFEC00  }
0x52: {  	[spmem:s16] =	stream.linear.scatter [tilespmem:s28], [sflag:$0x5], $0x1400, $0x38;
	[tilespmem:$0x1C550] =	vst v63  }
0x53: {  	_ =	swait.ge [sflag:s22], $0x1400  }
0x54: {  	[sflag:s22] =	ssyncset.done $0x0  }
0x55: {  	[sflag:s22] =	ssyncadd.s32 $0xFFFFEC00  }
0x56: {  	[spmem:s17] =	stream.linear.scatter [tilespmem:s28], [sflag:$0x5], $0x1400, $0x38;
	[tilespmem:$0x1C550] =	vst v63  }
0x57: {  	_ =	swait.ge [sflag:s22], $0x1400  }
0x58: {  	[sflag:s22] =	ssyncset.done $0x0  }
0x59: {  	[sflag:s22] =	ssyncadd.s32 $0xFFFFEC00  }
0x5a: {  	[spmem:s18] =	stream.linear.scatter [tilespmem:s28], [sflag:$0x5], $0x1400, $0x38;
	[tilespmem:$0x1C550] =	vst v63  }
0x5b: {  	_ =	swait.ge [sflag:s22], $0x1400  }
0x5c: {  	[sflag:s22] =	ssyncset.done $0x0  }
0x5d: {  	[sflag:s22] =	ssyncadd.s32 $0xFFFFEC00  }
0x5e: {  	[spmem:s19] =	stream.linear.scatter [tilespmem:s28], [sflag:$0x5], $0x1400, $0x38;
	[tilespmem:$0x1C550] =	vst v63  }
0x5f: {  	_ =	swait.ge [sflag:s22], $0x1400  }
0x60: {  	[sflag:s22] =	ssyncset.done $0x0  }
0x61: {  	[sflag:s22] =	ssyncadd.s32 $0xFFFFEC00  }
0x62: {  	s8 =	simm.s32 $0x0;
	s9 =	simm.s32 $0xA150;
	[bflag:$0x0] =	sbarrier.arrive $0xFFFF  }
0x63: {  	v2 =	vld [tilespmem:$0xA100];
	[tilespmem:s9], [sflag:$0x1] =	stream.indirect.gather [hbm4b:s1+s29], $0x40, s8, s29, $0xb8  }
0x64: {  	s9 =	simm.s32 $0x0  }
.LBB2_4:
0x65: {  	s11 =	sshllo.u32 s9, $0x1  }
0x66: {  	s11 =	sshll.u32 s11, $0x6  }
0x67: {  	s12 =	sand.u32 $0x3FFFFFC0, s11  }
0x68: {  	[tilespmem:s31], [sflag:$0x2] =	stream.indirect.gather [hbm4b:s1+s29], $0x40, s12, s29, $0xb8;
	[tilespmem:$0x1C550] =	vst v63  }
0x69: {  	s12 =	sshll.u32 s9, $0x7  }
0x6a: {  	v3 =	vld [tilespmem:s12+$0x0]  }
0x6b: {  	v4 =	vld [tilespmem:s12+$0x2880];
	_ =	sdelay $0x6  }
0x6c: {  	v3 =	vld.idx.msk [tilespmem:v3+s24+$0x0], $0xffff  }
0x6d: {  	v4 =	vld.idx.msk [tilespmem:v4+s25+$0x0], $0xffff;
	_ =	sdelay $0x4  }
0x6e: {  	v3 =	vadd.f32 v4, v3;
	_ =	sdelay $0x1  }
0x6f: {  	v4 =	vmul.f32 $2.000000030e-01, v3;
	_ =	sdelay $0x1  }
0x70: {  	v3 =	vmax.f32 v3, v4  }
0x71: {  	v3 =	vsub.f32 v3, v2;
	_ =	sdelay $0x1  }
0x72: {  	v3 =	vmul.f32 $1.442695020e+00, v3;
	_ =	sdelay $0x1  }
0x73: {  	(erf) = vpow2.f32 v3;
	_ =	sdelay $0x8  }
0x74: {  	v3 =	vpop (erf)  }
0x75: {  	[tilespmem:$0xA110] =	vst v3  }
0x76: {  	v3 =	vld [tilespmem:s12+$0x10]  }
0x77: {  	v4 =	vld [tilespmem:s12+$0x2890];
	_ =	sdelay $0x6  }
0x78: {  	v3 =	vld.idx.msk [tilespmem:v3+s24+$0x0], $0xffff  }
0x79: {  	v4 =	vld.idx.msk [tilespmem:v4+s25+$0x0], $0xffff;
	_ =	sdelay $0x4  }
0x7a: {  	v3 =	vadd.f32 v4, v3;
	_ =	sdelay $0x1  }
0x7b: {  	v4 =	vmul.f32 $2.000000030e-01, v3;
	_ =	sdelay $0x1  }
0x7c: {  	v3 =	vmax.f32 v3, v4  }
0x7d: {  	v3 =	vsub.f32 v3, v2;
	_ =	sdelay $0x1  }
0x7e: {  	v3 =	vmul.f32 $1.442695020e+00, v3;
	_ =	sdelay $0x1  }
0x7f: {  	(erf) = vpow2.f32 v3;
	_ =	sdelay $0x8  }
0x80: {  	v3 =	vpop (erf)  }
0x81: {  	[tilespmem:$0xA120] =	vst v3  }
0x82: {  	v3 =	vld [tilespmem:s12+$0x20]  }
0x83: {  	v4 =	vld [tilespmem:s12+$0x28A0];
	_ =	sdelay $0x6  }
0x84: {  	v3 =	vld.idx.msk [tilespmem:v3+s24+$0x0], $0xffff  }
0x85: {  	v4 =	vld.idx.msk [tilespmem:v4+s25+$0x0], $0xffff;
	_ =	sdelay $0x4  }
0x86: {  	v3 =	vadd.f32 v4, v3;
	_ =	sdelay $0x1  }
0x87: {  	v4 =	vmul.f32 $2.000000030e-01, v3;
	_ =	sdelay $0x1  }
0x88: {  	v3 =	vmax.f32 v3, v4  }
0x89: {  	v3 =	vsub.f32 v3, v2;
	_ =	sdelay $0x1  }
0x8a: {  	v3 =	vmul.f32 $1.442695020e+00, v3;
	_ =	sdelay $0x1  }
0x8b: {  	(erf) = vpow2.f32 v3;
	_ =	sdelay $0x8  }
0x8c: {  	v3 =	vpop (erf)  }
0x8d: {  	[tilespmem:$0xA130] =	vst v3  }
0x8e: {  	v3 =	vld [tilespmem:s12+$0x30]  }
0x8f: {  	v4 =	vld [tilespmem:s12+$0x28B0];
	_ =	sdelay $0x6  }
0x90: {  	v3 =	vld.idx.msk [tilespmem:v3+s24+$0x0], $0xffff  }
0x91: {  	v4 =	vld.idx.msk [tilespmem:v4+s25+$0x0], $0xffff;
	_ =	sdelay $0x4  }
0x92: {  	v3 =	vadd.f32 v4, v3;
	_ =	sdelay $0x1  }
0x93: {  	v4 =	vmul.f32 $2.000000030e-01, v3;
	_ =	sdelay $0x1  }
0x94: {  	v3 =	vmax.f32 v3, v4  }
0x95: {  	v3 =	vsub.f32 v3, v2;
	_ =	sdelay $0x1  }
0x96: {  	v3 =	vmul.f32 $1.442695020e+00, v3;
	_ =	sdelay $0x1  }
0x97: {  	(erf) = vpow2.f32 v3;
	_ =	sdelay $0x8  }
0x98: {  	v3 =	vpop (erf)  }
0x99: {  	[tilespmem:$0xA140] =	vst v3  }
0x9a: {  	_ =	swait.ge [sflag:s0], $0x1000  }
0x9b: {  	p0 =	seq.s32 s9, $0x0;
	v3 =	vmov s8;
	[sflag:s0] =	ssyncset.done $0x0  }
0x9c: {  	s13 =	simm.s32 @!p0 $0x3;
	[sflag:s0] =	ssyncadd.s32 $0xFFFFF000  }
0x9d: {  	_ =	swait.ge @!p0 [sflag:s13], $0x1400  }
0x9e: {  	[sflag:s13] =	ssyncset.done @!p0 $0x0  }
0x9f: {  	[sflag:s13] =	ssyncadd.s32 @!p0 $0xFFFFEC00  }
0xa0: {  	s13 =	simm.s32 $0xA170;
	v3 =	vld.idx.msk [tilespmem:v3+s4+$0x0], $0xffff  }
0xa1: {  	v4 =	vld [tilespmem:s13+$0xFFFFFFE0];
	_ =	sdelay $0x4  }
0xa2: {  	v4 =	vmul.f32 v4, v3  }
0xa3: {  	s14 =	simm.s32 $0xC170  }
0xa4: {  	[tilespmem:s14+$0xFFFFFFE0] =	vst v4  }
0xa5: {  	v4 =	vld [tilespmem:s13+$0xFFFFFFF0];
	_ =	sdelay $0x4  }
0xa6: {  	v4 =	vmul.f32 v4, v3;
	_ =	sdelay $0x1  }
0xa7: {  	[tilespmem:s14+$0xFFFFFFF0] =	vst v4  }
0xa8: {  	v4 =	vld [tilespmem:s13+$0x0];
	_ =	sdelay $0x4  }
0xa9: {  	v4 =	vmul.f32 v4, v3;
	_ =	sdelay $0x1  }
0xaa: {  	[tilespmem:s14+$0x0] =	vst v4  }
0xab: {  	v4 =	vld [tilespmem:s13+$0x10]  }
0xac: {  	v5 =	vmul.f32 v1, v3  }
0xad: {  	s15 =	simm.s32 $0x1  }
0xae: {  	s12 =	sadd.s32 $0x2880, s12;
	[tilespmem:s14+$0x20] =	vst v5;
	v5 =	vmov s15;
	s15 =	simm.s32 $0x2  }
.LBB2_5:
0xaf: {  	p1 =	sne.s32 s15, $0x3F  }
0xb0: {  	v3 =	vmul.f32 v4, v3;
	_ =	sdelay $0x1  }
0xb1: {  	[tilespmem:s14+$0x10] =	vst v3  }
0xb2: {  	s13 =	sadd.s32 $0x40, s13;
	v3 =	vld.idx.msk [tilespmem:v5+s4+$0x0], $0xffff  }
0xb3: {  	v4 =	vld [tilespmem:s13+$0xFFFFFFE0];
	_ =	sdelay $0x4  }
0xb4: {  	v5 =	vmul.f32 v1, v3;
	v4 =	vmul.f32 v4, v3  }
0xb5: {  	s14 =	sadd.s32 $0x50, s14  }
0xb6: {  	[tilespmem:s14+$0xFFFFFFE0] =	vst v4  }
0xb7: {  	v4 =	vld [tilespmem:s13+$0xFFFFFFF0];
	_ =	sdelay $0x4  }
0xb8: {  	v4 =	vmul.f32 v4, v3;
	_ =	sdelay $0x1  }
0xb9: {  	[tilespmem:s14+$0xFFFFFFF0] =	vst v4  }
0xba: {  	v4 =	vld [tilespmem:s13+$0x0];
	_ =	sdelay $0x4  }
0xbb: {  	v4 =	vmul.f32 v4, v3;
	_ =	sdelay $0x1  }
.Ltmp1:
0xbc: {  	[tilespmem:s14+$0x0] =	vst v4;
	(pc) =	sbr.rel @p1 .LBB2_5-.Ltmp1, $2  }
0xbd: {  	v4 =	vld [tilespmem:s13+$0x10];
	[tilespmem:s14+$0x20] =	vst v5;
	_ =	sdelay $0x2  }
0xbe: {  	v5 =	vmov s15;
	s15 =	sadd.s32 $0x1, s15  }
0xbf: {  	_ = 	snop  }
0xc0: {  	v3 =	vmul.f32 v4, v3;
	_ =	sdelay $0x1  }
0xc1: {  	[tilespmem:s14+$0x10] =	vst v3  }
0xc2: {  	s13 =	sadd.s32 $0x40, s13;
	v3 =	vld.idx.msk [tilespmem:v5+s4+$0x0], $0xffff  }
0xc3: {  	v4 =	vld [tilespmem:s13+$0xFFFFFFE0];
	_ =	sdelay $0x4  }
0xc4: {  	v4 =	vmul.f32 v4, v3  }
0xc5: {  	s15 =	sadd.s32 $0x50, s14  }
0xc6: {  	[tilespmem:s15+$0xFFFFFFE0] =	vst v4  }
0xc7: {  	v4 =	vld [tilespmem:s13+$0xFFFFFFF0];
	_ =	sdelay $0x4  }
0xc8: {  	v4 =	vmul.f32 v4, v3;
	_ =	sdelay $0x1  }
0xc9: {  	[tilespmem:s15+$0xFFFFFFF0] =	vst v4  }
0xca: {  	v4 =	vld [tilespmem:s13+$0x0];
	_ =	sdelay $0x4  }
0xcb: {  	v4 =	vmul.f32 v4, v3;
	_ =	sdelay $0x1  }
0xcc: {  	[tilespmem:s15+$0x0] =	vst v4  }
0xcd: {  	v4 =	vld [tilespmem:s13+$0x10];
	_ =	sdelay $0x3  }
0xce: {  	v5 =	vmul.f32 v1, v3  }
0xcf: {  	v3 =	vmul.f32 v4, v3  }
0xd0: {  	[tilespmem:s15+$0x20] =	vst v5  }
0xd1: {  	p1 =	seq.s32 s9, $0x50;
	[tilespmem:s15+$0x10] =	vst v3  }
0xd2: {  	[spmem:s5] =	stream.indirect.scatter.add.f32 [tilespmem:s2], [sflag:$0x3], $0x50, s12, s29, $0xb8;
	[tilespmem:$0x1C550] =	vst v63  }
0xd3: {  	s12 =	sshll.u32 @!p1 s9, $0x7  }
0xd4: {  	s12 =	sand.u32 @!p1 $0x3FFFFF80, s12  }
0xd5: {  	s14 =	simm.s32 @!p1 $0xA150;
	s13 =	simm.s32 @!p1 $0x40;
	s12 =	sadd.s32 @!p1 $0x80, s12  }
0xd6: {  	[tilespmem:s14], [sflag:$0x1] =	stream.indirect.gather @!p1 [hbm4b:s1+s13], $0x40, s12, s13, $0xb8;
	[tilespmem:$0x1C550] =	vst v63  }
0xd7: {  	v3 =	vld [tilespmem:s11+$0x0]  }
0xd8: {  	v4 =	vld [tilespmem:s11+$0x2880];
	_ =	sdelay $0x6  }
0xd9: {  	v3 =	vld.idx.msk [tilespmem:v3+s24+$0x0], $0xffff  }
0xda: {  	v4 =	vld.idx.msk [tilespmem:v4+s25+$0x0], $0xffff;
	_ =	sdelay $0x4  }
0xdb: {  	v3 =	vadd.f32 v4, v3;
	_ =	sdelay $0x1  }
0xdc: {  	v4 =	vmul.f32 $2.000000030e-01, v3;
	_ =	sdelay $0x1  }
0xdd: {  	v3 =	vmax.f32 v3, v4  }
0xde: {  	v3 =	vsub.f32 v3, v2;
	_ =	sdelay $0x1  }
0xdf: {  	v3 =	vmul.f32 $1.442695020e+00, v3;
	_ =	sdelay $0x1  }
0xe0: {  	(erf) = vpow2.f32 v3;
	_ =	sdelay $0x8  }
0xe1: {  	v3 =	vpop (erf)  }
0xe2: {  	[tilespmem:$0xA110] =	vst v3  }
0xe3: {  	v3 =	vld [tilespmem:s11+$0x10]  }
0xe4: {  	v4 =	vld [tilespmem:s11+$0x2890];
	_ =	sdelay $0x6  }
0xe5: {  	v3 =	vld.idx.msk [tilespmem:v3+s24+$0x0], $0xffff  }
0xe6: {  	v4 =	vld.idx.msk [tilespmem:v4+s25+$0x0], $0xffff;
	_ =	sdelay $0x4  }
0xe7: {  	v3 =	vadd.f32 v4, v3;
	_ =	sdelay $0x1  }
0xe8: {  	v4 =	vmul.f32 $2.000000030e-01, v3;
	_ =	sdelay $0x1  }
0xe9: {  	v3 =	vmax.f32 v3, v4  }
0xea: {  	v3 =	vsub.f32 v3, v2;
	_ =	sdelay $0x1  }
0xeb: {  	v3 =	vmul.f32 $1.442695020e+00, v3;
	_ =	sdelay $0x1  }
0xec: {  	(erf) = vpow2.f32 v3;
	_ =	sdelay $0x8  }
0xed: {  	v3 =	vpop (erf)  }
0xee: {  	[tilespmem:$0xA120] =	vst v3  }
0xef: {  	v3 =	vld [tilespmem:s11+$0x20]  }
0xf0: {  	v4 =	vld [tilespmem:s11+$0x28A0];
	_ =	sdelay $0x6  }
0xf1: {  	v3 =	vld.idx.msk [tilespmem:v3+s24+$0x0], $0xffff  }
0xf2: {  	v4 =	vld.idx.msk [tilespmem:v4+s25+$0x0], $0xffff;
	_ =	sdelay $0x4  }
0xf3: {  	v3 =	vadd.f32 v4, v3;
	_ =	sdelay $0x1  }
0xf4: {  	v4 =	vmul.f32 $2.000000030e-01, v3;
	_ =	sdelay $0x1  }
0xf5: {  	v3 =	vmax.f32 v3, v4  }
0xf6: {  	v3 =	vsub.f32 v3, v2;
	_ =	sdelay $0x1  }
0xf7: {  	v3 =	vmul.f32 $1.442695020e+00, v3;
	_ =	sdelay $0x1  }
0xf8: {  	(erf) = vpow2.f32 v3;
	_ =	sdelay $0x8  }
0xf9: {  	v3 =	vpop (erf)  }
0xfa: {  	[tilespmem:$0xA130] =	vst v3  }
0xfb: {  	v3 =	vld [tilespmem:s11+$0x30]  }
0xfc: {  	v4 =	vld [tilespmem:s11+$0x28B0];
	_ =	sdelay $0x6  }
0xfd: {  	v3 =	vld.idx.msk [tilespmem:v3+s24+$0x0], $0xffff  }
0xfe: {  	v4 =	vld.idx.msk [tilespmem:v4+s25+$0x0], $0xffff;
	_ =	sdelay $0x4  }
0xff: {  	v3 =	vadd.f32 v4, v3;
	_ =	sdelay $0x1  }
0x100: {  	v4 =	vmul.f32 $2.000000030e-01, v3;
	_ =	sdelay $0x1  }
0x101: {  	v3 =	vmax.f32 v3, v4  }
0x102: {  	v3 =	vsub.f32 v3, v2;
	_ =	sdelay $0x1  }
0x103: {  	v3 =	vmul.f32 $1.442695020e+00, v3;
	_ =	sdelay $0x1  }
0x104: {  	(erf) = vpow2.f32 v3;
	_ =	sdelay $0x8  }
0x105: {  	v3 =	vpop (erf)  }
0x106: {  	[tilespmem:$0xA140] =	vst v3  }
0x107: {  	s14 =	simm.s32 $0x0;
	_ =	swait.ge [sflag:s23], $0x1000  }
0x108: {  	v3 =	vmov s14;
	[sflag:s23] =	ssyncset.done $0x0  }
0x109: {  	s12 =	simm.s32 @!p0 $0x4;
	[sflag:s23] =	ssyncadd.s32 $0xFFFFF000  }
0x10a: {  	_ =	swait.ge @!p0 [sflag:s12], $0x1400  }
0x10b: {  	[sflag:s12] =	ssyncset.done @!p0 $0x0  }
0x10c: {  	[sflag:s12] =	ssyncadd.s32 @!p0 $0xFFFFEC00  }
0x10d: {  	s12 =	simm.s32 $0xB170;
	v3 =	vld.idx.msk [tilespmem:v3+s4+$0x0], $0xffff  }
0x10e: {  	v4 =	vld [tilespmem:s12+$0xFFFFFFE0];
	_ =	sdelay $0x4  }
0x10f: {  	v4 =	vmul.f32 v4, v3  }
0x110: {  	s13 =	simm.s32 $0xD570  }
0x111: {  	[tilespmem:s13+$0xFFFFFFE0] =	vst v4  }
0x112: {  	v4 =	vld [tilespmem:s12+$0xFFFFFFF0];
	_ =	sdelay $0x4  }
0x113: {  	v4 =	vmul.f32 v4, v3;
	_ =	sdelay $0x1  }
0x114: {  	[tilespmem:s13+$0xFFFFFFF0] =	vst v4  }
0x115: {  	v4 =	vld [tilespmem:s12+$0x0];
	_ =	sdelay $0x4  }
0x116: {  	v4 =	vmul.f32 v4, v3;
	_ =	sdelay $0x1  }
0x117: {  	[tilespmem:s13+$0x0] =	vst v4  }
0x118: {  	v4 =	vld [tilespmem:s12+$0x10]  }
0x119: {  	v5 =	vmul.f32 v1, v3  }
0x11a: {  	s15 =	simm.s32 $0x1  }
0x11b: {  	s11 =	sadd.s32 $0x2880, s11;
	s14 =	simm.s32 $0x2;
	[tilespmem:s13+$0x20] =	vst v5;
	v5 =	vmov s15  }
.LBB2_7:
0x11c: {  	p0 =	sne.s32 s14, $0x3F  }
0x11d: {  	v3 =	vmul.f32 v4, v3;
	_ =	sdelay $0x1  }
0x11e: {  	[tilespmem:s13+$0x10] =	vst v3  }
0x11f: {  	s12 =	sadd.s32 $0x40, s12;
	v3 =	vld.idx.msk [tilespmem:v5+s4+$0x0], $0xffff  }
0x120: {  	v4 =	vld [tilespmem:s12+$0xFFFFFFE0];
	_ =	sdelay $0x4  }
0x121: {  	v5 =	vmul.f32 v1, v3;
	v4 =	vmul.f32 v4, v3  }
0x122: {  	s13 =	sadd.s32 $0x50, s13  }
0x123: {  	[tilespmem:s13+$0xFFFFFFE0] =	vst v4  }
0x124: {  	v4 =	vld [tilespmem:s12+$0xFFFFFFF0];
	_ =	sdelay $0x4  }
0x125: {  	v4 =	vmul.f32 v4, v3;
	_ =	sdelay $0x1  }
0x126: {  	[tilespmem:s13+$0xFFFFFFF0] =	vst v4  }
0x127: {  	v4 =	vld [tilespmem:s12+$0x0];
	_ =	sdelay $0x4  }
0x128: {  	v4 =	vmul.f32 v4, v3;
	_ =	sdelay $0x1  }
.Ltmp2:
0x129: {  	[tilespmem:s13+$0x0] =	vst v4;
	(pc) =	sbr.rel @p0 .LBB2_7-.Ltmp2, $2  }
0x12a: {  	v4 =	vld [tilespmem:s12+$0x10];
	[tilespmem:s13+$0x20] =	vst v5;
	_ =	sdelay $0x2  }
0x12b: {  	v5 =	vmov s14;
	s14 =	sadd.s32 $0x1, s14  }
0x12c: {  	_ = 	snop  }
0x12d: {  	v3 =	vmul.f32 v4, v3;
	_ =	sdelay $0x1  }
0x12e: {  	[tilespmem:s13+$0x10] =	vst v3  }
0x12f: {  	s12 =	sadd.s32 $0x40, s12;
	v3 =	vld.idx.msk [tilespmem:v5+s4+$0x0], $0xffff  }
0x130: {  	v63 =	vld [tilespmem:s12+$0xFFFFFFE0];
	_ =	sdelay $0x4  }
0x131: {  	v4 =	vmul.f32 v63, v3  }
0x132: {  	s15 =	sadd.s32 $0x50, s13  }
0x133: {  	[tilespmem:s15+$0xFFFFFFE0] =	vst v4  }
0x134: {  	v4 =	vld [tilespmem:s12+$0xFFFFFFF0];
	_ =	sdelay $0x4  }
0x135: {  	v4 =	vmul.f32 v4, v3;
	_ =	sdelay $0x1  }
0x136: {  	[tilespmem:s15+$0xFFFFFFF0] =	vst v4  }
0x137: {  	v4 =	vld [tilespmem:s12+$0x0];
	_ =	sdelay $0x4  }
0x138: {  	v4 =	vmul.f32 v4, v3;
	_ =	sdelay $0x1  }
0x139: {  	[tilespmem:s15+$0x0] =	vst v4  }
0x13a: {  	v4 =	vld [tilespmem:s12+$0x10];
	_ =	sdelay $0x1  }
0x13b: {  	s9 =	sadd.s32 $0x1, s9  }
0x13c: {  	p0 =	sne.s32 s9, $0x51  }
.Ltmp3:
0x13d: {  	v5 =	vmul.f32 v1, v3;
	(pc) =	sbr.rel @p0 .LBB2_4-.Ltmp3, $4  }
0x13e: {  	v3 =	vmul.f32 v4, v3  }
0x13f: {  	[tilespmem:s15+$0x20] =	vst v5  }
0x140: {  	[tilespmem:s15+$0x10] =	vst v3  }
0x141: {  	[spmem:s5] =	stream.indirect.scatter.add.f32 [tilespmem:s26], [sflag:$0x4], $0x50, s11, s29, $0xb8;
	[tilespmem:$0x1C550] =	vst v63  }
0x142: {  	_ =	swait.ge [sflag:s30], $0x1400  }
0x143: {  	[sflag:s30] =	ssyncset.done $0x0  }
0x144: {  	[sflag:s30] =	ssyncadd.s32 $0xFFFFEC00  }
0x145: {  	s8 =	stileid.u32;
	_ =	swait.ge [sflag:s3], $0x1400  }
0x146: {  	s9 =	sshrl.u32 s10, $0x3;
	s7 =	sadd.s32 $0x1, s7;
	[sflag:s3] =	ssyncset.done $0x0  }
0x147: {  	s8 =	sshll.u32 s8, $0x6;
	p0 =	sne.s32 s7, s21;
	[sflag:s3] =	ssyncadd.s32 $0xFFFFEC00  }
.Ltmp4:
0x148: {  	s8 =	sor.u32 $0x1C05, s8;
	[bflag:$0x0] =	sbarrier.arrive $0xFFFF;
	(pc) =	sbr.rel @p0 .LBB2_1-.Ltmp4, $4  }
0x149: {  	[hbm:s20], [sflag:s8] =	dma.local [spmem:s9], $0x1900  }
0x14a: {  	_ =	swait.ge [sflag:s22], $0x1900  }
0x14b: {  	[sflag:s22] =	ssyncset.done $0x0  }
0x14c: {  	[sflag:s22] =	ssyncadd.s32 $0xFFFFE700  }
0x14d: {  	_ =	sfence.sel $0x180000  }
0x14e: {  	[bflag:$0x0] =	sbarrier.arrive $0xFFFF  }
0x14f: {  	_ =	strace $0x90000047  }
0x150: {  	s0 =	stileid.u32;
	[bflag:$0x2] =	sbarrier.arrive $0xFFFF  }
0x151: {  	p0 =	sne.s32 s0, $0x0;
	s0 =	rddreg [dreg:$0x5]  }
0x152: {  	s0 =	sadd.s32 @!p0 $0x100000, s0  }
0x153: {  	[sflag:s0] =	ssyncadd.tile.s32 @!p0 $0x1;
	_ =	shalt  }
.Lfunc_end2:
_tile_overlayer_lowered:
.L_overlay_start_2:
0x154: {  	(tag) =	ssettag $0x2  }
0x155: {  	s0 =	rddreg [dreg:$0x0];
	s2 =	stileid.u32  }
0x156: {  	s1 =	rddreg [dreg:$0x1];
	p0 =	sne.s32 s2, $0x0  }
0x157: {  	s3 =	rddreg [dreg:$0x2];
	[bflag:$0x3] =	sbarrier.arrive $0xFFFF;
	s2 =	simm.s32 @!p0 $0x1C05  }
0x158: {  	[timem:s3], [sflag:s2] =	dma.local @!p0 [hbm:s0], s1  }
0x159: {  	s0 =	simm.s32 @!p0 $0x5  }
0x15a: {  	_ =	swait.ge @!p0 [sflag:s0], s1  }
0x15b: {  	s1 =	ssub.s32 @!p0 $0x0, s1;
	[sflag:s0] =	ssyncset.done @!p0 $0x0  }
0x15c: {  	[sflag:s0] =	ssyncadd.s32 @!p0 s1  }
0x15d: {  	[bflag:$0x3] =	sbarrier.arrive $0xFFFF  }
0x15e: {  	_ =	shalt  }

// kernel: kernel.16.cloned.1.call-start
scs
__scs_entry_jumppad:
0x0: {  	(pc) =	sbr.rel $0x88, $3  }
0x1: {  	(tag) =	ssettag $0x0;
	lr =	simm.s32 $0x1  }
0x2: {  	[smem:$0x3F93] =	sst lr;
	_ =	strace $0xD0000000  }
0x3: {  	_ = 	snop  }
0x4: {  	_ = 	snop  }
0x5: {  	_ = 	snop  }
0x6: {  	_ = 	snop  }
0x7: {  	_ = 	snop  }
__scs_overlays_trampoline_lowered:
0x8: {  	[smem:$0x3FA2] =	sst s0  }
0x9: {  	[smem:$0x3FA3] =	sst s1  }
0xa: {  	[smem:$0x3FA4] =	sst s2  }
0xb: {  	[smem:$0x3FA5] =	sst s3  }
0xc: {  	[smem:$0x3FA6] =	sst s4  }
0xd: {  	[smem:$0x3FA7] =	sst s5  }
0xe: {  	[smem:$0x3FA8] =	sst s6  }
0xf: {  	[smem:$0x3FA9] =	sst s7  }
0x10: {  	[smem:$0x3FAA] =	sst s8  }
0x11: {  	[smem:$0x3FAB] =	sst s9;
	s0 =	simm.s32 @!p0 $0x0  }
0x12: {  	s1 =	sld [smem:$0x3F91];
	s0 =	simm.s32 @p0 $0x1  }
0x13: {  	[smem:$0x3FAC] =	sst s0;
	s0 =	simm.s32 @!p1 $0x0  }
0x14: {  	s2 =	sld [smem:$0x3F90];
	s0 =	simm.s32 @p1 $0x1  }
0x15: {  	[smem:$0x3FAD] =	sst s0;
	s0 =	simm.s32 @!p2 $0x0  }
0x16: {  	s3 =	sld [smem:$0x3FDB];
	s0 =	simm.s32 @p2 $0x1  }
0x17: {  	s4 =	simm.s32 $0x1BF5;
	[smem:$0x3FAF] =	sst s0  }
0x18: {  	s0 =	sld [smem:$0x3F92];
	_ =	swait.ge [sflag:s4], $0x0  }
0x19: {  	s7 =	sld [smem:$0x3F93]  }
0x1a: {  	s8 =	sadd.s32 $0xFFFFE003, lr  }
0x1b: {  	s9 =	sadd.s32 $0xFFFFFEF7, lr;
	s5 =	simm.s32 $0xFFFFFFFF;
	p2 =	slt.u32 s8, $0xFFFFF086  }
0x1c: {  	p1 =	slt.u32 s9, $0xF7A;
	s5 =	simm.s32 @!p2 $0x0  }
0x1d: {  	s5 =	simm.s32 @p1 $0x1;
	p0 =	seq.s32 s7, s2  }
0x1e: {  	s7 =	smul.u32 @!p0 $0xF7A, s2;
	p2 =	seq.s32 @!p0 s5, $0x0  }
0x1f: {  	s9 =	smul.u32 $0xF7A, s1;
	s8 =	simm.s32 @!p0 $0x1BF5;
	p2 =	por !p2, p0  }
0x20: {  	[sflag:s8] =	ssyncset.s32 @!p0 $0xFFFFF086;
	s6 =	sadd.s32 @!p0 s3, s7;
	s7 =	simm.s32 @!p0 $0x108  }
0x21: {  	s3 =	sadd.s32 s3, s9;
	s6 =	sadd.s32 @!p0 $0x88, s6;
	s7 =	simm.s32 @p2 $0x1082  }
0x22: {  	[simem:s7], [sflag:s8] =	dma.local @!p0 [hbm:s6], $0xF7A  }
0x23: {  	s9 =	sor.u32 $0xD0000000, s2;
	s6 =	simm.s32 $0x108;
	_ =	swait.ge @!p0 [sflag:s8], $0x0  }
0x24: {  	s3 =	sadd.s32 $0x88, s3;
	s6 =	simm.s32 @!p1 $0x1082;
	[sflag:s4] =	ssyncset.s32 $0xFFFFF086  }
0x25: {  	[simem:s6], [sflag:s4] =	dma.local [hbm:s3], $0xF7A  }
0x26: {  	[smem:$0x3F93] =	sst s1;
	(tag) =	ssettag s2;
	_ =	strace s9  }
0x27: {  	s1 =	sld [smem:$0x3FA3]  }
0x28: {  	s2 =	sld [smem:$0x3FA4]  }
0x29: {  	s4 =	sld [smem:$0x3FA6]  }
0x2a: {  	p0 =	seq.s32 s5, $0x0;
	s5 =	sld [smem:$0x3FA7]  }
0x2b: {  	s6 =	sld [smem:$0x3FA8]  }
0x2c: {  	s7 =	sld [smem:$0x3FA9]  }
0x2d: {  	s3 =	simm.s32 $0x108;
	s8 =	sld [smem:$0x3FAA]  }
0x2e: {  	s3 =	simm.s32 @!p0 $0x1082;
	s9 =	sld [smem:$0x3FAB]  }
0x2f: {  	lr =	sadd.s32 s0, s3;
	s0 =	sld [smem:$0x3FA2]  }
0x30: {  	s3 =	sld [smem:$0x3FA5]  }
0x31: {  	[smem:$0x3FAE] =	sst s10  }
0x32: {  	s10 =	sld [smem:$0x3FAC];
	_ =	sdelay $0x3  }
0x33: {  	p0 =	seq.s32 s10, $0x1;
	s10 =	sld [smem:$0x3FAE];
	_ =	sdelay $0x3  }
0x34: {  	[smem:$0x3FAE] =	sst s10  }
0x35: {  	s10 =	sld [smem:$0x3FAD];
	_ =	sdelay $0x3  }
0x36: {  	p1 =	seq.s32 s10, $0x1;
	s10 =	sld [smem:$0x3FAE];
	_ =	sdelay $0x3  }
0x37: {  	[smem:$0x3FAE] =	sst s10  }
0x38: {  	s10 =	sld [smem:$0x3FAF]  }
0x39: {  	_ = 	snop;
	(pc) =	sbr.ind lr, $3  }
0x3a: {  	_ = 	snop  }
0x3b: {  	_ = 	snop  }
0x3c: {  	p2 =	seq.s32 s10, $0x1;
	s10 =	sld [smem:$0x3FAE]  }
0x3d: {  	_ =	shalt  }
0x3e: {  	_ =	shalt  }
0x3f: {  	_ =	shalt  }
0x40: {  	_ =	shalt  }
0x41: {  	_ =	shalt  }
0x42: {  	_ =	shalt  }
0x43: {  	_ =	shalt  }
0x44: {  	_ =	shalt  }
0x45: {  	_ =	shalt  }
0x46: {  	_ =	shalt  }
0x47: {  	_ =	shalt  }
0x48: {  	_ =	shalt  }
0x49: {  	_ =	shalt  }
0x4a: {  	_ =	shalt  }
0x4b: {  	_ =	shalt  }
0x4c: {  	_ =	shalt  }
0x4d: {  	_ =	shalt  }
0x4e: {  	_ =	shalt  }
0x4f: {  	_ =	shalt  }
0x50: {  	_ =	shalt  }
0x51: {  	_ =	shalt  }
0x52: {  	_ =	shalt  }
0x53: {  	_ =	shalt  }
0x54: {  	_ =	shalt  }
0x55: {  	_ =	shalt  }
0x56: {  	_ =	shalt  }
0x57: {  	_ =	shalt  }
0x58: {  	_ =	shalt  }
0x59: {  	_ =	shalt  }
0x5a: {  	_ =	shalt  }
0x5b: {  	_ =	shalt  }
0x5c: {  	_ =	shalt  }
0x5d: {  	_ =	shalt  }
0x5e: {  	_ =	shalt  }
0x5f: {  	_ =	shalt  }
0x60: {  	_ =	shalt  }
0x61: {  	_ =	shalt  }
0x62: {  	_ =	shalt  }
0x63: {  	_ =	shalt  }
0x64: {  	_ =	shalt  }
0x65: {  	_ =	shalt  }
0x66: {  	_ =	shalt  }
0x67: {  	_ =	shalt  }
0x68: {  	_ =	shalt  }
0x69: {  	_ =	shalt  }
0x6a: {  	_ =	shalt  }
0x6b: {  	_ =	shalt  }
0x6c: {  	_ =	shalt  }
0x6d: {  	_ =	shalt  }
0x6e: {  	_ =	shalt  }
0x6f: {  	_ =	shalt  }
0x70: {  	_ =	shalt  }
0x71: {  	_ =	shalt  }
0x72: {  	_ =	shalt  }
0x73: {  	_ =	shalt  }
0x74: {  	_ =	shalt  }
0x75: {  	_ =	shalt  }
0x76: {  	_ =	shalt  }
0x77: {  	_ =	shalt  }
0x78: {  	_ =	shalt  }
0x79: {  	_ =	shalt  }
0x7a: {  	_ =	shalt  }
0x7b: {  	_ =	shalt  }
0x7c: {  	_ =	shalt  }
0x7d: {  	_ =	shalt  }
0x7e: {  	_ =	shalt  }
0x7f: {  	_ =	shalt  }
0x80: {  	_ =	shalt  }
0x81: {  	_ =	shalt  }
0x82: {  	_ =	shalt  }
0x83: {  	_ =	shalt  }
0x84: {  	_ =	shalt  }
0x85: {  	_ =	shalt  }
0x86: {  	_ =	shalt  }
0x87: {  	_ =	shalt  }
.Lfunc_end0:
.L_simem_size_0:
called_computation.2_lowered:
.L_overlay_start_0:
0x88: {  	s2 =	sld [smem:$0x3FD9]  }
0x89: {  	s3 =	sld [smem:$0x3FFE];
	_ =	sdelay $0x1  }
0x8a: {  	s1 =	srdreg.scid  }
0x8b: {  	s0 =	sand.u32 $0x1, s1  }
0x8c: {  	s14 =	sshll.u32 s0, $0xA;
	s2 =	sadd.s32 s3, s2  }
0x8d: {  	s2 =	sadd.s32 s2, s14  }
0x8e: {  	[smem:$0x3FBA] =	sst s2  }
0x8f: {  	_ = 	snop  }
0x90: {  	s2 =	sld [smem:$0x3FD0];
	_ =	sdelay $0x2  }
0x91: {  	s15 =	simm.s32 $0xB;
	s4 =	simm.s32 $0x10  }
0x92: {  	[smem:s4], [sflag:s15] =	dma.local [hbm:s2], $0x1  }
0x93: {  	_ =	swait.eq [sflag:s15], $0x1  }
0x94: {  	[sflag:s15] =	ssyncset.done $0x0  }
0x95: {  	s16 =	sld [smem:$0x11];
	[sflag:s15] =	ssyncadd.s32 $0xFFFFFFFF  }
0x96: {  	s17 =	sld [smem:$0x13];
	(tm) =	ssettm $0x1  }
0x97: {  	s18 =	sld [smem:$0x3FFB];
	_ =	sdelay $0x3  }
0x98: {  	_ =	strace s18  }
0x99: {  	s4 =	sld [smem:$0x3FFC];
	_ =	sdelay $0x3  }
0x9a: {  	_ =	strace s4  }
0x9b: {  	s4 =	sld [smem:$0x3FFD];
	_ =	sdelay $0x3  }
0x9c: {  	_ =	strace s4  }
0x9d: {  	_ =	strace $0x8FFFFFFF  }
0x9e: {  	s19 =	sld [smem:$0x3FDB];
	_ =	sdelay $0x1  }
0x9f: {  	s5 =	simm.s32 $_scs_section_size  }
0xa0: {  	s6 =	simm.s32 $_size__tile_overlayer_lowered;
	s7 =	simm.s32 $_tile_overlayer_lowered  }
0xa1: {  	s22 =	simm.s32 $0x1BFF;
	s21 =	sshll.u32 s7, $0x1;
	s4 =	sadd.s32 s5, s19  }
0xa2: {  	s8 =	simm.s32 $0x0;
	s20 =	sshll.u32 s6, $0x1;
	s6 =	sadd.s32 s21, s4  }
0xa3: {  	[timem:s8], [sflag:s22] =	dma.local [hbm:s6], s20  }
0xa4: {  	_ =	swait.ge [sflag:s22], s20  }
0xa5: {  	s5 =	ssub.s32 $0x0, s20;
	[sflag:s22] =	ssyncset.done $0x0  }
0xa6: {  	[sflag:s22] =	ssyncadd.s32 s5;
	_ =	sdelay $0x1  }
0xa7: {  	s23 =	simm.s32 $0x1B8B  }
0xa8: {  	_ =	swait.ge [sflag:s23], $0x1  }
0xa9: {  	[sflag:s23] =	ssyncset.done $0x0  }
0xaa: {  	s25 =	simm.s32 $0x1B8E;
	s24 =	sld [smem:$0x3FFE];
	[sflag:s23] =	ssyncadd.s32 $0xFFFFFFFF  }
0xab: {  	s26 =	simm.s32 $execute0_lowered;
	[smem:$0x3FD2] =	sst s25  }
0xac: {  	s6 =	sshll.u32 s26, $0x1;
	_ =	strace $0x8000004C;
	[dreg:$0x1] =	wrdreg $0xFFFFFFFF  }
0xad: {  	s28 =	simm.s32 $_size_execute0_lowered;
	s4 =	sadd.s32 s4, s6;
	[dreg:$0x0] =	wrdreg $0x0  }
0xae: {  	s6 =	sshll.u32 s28, $0x1;
	[dreg:$0x2] =	wrdreg s4  }
0xaf: {  	[dreg:$0x3] =	wrdreg s6  }
0xb0: {  	[dreg:$0x4] =	wrdreg $0xC0  }
0xb1: {  	_ =	task [dreg:s8], $0x5FFFF  }
0xb2: {  	[dreg:$0x1] =	wrdreg $0xFFFFFFFF  }
0xb3: {  	[dreg:$0x0] =	wrdreg $0x60  }
0xb4: {  	[dreg:$0x2] =	wrdreg s24  }
0xb5: {  	[dreg:$0x3] =	wrdreg s16  }
0xb6: {  	[dreg:$0x4] =	wrdreg s17  }
0xb7: {  	[dreg:$0x5] =	wrdreg $0xFD500  }
0xb8: {  	[dreg:$0x6] =	wrdreg $0x9  }
0xb9: {  	_ =	task.clear_ibuf [dreg:s8], $0x7FFFF;
	_ =	strace $0x9000004C  }
0xba: {  	s29 =	simm.s32 $0x9;
	_ =	strace $0x8000004E  }
0xbb: {  	_ =	swait.ge [sflag:s29], $0x1  }
0xbc: {  	[sflag:s29] =	ssyncadd.s32 $0xFFFFFFFF  }
0xbd: {  	_ =	strace $0x9000004E  }
0xbe: {  	_ =	sfence  }
0xbf: {  	s30 =	sld [smem:$0x0];
	_ =	sdelay $0x2  }
0xc0: {  	s31 =	sshll.u32 s1, $0xD;
	s1 =	sshrl.u32 s1, $0x2  }
0xc1: {  	s3 =	sand.u32 $0x4000, s31;
	s1 =	sadd.s32 s1, s30  }
0xc2: {  	s0 =	sor.u32 s3, s0;
	s1 =	sshll.u32 s1, $0x11  }
0xc3: {  	s0 =	sor.u32 s1, s0  }
0xc4: {  	s0 =	sadd.s32 $0x8F2B, s0  }
0xc5: {  	[sflag:s0] =	ssyncadd.remote.s32 $0x1  }
0xc6: {  	_ =	sfence.sel $0xFFFF  }
0xc7: {  	[dreg:$0x0] =	wrdreg $0xFFFFFFFF;
	(pc) =	sbr.abs _section_cstart, $3  }
0xc8: {  	[dreg:$0x1] =	wrdreg $0xFFFFFFFF  }
0xc9: {  	_ =	task.clear_ibuf [dreg:s8], $0x2FFFF;
	_ =	strace $0x9FFFFFFF  }
0xca: {  	(tm) =	ssettm $0x7FFFFFFF  }
0xcb: {  	_ =	shalt  }
tec
execute0_lowered:
.L_overlay_start_1:
0x0: {  	(tag) =	ssettag $0x1  }
0x1: {  	s2 =	rddreg [dreg:$0x0]  }
0x2: {  	s0 =	srdreg.scid;
	s1 =	rddreg [dreg:$0x1]  }
0x3: {  	s8 =	stileid.u32;
	s4 =	rddreg [dreg:$0x3];
	s5 =	simm.s32 $0x0  }
0x4: {  	s28 =	simm.s32 $0xE950;
	s29 =	simm.s32 $0x40;
	s31 =	simm.s32 $0xB150  }
0x5: {  	s30 =	simm.s32 $0xD550;
	s0 =	sand.u32 $0x1, s0;
	s6 =	smul.u32 $0xC800, s8  }
0x6: {  	[smem:$0x7FF] =	sst s5;
	s9 =	sadd.s32 $0x3D600, s2;
	s3 =	sshll.u32 s0, $0x4  }
0x7: {  	s7 =	smul.u32 $0xC8000, s0;
	_ =	strace $0x8000004D;
	s0 =	ssub.s32 $0x2, s0  }
0x8: {  	[dreg:$0x5] =	wrdreg s9;
	s3 =	sor.u32 s8, s3;
	s8 =	smul.u32 $0x32000, s8  }
0x9: {  	s19 =	sshrl.u32 s0, $0x1;
	s10 =	sadd.s32 s6, s4;
	s3 =	smul.u32 $0x510, s3  }
0xa: {  	s7 =	sadd.s32 s6, s7;
	s0 =	ssub.s32 s0, s19;
	s6 =	simm.s32 $0x4  }
0xb: {  	s7 =	sshrl.u32 s7, $0x3;
	s8 =	sshrl.u32 s8, $0x2;
	s3 =	sadd.s32 s3, s2  }
0xc: {  	s7 =	sadd.s32 s7, s2;
	s21 =	sadd.s32 s8, s4;
	s2 =	sadd.s32 $0x3DB00, s2  }
0xd: {  	s20 =	sadd.s32 $0x1200, s3;
	s3 =	sadd.s32 $0xB400, s3;
	[dreg:$0x8] =	wrdreg s2  }
0xe: {  	s22 =	sadd.s32 $0x1400, s21;
	s23 =	sadd.s32 $0x2800, s21;
	[dreg:$0x6] =	wrdreg s20  }
0xf: {  	s24 =	sadd.s32 $0x3C00, s21;
	s25 =	sadd.s32 $0x5000, s21;
	[dreg:$0x7] =	wrdreg s3  }
0x10: {  	s26 =	sadd.s32 $0x6400, s21;
	s16 =	sadd.s32 $0x7800, s21;
	[dreg:$0x9] =	wrdreg s22  }
0x11: {  	s17 =	sadd.s32 $0x8C00, s21;
	s18 =	sadd.s32 $0xA000, s21;
	[dreg:$0xa] =	wrdreg s23  }
0x12: {  	s19 =	sadd.s32 $0xB400, s21;
	s21 =	smax.u32 s0, $0x1;
	[dreg:$0xb] =	wrdreg s24  }
0x13: {  	s2 =	simm.s32 $0x1;
	s0 =	simm.s32 $0x3;
	[dreg:$0xc] =	wrdreg s25  }
0x14: {  	[dreg:$0xd] =	wrdreg s26;
	s20 =	sadd.s32 $0x3E000, s7;
	s22 =	simm.s32 $0x5  }
0x15: {  	v0 =	vimm.f32 $0.0e+00;
	vm0 =	vcmask $0x300;
	s24 =	simm.s32 $0x5100;
	s25 =	simm.s32 $0x7900;
	s3 =	simm.s32 $0xA110  }
0x16: {  	v1 =	vsel vm0, $0x3F800000, v0;
	s23 =	simm.s32 $0xC150;
	s26 =	simm.s32 $0x2;
	s7 =	simm.s32 $0x0  }
.LBB2_1:
0x17: {  	s8 =	rddreg [dreg:$0x6]  }
0x18: {  	[tilespmem:s5], [sflag:$0x5] =	stream.linear.gather [hbm4b:s8+s5], $0x2880, $0x38;
	[tilespmem:$0x1C550] =	vst v63  }
0x19: {  	_ =	swait.ge [sflag:s22], $0x2880  }
0x1a: {  	[sflag:s22] =	ssyncset.done $0x0  }
0x1b: {  	s9 =	simm.s32 $0x2880;
	s11 =	rddreg [dreg:$0x7];
	[sflag:s22] =	ssyncadd.s32 $0xFFFFD780  }
0x1c: {  	[tilespmem:s9], [sflag:$0x5] =	stream.linear.gather [hbm4b:s11+s5], $0x2880, $0x38;
	[tilespmem:$0x1C550] =	vst v63  }
0x1d: {  	_ =	swait.ge [sflag:s22], $0x2880  }
0x1e: {  	[sflag:s22] =	ssyncset.done $0x0  }
0x1f: {  	s12 =	rddreg [dreg:$0x5];
	[sflag:s22] =	ssyncadd.s32 $0xFFFFD780  }
0x20: {  	[tilespmem:s24], [sflag:$0x5] =	stream.linear.gather [hbm4b:s12+s5], $0x2800, $0x38;
	[tilespmem:$0x1C550] =	vst v63  }
0x21: {  	_ =	swait.ge [sflag:s22], $0x2800  }
0x22: {  	[sflag:s22] =	ssyncset.done $0x0  }
0x23: {  	s13 =	rddreg [dreg:$0x8];
	[sflag:s22] =	ssyncadd.s32 $0xFFFFD800  }
0x24: {  	[tilespmem:s25], [sflag:$0x5] =	stream.linear.gather [hbm4b:s13+s5], $0x2800, $0x38;
	[tilespmem:$0x1C550] =	vst v63  }
0x25: {  	_ =	swait.ge [sflag:s22], $0x2800  }
0x26: {  	[sflag:s22] =	ssyncset.done $0x0  }
0x27: {  	[sflag:s22] =	ssyncadd.s32 $0xFFFFD800  }
0x28: {  	s15 =	simm.s32 $0xA100;
	s14 =	rddreg [dreg:$0x2]  }
0x29: {  	[tilespmem:s15], [sflag:$0x5] =	stream.linear.gather [hbm4b:s14+s5], $0x10, $0x38;
	[tilespmem:$0x1C550] =	vst v63  }
0x2a: {  	_ =	swait.ge [sflag:s22], $0x10  }
0x2b: {  	[sflag:s22] =	ssyncset.done $0x0  }
0x2c: {  	s8 =	simm.s32 $0x0;
	s9 =	simm.s32 $0x140;
	[sflag:s22] =	ssyncadd.s32 $0xFFFFFFF0  }
.LBB2_2:
0x2d: {  	p0 =	sne.s32 s9, $0x4EC0;
	[tilespmem:s8+$0xE990] =	vst v0;
	s11 =	smov.u32 s9;
	s9 =	sadd.s32 $0x140, s9  }
.Ltmp0:
0x2e: {  	[tilespmem:s8+$0xE980] =	vst v0;
	(pc) =	sbr.rel @p0 .LBB2_2-.Ltmp0, $4  }
0x2f: {  	[tilespmem:s8+$0xE970] =	vst v0  }
0x30: {  	[tilespmem:s8+$0xE950] =	vst v0  }
0x31: {  	[tilespmem:s8+$0xE960] =	vst v0  }
0x32: {  	s8 =	sshra.s32 s11, $0x2  }
0x33: {  	[tilespmem:s8+$0xE990] =	vst v0  }
0x34: {  	[tilespmem:s8+$0xE980] =	vst v0  }
0x35: {  	[tilespmem:s8+$0xE970] =	vst v0  }
0x36: {  	[tilespmem:s8+$0xE950] =	vst v0  }
0x37: {  	[tilespmem:s8+$0xE960] =	vst v0  }
0x38: {  	[spmem:s10] =	stream.linear.scatter [tilespmem:s28], [sflag:$0x5], $0x1400, $0x38;
	[tilespmem:$0x1C550] =	vst v63  }
0x39: {  	_ =	swait.ge [sflag:s22], $0x1400  }
0x3a: {  	[sflag:s22] =	ssyncset.done $0x0  }
0x3b: {  	s11 =	rddreg [dreg:$0x9];
	[sflag:s22] =	ssyncadd.s32 $0xFFFFEC00  }
0x3c: {  	[spmem:s11] =	stream.linear.scatter [tilespmem:s28], [sflag:$0x5], $0x1400, $0x38;
	[tilespmem:$0x1C550] =	vst v63  }
0x3d: {  	_ =	swait.ge [sflag:s22], $0x1400  }
0x3e: {  	[sflag:s22] =	ssyncset.done $0x0  }
0x3f: {  	s12 =	rddreg [dreg:$0xa];
	[sflag:s22] =	ssyncadd.s32 $0xFFFFEC00  }
0x40: {  	[spmem:s12] =	stream.linear.scatter [tilespmem:s28], [sflag:$0x5], $0x1400, $0x38;
	[tilespmem:$0x1C550] =	vst v63  }
0x41: {  	_ =	swait.ge [sflag:s22], $0x1400  }
0x42: {  	[sflag:s22] =	ssyncset.done $0x0  }
0x43: {  	s13 =	rddreg [dreg:$0xb];
	[sflag:s22] =	ssyncadd.s32 $0xFFFFEC00  }
0x44: {  	[spmem:s13] =	stream.linear.scatter [tilespmem:s28], [sflag:$0x5], $0x1400, $0x38;
	[tilespmem:$0x1C550] =	vst v63  }
0x45: {  	_ =	swait.ge [sflag:s22], $0x1400  }
0x46: {  	[sflag:s22] =	ssyncset.done $0x0  }
0x47: {  	s14 =	rddreg [dreg:$0xc];
	[sflag:s22] =	ssyncadd.s32 $0xFFFFEC00  }
0x48: {  	[spmem:s14] =	stream.linear.scatter [tilespmem:s28], [sflag:$0x5], $0x1400, $0x38;
	[tilespmem:$0x1C550] =	vst v63  }
0x49: {  	_ =	swait.ge [sflag:s22], $0x1400  }
0x4a: {  	[sflag:s22] =	ssyncset.done $0x0  }
0x4b: {  	s15 =	rddreg [dreg:$0xd];
	[sflag:s22] =	ssyncadd.s32 $0xFFFFEC00  }
0x4c: {  	[spmem:s15] =	stream.linear.scatter [tilespmem:s28], [sflag:$0x5], $0x1400, $0x38;
	[tilespmem:$0x1C550] =	vst v63  }
0x4d: {  	_ =	swait.ge [sflag:s22], $0x1400  }
0x4e: {  	[sflag:s22] =	ssyncset.done $0x0  }
0x4f: {  	[sflag:s22] =	ssyncadd.s32 $0xFFFFEC00  }
0x50: {  	[spmem:s16] =	stream.linear.scatter [tilespmem:s28], [sflag:$0x5], $0x1400, $0x38;
	[tilespmem:$0x1C550] =	vst v63  }
0x51: {  	_ =	swait.ge [sflag:s22], $0x1400  }
0x52: {  	[sflag:s22] =	ssyncset.done $0x0  }
0x53: {  	[sflag:s22] =	ssyncadd.s32 $0xFFFFEC00  }
0x54: {  	[spmem:s17] =	stream.linear.scatter [tilespmem:s28], [sflag:$0x5], $0x1400, $0x38;
	[tilespmem:$0x1C550] =	vst v63  }
0x55: {  	_ =	swait.ge [sflag:s22], $0x1400  }
0x56: {  	[sflag:s22] =	ssyncset.done $0x0  }
0x57: {  	[sflag:s22] =	ssyncadd.s32 $0xFFFFEC00  }
0x58: {  	[spmem:s18] =	stream.linear.scatter [tilespmem:s28], [sflag:$0x5], $0x1400, $0x38;
	[tilespmem:$0x1C550] =	vst v63  }
0x59: {  	_ =	swait.ge [sflag:s22], $0x1400  }
0x5a: {  	[sflag:s22] =	ssyncset.done $0x0  }
0x5b: {  	[sflag:s22] =	ssyncadd.s32 $0xFFFFEC00  }
0x5c: {  	[spmem:s19] =	stream.linear.scatter [tilespmem:s28], [sflag:$0x5], $0x1400, $0x38;
	[tilespmem:$0x1C550] =	vst v63  }
0x5d: {  	_ =	swait.ge [sflag:s22], $0x1400  }
0x5e: {  	[sflag:s22] =	ssyncset.done $0x0  }
0x5f: {  	[sflag:s22] =	ssyncadd.s32 $0xFFFFEC00  }
0x60: {  	s8 =	simm.s32 $0x0;
	s9 =	simm.s32 $0xA150;
	[bflag:$0x0] =	sbarrier.arrive $0xFFFF  }
0x61: {  	v2 =	vld [tilespmem:$0xA100];
	[tilespmem:s9], [sflag:$0x1] =	stream.indirect.gather [hbm4b:s1+s29], $0x40, s8, s29, $0xb8  }
0x62: {  	s9 =	simm.s32 $0x0  }
.LBB2_4:
0x63: {  	s11 =	sshllo.u32 s9, $0x1  }
0x64: {  	s11 =	sshll.u32 s11, $0x6  }
0x65: {  	s12 =	sand.u32 $0x3FFFFFC0, s11  }
0x66: {  	[tilespmem:s31], [sflag:$0x2] =	stream.indirect.gather [hbm4b:s1+s29], $0x40, s12, s29, $0xb8;
	[tilespmem:$0x1C550] =	vst v63  }
0x67: {  	s12 =	sshll.u32 s9, $0x7  }
0x68: {  	v3 =	vld [tilespmem:s12+$0x0]  }
0x69: {  	v4 =	vld [tilespmem:s12+$0x2880];
	_ =	sdelay $0x6  }
0x6a: {  	v3 =	vld.idx.msk [tilespmem:v3+s24+$0x0], $0xffff  }
0x6b: {  	v4 =	vld.idx.msk [tilespmem:v4+s25+$0x0], $0xffff;
	_ =	sdelay $0x4  }
0x6c: {  	v3 =	vadd.f32 v4, v3;
	_ =	sdelay $0x1  }
0x6d: {  	v4 =	vmul.f32 $2.000000030e-01, v3;
	_ =	sdelay $0x1  }
0x6e: {  	v3 =	vmax.f32 v3, v4  }
0x6f: {  	v3 =	vsub.f32 v3, v2;
	_ =	sdelay $0x1  }
0x70: {  	v3 =	vmul.f32 $1.442695020e+00, v3;
	_ =	sdelay $0x1  }
0x71: {  	(erf) = vpow2.f32 v3;
	_ =	sdelay $0x8  }
0x72: {  	v3 =	vpop (erf)  }
0x73: {  	[tilespmem:$0xA110] =	vst v3  }
0x74: {  	v3 =	vld [tilespmem:s12+$0x10]  }
0x75: {  	v4 =	vld [tilespmem:s12+$0x2890];
	_ =	sdelay $0x6  }
0x76: {  	v3 =	vld.idx.msk [tilespmem:v3+s24+$0x0], $0xffff  }
0x77: {  	v4 =	vld.idx.msk [tilespmem:v4+s25+$0x0], $0xffff;
	_ =	sdelay $0x4  }
0x78: {  	v3 =	vadd.f32 v4, v3;
	_ =	sdelay $0x1  }
0x79: {  	v4 =	vmul.f32 $2.000000030e-01, v3;
	_ =	sdelay $0x1  }
0x7a: {  	v3 =	vmax.f32 v3, v4  }
0x7b: {  	v3 =	vsub.f32 v3, v2;
	_ =	sdelay $0x1  }
0x7c: {  	v3 =	vmul.f32 $1.442695020e+00, v3;
	_ =	sdelay $0x1  }
0x7d: {  	(erf) = vpow2.f32 v3;
	_ =	sdelay $0x8  }
0x7e: {  	v3 =	vpop (erf)  }
0x7f: {  	[tilespmem:$0xA120] =	vst v3  }
0x80: {  	v3 =	vld [tilespmem:s12+$0x20]  }
0x81: {  	v4 =	vld [tilespmem:s12+$0x28A0];
	_ =	sdelay $0x6  }
0x82: {  	v3 =	vld.idx.msk [tilespmem:v3+s24+$0x0], $0xffff  }
0x83: {  	v4 =	vld.idx.msk [tilespmem:v4+s25+$0x0], $0xffff;
	_ =	sdelay $0x4  }
0x84: {  	v3 =	vadd.f32 v4, v3;
	_ =	sdelay $0x1  }
0x85: {  	v4 =	vmul.f32 $2.000000030e-01, v3;
	_ =	sdelay $0x1  }
0x86: {  	v3 =	vmax.f32 v3, v4  }
0x87: {  	v3 =	vsub.f32 v3, v2;
	_ =	sdelay $0x1  }
0x88: {  	v3 =	vmul.f32 $1.442695020e+00, v3;
	_ =	sdelay $0x1  }
0x89: {  	(erf) = vpow2.f32 v3;
	_ =	sdelay $0x8  }
0x8a: {  	v3 =	vpop (erf)  }
0x8b: {  	[tilespmem:$0xA130] =	vst v3  }
0x8c: {  	v3 =	vld [tilespmem:s12+$0x30]  }
0x8d: {  	v4 =	vld [tilespmem:s12+$0x28B0];
	_ =	sdelay $0x6  }
0x8e: {  	v3 =	vld.idx.msk [tilespmem:v3+s24+$0x0], $0xffff  }
0x8f: {  	v4 =	vld.idx.msk [tilespmem:v4+s25+$0x0], $0xffff;
	_ =	sdelay $0x4  }
0x90: {  	v3 =	vadd.f32 v4, v3;
	_ =	sdelay $0x1  }
0x91: {  	v4 =	vmul.f32 $2.000000030e-01, v3;
	_ =	sdelay $0x1  }
0x92: {  	v3 =	vmax.f32 v3, v4  }
0x93: {  	v3 =	vsub.f32 v3, v2;
	_ =	sdelay $0x1  }
0x94: {  	v3 =	vmul.f32 $1.442695020e+00, v3;
	_ =	sdelay $0x1  }
0x95: {  	(erf) = vpow2.f32 v3;
	_ =	sdelay $0x8  }
0x96: {  	v3 =	vpop (erf)  }
0x97: {  	[tilespmem:$0xA140] =	vst v3  }
0x98: {  	_ =	swait.ge [sflag:s2], $0x1000  }
0x99: {  	p0 =	seq.s32 s9, $0x0;
	v3 =	vmov s8;
	[sflag:s2] =	ssyncset.done $0x0  }
0x9a: {  	s13 =	simm.s32 @!p0 $0x3;
	[sflag:s2] =	ssyncadd.s32 $0xFFFFF000  }
0x9b: {  	_ =	swait.ge @!p0 [sflag:s13], $0x1400  }
0x9c: {  	[sflag:s13] =	ssyncset.done @!p0 $0x0  }
0x9d: {  	[sflag:s13] =	ssyncadd.s32 @!p0 $0xFFFFEC00  }
0x9e: {  	s13 =	simm.s32 $0xA170;
	v3 =	vld.idx.msk [tilespmem:v3+s3+$0x0], $0xffff  }
0x9f: {  	v4 =	vld [tilespmem:s13+$0xFFFFFFE0];
	_ =	sdelay $0x4  }
0xa0: {  	v4 =	vmul.f32 v4, v3  }
0xa1: {  	s14 =	simm.s32 $0xC170  }
0xa2: {  	[tilespmem:s14+$0xFFFFFFE0] =	vst v4  }
0xa3: {  	v4 =	vld [tilespmem:s13+$0xFFFFFFF0];
	_ =	sdelay $0x4  }
0xa4: {  	v4 =	vmul.f32 v4, v3;
	_ =	sdelay $0x1  }
0xa5: {  	[tilespmem:s14+$0xFFFFFFF0] =	vst v4  }
0xa6: {  	v4 =	vld [tilespmem:s13+$0x0];
	_ =	sdelay $0x4  }
0xa7: {  	v4 =	vmul.f32 v4, v3;
	_ =	sdelay $0x1  }
0xa8: {  	[tilespmem:s14+$0x0] =	vst v4  }
0xa9: {  	v4 =	vld [tilespmem:s13+$0x10]  }
0xaa: {  	v5 =	vmul.f32 v1, v3  }
0xab: {  	s15 =	simm.s32 $0x1  }
0xac: {  	s12 =	sadd.s32 $0x2880, s12;
	[tilespmem:s14+$0x20] =	vst v5;
	v5 =	vmov s15;
	s15 =	simm.s32 $0x2  }
.LBB2_5:
0xad: {  	p1 =	sne.s32 s15, $0x3F  }
0xae: {  	v3 =	vmul.f32 v4, v3;
	_ =	sdelay $0x1  }
0xaf: {  	[tilespmem:s14+$0x10] =	vst v3  }
0xb0: {  	s13 =	sadd.s32 $0x40, s13;
	v3 =	vld.idx.msk [tilespmem:v5+s3+$0x0], $0xffff  }
0xb1: {  	v4 =	vld [tilespmem:s13+$0xFFFFFFE0];
	_ =	sdelay $0x4  }
0xb2: {  	v5 =	vmul.f32 v1, v3;
	v4 =	vmul.f32 v4, v3  }
0xb3: {  	s14 =	sadd.s32 $0x50, s14  }
0xb4: {  	[tilespmem:s14+$0xFFFFFFE0] =	vst v4  }
0xb5: {  	v4 =	vld [tilespmem:s13+$0xFFFFFFF0];
	_ =	sdelay $0x4  }
0xb6: {  	v4 =	vmul.f32 v4, v3;
	_ =	sdelay $0x1  }
0xb7: {  	[tilespmem:s14+$0xFFFFFFF0] =	vst v4  }
0xb8: {  	v4 =	vld [tilespmem:s13+$0x0];
	_ =	sdelay $0x4  }
0xb9: {  	v4 =	vmul.f32 v4, v3;
	_ =	sdelay $0x1  }
.Ltmp1:
0xba: {  	[tilespmem:s14+$0x0] =	vst v4;
	(pc) =	sbr.rel @p1 .LBB2_5-.Ltmp1, $2  }
0xbb: {  	v4 =	vld [tilespmem:s13+$0x10];
	[tilespmem:s14+$0x20] =	vst v5;
	_ =	sdelay $0x2  }
0xbc: {  	v5 =	vmov s15;
	s15 =	sadd.s32 $0x1, s15  }
0xbd: {  	_ = 	snop  }
0xbe: {  	v3 =	vmul.f32 v4, v3;
	_ =	sdelay $0x1  }
0xbf: {  	[tilespmem:s14+$0x10] =	vst v3  }
0xc0: {  	s13 =	sadd.s32 $0x40, s13;
	v3 =	vld.idx.msk [tilespmem:v5+s3+$0x0], $0xffff  }
0xc1: {  	v4 =	vld [tilespmem:s13+$0xFFFFFFE0];
	_ =	sdelay $0x4  }
0xc2: {  	v4 =	vmul.f32 v4, v3  }
0xc3: {  	s15 =	sadd.s32 $0x50, s14  }
0xc4: {  	[tilespmem:s15+$0xFFFFFFE0] =	vst v4  }
0xc5: {  	v4 =	vld [tilespmem:s13+$0xFFFFFFF0];
	_ =	sdelay $0x4  }
0xc6: {  	v4 =	vmul.f32 v4, v3;
	_ =	sdelay $0x1  }
0xc7: {  	[tilespmem:s15+$0xFFFFFFF0] =	vst v4  }
0xc8: {  	v4 =	vld [tilespmem:s13+$0x0];
	_ =	sdelay $0x4  }
0xc9: {  	v4 =	vmul.f32 v4, v3;
	_ =	sdelay $0x1  }
0xca: {  	[tilespmem:s15+$0x0] =	vst v4  }
0xcb: {  	v4 =	vld [tilespmem:s13+$0x10];
	_ =	sdelay $0x3  }
0xcc: {  	v5 =	vmul.f32 v1, v3  }
0xcd: {  	v3 =	vmul.f32 v4, v3  }
0xce: {  	[tilespmem:s15+$0x20] =	vst v5  }
0xcf: {  	p1 =	seq.s32 s9, $0x50;
	[tilespmem:s15+$0x10] =	vst v3  }
0xd0: {  	[spmem:s4] =	stream.indirect.scatter.add.f32 [tilespmem:s23], [sflag:$0x3], $0x50, s12, s29, $0xb8;
	[tilespmem:$0x1C550] =	vst v63  }
0xd1: {  	s12 =	sshll.u32 @!p1 s9, $0x7  }
0xd2: {  	s12 =	sand.u32 @!p1 $0x3FFFFF80, s12  }
0xd3: {  	s14 =	simm.s32 @!p1 $0xA150;
	s13 =	simm.s32 @!p1 $0x40;
	s12 =	sadd.s32 @!p1 $0x80, s12  }
0xd4: {  	[tilespmem:s14], [sflag:$0x1] =	stream.indirect.gather @!p1 [hbm4b:s1+s13], $0x40, s12, s13, $0xb8;
	[tilespmem:$0x1C550] =	vst v63  }
0xd5: {  	v3 =	vld [tilespmem:s11+$0x0]  }
0xd6: {  	v4 =	vld [tilespmem:s11+$0x2880];
	_ =	sdelay $0x6  }
0xd7: {  	v3 =	vld.idx.msk [tilespmem:v3+s24+$0x0], $0xffff  }
0xd8: {  	v4 =	vld.idx.msk [tilespmem:v4+s25+$0x0], $0xffff;
	_ =	sdelay $0x4  }
0xd9: {  	v3 =	vadd.f32 v4, v3;
	_ =	sdelay $0x1  }
0xda: {  	v4 =	vmul.f32 $2.000000030e-01, v3;
	_ =	sdelay $0x1  }
0xdb: {  	v3 =	vmax.f32 v3, v4  }
0xdc: {  	v3 =	vsub.f32 v3, v2;
	_ =	sdelay $0x1  }
0xdd: {  	v3 =	vmul.f32 $1.442695020e+00, v3;
	_ =	sdelay $0x1  }
0xde: {  	(erf) = vpow2.f32 v3;
	_ =	sdelay $0x8  }
0xdf: {  	v3 =	vpop (erf)  }
0xe0: {  	[tilespmem:$0xA110] =	vst v3  }
0xe1: {  	v3 =	vld [tilespmem:s11+$0x10]  }
0xe2: {  	v4 =	vld [tilespmem:s11+$0x2890];
	_ =	sdelay $0x6  }
0xe3: {  	v3 =	vld.idx.msk [tilespmem:v3+s24+$0x0], $0xffff  }
0xe4: {  	v4 =	vld.idx.msk [tilespmem:v4+s25+$0x0], $0xffff;
	_ =	sdelay $0x4  }
0xe5: {  	v3 =	vadd.f32 v4, v3;
	_ =	sdelay $0x1  }
0xe6: {  	v4 =	vmul.f32 $2.000000030e-01, v3;
	_ =	sdelay $0x1  }
0xe7: {  	v3 =	vmax.f32 v3, v4  }
0xe8: {  	v3 =	vsub.f32 v3, v2;
	_ =	sdelay $0x1  }
0xe9: {  	v3 =	vmul.f32 $1.442695020e+00, v3;
	_ =	sdelay $0x1  }
0xea: {  	(erf) = vpow2.f32 v3;
	_ =	sdelay $0x8  }
0xeb: {  	v3 =	vpop (erf)  }
0xec: {  	[tilespmem:$0xA120] =	vst v3  }
0xed: {  	v3 =	vld [tilespmem:s11+$0x20]  }
0xee: {  	v4 =	vld [tilespmem:s11+$0x28A0];
	_ =	sdelay $0x6  }
0xef: {  	v3 =	vld.idx.msk [tilespmem:v3+s24+$0x0], $0xffff  }
0xf0: {  	v4 =	vld.idx.msk [tilespmem:v4+s25+$0x0], $0xffff;
	_ =	sdelay $0x4  }
0xf1: {  	v3 =	vadd.f32 v4, v3;
	_ =	sdelay $0x1  }
0xf2: {  	v4 =	vmul.f32 $2.000000030e-01, v3;
	_ =	sdelay $0x1  }
0xf3: {  	v3 =	vmax.f32 v3, v4  }
0xf4: {  	v3 =	vsub.f32 v3, v2;
	_ =	sdelay $0x1  }
0xf5: {  	v3 =	vmul.f32 $1.442695020e+00, v3;
	_ =	sdelay $0x1  }
0xf6: {  	(erf) = vpow2.f32 v3;
	_ =	sdelay $0x8  }
0xf7: {  	v3 =	vpop (erf)  }
0xf8: {  	[tilespmem:$0xA130] =	vst v3  }
0xf9: {  	v3 =	vld [tilespmem:s11+$0x30]  }
0xfa: {  	v4 =	vld [tilespmem:s11+$0x28B0];
	_ =	sdelay $0x6  }
0xfb: {  	v3 =	vld.idx.msk [tilespmem:v3+s24+$0x0], $0xffff  }
0xfc: {  	v4 =	vld.idx.msk [tilespmem:v4+s25+$0x0], $0xffff;
	_ =	sdelay $0x4  }
0xfd: {  	v3 =	vadd.f32 v4, v3;
	_ =	sdelay $0x1  }
0xfe: {  	v4 =	vmul.f32 $2.000000030e-01, v3;
	_ =	sdelay $0x1  }
0xff: {  	v3 =	vmax.f32 v3, v4  }
0x100: {  	v3 =	vsub.f32 v3, v2;
	_ =	sdelay $0x1  }
0x101: {  	v3 =	vmul.f32 $1.442695020e+00, v3;
	_ =	sdelay $0x1  }
0x102: {  	(erf) = vpow2.f32 v3;
	_ =	sdelay $0x8  }
0x103: {  	v3 =	vpop (erf)  }
0x104: {  	[tilespmem:$0xA140] =	vst v3  }
0x105: {  	s14 =	simm.s32 $0x0;
	_ =	swait.ge [sflag:s26], $0x1000  }
0x106: {  	v3 =	vmov s14;
	[sflag:s26] =	ssyncset.done $0x0  }
0x107: {  	s12 =	simm.s32 @!p0 $0x4;
	[sflag:s26] =	ssyncadd.s32 $0xFFFFF000  }
0x108: {  	_ =	swait.ge @!p0 [sflag:s12], $0x1400  }
0x109: {  	[sflag:s12] =	ssyncset.done @!p0 $0x0  }
0x10a: {  	[sflag:s12] =	ssyncadd.s32 @!p0 $0xFFFFEC00  }
0x10b: {  	s12 =	simm.s32 $0xB170;
	v3 =	vld.idx.msk [tilespmem:v3+s3+$0x0], $0xffff  }
0x10c: {  	v4 =	vld [tilespmem:s12+$0xFFFFFFE0];
	_ =	sdelay $0x4  }
0x10d: {  	v4 =	vmul.f32 v4, v3  }
0x10e: {  	s13 =	simm.s32 $0xD570  }
0x10f: {  	[tilespmem:s13+$0xFFFFFFE0] =	vst v4  }
0x110: {  	v4 =	vld [tilespmem:s12+$0xFFFFFFF0];
	_ =	sdelay $0x4  }
0x111: {  	v4 =	vmul.f32 v4, v3;
	_ =	sdelay $0x1  }
0x112: {  	[tilespmem:s13+$0xFFFFFFF0] =	vst v4  }
0x113: {  	v4 =	vld [tilespmem:s12+$0x0];
	_ =	sdelay $0x4  }
0x114: {  	v4 =	vmul.f32 v4, v3;
	_ =	sdelay $0x1  }
0x115: {  	[tilespmem:s13+$0x0] =	vst v4  }
0x116: {  	v4 =	vld [tilespmem:s12+$0x10]  }
0x117: {  	v5 =	vmul.f32 v1, v3  }
0x118: {  	s15 =	simm.s32 $0x1  }
0x119: {  	s11 =	sadd.s32 $0x2880, s11;
	s14 =	simm.s32 $0x2;
	[tilespmem:s13+$0x20] =	vst v5;
	v5 =	vmov s15  }
.LBB2_7:
0x11a: {  	p0 =	sne.s32 s14, $0x3F  }
0x11b: {  	v3 =	vmul.f32 v4, v3;
	_ =	sdelay $0x1  }
0x11c: {  	[tilespmem:s13+$0x10] =	vst v3  }
0x11d: {  	s12 =	sadd.s32 $0x40, s12;
	v3 =	vld.idx.msk [tilespmem:v5+s3+$0x0], $0xffff  }
0x11e: {  	v4 =	vld [tilespmem:s12+$0xFFFFFFE0];
	_ =	sdelay $0x4  }
0x11f: {  	v5 =	vmul.f32 v1, v3;
	v4 =	vmul.f32 v4, v3  }
0x120: {  	s13 =	sadd.s32 $0x50, s13  }
0x121: {  	[tilespmem:s13+$0xFFFFFFE0] =	vst v4  }
0x122: {  	v4 =	vld [tilespmem:s12+$0xFFFFFFF0];
	_ =	sdelay $0x4  }
0x123: {  	v4 =	vmul.f32 v4, v3;
	_ =	sdelay $0x1  }
0x124: {  	[tilespmem:s13+$0xFFFFFFF0] =	vst v4  }
0x125: {  	v4 =	vld [tilespmem:s12+$0x0];
	_ =	sdelay $0x4  }
0x126: {  	v4 =	vmul.f32 v4, v3;
	_ =	sdelay $0x1  }
.Ltmp2:
0x127: {  	[tilespmem:s13+$0x0] =	vst v4;
	(pc) =	sbr.rel @p0 .LBB2_7-.Ltmp2, $2  }
0x128: {  	v4 =	vld [tilespmem:s12+$0x10];
	[tilespmem:s13+$0x20] =	vst v5;
	_ =	sdelay $0x2  }
0x129: {  	v5 =	vmov s14;
	s14 =	sadd.s32 $0x1, s14  }
0x12a: {  	_ = 	snop  }
0x12b: {  	v3 =	vmul.f32 v4, v3;
	_ =	sdelay $0x1  }
0x12c: {  	[tilespmem:s13+$0x10] =	vst v3  }
0x12d: {  	s12 =	sadd.s32 $0x40, s12;
	v3 =	vld.idx.msk [tilespmem:v5+s3+$0x0], $0xffff  }
0x12e: {  	v63 =	vld [tilespmem:s12+$0xFFFFFFE0];
	_ =	sdelay $0x4  }
0x12f: {  	v4 =	vmul.f32 v63, v3  }
0x130: {  	s15 =	sadd.s32 $0x50, s13  }
0x131: {  	[tilespmem:s15+$0xFFFFFFE0] =	vst v4  }
0x132: {  	v4 =	vld [tilespmem:s12+$0xFFFFFFF0];
	_ =	sdelay $0x4  }
0x133: {  	v4 =	vmul.f32 v4, v3;
	_ =	sdelay $0x1  }
0x134: {  	[tilespmem:s15+$0xFFFFFFF0] =	vst v4  }
0x135: {  	v4 =	vld [tilespmem:s12+$0x0];
	_ =	sdelay $0x4  }
0x136: {  	v4 =	vmul.f32 v4, v3;
	_ =	sdelay $0x1  }
0x137: {  	[tilespmem:s15+$0x0] =	vst v4  }
0x138: {  	v4 =	vld [tilespmem:s12+$0x10];
	_ =	sdelay $0x1  }
0x139: {  	s9 =	sadd.s32 $0x1, s9  }
0x13a: {  	p0 =	sne.s32 s9, $0x51  }
.Ltmp3:
0x13b: {  	v5 =	vmul.f32 v1, v3;
	(pc) =	sbr.rel @p0 .LBB2_4-.Ltmp3, $4  }
0x13c: {  	v3 =	vmul.f32 v4, v3  }
0x13d: {  	[tilespmem:s15+$0x20] =	vst v5  }
0x13e: {  	[tilespmem:s15+$0x10] =	vst v3  }
0x13f: {  	[spmem:s4] =	stream.indirect.scatter.add.f32 [tilespmem:s30], [sflag:$0x4], $0x50, s11, s29, $0xb8;
	[tilespmem:$0x1C550] =	vst v63  }
0x140: {  	_ =	swait.ge [sflag:s0], $0x1400  }
0x141: {  	[sflag:s0] =	ssyncset.done $0x0  }
0x142: {  	[sflag:s0] =	ssyncadd.s32 $0xFFFFEC00  }
0x143: {  	s8 =	stileid.u32;
	_ =	swait.ge [sflag:s6], $0x1400  }
0x144: {  	s9 =	sshrl.u32 s10, $0x3;
	s7 =	sadd.s32 $0x1, s7;
	[sflag:s6] =	ssyncset.done $0x0  }
0x145: {  	s8 =	sshll.u32 s8, $0x6;
	p0 =	sne.s32 s7, s21;
	[sflag:s6] =	ssyncadd.s32 $0xFFFFEC00  }
.Ltmp4:
0x146: {  	s8 =	sor.u32 $0x1C05, s8;
	[bflag:$0x0] =	sbarrier.arrive $0xFFFF;
	(pc) =	sbr.rel @p0 .LBB2_1-.Ltmp4, $4  }
0x147: {  	[hbm:s20], [sflag:s8] =	dma.local [spmem:s9], $0x1900  }
0x148: {  	_ =	swait.ge [sflag:s22], $0x1900  }
0x149: {  	[sflag:s22] =	ssyncset.done $0x0  }
0x14a: {  	[sflag:s22] =	ssyncadd.s32 $0xFFFFE700  }
0x14b: {  	_ =	sfence.sel $0x180000  }
0x14c: {  	[bflag:$0x0] =	sbarrier.arrive $0xFFFF  }
0x14d: {  	_ =	strace $0x9000004D  }
0x14e: {  	s0 =	stileid.u32;
	[bflag:$0x2] =	sbarrier.arrive $0xFFFF  }
0x14f: {  	p0 =	sne.s32 s0, $0x0;
	s0 =	rddreg [dreg:$0x4]  }
0x150: {  	s0 =	sadd.s32 @!p0 $0x100000, s0  }
0x151: {  	[sflag:s0] =	ssyncadd.tile.s32 @!p0 $0x1;
	_ =	shalt  }
.Lfunc_end2:
_tile_overlayer_lowered:
.L_overlay_start_2:
0x152: {  	(tag) =	ssettag $0x2  }
0x153: {  	s0 =	rddreg [dreg:$0x0];
	s2 =	stileid.u32  }
0x154: {  	s1 =	rddreg [dreg:$0x1];
	p0 =	sne.s32 s2, $0x0  }
0x155: {  	s3 =	rddreg [dreg:$0x2];
	[bflag:$0x3] =	sbarrier.arrive $0xFFFF;
	s2 =	simm.s32 @!p0 $0x1C05  }
0x156: {  	[timem:s3], [sflag:s2] =	dma.local @!p0 [hbm:s0], s1  }
0x157: {  	s0 =	simm.s32 @!p0 $0x5  }
0x158: {  	_ =	swait.ge @!p0 [sflag:s0], s1  }
0x159: {  	s1 =	ssub.s32 @!p0 $0x0, s1;
	[sflag:s0] =	ssyncset.done @!p0 $0x0  }
0x15a: {  	[sflag:s0] =	ssyncadd.s32 @!p0 s1  }
0x15b: {  	[bflag:$0x3] =	sbarrier.arrive $0xFFFF  }
0x15c: {  	_ =	shalt  }

// kernel: kernel.19.cloned.1.call-start
scs
__scs_entry_jumppad:
0x0: {  	(pc) =	sbr.rel $0x88, $3  }
0x1: {  	(tag) =	ssettag $0x0;
	lr =	simm.s32 $0x1  }
0x2: {  	[smem:$0x3F93] =	sst lr;
	_ =	strace $0xD0000000  }
0x3: {  	_ = 	snop  }
0x4: {  	_ = 	snop  }
0x5: {  	_ = 	snop  }
0x6: {  	_ = 	snop  }
0x7: {  	_ = 	snop  }
__scs_overlays_trampoline_lowered:
0x8: {  	[smem:$0x3FA2] =	sst s0  }
0x9: {  	[smem:$0x3FA3] =	sst s1  }
0xa: {  	[smem:$0x3FA4] =	sst s2  }
0xb: {  	[smem:$0x3FA5] =	sst s3  }
0xc: {  	[smem:$0x3FA6] =	sst s4  }
0xd: {  	[smem:$0x3FA7] =	sst s5  }
0xe: {  	[smem:$0x3FA8] =	sst s6  }
0xf: {  	[smem:$0x3FA9] =	sst s7  }
0x10: {  	[smem:$0x3FAA] =	sst s8  }
0x11: {  	[smem:$0x3FAB] =	sst s9;
	s0 =	simm.s32 @!p0 $0x0  }
0x12: {  	s1 =	sld [smem:$0x3F91];
	s0 =	simm.s32 @p0 $0x1  }
0x13: {  	[smem:$0x3FAC] =	sst s0;
	s0 =	simm.s32 @!p1 $0x0  }
0x14: {  	s2 =	sld [smem:$0x3F90];
	s0 =	simm.s32 @p1 $0x1  }
0x15: {  	[smem:$0x3FAD] =	sst s0;
	s0 =	simm.s32 @!p2 $0x0  }
0x16: {  	s3 =	sld [smem:$0x3FDB];
	s0 =	simm.s32 @p2 $0x1  }
0x17: {  	s4 =	simm.s32 $0x1BF5;
	[smem:$0x3FAF] =	sst s0  }
0x18: {  	s0 =	sld [smem:$0x3F92];
	_ =	swait.ge [sflag:s4], $0x0  }
0x19: {  	s7 =	sld [smem:$0x3F93]  }
0x1a: {  	s8 =	sadd.s32 $0xFFFFE003, lr  }
0x1b: {  	s9 =	sadd.s32 $0xFFFFFEF7, lr;
	s5 =	simm.s32 $0xFFFFFFFF;
	p2 =	slt.u32 s8, $0xFFFFF086  }
0x1c: {  	p1 =	slt.u32 s9, $0xF7A;
	s5 =	simm.s32 @!p2 $0x0  }
0x1d: {  	s5 =	simm.s32 @p1 $0x1;
	p0 =	seq.s32 s7, s2  }
0x1e: {  	s7 =	smul.u32 @!p0 $0xF7A, s2;
	p2 =	seq.s32 @!p0 s5, $0x0  }
0x1f: {  	s9 =	smul.u32 $0xF7A, s1;
	s8 =	simm.s32 @!p0 $0x1BF5;
	p2 =	por !p2, p0  }
0x20: {  	[sflag:s8] =	ssyncset.s32 @!p0 $0xFFFFF086;
	s6 =	sadd.s32 @!p0 s3, s7;
	s7 =	simm.s32 @!p0 $0x108  }
0x21: {  	s3 =	sadd.s32 s3, s9;
	s6 =	sadd.s32 @!p0 $0x88, s6;
	s7 =	simm.s32 @p2 $0x1082  }
0x22: {  	[simem:s7], [sflag:s8] =	dma.local @!p0 [hbm:s6], $0xF7A  }
0x23: {  	s9 =	sor.u32 $0xD0000000, s2;
	s6 =	simm.s32 $0x108;
	_ =	swait.ge @!p0 [sflag:s8], $0x0  }
0x24: {  	s3 =	sadd.s32 $0x88, s3;
	s6 =	simm.s32 @!p1 $0x1082;
	[sflag:s4] =	ssyncset.s32 $0xFFFFF086  }
0x25: {  	[simem:s6], [sflag:s4] =	dma.local [hbm:s3], $0xF7A  }
0x26: {  	[smem:$0x3F93] =	sst s1;
	(tag) =	ssettag s2;
	_ =	strace s9  }
0x27: {  	s1 =	sld [smem:$0x3FA3]  }
0x28: {  	s2 =	sld [smem:$0x3FA4]  }
0x29: {  	s4 =	sld [smem:$0x3FA6]  }
0x2a: {  	p0 =	seq.s32 s5, $0x0;
	s5 =	sld [smem:$0x3FA7]  }
0x2b: {  	s6 =	sld [smem:$0x3FA8]  }
0x2c: {  	s7 =	sld [smem:$0x3FA9]  }
0x2d: {  	s3 =	simm.s32 $0x108;
	s8 =	sld [smem:$0x3FAA]  }
0x2e: {  	s3 =	simm.s32 @!p0 $0x1082;
	s9 =	sld [smem:$0x3FAB]  }
0x2f: {  	lr =	sadd.s32 s0, s3;
	s0 =	sld [smem:$0x3FA2]  }
0x30: {  	s3 =	sld [smem:$0x3FA5]  }
0x31: {  	[smem:$0x3FAE] =	sst s10  }
0x32: {  	s10 =	sld [smem:$0x3FAC];
	_ =	sdelay $0x3  }
0x33: {  	p0 =	seq.s32 s10, $0x1;
	s10 =	sld [smem:$0x3FAE];
	_ =	sdelay $0x3  }
0x34: {  	[smem:$0x3FAE] =	sst s10  }
0x35: {  	s10 =	sld [smem:$0x3FAD];
	_ =	sdelay $0x3  }
0x36: {  	p1 =	seq.s32 s10, $0x1;
	s10 =	sld [smem:$0x3FAE];
	_ =	sdelay $0x3  }
0x37: {  	[smem:$0x3FAE] =	sst s10  }
0x38: {  	s10 =	sld [smem:$0x3FAF]  }
0x39: {  	_ = 	snop;
	(pc) =	sbr.ind lr, $3  }
0x3a: {  	_ = 	snop  }
0x3b: {  	_ = 	snop  }
0x3c: {  	p2 =	seq.s32 s10, $0x1;
	s10 =	sld [smem:$0x3FAE]  }
0x3d: {  	_ =	shalt  }
0x3e: {  	_ =	shalt  }
0x3f: {  	_ =	shalt  }
0x40: {  	_ =	shalt  }
0x41: {  	_ =	shalt  }
0x42: {  	_ =	shalt  }
0x43: {  	_ =	shalt  }
0x44: {  	_ =	shalt  }
0x45: {  	_ =	shalt  }
0x46: {  	_ =	shalt  }
0x47: {  	_ =	shalt  }
0x48: {  	_ =	shalt  }
0x49: {  	_ =	shalt  }
0x4a: {  	_ =	shalt  }
0x4b: {  	_ =	shalt  }
0x4c: {  	_ =	shalt  }
0x4d: {  	_ =	shalt  }
0x4e: {  	_ =	shalt  }
0x4f: {  	_ =	shalt  }
0x50: {  	_ =	shalt  }
0x51: {  	_ =	shalt  }
0x52: {  	_ =	shalt  }
0x53: {  	_ =	shalt  }
0x54: {  	_ =	shalt  }
0x55: {  	_ =	shalt  }
0x56: {  	_ =	shalt  }
0x57: {  	_ =	shalt  }
0x58: {  	_ =	shalt  }
0x59: {  	_ =	shalt  }
0x5a: {  	_ =	shalt  }
0x5b: {  	_ =	shalt  }
0x5c: {  	_ =	shalt  }
0x5d: {  	_ =	shalt  }
0x5e: {  	_ =	shalt  }
0x5f: {  	_ =	shalt  }
0x60: {  	_ =	shalt  }
0x61: {  	_ =	shalt  }
0x62: {  	_ =	shalt  }
0x63: {  	_ =	shalt  }
0x64: {  	_ =	shalt  }
0x65: {  	_ =	shalt  }
0x66: {  	_ =	shalt  }
0x67: {  	_ =	shalt  }
0x68: {  	_ =	shalt  }
0x69: {  	_ =	shalt  }
0x6a: {  	_ =	shalt  }
0x6b: {  	_ =	shalt  }
0x6c: {  	_ =	shalt  }
0x6d: {  	_ =	shalt  }
0x6e: {  	_ =	shalt  }
0x6f: {  	_ =	shalt  }
0x70: {  	_ =	shalt  }
0x71: {  	_ =	shalt  }
0x72: {  	_ =	shalt  }
0x73: {  	_ =	shalt  }
0x74: {  	_ =	shalt  }
0x75: {  	_ =	shalt  }
0x76: {  	_ =	shalt  }
0x77: {  	_ =	shalt  }
0x78: {  	_ =	shalt  }
0x79: {  	_ =	shalt  }
0x7a: {  	_ =	shalt  }
0x7b: {  	_ =	shalt  }
0x7c: {  	_ =	shalt  }
0x7d: {  	_ =	shalt  }
0x7e: {  	_ =	shalt  }
0x7f: {  	_ =	shalt  }
0x80: {  	_ =	shalt  }
0x81: {  	_ =	shalt  }
0x82: {  	_ =	shalt  }
0x83: {  	_ =	shalt  }
0x84: {  	_ =	shalt  }
0x85: {  	_ =	shalt  }
0x86: {  	_ =	shalt  }
0x87: {  	_ =	shalt  }
.Lfunc_end0:
.L_simem_size_0:
called_computation.3_lowered:
.L_overlay_start_0:
0x88: {  	s2 =	sld [smem:$0x3FD9]  }
0x89: {  	s3 =	sld [smem:$0x3FFE];
	_ =	sdelay $0x1  }
0x8a: {  	s1 =	srdreg.scid  }
0x8b: {  	s0 =	sand.u32 $0x1, s1  }
0x8c: {  	s15 =	sshll.u32 s0, $0xA;
	s2 =	sadd.s32 s3, s2  }
0x8d: {  	s2 =	sadd.s32 s2, s15  }
0x8e: {  	[smem:$0x3FBA] =	sst s2  }
0x8f: {  	_ = 	snop  }
0x90: {  	s2 =	sld [smem:$0x3FD0];
	_ =	sdelay $0x2  }
0x91: {  	s16 =	simm.s32 $0xB;
	s4 =	simm.s32 $0x10  }
0x92: {  	[smem:s4], [sflag:s16] =	dma.local [hbm:s2], $0x1  }
0x93: {  	_ =	swait.eq [sflag:s16], $0x1  }
0x94: {  	[sflag:s16] =	ssyncset.done $0x0  }
0x95: {  	[sflag:s16] =	ssyncadd.s32 $0xFFFFFFFF  }
0x96: {  	s17 =	sld [smem:$0x13];
	(tm) =	ssettm $0x1  }
0x97: {  	s18 =	sld [smem:$0x3FFB];
	_ =	sdelay $0x3  }
0x98: {  	_ =	strace s18  }
0x99: {  	s2 =	sld [smem:$0x3FFC];
	_ =	sdelay $0x3  }
0x9a: {  	_ =	strace s2  }
0x9b: {  	s2 =	sld [smem:$0x3FFD];
	_ =	sdelay $0x3  }
0x9c: {  	_ =	strace s2  }
0x9d: {  	_ =	strace $0x8FFFFFFF  }
0x9e: {  	s19 =	sld [smem:$0x3FDB];
	_ =	sdelay $0x1  }
0x9f: {  	s20 =	simm.s32 $_scs_section_size  }
0xa0: {  	s5 =	simm.s32 $_size__tile_overlayer_lowered;
	s6 =	simm.s32 $_tile_overlayer_lowered  }
0xa1: {  	s7 =	simm.s32 $0x1BFF;
	s21 =	sshll.u32 s6, $0x1;
	s4 =	sadd.s32 s20, s19  }
0xa2: {  	s22 =	simm.s32 $0x0;
	s5 =	sshll.u32 s5, $0x1;
	s6 =	sadd.s32 s21, s4  }
0xa3: {  	[timem:s22], [sflag:s7] =	dma.local [hbm:s6], s5  }
0xa4: {  	_ =	swait.ge [sflag:s7], s5  }
0xa5: {  	s5 =	ssub.s32 $0x0, s5;
	[sflag:s7] =	ssyncset.done $0x0  }
0xa6: {  	[sflag:s7] =	ssyncadd.s32 s5;
	_ =	sdelay $0x1  }
0xa7: {  	s23 =	simm.s32 $0x1B8B  }
0xa8: {  	_ =	swait.ge [sflag:s23], $0x1  }
0xa9: {  	[sflag:s23] =	ssyncset.done $0x0  }
0xaa: {  	[sflag:s23] =	ssyncadd.s32 $0xFFFFFFFF  }
0xab: {  	s5 =	sld [smem:$0x0]  }
0xac: {  	s6 =	sand.u32 $0xFFFFFFFE, s1  }
0xad: {  	p0 =	sne.s32 s1, s6  }
0xae: {  	s6 =	sshll.u32 @p0 s6, $0xE  }
0xaf: {  	s6 =	sadd.s32 @p0 $0x11B8D, s6;
	s7 =	sshll.u32 @p0 s5, $0x11  }
0xb0: {  	s6 =	sor.u32 @p0 s7, s6  }
0xb1: {  	[sflag:s6] =	ssyncadd.remote.s32 @p0 $0x1;
	_ =	sdelay $0x1  }
0xb2: {  	s6 =	simm.s32 @p0 $0x1B8D  }
0xb3: {  	_ =	swait.eq @p0 [sflag:s6], $0x1  }
0xb4: {  	[sflag:s6] =	ssyncadd.s32 @p0 $0xFFFFFFFF  }
0xb5: {  	s7 =	sshll.u32 @!p0 s1, $0xE  }
0xb6: {  	s7 =	sor.u32 @!p0 $0x4000, s7;
	s6 =	simm.s32 @!p0 $0x1B8D  }
0xb7: {  	s5 =	sshll.u32 @!p0 s5, $0x11;
	s7 =	sadd.s32 @!p0 $0x11B8D, s7;
	_ =	swait.eq @!p0 [sflag:s6], $0x1  }
0xb8: {  	s5 =	sor.u32 @!p0 s5, s7;
	[sflag:s6] =	ssyncadd.s32 @!p0 $0xFFFFFFFF  }
0xb9: {  	s25 =	simm.s32 $0x1B8E;
	s24 =	sld [smem:$0x3FFE];
	[sflag:s5] =	ssyncadd.remote.s32 @!p0 $0x1  }
0xba: {  	s26 =	simm.s32 $execute0_lowered;
	[smem:$0x3FD2] =	sst s25  }
0xbb: {  	s6 =	sshll.u32 s26, $0x1;
	_ =	strace $0x8000004F;
	[dreg:$0x1] =	wrdreg $0xFFFFFFFF  }
0xbc: {  	s28 =	simm.s32 $_size_execute0_lowered;
	s4 =	sadd.s32 s4, s6;
	[dreg:$0x0] =	wrdreg $0x0  }
0xbd: {  	s6 =	sshll.u32 s28, $0x1;
	[dreg:$0x2] =	wrdreg s4  }
0xbe: {  	[dreg:$0x3] =	wrdreg s6  }
0xbf: {  	[dreg:$0x4] =	wrdreg $0xC0  }
0xc0: {  	_ =	task [dreg:s22], $0x5FFFF  }
0xc1: {  	[dreg:$0x1] =	wrdreg $0xFFFFFFFF  }
0xc2: {  	[dreg:$0x0] =	wrdreg $0x60  }
0xc3: {  	[dreg:$0x2] =	wrdreg s24  }
0xc4: {  	[dreg:$0x3] =	wrdreg s17  }
0xc5: {  	[dreg:$0x4] =	wrdreg $0xFD500  }
0xc6: {  	[dreg:$0x5] =	wrdreg $0xA  }
0xc7: {  	_ =	task.clear_ibuf [dreg:s22], $0x6FFFF;
	_ =	strace $0x9000004F  }
0xc8: {  	s29 =	simm.s32 $0xA;
	_ =	strace $0x80000051  }
0xc9: {  	_ =	swait.ge [sflag:s29], $0x1  }
0xca: {  	[sflag:s29] =	ssyncadd.s32 $0xFFFFFFFF  }
0xcb: {  	_ =	strace $0x90000051  }
0xcc: {  	_ =	sfence  }
0xcd: {  	s30 =	sld [smem:$0x0];
	_ =	sdelay $0x2  }
0xce: {  	s31 =	sshll.u32 s1, $0xD;
	s1 =	sshrl.u32 s1, $0x2  }
0xcf: {  	s4 =	sand.u32 $0x4000, s31;
	s1 =	sadd.s32 s1, s30  }
0xd0: {  	s0 =	sor.u32 s4, s0;
	s1 =	sshll.u32 s1, $0x11  }
0xd1: {  	s0 =	sor.u32 s1, s0  }
0xd2: {  	s0 =	sadd.s32 $0x8F2B, s0  }
0xd3: {  	[sflag:s0] =	ssyncadd.remote.s32 $0x1  }
0xd4: {  	_ =	sfence.sel $0xFFFF  }
0xd5: {  	[dreg:$0x0] =	wrdreg $0xFFFFFFFF;
	(pc) =	sbr.abs _section_cstart, $3  }
0xd6: {  	[dreg:$0x1] =	wrdreg $0xFFFFFFFF  }
0xd7: {  	_ =	task.clear_ibuf [dreg:s22], $0x2FFFF;
	_ =	strace $0x9FFFFFFF  }
0xd8: {  	(tm) =	ssettm $0x7FFFFFFF  }
0xd9: {  	_ =	shalt  }
tec
execute0_lowered:
.L_overlay_start_1:
0x0: {  	(tag) =	ssettag $0x1  }
0x1: {  	s0 =	srdreg.scid  }
0x2: {  	s1 =	rddreg [dreg:$0x0];
	s8 =	stileid.u32  }
0x3: {  	s3 =	rddreg [dreg:$0x2];
	s4 =	simm.s32 $0x0;
	s28 =	simm.s32 $0xE950  }
0x4: {  	s29 =	simm.s32 $0x40;
	s31 =	simm.s32 $0xB150;
	s30 =	simm.s32 $0xD550  }
0x5: {  	s0 =	sand.u32 $0x1, s0;
	s6 =	smul.u32 $0xC800, s8;
	[smem:$0x7FF] =	sst s4  }
0x6: {  	s5 =	sadd.s32 $0x70000, s1;
	s9 =	sadd.s32 $0x3D600, s1;
	s2 =	sshll.u32 s0, $0x4  }
0x7: {  	s7 =	smul.u32 $0xC8000, s0;
	_ =	strace $0x80000050;
	s0 =	ssub.s32 $0x2, s0  }
0x8: {  	[dreg:$0x4] =	wrdreg s9;
	s2 =	sor.u32 s8, s2;
	s8 =	smul.u32 $0x32000, s8  }
0x9: {  	s19 =	sshrl.u32 s0, $0x1;
	s10 =	sadd.s32 s6, s3;
	s2 =	smul.u32 $0x510, s2  }
0xa: {  	s7 =	sadd.s32 s6, s7;
	s0 =	ssub.s32 s0, s19;
	s6 =	simm.s32 $0x4  }
0xb: {  	s7 =	sshrl.u32 s7, $0x3;
	s8 =	sshrl.u32 s8, $0x2;
	s2 =	sadd.s32 s2, s1  }
0xc: {  	s7 =	sadd.s32 s7, s1;
	s21 =	sadd.s32 s8, s3;
	s1 =	sadd.s32 $0x3DB00, s1  }
0xd: {  	s20 =	sadd.s32 $0x1200, s2;
	s2 =	sadd.s32 $0xB400, s2;
	[dreg:$0x7] =	wrdreg s1  }
0xe: {  	s22 =	sadd.s32 $0x1400, s21;
	s23 =	sadd.s32 $0x2800, s21;
	[dreg:$0x5] =	wrdreg s20  }
0xf: {  	s24 =	sadd.s32 $0x3C00, s21;
	s25 =	sadd.s32 $0x5000, s21;
	[dreg:$0x6] =	wrdreg s2  }
0x10: {  	s26 =	sadd.s32 $0x6400, s21;
	s16 =	sadd.s32 $0x7800, s21;
	[dreg:$0x8] =	wrdreg s22  }
0x11: {  	s17 =	sadd.s32 $0x8C00, s21;
	s18 =	sadd.s32 $0xA000, s21;
	[dreg:$0x9] =	wrdreg s23  }
0x12: {  	s19 =	sadd.s32 $0xB400, s21;
	s21 =	smax.u32 s0, $0x1;
	[dreg:$0xa] =	wrdreg s24  }
0x13: {  	s1 =	simm.s32 $0x1;
	s0 =	simm.s32 $0x3;
	[dreg:$0xb] =	wrdreg s25  }
0x14: {  	[dreg:$0xc] =	wrdreg s26;
	s20 =	sadd.s32 $0x84000, s7;
	s22 =	simm.s32 $0x5  }
0x15: {  	v0 =	vimm.f32 $0.0e+00;
	vm0 =	vcmask $0x300;
	s24 =	simm.s32 $0x5100;
	s25 =	simm.s32 $0x7900;
	s2 =	simm.s32 $0xA110  }
0x16: {  	v1 =	vsel vm0, $0x3F800000, v0;
	s23 =	simm.s32 $0xC150;
	s26 =	simm.s32 $0x2;
	s7 =	simm.s32 $0x0  }
.LBB2_1:
0x17: {  	s8 =	rddreg [dreg:$0x5]  }
0x18: {  	[tilespmem:s4], [sflag:$0x5] =	stream.linear.gather [hbm4b:s8+s4], $0x2880, $0x38;
	[tilespmem:$0x1C550] =	vst v63  }
0x19: {  	_ =	swait.ge [sflag:s22], $0x2880  }
0x1a: {  	[sflag:s22] =	ssyncset.done $0x0  }
0x1b: {  	s9 =	simm.s32 $0x2880;
	s11 =	rddreg [dreg:$0x6];
	[sflag:s22] =	ssyncadd.s32 $0xFFFFD780  }
0x1c: {  	[tilespmem:s9], [sflag:$0x5] =	stream.linear.gather [hbm4b:s11+s4], $0x2880, $0x38;
	[tilespmem:$0x1C550] =	vst v63  }
0x1d: {  	_ =	swait.ge [sflag:s22], $0x2880  }
0x1e: {  	[sflag:s22] =	ssyncset.done $0x0  }
0x1f: {  	s12 =	rddreg [dreg:$0x4];
	[sflag:s22] =	ssyncadd.s32 $0xFFFFD780  }
0x20: {  	[tilespmem:s24], [sflag:$0x5] =	stream.linear.gather [hbm4b:s12+s4], $0x2800, $0x38;
	[tilespmem:$0x1C550] =	vst v63  }
0x21: {  	_ =	swait.ge [sflag:s22], $0x2800  }
0x22: {  	[sflag:s22] =	ssyncset.done $0x0  }
0x23: {  	s13 =	rddreg [dreg:$0x7];
	[sflag:s22] =	ssyncadd.s32 $0xFFFFD800  }
0x24: {  	[tilespmem:s25], [sflag:$0x5] =	stream.linear.gather [hbm4b:s13+s4], $0x2800, $0x38;
	[tilespmem:$0x1C550] =	vst v63  }
0x25: {  	_ =	swait.ge [sflag:s22], $0x2800  }
0x26: {  	[sflag:s22] =	ssyncset.done $0x0  }
0x27: {  	[sflag:s22] =	ssyncadd.s32 $0xFFFFD800  }
0x28: {  	s15 =	simm.s32 $0xA100;
	s14 =	rddreg [dreg:$0x1]  }
0x29: {  	[tilespmem:s15], [sflag:$0x5] =	stream.linear.gather [hbm4b:s14+s4], $0x10, $0x38;
	[tilespmem:$0x1C550] =	vst v63  }
0x2a: {  	_ =	swait.ge [sflag:s22], $0x10  }
0x2b: {  	[sflag:s22] =	ssyncset.done $0x0  }
0x2c: {  	s8 =	simm.s32 $0x0;
	s9 =	simm.s32 $0x140;
	[sflag:s22] =	ssyncadd.s32 $0xFFFFFFF0  }
.LBB2_2:
0x2d: {  	p0 =	sne.s32 s9, $0x4EC0;
	[tilespmem:s8+$0xE990] =	vst v0;
	s11 =	smov.u32 s9;
	s9 =	sadd.s32 $0x140, s9  }
.Ltmp0:
0x2e: {  	[tilespmem:s8+$0xE980] =	vst v0;
	(pc) =	sbr.rel @p0 .LBB2_2-.Ltmp0, $4  }
0x2f: {  	[tilespmem:s8+$0xE970] =	vst v0  }
0x30: {  	[tilespmem:s8+$0xE950] =	vst v0  }
0x31: {  	[tilespmem:s8+$0xE960] =	vst v0  }
0x32: {  	s8 =	sshra.s32 s11, $0x2  }
0x33: {  	[tilespmem:s8+$0xE990] =	vst v0  }
0x34: {  	[tilespmem:s8+$0xE980] =	vst v0  }
0x35: {  	[tilespmem:s8+$0xE970] =	vst v0  }
0x36: {  	[tilespmem:s8+$0xE950] =	vst v0  }
0x37: {  	[tilespmem:s8+$0xE960] =	vst v0  }
0x38: {  	[spmem:s10] =	stream.linear.scatter [tilespmem:s28], [sflag:$0x5], $0x1400, $0x38;
	[tilespmem:$0x1C550] =	vst v63  }
0x39: {  	_ =	swait.ge [sflag:s22], $0x1400  }
0x3a: {  	[sflag:s22] =	ssyncset.done $0x0  }
0x3b: {  	s11 =	rddreg [dreg:$0x8];
	[sflag:s22] =	ssyncadd.s32 $0xFFFFEC00  }
0x3c: {  	[spmem:s11] =	stream.linear.scatter [tilespmem:s28], [sflag:$0x5], $0x1400, $0x38;
	[tilespmem:$0x1C550] =	vst v63  }
0x3d: {  	_ =	swait.ge [sflag:s22], $0x1400  }
0x3e: {  	[sflag:s22] =	ssyncset.done $0x0  }
0x3f: {  	s12 =	rddreg [dreg:$0x9];
	[sflag:s22] =	ssyncadd.s32 $0xFFFFEC00  }
0x40: {  	[spmem:s12] =	stream.linear.scatter [tilespmem:s28], [sflag:$0x5], $0x1400, $0x38;
	[tilespmem:$0x1C550] =	vst v63  }
0x41: {  	_ =	swait.ge [sflag:s22], $0x1400  }
0x42: {  	[sflag:s22] =	ssyncset.done $0x0  }
0x43: {  	s13 =	rddreg [dreg:$0xa];
	[sflag:s22] =	ssyncadd.s32 $0xFFFFEC00  }
0x44: {  	[spmem:s13] =	stream.linear.scatter [tilespmem:s28], [sflag:$0x5], $0x1400, $0x38;
	[tilespmem:$0x1C550] =	vst v63  }
0x45: {  	_ =	swait.ge [sflag:s22], $0x1400  }
0x46: {  	[sflag:s22] =	ssyncset.done $0x0  }
0x47: {  	s14 =	rddreg [dreg:$0xb];
	[sflag:s22] =	ssyncadd.s32 $0xFFFFEC00  }
0x48: {  	[spmem:s14] =	stream.linear.scatter [tilespmem:s28], [sflag:$0x5], $0x1400, $0x38;
	[tilespmem:$0x1C550] =	vst v63  }
0x49: {  	_ =	swait.ge [sflag:s22], $0x1400  }
0x4a: {  	[sflag:s22] =	ssyncset.done $0x0  }
0x4b: {  	s15 =	rddreg [dreg:$0xc];
	[sflag:s22] =	ssyncadd.s32 $0xFFFFEC00  }
0x4c: {  	[spmem:s15] =	stream.linear.scatter [tilespmem:s28], [sflag:$0x5], $0x1400, $0x38;
	[tilespmem:$0x1C550] =	vst v63  }
0x4d: {  	_ =	swait.ge [sflag:s22], $0x1400  }
0x4e: {  	[sflag:s22] =	ssyncset.done $0x0  }
0x4f: {  	[sflag:s22] =	ssyncadd.s32 $0xFFFFEC00  }
0x50: {  	[spmem:s16] =	stream.linear.scatter [tilespmem:s28], [sflag:$0x5], $0x1400, $0x38;
	[tilespmem:$0x1C550] =	vst v63  }
0x51: {  	_ =	swait.ge [sflag:s22], $0x1400  }
0x52: {  	[sflag:s22] =	ssyncset.done $0x0  }
0x53: {  	[sflag:s22] =	ssyncadd.s32 $0xFFFFEC00  }
0x54: {  	[spmem:s17] =	stream.linear.scatter [tilespmem:s28], [sflag:$0x5], $0x1400, $0x38;
	[tilespmem:$0x1C550] =	vst v63  }
0x55: {  	_ =	swait.ge [sflag:s22], $0x1400  }
0x56: {  	[sflag:s22] =	ssyncset.done $0x0  }
0x57: {  	[sflag:s22] =	ssyncadd.s32 $0xFFFFEC00  }
0x58: {  	[spmem:s18] =	stream.linear.scatter [tilespmem:s28], [sflag:$0x5], $0x1400, $0x38;
	[tilespmem:$0x1C550] =	vst v63  }
0x59: {  	_ =	swait.ge [sflag:s22], $0x1400  }
0x5a: {  	[sflag:s22] =	ssyncset.done $0x0  }
0x5b: {  	[sflag:s22] =	ssyncadd.s32 $0xFFFFEC00  }
0x5c: {  	[spmem:s19] =	stream.linear.scatter [tilespmem:s28], [sflag:$0x5], $0x1400, $0x38;
	[tilespmem:$0x1C550] =	vst v63  }
0x5d: {  	_ =	swait.ge [sflag:s22], $0x1400  }
0x5e: {  	[sflag:s22] =	ssyncset.done $0x0  }
0x5f: {  	[sflag:s22] =	ssyncadd.s32 $0xFFFFEC00  }
0x60: {  	s8 =	simm.s32 $0x0;
	s9 =	simm.s32 $0xA150;
	[bflag:$0x0] =	sbarrier.arrive $0xFFFF  }
0x61: {  	v2 =	vld [tilespmem:$0xA100];
	[tilespmem:s9], [sflag:$0x1] =	stream.indirect.gather [hbm4b:s5+s29], $0x40, s8, s29, $0xb8  }
0x62: {  	s9 =	simm.s32 $0x0  }
.LBB2_4:
0x63: {  	s11 =	sshllo.u32 s9, $0x1  }
0x64: {  	s11 =	sshll.u32 s11, $0x6  }
0x65: {  	s12 =	sand.u32 $0x3FFFFFC0, s11  }
0x66: {  	[tilespmem:s31], [sflag:$0x2] =	stream.indirect.gather [hbm4b:s5+s29], $0x40, s12, s29, $0xb8;
	[tilespmem:$0x1C550] =	vst v63  }
0x67: {  	s12 =	sshll.u32 s9, $0x7  }
0x68: {  	v3 =	vld [tilespmem:s12+$0x0]  }
0x69: {  	v4 =	vld [tilespmem:s12+$0x2880];
	_ =	sdelay $0x6  }
0x6a: {  	v3 =	vld.idx.msk [tilespmem:v3+s24+$0x0], $0xffff  }
0x6b: {  	v4 =	vld.idx.msk [tilespmem:v4+s25+$0x0], $0xffff;
	_ =	sdelay $0x4  }
0x6c: {  	v3 =	vadd.f32 v4, v3;
	_ =	sdelay $0x1  }
0x6d: {  	v4 =	vmul.f32 $2.000000030e-01, v3;
	_ =	sdelay $0x1  }
0x6e: {  	v3 =	vmax.f32 v3, v4  }
0x6f: {  	v3 =	vsub.f32 v3, v2;
	_ =	sdelay $0x1  }
0x70: {  	v3 =	vmul.f32 $1.442695020e+00, v3;
	_ =	sdelay $0x1  }
0x71: {  	(erf) = vpow2.f32 v3;
	_ =	sdelay $0x8  }
0x72: {  	v3 =	vpop (erf)  }
0x73: {  	[tilespmem:$0xA110] =	vst v3  }
0x74: {  	v3 =	vld [tilespmem:s12+$0x10]  }
0x75: {  	v4 =	vld [tilespmem:s12+$0x2890];
	_ =	sdelay $0x6  }
0x76: {  	v3 =	vld.idx.msk [tilespmem:v3+s24+$0x0], $0xffff  }
0x77: {  	v4 =	vld.idx.msk [tilespmem:v4+s25+$0x0], $0xffff;
	_ =	sdelay $0x4  }
0x78: {  	v3 =	vadd.f32 v4, v3;
	_ =	sdelay $0x1  }
0x79: {  	v4 =	vmul.f32 $2.000000030e-01, v3;
	_ =	sdelay $0x1  }
0x7a: {  	v3 =	vmax.f32 v3, v4  }
0x7b: {  	v3 =	vsub.f32 v3, v2;
	_ =	sdelay $0x1  }
0x7c: {  	v3 =	vmul.f32 $1.442695020e+00, v3;
	_ =	sdelay $0x1  }
0x7d: {  	(erf) = vpow2.f32 v3;
	_ =	sdelay $0x8  }
0x7e: {  	v3 =	vpop (erf)  }
0x7f: {  	[tilespmem:$0xA120] =	vst v3  }
0x80: {  	v3 =	vld [tilespmem:s12+$0x20]  }
0x81: {  	v4 =	vld [tilespmem:s12+$0x28A0];
	_ =	sdelay $0x6  }
0x82: {  	v3 =	vld.idx.msk [tilespmem:v3+s24+$0x0], $0xffff  }
0x83: {  	v4 =	vld.idx.msk [tilespmem:v4+s25+$0x0], $0xffff;
	_ =	sdelay $0x4  }
0x84: {  	v3 =	vadd.f32 v4, v3;
	_ =	sdelay $0x1  }
0x85: {  	v4 =	vmul.f32 $2.000000030e-01, v3;
	_ =	sdelay $0x1  }
0x86: {  	v3 =	vmax.f32 v3, v4  }
0x87: {  	v3 =	vsub.f32 v3, v2;
	_ =	sdelay $0x1  }
0x88: {  	v3 =	vmul.f32 $1.442695020e+00, v3;
	_ =	sdelay $0x1  }
0x89: {  	(erf) = vpow2.f32 v3;
	_ =	sdelay $0x8  }
0x8a: {  	v3 =	vpop (erf)  }
0x8b: {  	[tilespmem:$0xA130] =	vst v3  }
0x8c: {  	v3 =	vld [tilespmem:s12+$0x30]  }
0x8d: {  	v4 =	vld [tilespmem:s12+$0x28B0];
	_ =	sdelay $0x6  }
0x8e: {  	v3 =	vld.idx.msk [tilespmem:v3+s24+$0x0], $0xffff  }
0x8f: {  	v4 =	vld.idx.msk [tilespmem:v4+s25+$0x0], $0xffff;
	_ =	sdelay $0x4  }
0x90: {  	v3 =	vadd.f32 v4, v3;
	_ =	sdelay $0x1  }
0x91: {  	v4 =	vmul.f32 $2.000000030e-01, v3;
	_ =	sdelay $0x1  }
0x92: {  	v3 =	vmax.f32 v3, v4  }
0x93: {  	v3 =	vsub.f32 v3, v2;
	_ =	sdelay $0x1  }
0x94: {  	v3 =	vmul.f32 $1.442695020e+00, v3;
	_ =	sdelay $0x1  }
0x95: {  	(erf) = vpow2.f32 v3;
	_ =	sdelay $0x8  }
0x96: {  	v3 =	vpop (erf)  }
0x97: {  	[tilespmem:$0xA140] =	vst v3  }
0x98: {  	_ =	swait.ge [sflag:s1], $0x1000  }
0x99: {  	p0 =	seq.s32 s9, $0x0;
	v3 =	vmov s8;
	[sflag:s1] =	ssyncset.done $0x0  }
0x9a: {  	s13 =	simm.s32 @!p0 $0x3;
	[sflag:s1] =	ssyncadd.s32 $0xFFFFF000  }
0x9b: {  	_ =	swait.ge @!p0 [sflag:s13], $0x1400  }
0x9c: {  	[sflag:s13] =	ssyncset.done @!p0 $0x0  }
0x9d: {  	[sflag:s13] =	ssyncadd.s32 @!p0 $0xFFFFEC00  }
0x9e: {  	s13 =	simm.s32 $0xA170;
	v3 =	vld.idx.msk [tilespmem:v3+s2+$0x0], $0xffff  }
0x9f: {  	v4 =	vld [tilespmem:s13+$0xFFFFFFE0];
	_ =	sdelay $0x4  }
0xa0: {  	v4 =	vmul.f32 v4, v3  }
0xa1: {  	s14 =	simm.s32 $0xC170  }
0xa2: {  	[tilespmem:s14+$0xFFFFFFE0] =	vst v4  }
0xa3: {  	v4 =	vld [tilespmem:s13+$0xFFFFFFF0];
	_ =	sdelay $0x4  }
0xa4: {  	v4 =	vmul.f32 v4, v3;
	_ =	sdelay $0x1  }
0xa5: {  	[tilespmem:s14+$0xFFFFFFF0] =	vst v4  }
0xa6: {  	v4 =	vld [tilespmem:s13+$0x0];
	_ =	sdelay $0x4  }
0xa7: {  	v4 =	vmul.f32 v4, v3;
	_ =	sdelay $0x1  }
0xa8: {  	[tilespmem:s14+$0x0] =	vst v4  }
0xa9: {  	v4 =	vld [tilespmem:s13+$0x10]  }
0xaa: {  	v5 =	vmul.f32 v1, v3  }
0xab: {  	s15 =	simm.s32 $0x1  }
0xac: {  	s12 =	sadd.s32 $0x2880, s12;
	[tilespmem:s14+$0x20] =	vst v5;
	v5 =	vmov s15;
	s15 =	simm.s32 $0x2  }
.LBB2_5:
0xad: {  	p1 =	sne.s32 s15, $0x3F  }
0xae: {  	v3 =	vmul.f32 v4, v3;
	_ =	sdelay $0x1  }
0xaf: {  	[tilespmem:s14+$0x10] =	vst v3  }
0xb0: {  	s13 =	sadd.s32 $0x40, s13;
	v3 =	vld.idx.msk [tilespmem:v5+s2+$0x0], $0xffff  }
0xb1: {  	v4 =	vld [tilespmem:s13+$0xFFFFFFE0];
	_ =	sdelay $0x4  }
0xb2: {  	v5 =	vmul.f32 v1, v3;
	v4 =	vmul.f32 v4, v3  }
0xb3: {  	s14 =	sadd.s32 $0x50, s14  }
0xb4: {  	[tilespmem:s14+$0xFFFFFFE0] =	vst v4  }
0xb5: {  	v4 =	vld [tilespmem:s13+$0xFFFFFFF0];
	_ =	sdelay $0x4  }
0xb6: {  	v4 =	vmul.f32 v4, v3;
	_ =	sdelay $0x1  }
0xb7: {  	[tilespmem:s14+$0xFFFFFFF0] =	vst v4  }
0xb8: {  	v4 =	vld [tilespmem:s13+$0x0];
	_ =	sdelay $0x4  }
0xb9: {  	v4 =	vmul.f32 v4, v3;
	_ =	sdelay $0x1  }
.Ltmp1:
0xba: {  	[tilespmem:s14+$0x0] =	vst v4;
	(pc) =	sbr.rel @p1 .LBB2_5-.Ltmp1, $2  }
0xbb: {  	v4 =	vld [tilespmem:s13+$0x10];
	[tilespmem:s14+$0x20] =	vst v5;
	_ =	sdelay $0x2  }
0xbc: {  	v5 =	vmov s15;
	s15 =	sadd.s32 $0x1, s15  }
0xbd: {  	_ = 	snop  }
0xbe: {  	v3 =	vmul.f32 v4, v3;
	_ =	sdelay $0x1  }
0xbf: {  	[tilespmem:s14+$0x10] =	vst v3  }
0xc0: {  	s13 =	sadd.s32 $0x40, s13;
	v3 =	vld.idx.msk [tilespmem:v5+s2+$0x0], $0xffff  }
0xc1: {  	v4 =	vld [tilespmem:s13+$0xFFFFFFE0];
	_ =	sdelay $0x4  }
0xc2: {  	v4 =	vmul.f32 v4, v3  }
0xc3: {  	s15 =	sadd.s32 $0x50, s14  }
0xc4: {  	[tilespmem:s15+$0xFFFFFFE0] =	vst v4  }
0xc5: {  	v4 =	vld [tilespmem:s13+$0xFFFFFFF0];
	_ =	sdelay $0x4  }
0xc6: {  	v4 =	vmul.f32 v4, v3;
	_ =	sdelay $0x1  }
0xc7: {  	[tilespmem:s15+$0xFFFFFFF0] =	vst v4  }
0xc8: {  	v4 =	vld [tilespmem:s13+$0x0];
	_ =	sdelay $0x4  }
0xc9: {  	v4 =	vmul.f32 v4, v3;
	_ =	sdelay $0x1  }
0xca: {  	[tilespmem:s15+$0x0] =	vst v4  }
0xcb: {  	v4 =	vld [tilespmem:s13+$0x10];
	_ =	sdelay $0x3  }
0xcc: {  	v5 =	vmul.f32 v1, v3  }
0xcd: {  	v3 =	vmul.f32 v4, v3  }
0xce: {  	[tilespmem:s15+$0x20] =	vst v5  }
0xcf: {  	p1 =	seq.s32 s9, $0x50;
	[tilespmem:s15+$0x10] =	vst v3  }
0xd0: {  	[spmem:s3] =	stream.indirect.scatter.add.f32 [tilespmem:s23], [sflag:$0x3], $0x50, s12, s29, $0xb8;
	[tilespmem:$0x1C550] =	vst v63  }
0xd1: {  	s12 =	sshll.u32 @!p1 s9, $0x7  }
0xd2: {  	s12 =	sand.u32 @!p1 $0x3FFFFF80, s12  }
0xd3: {  	s14 =	simm.s32 @!p1 $0xA150;
	s13 =	simm.s32 @!p1 $0x40;
	s12 =	sadd.s32 @!p1 $0x80, s12  }
0xd4: {  	[tilespmem:s14], [sflag:$0x1] =	stream.indirect.gather @!p1 [hbm4b:s5+s13], $0x40, s12, s13, $0xb8;
	[tilespmem:$0x1C550] =	vst v63  }
0xd5: {  	v3 =	vld [tilespmem:s11+$0x0]  }
0xd6: {  	v4 =	vld [tilespmem:s11+$0x2880];
	_ =	sdelay $0x6  }
0xd7: {  	v3 =	vld.idx.msk [tilespmem:v3+s24+$0x0], $0xffff  }
0xd8: {  	v4 =	vld.idx.msk [tilespmem:v4+s25+$0x0], $0xffff;
	_ =	sdelay $0x4  }
0xd9: {  	v3 =	vadd.f32 v4, v3;
	_ =	sdelay $0x1  }
0xda: {  	v4 =	vmul.f32 $2.000000030e-01, v3;
	_ =	sdelay $0x1  }
0xdb: {  	v3 =	vmax.f32 v3, v4  }
0xdc: {  	v3 =	vsub.f32 v3, v2;
	_ =	sdelay $0x1  }
0xdd: {  	v3 =	vmul.f32 $1.442695020e+00, v3;
	_ =	sdelay $0x1  }
0xde: {  	(erf) = vpow2.f32 v3;
	_ =	sdelay $0x8  }
0xdf: {  	v3 =	vpop (erf)  }
0xe0: {  	[tilespmem:$0xA110] =	vst v3  }
0xe1: {  	v3 =	vld [tilespmem:s11+$0x10]  }
0xe2: {  	v4 =	vld [tilespmem:s11+$0x2890];
	_ =	sdelay $0x6  }
0xe3: {  	v3 =	vld.idx.msk [tilespmem:v3+s24+$0x0], $0xffff  }
0xe4: {  	v4 =	vld.idx.msk [tilespmem:v4+s25+$0x0], $0xffff;
	_ =	sdelay $0x4  }
0xe5: {  	v3 =	vadd.f32 v4, v3;
	_ =	sdelay $0x1  }
0xe6: {  	v4 =	vmul.f32 $2.000000030e-01, v3;
	_ =	sdelay $0x1  }
0xe7: {  	v3 =	vmax.f32 v3, v4  }
0xe8: {  	v3 =	vsub.f32 v3, v2;
	_ =	sdelay $0x1  }
0xe9: {  	v3 =	vmul.f32 $1.442695020e+00, v3;
	_ =	sdelay $0x1  }
0xea: {  	(erf) = vpow2.f32 v3;
	_ =	sdelay $0x8  }
0xeb: {  	v3 =	vpop (erf)  }
0xec: {  	[tilespmem:$0xA120] =	vst v3  }
0xed: {  	v3 =	vld [tilespmem:s11+$0x20]  }
0xee: {  	v4 =	vld [tilespmem:s11+$0x28A0];
	_ =	sdelay $0x6  }
0xef: {  	v3 =	vld.idx.msk [tilespmem:v3+s24+$0x0], $0xffff  }
0xf0: {  	v4 =	vld.idx.msk [tilespmem:v4+s25+$0x0], $0xffff;
	_ =	sdelay $0x4  }
0xf1: {  	v3 =	vadd.f32 v4, v3;
	_ =	sdelay $0x1  }
0xf2: {  	v4 =	vmul.f32 $2.000000030e-01, v3;
	_ =	sdelay $0x1  }
0xf3: {  	v3 =	vmax.f32 v3, v4  }
0xf4: {  	v3 =	vsub.f32 v3, v2;
	_ =	sdelay $0x1  }
0xf5: {  	v3 =	vmul.f32 $1.442695020e+00, v3;
	_ =	sdelay $0x1  }
0xf6: {  	(erf) = vpow2.f32 v3;
	_ =	sdelay $0x8  }
0xf7: {  	v3 =	vpop (erf)  }
0xf8: {  	[tilespmem:$0xA130] =	vst v3  }
0xf9: {  	v3 =	vld [tilespmem:s11+$0x30]  }
0xfa: {  	v4 =	vld [tilespmem:s11+$0x28B0];
	_ =	sdelay $0x6  }
0xfb: {  	v3 =	vld.idx.msk [tilespmem:v3+s24+$0x0], $0xffff  }
0xfc: {  	v4 =	vld.idx.msk [tilespmem:v4+s25+$0x0], $0xffff;
	_ =	sdelay $0x4  }
0xfd: {  	v3 =	vadd.f32 v4, v3;
	_ =	sdelay $0x1  }
0xfe: {  	v4 =	vmul.f32 $2.000000030e-01, v3;
	_ =	sdelay $0x1  }
0xff: {  	v3 =	vmax.f32 v3, v4  }
0x100: {  	v3 =	vsub.f32 v3, v2;
	_ =	sdelay $0x1  }
0x101: {  	v3 =	vmul.f32 $1.442695020e+00, v3;
	_ =	sdelay $0x1  }
0x102: {  	(erf) = vpow2.f32 v3;
	_ =	sdelay $0x8  }
0x103: {  	v3 =	vpop (erf)  }
0x104: {  	[tilespmem:$0xA140] =	vst v3  }
0x105: {  	s14 =	simm.s32 $0x0;
	_ =	swait.ge [sflag:s26], $0x1000  }
0x106: {  	v3 =	vmov s14;
	[sflag:s26] =	ssyncset.done $0x0  }
0x107: {  	s12 =	simm.s32 @!p0 $0x4;
	[sflag:s26] =	ssyncadd.s32 $0xFFFFF000  }
0x108: {  	_ =	swait.ge @!p0 [sflag:s12], $0x1400  }
0x109: {  	[sflag:s12] =	ssyncset.done @!p0 $0x0  }
0x10a: {  	[sflag:s12] =	ssyncadd.s32 @!p0 $0xFFFFEC00  }
0x10b: {  	s12 =	simm.s32 $0xB170;
	v3 =	vld.idx.msk [tilespmem:v3+s2+$0x0], $0xffff  }
0x10c: {  	v4 =	vld [tilespmem:s12+$0xFFFFFFE0];
	_ =	sdelay $0x4  }
0x10d: {  	v4 =	vmul.f32 v4, v3  }
0x10e: {  	s13 =	simm.s32 $0xD570  }
0x10f: {  	[tilespmem:s13+$0xFFFFFFE0] =	vst v4  }
0x110: {  	v4 =	vld [tilespmem:s12+$0xFFFFFFF0];
	_ =	sdelay $0x4  }
0x111: {  	v4 =	vmul.f32 v4, v3;
	_ =	sdelay $0x1  }
0x112: {  	[tilespmem:s13+$0xFFFFFFF0] =	vst v4  }
0x113: {  	v4 =	vld [tilespmem:s12+$0x0];
	_ =	sdelay $0x4  }
0x114: {  	v4 =	vmul.f32 v4, v3;
	_ =	sdelay $0x1  }
0x115: {  	[tilespmem:s13+$0x0] =	vst v4  }
0x116: {  	v4 =	vld [tilespmem:s12+$0x10]  }
0x117: {  	v5 =	vmul.f32 v1, v3  }
0x118: {  	s15 =	simm.s32 $0x1  }
0x119: {  	s11 =	sadd.s32 $0x2880, s11;
	s14 =	simm.s32 $0x2;
	[tilespmem:s13+$0x20] =	vst v5;
	v5 =	vmov s15  }
.LBB2_7:
0x11a: {  	p0 =	sne.s32 s14, $0x3F  }
0x11b: {  	v3 =	vmul.f32 v4, v3;
	_ =	sdelay $0x1  }
0x11c: {  	[tilespmem:s13+$0x10] =	vst v3  }
0x11d: {  	s12 =	sadd.s32 $0x40, s12;
	v3 =	vld.idx.msk [tilespmem:v5+s2+$0x0], $0xffff  }
0x11e: {  	v4 =	vld [tilespmem:s12+$0xFFFFFFE0];
	_ =	sdelay $0x4  }
0x11f: {  	v5 =	vmul.f32 v1, v3;
	v4 =	vmul.f32 v4, v3  }
0x120: {  	s13 =	sadd.s32 $0x50, s13  }
0x121: {  	[tilespmem:s13+$0xFFFFFFE0] =	vst v4  }
0x122: {  	v4 =	vld [tilespmem:s12+$0xFFFFFFF0];
	_ =	sdelay $0x4  }
0x123: {  	v4 =	vmul.f32 v4, v3;
	_ =	sdelay $0x1  }
0x124: {  	[tilespmem:s13+$0xFFFFFFF0] =	vst v4  }
0x125: {  	v4 =	vld [tilespmem:s12+$0x0];
	_ =	sdelay $0x4  }
0x126: {  	v4 =	vmul.f32 v4, v3;
	_ =	sdelay $0x1  }
.Ltmp2:
0x127: {  	[tilespmem:s13+$0x0] =	vst v4;
	(pc) =	sbr.rel @p0 .LBB2_7-.Ltmp2, $2  }
0x128: {  	v4 =	vld [tilespmem:s12+$0x10];
	[tilespmem:s13+$0x20] =	vst v5;
	_ =	sdelay $0x2  }
0x129: {  	v5 =	vmov s14;
	s14 =	sadd.s32 $0x1, s14  }
0x12a: {  	_ = 	snop  }
0x12b: {  	v3 =	vmul.f32 v4, v3;
	_ =	sdelay $0x1  }
0x12c: {  	[tilespmem:s13+$0x10] =	vst v3  }
0x12d: {  	s12 =	sadd.s32 $0x40, s12;
	v3 =	vld.idx.msk [tilespmem:v5+s2+$0x0], $0xffff  }
0x12e: {  	v63 =	vld [tilespmem:s12+$0xFFFFFFE0];
	_ =	sdelay $0x4  }
0x12f: {  	v4 =	vmul.f32 v63, v3  }
0x130: {  	s15 =	sadd.s32 $0x50, s13  }
0x131: {  	[tilespmem:s15+$0xFFFFFFE0] =	vst v4  }
0x132: {  	v4 =	vld [tilespmem:s12+$0xFFFFFFF0];
	_ =	sdelay $0x4  }
0x133: {  	v4 =	vmul.f32 v4, v3;
	_ =	sdelay $0x1  }
0x134: {  	[tilespmem:s15+$0xFFFFFFF0] =	vst v4  }
0x135: {  	v4 =	vld [tilespmem:s12+$0x0];
	_ =	sdelay $0x4  }
0x136: {  	v4 =	vmul.f32 v4, v3;
	_ =	sdelay $0x1  }
0x137: {  	[tilespmem:s15+$0x0] =	vst v4  }
0x138: {  	v4 =	vld [tilespmem:s12+$0x10];
	_ =	sdelay $0x1  }
0x139: {  	s9 =	sadd.s32 $0x1, s9  }
0x13a: {  	p0 =	sne.s32 s9, $0x51  }
.Ltmp3:
0x13b: {  	v5 =	vmul.f32 v1, v3;
	(pc) =	sbr.rel @p0 .LBB2_4-.Ltmp3, $4  }
0x13c: {  	v3 =	vmul.f32 v4, v3  }
0x13d: {  	[tilespmem:s15+$0x20] =	vst v5  }
0x13e: {  	[tilespmem:s15+$0x10] =	vst v3  }
0x13f: {  	[spmem:s3] =	stream.indirect.scatter.add.f32 [tilespmem:s30], [sflag:$0x4], $0x50, s11, s29, $0xb8;
	[tilespmem:$0x1C550] =	vst v63  }
0x140: {  	_ =	swait.ge [sflag:s0], $0x1400  }
0x141: {  	[sflag:s0] =	ssyncset.done $0x0  }
0x142: {  	[sflag:s0] =	ssyncadd.s32 $0xFFFFEC00  }
0x143: {  	s8 =	stileid.u32;
	_ =	swait.ge [sflag:s6], $0x1400  }
0x144: {  	s9 =	sshrl.u32 s10, $0x3;
	s7 =	sadd.s32 $0x1, s7;
	[sflag:s6] =	ssyncset.done $0x0  }
0x145: {  	s8 =	sshll.u32 s8, $0x6;
	p0 =	sne.s32 s7, s21;
	[sflag:s6] =	ssyncadd.s32 $0xFFFFEC00  }
.Ltmp4:
0x146: {  	s8 =	sor.u32 $0x1C05, s8;
	[bflag:$0x0] =	sbarrier.arrive $0xFFFF;
	(pc) =	sbr.rel @p0 .LBB2_1-.Ltmp4, $4  }
0x147: {  	[hbm:s20], [sflag:s8] =	dma.local [spmem:s9], $0x1900  }
0x148: {  	_ =	swait.ge [sflag:s22], $0x1900  }
0x149: {  	[sflag:s22] =	ssyncset.done $0x0  }
0x14a: {  	[sflag:s22] =	ssyncadd.s32 $0xFFFFE700  }
0x14b: {  	_ =	sfence.sel $0x180000  }
0x14c: {  	[bflag:$0x0] =	sbarrier.arrive $0xFFFF  }
0x14d: {  	_ =	strace $0x90000050  }
0x14e: {  	s0 =	stileid.u32;
	[bflag:$0x2] =	sbarrier.arrive $0xFFFF  }
0x14f: {  	p0 =	sne.s32 s0, $0x0;
	s0 =	rddreg [dreg:$0x3]  }
0x150: {  	s0 =	sadd.s32 @!p0 $0x100000, s0  }
0x151: {  	[sflag:s0] =	ssyncadd.tile.s32 @!p0 $0x1;
	_ =	shalt  }
.Lfunc_end2:
_tile_overlayer_lowered:
.L_overlay_start_2:
0x152: {  	(tag) =	ssettag $0x2  }
0x153: {  	s0 =	rddreg [dreg:$0x0];
	s2 =	stileid.u32  }
0x154: {  	s1 =	rddreg [dreg:$0x1];
	p0 =	sne.s32 s2, $0x0  }
0x155: {  	s3 =	rddreg [dreg:$0x2];
	[bflag:$0x3] =	sbarrier.arrive $0xFFFF;
	s2 =	simm.s32 @!p0 $0x1C05  }
0x156: {  	[timem:s3], [sflag:s2] =	dma.local @!p0 [hbm:s0], s1  }
0x157: {  	s0 =	simm.s32 @!p0 $0x5  }
0x158: {  	_ =	swait.ge @!p0 [sflag:s0], s1  }
0x159: {  	s1 =	ssub.s32 @!p0 $0x0, s1;
	[sflag:s0] =	ssyncset.done @!p0 $0x0  }
0x15a: {  	[sflag:s0] =	ssyncadd.s32 @!p0 s1  }
0x15b: {  	[bflag:$0x3] =	sbarrier.arrive $0xFFFF  }
0x15c: {  	_ =	shalt  }

</sc_bundles>
